<compile_context>
chip_gen: v7x
topology: tpu7x:2x2x1
jax: 0.10.2.dev20260603
libtpu: 0.0.44.dev20260713+nightly
codegen_flags: <defaults>
</compile_context>

<pallas_src>
import functools

import jax
import jax.numpy as jnp
from jax import lax
from jax.experimental import pallas as pl
from jax.experimental.pallas import tpu as pltpu
from jax.experimental.pallas import tpu_sc as plsc

_BLK = 128


def _build(n, k):
    info = plsc.get_sparse_core_info()
    nc, ns, lanes = info.num_cores, info.num_subcores, info.num_lanes
    nw = nc * ns
    assert n % _BLK == 0
    vpb = _BLK // lanes
    blocks_total = n // _BLK
    base_nb = blocks_total // nw
    extra = blocks_total % nw
    pb = 16
    max_nb = base_nb + (1 if extra else 0)
    assert base_nb >= pb
    npieces = -(-max_nb // pb)
    if npieces % 2:
        npieces += 1
    kstride = 2 * k
    crep_r = 8
    cs8 = kstride * crep_r
    nsel = 4
    halves = []
    h = k // 2
    while h >= 1:
        halves.append(h)
        h //= 2
    sel_halves, gat_halves = halves[:nsel], halves[nsel:]

    mesh = plsc.VectorSubcoreMesh(core_axis_name="c", subcore_axis_name="s")

    @functools.partial(
        pl.kernel,
        mesh=mesh,
        compiler_params=pltpu.CompilerParams(needs_layout_passes=False),
        out_type=jax.ShapeDtypeStruct((n,), jnp.float32),
        scratch_types=[
            pltpu.VMEM((2 * k * lanes,), jnp.float32),
            pltpu.VMEM((4 * cs8,), jnp.float32),
            pltpu.VMEM((2, pb * _BLK), jnp.float32),
            pltpu.VMEM((2, pb * _BLK), jnp.float32),
            pltpu.VMEM((pb * _BLK,), jnp.float32),
            pltpu.VMEM((pb * _BLK,), jnp.float32),
            pltpu.SemaphoreType.DMA,
            pltpu.SemaphoreType.DMA,
            pltpu.SemaphoreType.DMA,
            pltpu.SemaphoreType.DMA,
        ],
    )
    def run(xv_hbm, krep, crep, out, krep_v, crep_v,
            xb0, xb1, ob0, ob1, si0, si1, so0, so1):
        xbufs, obufs = (xb0, xb1), (ob0, ob1)
        sins, souts = (si0, si1), (so0, so1)
        wid = lax.axis_index("s") * nc + lax.axis_index("c")
        pltpu.sync_copy(krep, krep_v)
        pltpu.sync_copy(crep, crep_v)
        nb = base_nb + jnp.where(wid < extra, 1, 0)
        sb = wid * base_nb + jnp.minimum(wid, extra)
        iota = lax.iota(jnp.int32, lanes)
        and7 = jnp.bitwise_and(iota, 7)

        def splat(idx):
            return plsc.load_gather(
                krep_v, [jnp.full((lanes,), idx * lanes, jnp.int32)]
            )

        sel_vals = []
        for d in (0, 1):
            per_level = []
            bits = []
            for half in sel_halves:
                cands = []
                for combo in range(1 << len(bits)):
                    base = sum(b for i, b in enumerate(bits) if (combo >> i) & 1)
                    cands.append(splat(d * k + base + half - 1))
                per_level.append(cands)
                bits.append(half)
            sel_vals.append(per_level)

        gat_idx = []
        for d in (0, 1):
            gat_idx.append(
                [iota + ((half - 1) + d * k) * lanes for half in gat_halves]
            )
        coff = [and7, and7 + (k - 1) * crep_r]

        def search(xv, d):
            preds = []
            bl16 = jnp.zeros((lanes,), jnp.int32)
            for j, half in enumerate(sel_halves):
                cands = sel_vals[d][j]
                for p in reversed(preds):
                    cands = [
                        jnp.where(p, hi, lo)
                        for lo, hi in zip(cands[: len(cands) // 2],
                                          cands[len(cands) // 2:])
                    ]
                pr = cands[0] < xv
                preds.append(pr)
                bl16 = bl16 + jnp.where(pr, half * lanes, 0)
            for i, half in enumerate(gat_halves):
                km = plsc.load_gather(krep_v, [bl16 + gat_idx[d][i]])
                bl16 = bl16 + jnp.where(km < xv, half * lanes, 0)
            return bl16

        def poly(bl16, d, xv):
            ci8 = lax.shift_right_logical(jnp.maximum(bl16 - lanes, 0), 1)
            ci8 = ci8 + coff[d]
            av = plsc.load_gather(crep_v, [ci8])
            bv = plsc.load_gather(crep_v, [ci8 + cs8])
            cv = plsc.load_gather(crep_v, [ci8 + 2 * cs8])
            dv = plsc.load_gather(crep_v, [ci8 + 3 * cs8])
            return ((dv * xv + cv) * xv + bv) * xv + av

        def compute(xb, ob):
            def blk(j, _):
                xbase = j * _BLK
                obase = j * _BLK
                for u in range(vpb):
                    x0 = xb[0, pl.ds(xbase + u * lanes, lanes)]
                    x1 = xb[1, pl.ds(xbase + u * lanes, lanes)]
                    p0 = poly(search(x0, 0), 0, x0)
                    p1 = poly(search(x1, 1), 1, x1)
                    ob[pl.ds(obase + u * lanes, lanes)] = p0 * p1
                return 0

            lax.fori_loop(0, pb, blk, 0)

        def off_of(p):
            return sb + jnp.minimum(p * pb, nb - pb)

        def issue_in(p, b):
            pltpu.async_copy(
                xv_hbm.at[:, pl.ds(off_of(p) * _BLK, pb * _BLK)],
                xbufs[b], sins[b],
            )

        issue_in(0, 0)

        def outer(io, _):
            for b in range(2):
                p = io * 2 + b

                @pl.when(p + 1 < npieces)
                def _():
                    issue_in(p + 1, 1 - b)

                pltpu.make_async_copy(
                    xv_hbm.at[:, pl.ds(0, pb * _BLK)], xbufs[b], sins[b]
                ).wait()

                @pl.when(p >= 2)
                def _():
                    pltpu.make_async_copy(
                        obufs[b], out.at[pl.ds(0, pb * _BLK)], souts[b]
                    ).wait()

                compute(xbufs[b], obufs[b])
                pltpu.async_copy(
                    obufs[b], out.at[pl.ds(off_of(p) * _BLK, pb * _BLK)],
                    souts[b],
                )
            return 0

        lax.fori_loop(0, npieces // 2, outer, 0)
        for b in range(2):
            pltpu.make_async_copy(
                obufs[b], out.at[pl.ds(0, pb * _BLK)], souts[b]
            ).wait()

    return run


@functools.cache
def _get(n, k):
    return _build(n, k)


def kernel(x, knots, a, b, c, d):
    n = x.shape[0]
    k = knots.shape[0]
    lanes = 16
    xv = x.T
    krep = jnp.broadcast_to(knots.T[:, :, None], (2, k, lanes)).reshape(-1)
    coefs = jnp.stack(
        [a.T.reshape(-1), b.T.reshape(-1), c.T.reshape(-1), d.T.reshape(-1)]
    )
    ct = jnp.zeros((4, 2 * k), jnp.float32).at[:, : 2 * (k - 1)].set(coefs)
    crep = jnp.broadcast_to(ct[:, :, None], (4, 2 * k, 8)).reshape(-1)
    return _get(n, k)(xv, krep, crep)

# --- scband reference (transcript-rebuilt; emitter-appended) ---
"""Pipeline reference for scband-cubic-piecewise-polynomial2-dunivariate-23742579212356 (READ-ONLY COPY).

The authoritative reference and input builder live on the scoring server;
editing this copy changes nothing except your own understanding.
"""

import jax, jax.numpy as jnp
import numpy as np

N = 4000000
K = 1024


def setup_inputs(seed: int = 0) -> dict:
    key = jax.random.key(seed)
    k1, k2, k3 = jax.random.split(key, 3)
    # sorted knots per dimension (knots[:, j] must be monotonically increasing)
    knots = jnp.sort(jax.random.uniform(k1, (K, 2), dtype=jnp.float32), axis=0)
    coeffs = jax.random.normal(k2, (4, K - 1, 2), dtype=jnp.float32) * 0.1
    x = jax.random.uniform(k3, (N, 2), dtype=jnp.float32)
    return {
        'x': x,
        'knots': knots,
        'a': coeffs[0],
        'b': coeffs[1],
        'c': coeffs[2],
        'd': coeffs[3],
    }


def _eval_dim(xj, knotsj, aj, bj, cj, dj):
    # searchsorted + clamp, exactly mirroring get_coeff_1d
    idx = jnp.searchsorted(knotsj, xj)
    idx = jnp.clip(idx - 1, 0, knotsj.shape[0] - 2)
    a = jnp.take(aj, idx, axis=0)
    b = jnp.take(bj, idx, axis=0)
    c = jnp.take(cj, idx, axis=0)
    d = jnp.take(dj, idx, axis=0)
    # shift_polynomials=True -> eval_point = x (coefficients are pre-shifted)
    return a + b * xj + c * xj ** 2 + d * xj ** 3


def reference(x, knots, a, b, c, d):
    p0 = _eval_dim(x[:, 0], knots[:, 0], a[:, 0], b[:, 0], c[:, 0], d[:, 0])
    p1 = _eval_dim(x[:, 1], knots[:, 1], a[:, 1], b[:, 1], c[:, 1], d[:, 1])
    return p0 * p1

if __name__ == "__main__":
    import jax
    _d = setup_inputs()
    print(jax.jit(kernel)(*tuple(_d.values())))

</pallas_src>

<mosaic_0001>
#map = affine_map<(d0, d1) -> (0, 0)>
#map1 = affine_map<(d0, d1) -> (0)>
module attributes {stable_mosaic.version = 14 : i64} {
  func.func @run(%arg0: i32, %arg1: i32, %arg2: memref<2x4000000xf32, #tpu.memory_space<hbm>>, %arg3: memref<32768xf32, #tpu.memory_space<hbm>>, %arg4: memref<65536xf32, #tpu.memory_space<hbm>>, %arg5: memref<4000000xf32, #tpu.memory_space<hbm>>, %arg6: memref<32768xf32, #tpu.memory_space<vmem>>, %arg7: memref<65536xf32, #tpu.memory_space<vmem>>, %arg8: memref<2x2048xf32, #tpu.memory_space<vmem>>, %arg9: memref<2x2048xf32, #tpu.memory_space<vmem>>, %arg10: memref<2048xf32, #tpu.memory_space<vmem>>, %arg11: memref<2048xf32, #tpu.memory_space<vmem>>, %arg12: memref<!tpu.dma_semaphore, #tpu.memory_space<semaphore_mem>>, %arg13: memref<!tpu.dma_semaphore, #tpu.memory_space<semaphore_mem>>, %arg14: memref<!tpu.dma_semaphore, #tpu.memory_space<semaphore_mem>>, %arg15: memref<!tpu.dma_semaphore, #tpu.memory_space<semaphore_mem>>) attributes {dimension_semantics = [#tpu.dimension_semantics<core_parallel>, #tpu.dimension_semantics<subcore_parallel>], iteration_bounds = array<i64: 2, 16>, scalar_prefetch = 0 : i64, scratch_operands = 10 : i64, tpu.core_type = #tpu.core_type<sc_vector_subcore>, window_params = [{transform_indices = #map}, {transform_indices = #map1}, {transform_indices = #map1}, {transform_indices = #map1}]} {
    %mul3A = arith.constant 2 : i32
    %mul3A_0 = arith.muli %arg1, %mul3A : i32
    %add3A = arith.addi %mul3A_0, %arg0 : i32
    "tpu.region"() ({
      %run_scoped3A = tpu.sem_alloc : memref<!tpu.dma_semaphore, #tpu.memory_space<semaphore_mem>>
      tpu.enqueue_dma source(%arg3 : memref<32768xf32, #tpu.memory_space<hbm>>) target(%arg6 : memref<32768xf32, #tpu.memory_space<vmem>>) target_semaphore(%run_scoped3A : memref<!tpu.dma_semaphore, #tpu.memory_space<semaphore_mem>>)
      tpu.wait_dma2 semaphore(%run_scoped3A : memref<!tpu.dma_semaphore, #tpu.memory_space<semaphore_mem>>) src(%arg3 : memref<32768xf32, #tpu.memory_space<hbm>>) dst(%arg6 : memref<32768xf32, #tpu.memory_space<vmem>>)
      tpu.yield
    }) : () -> ()
    "tpu.region"() ({
      %run_scoped3A = tpu.sem_alloc : memref<!tpu.dma_semaphore, #tpu.memory_space<semaphore_mem>>
      tpu.enqueue_dma source(%arg4 : memref<65536xf32, #tpu.memory_space<hbm>>) target(%arg7 : memref<65536xf32, #tpu.memory_space<vmem>>) target_semaphore(%run_scoped3A : memref<!tpu.dma_semaphore, #tpu.memory_space<semaphore_mem>>)
      tpu.wait_dma2 semaphore(%run_scoped3A : memref<!tpu.dma_semaphore, #tpu.memory_space<semaphore_mem>>) src(%arg4 : memref<65536xf32, #tpu.memory_space<hbm>>) dst(%arg7 : memref<65536xf32, #tpu.memory_space<vmem>>)
      tpu.yield
    }) : () -> ()
    %lt3A = arith.constant 18 : i32
    %lt3A_1 = arith.cmpi slt, %add3A, %lt3A : i32
    %jit3A = arith.constant 1 : i32
    %jit3A_2 = arith.constant 0 : i32
    %select_n3A = arith.select %lt3A_1, %jit3A, %jit3A_2 : i32
    %add3A_3 = arith.constant 976 : i32
    %add3A_4 = arith.addi %add3A_3, %select_n3A : i32
    %mul3A_5 = arith.constant 976 : i32
    %mul3A_6 = arith.muli %add3A, %mul3A_5 : i32
    %min3A = arith.constant 18 : i32
    %min3A_7 = arith.minsi %add3A, %min3A : i32
    %add3A_8 = arith.addi %mul3A_6, %min3A_7 : i32
    %iota3A = tpu.iota {dimensions = array<i32: 0>} : vector<16xi32>
    %and3A = arith.constant 7 : i32
    %and3A_9 = vector.broadcast %and3A : i32 to vector<16xi32>
    %and3A_10 = arith.andi %iota3A, %and3A_9 : vector<16xi32>
    %broadcast_in_dim3A = arith.constant 8176 : i32
    %broadcast_in_dim3A_11 = vector.broadcast %broadcast_in_dim3A : i32 to vector<16xi32>
    %gather3A = tpu.vector_load_idx %arg6[%broadcast_in_dim3A_11] : memref<32768xf32, #tpu.memory_space<vmem>>[vector<16xi32>], vector<16xf32>,
    %broadcast_in_dim3A_12 = arith.constant 4080 : i32
    %broadcast_in_dim3A_13 = vector.broadcast %broadcast_in_dim3A_12 : i32 to vector<16xi32>
    %gather3A_14 = tpu.vector_load_idx %arg6[%broadcast_in_dim3A_13] : memref<32768xf32, #tpu.memory_space<vmem>>[vector<16xi32>], vector<16xf32>,
    %broadcast_in_dim3A_15 = arith.constant 12272 : i32
    %broadcast_in_dim3A_16 = vector.broadcast %broadcast_in_dim3A_15 : i32 to vector<16xi32>
    %gather3A_17 = tpu.vector_load_idx %arg6[%broadcast_in_dim3A_16] : memref<32768xf32, #tpu.memory_space<vmem>>[vector<16xi32>], vector<16xf32>,
    %broadcast_in_dim3A_18 = arith.constant 2032 : i32
    %broadcast_in_dim3A_19 = vector.broadcast %broadcast_in_dim3A_18 : i32 to vector<16xi32>
    %gather3A_20 = tpu.vector_load_idx %arg6[%broadcast_in_dim3A_19] : memref<32768xf32, #tpu.memory_space<vmem>>[vector<16xi32>], vector<16xf32>,
    %broadcast_in_dim3A_21 = arith.constant 10224 : i32
    %broadcast_in_dim3A_22 = vector.broadcast %broadcast_in_dim3A_21 : i32 to vector<16xi32>
    %gather3A_23 = tpu.vector_load_idx %arg6[%broadcast_in_dim3A_22] : memref<32768xf32, #tpu.memory_space<vmem>>[vector<16xi32>], vector<16xf32>,
    %broadcast_in_dim3A_24 = arith.constant 6128 : i32
    %broadcast_in_dim3A_25 = vector.broadcast %broadcast_in_dim3A_24 : i32 to vector<16xi32>
    %gather3A_26 = tpu.vector_load_idx %arg6[%broadcast_in_dim3A_25] : memref<32768xf32, #tpu.memory_space<vmem>>[vector<16xi32>], vector<16xf32>,
    %broadcast_in_dim3A_27 = arith.constant 14320 : i32
    %broadcast_in_dim3A_28 = vector.broadcast %broadcast_in_dim3A_27 : i32 to vector<16xi32>
    %gather3A_29 = tpu.vector_load_idx %arg6[%broadcast_in_dim3A_28] : memref<32768xf32, #tpu.memory_space<vmem>>[vector<16xi32>], vector<16xf32>,
    %broadcast_in_dim3A_30 = arith.constant 1008 : i32
    %broadcast_in_dim3A_31 = vector.broadcast %broadcast_in_dim3A_30 : i32 to vector<16xi32>
    %gather3A_32 = tpu.vector_load_idx %arg6[%broadcast_in_dim3A_31] : memref<32768xf32, #tpu.memory_space<vmem>>[vector<16xi32>], vector<16xf32>,
    %broadcast_in_dim3A_33 = arith.constant 9200 : i32
    %broadcast_in_dim3A_34 = vector.broadcast %broadcast_in_dim3A_33 : i32 to vector<16xi32>
    %gather3A_35 = tpu.vector_load_idx %arg6[%broadcast_in_dim3A_34] : memref<32768xf32, #tpu.memory_space<vmem>>[vector<16xi32>], vector<16xf32>,
    %broadcast_in_dim3A_36 = arith.constant 5104 : i32
    %broadcast_in_dim3A_37 = vector.broadcast %broadcast_in_dim3A_36 : i32 to vector<16xi32>
    %gather3A_38 = tpu.vector_load_idx %arg6[%broadcast_in_dim3A_37] : memref<32768xf32, #tpu.memory_space<vmem>>[vector<16xi32>], vector<16xf32>,
    %broadcast_in_dim3A_39 = arith.constant 13296 : i32
    %broadcast_in_dim3A_40 = vector.broadcast %broadcast_in_dim3A_39 : i32 to vector<16xi32>
    %gather3A_41 = tpu.vector_load_idx %arg6[%broadcast_in_dim3A_40] : memref<32768xf32, #tpu.memory_space<vmem>>[vector<16xi32>], vector<16xf32>,
    %broadcast_in_dim3A_42 = arith.constant 3056 : i32
    %broadcast_in_dim3A_43 = vector.broadcast %broadcast_in_dim3A_42 : i32 to vector<16xi32>
    %gather3A_44 = tpu.vector_load_idx %arg6[%broadcast_in_dim3A_43] : memref<32768xf32, #tpu.memory_space<vmem>>[vector<16xi32>], vector<16xf32>,
    %broadcast_in_dim3A_45 = arith.constant 11248 : i32
    %broadcast_in_dim3A_46 = vector.broadcast %broadcast_in_dim3A_45 : i32 to vector<16xi32>
    %gather3A_47 = tpu.vector_load_idx %arg6[%broadcast_in_dim3A_46] : memref<32768xf32, #tpu.memory_space<vmem>>[vector<16xi32>], vector<16xf32>,
    %broadcast_in_dim3A_48 = arith.constant 7152 : i32
    %broadcast_in_dim3A_49 = vector.broadcast %broadcast_in_dim3A_48 : i32 to vector<16xi32>
    %gather3A_50 = tpu.vector_load_idx %arg6[%broadcast_in_dim3A_49] : memref<32768xf32, #tpu.memory_space<vmem>>[vector<16xi32>], vector<16xf32>,
    %broadcast_in_dim3A_51 = arith.constant 15344 : i32
    %broadcast_in_dim3A_52 = vector.broadcast %broadcast_in_dim3A_51 : i32 to vector<16xi32>
    %gather3A_53 = tpu.vector_load_idx %arg6[%broadcast_in_dim3A_52] : memref<32768xf32, #tpu.memory_space<vmem>>[vector<16xi32>], vector<16xf32>,
    %broadcast_in_dim3A_54 = arith.constant 24560 : i32
    %broadcast_in_dim3A_55 = vector.broadcast %broadcast_in_dim3A_54 : i32 to vector<16xi32>
    %gather3A_56 = tpu.vector_load_idx %arg6[%broadcast_in_dim3A_55] : memref<32768xf32, #tpu.memory_space<vmem>>[vector<16xi32>], vector<16xf32>,
    %broadcast_in_dim3A_57 = arith.constant 20464 : i32
    %broadcast_in_dim3A_58 = vector.broadcast %broadcast_in_dim3A_57 : i32 to vector<16xi32>
    %gather3A_59 = tpu.vector_load_idx %arg6[%broadcast_in_dim3A_58] : memref<32768xf32, #tpu.memory_space<vmem>>[vector<16xi32>], vector<16xf32>,
    %broadcast_in_dim3A_60 = arith.constant 28656 : i32
    %broadcast_in_dim3A_61 = vector.broadcast %broadcast_in_dim3A_60 : i32 to vector<16xi32>
    %gather3A_62 = tpu.vector_load_idx %arg6[%broadcast_in_dim3A_61] : memref<32768xf32, #tpu.memory_space<vmem>>[vector<16xi32>], vector<16xf32>,
    %broadcast_in_dim3A_63 = arith.constant 18416 : i32
    %broadcast_in_dim3A_64 = vector.broadcast %broadcast_in_dim3A_63 : i32 to vector<16xi32>
    %gather3A_65 = tpu.vector_load_idx %arg6[%broadcast_in_dim3A_64] : memref<32768xf32, #tpu.memory_space<vmem>>[vector<16xi32>], vector<16xf32>,
    %broadcast_in_dim3A_66 = arith.constant 26608 : i32
    %broadcast_in_dim3A_67 = vector.broadcast %broadcast_in_dim3A_66 : i32 to vector<16xi32>
    %gather3A_68 = tpu.vector_load_idx %arg6[%broadcast_in_dim3A_67] : memref<32768xf32, #tpu.memory_space<vmem>>[vector<16xi32>], vector<16xf32>,
    %broadcast_in_dim3A_69 = arith.constant 22512 : i32
    %broadcast_in_dim3A_70 = vector.broadcast %broadcast_in_dim3A_69 : i32 to vector<16xi32>
    %gather3A_71 = tpu.vector_load_idx %arg6[%broadcast_in_dim3A_70] : memref<32768xf32, #tpu.memory_space<vmem>>[vector<16xi32>], vector<16xf32>,
    %broadcast_in_dim3A_72 = arith.constant 30704 : i32
    %broadcast_in_dim3A_73 = vector.broadcast %broadcast_in_dim3A_72 : i32 to vector<16xi32>
    %gather3A_74 = tpu.vector_load_idx %arg6[%broadcast_in_dim3A_73] : memref<32768xf32, #tpu.memory_space<vmem>>[vector<16xi32>], vector<16xf32>,
    %broadcast_in_dim3A_75 = arith.constant 17392 : i32
    %broadcast_in_dim3A_76 = vector.broadcast %broadcast_in_dim3A_75 : i32 to vector<16xi32>
    %gather3A_77 = tpu.vector_load_idx %arg6[%broadcast_in_dim3A_76] : memref<32768xf32, #tpu.memory_space<vmem>>[vector<16xi32>], vector<16xf32>,
    %broadcast_in_dim3A_78 = arith.constant 25584 : i32
    %broadcast_in_dim3A_79 = vector.broadcast %broadcast_in_dim3A_78 : i32 to vector<16xi32>
    %gather3A_80 = tpu.vector_load_idx %arg6[%broadcast_in_dim3A_79] : memref<32768xf32, #tpu.memory_space<vmem>>[vector<16xi32>], vector<16xf32>,
    %broadcast_in_dim3A_81 = arith.constant 21488 : i32
    %broadcast_in_dim3A_82 = vector.broadcast %broadcast_in_dim3A_81 : i32 to vector<16xi32>
    %gather3A_83 = tpu.vector_load_idx %arg6[%broadcast_in_dim3A_82] : memref<32768xf32, #tpu.memory_space<vmem>>[vector<16xi32>], vector<16xf32>,
    %broadcast_in_dim3A_84 = arith.constant 29680 : i32
    %broadcast_in_dim3A_85 = vector.broadcast %broadcast_in_dim3A_84 : i32 to vector<16xi32>
    %gather3A_86 = tpu.vector_load_idx %arg6[%broadcast_in_dim3A_85] : memref<32768xf32, #tpu.memory_space<vmem>>[vector<16xi32>], vector<16xf32>,
    %broadcast_in_dim3A_87 = arith.constant 19440 : i32
    %broadcast_in_dim3A_88 = vector.broadcast %broadcast_in_dim3A_87 : i32 to vector<16xi32>
    %gather3A_89 = tpu.vector_load_idx %arg6[%broadcast_in_dim3A_88] : memref<32768xf32, #tpu.memory_space<vmem>>[vector<16xi32>], vector<16xf32>,
    %broadcast_in_dim3A_90 = arith.constant 27632 : i32
    %broadcast_in_dim3A_91 = vector.broadcast %broadcast_in_dim3A_90 : i32 to vector<16xi32>
    %gather3A_92 = tpu.vector_load_idx %arg6[%broadcast_in_dim3A_91] : memref<32768xf32, #tpu.memory_space<vmem>>[vector<16xi32>], vector<16xf32>,
    %broadcast_in_dim3A_93 = arith.constant 23536 : i32
    %broadcast_in_dim3A_94 = vector.broadcast %broadcast_in_dim3A_93 : i32 to vector<16xi32>
    %gather3A_95 = tpu.vector_load_idx %arg6[%broadcast_in_dim3A_94] : memref<32768xf32, #tpu.memory_space<vmem>>[vector<16xi32>], vector<16xf32>,
    %broadcast_in_dim3A_96 = arith.constant 31728 : i32
    %broadcast_in_dim3A_97 = vector.broadcast %broadcast_in_dim3A_96 : i32 to vector<16xi32>
    %gather3A_98 = tpu.vector_load_idx %arg6[%broadcast_in_dim3A_97] : memref<32768xf32, #tpu.memory_space<vmem>>[vector<16xi32>], vector<16xf32>,
    %add3A_99 = arith.constant 496 : i32
    %add3A_100 = vector.broadcast %add3A_99 : i32 to vector<16xi32>
    %add3A_101 = arith.addi %iota3A, %add3A_100 : vector<16xi32>
    %add3A_102 = arith.constant 240 : i32
    %add3A_103 = vector.broadcast %add3A_102 : i32 to vector<16xi32>
    %add3A_104 = arith.addi %iota3A, %add3A_103 : vector<16xi32>
    %add3A_105 = arith.constant 112 : i32
    %add3A_106 = vector.broadcast %add3A_105 : i32 to vector<16xi32>
    %add3A_107 = arith.addi %iota3A, %add3A_106 : vector<16xi32>
    %add3A_108 = arith.constant 48 : i32
    %add3A_109 = vector.broadcast %add3A_108 : i32 to vector<16xi32>
    %add3A_110 = arith.addi %iota3A, %add3A_109 : vector<16xi32>
    %add3A_111 = arith.constant 16 : i32
    %add3A_112 = vector.broadcast %add3A_111 : i32 to vector<16xi32>
    %add3A_113 = arith.addi %iota3A, %add3A_112 : vector<16xi32>
    %add3A_114 = arith.constant 0 : i32
    %add3A_115 = vector.broadcast %add3A_114 : i32 to vector<16xi32>
    %add3A_116 = arith.addi %iota3A, %add3A_115 : vector<16xi32>
    %add3A_117 = arith.constant 16880 : i32
    %add3A_118 = vector.broadcast %add3A_117 : i32 to vector<16xi32>
    %add3A_119 = arith.addi %iota3A, %add3A_118 : vector<16xi32>
    %add3A_120 = arith.constant 16624 : i32
    %add3A_121 = vector.broadcast %add3A_120 : i32 to vector<16xi32>
    %add3A_122 = arith.addi %iota3A, %add3A_121 : vector<16xi32>
    %add3A_123 = arith.constant 16496 : i32
    %add3A_124 = vector.broadcast %add3A_123 : i32 to vector<16xi32>
    %add3A_125 = arith.addi %iota3A, %add3A_124 : vector<16xi32>
    %add3A_126 = arith.constant 16432 : i32
    %add3A_127 = vector.broadcast %add3A_126 : i32 to vector<16xi32>
    %add3A_128 = arith.addi %iota3A, %add3A_127 : vector<16xi32>
    %add3A_129 = arith.constant 16400 : i32
    %add3A_130 = vector.broadcast %add3A_129 : i32 to vector<16xi32>
    %add3A_131 = arith.addi %iota3A, %add3A_130 : vector<16xi32>
    %add3A_132 = arith.constant 16384 : i32
    %add3A_133 = vector.broadcast %add3A_132 : i32 to vector<16xi32>
    %add3A_134 = arith.addi %iota3A, %add3A_133 : vector<16xi32>
    %add3A_135 = arith.constant 8184 : i32
    %add3A_136 = vector.broadcast %add3A_135 : i32 to vector<16xi32>
    %add3A_137 = arith.addi %and3A_10, %add3A_136 : vector<16xi32>
    %sub3A = arith.constant 16 : i32
    %sub3A_138 = arith.subi %add3A_4, %sub3A : i32
    %min3A_139 = arith.constant 0 : i32
    %min3A_140 = arith.minsi %min3A_139, %sub3A_138 : i32
    %add3A_141 = arith.addi %add3A_8, %min3A_140 : i32
    %mul3A_142 = arith.constant 128 : i32
    %mul3A_143 = arith.muli %add3A_141, %mul3A_142 : i32
    %dma_start3A = arith.constant 0 : i32
    %dma_start3A_144 = tpu.memref_slice %arg2[%dma_start3A, %mul3A_143] : memref<2x4000000xf32, #tpu.memory_space<hbm>> -> memref<2x2048xf32, #tpu.memory_space<hbm>>
    %dma_start3A_145 = arith.constant 0 : i32
    %dma_start3A_146 = tpu.memref_slice %arg2[%dma_start3A_145, %mul3A_143] : memref<2x4000000xf32, #tpu.memory_space<hbm>> -> memref<2x2048xf32, #tpu.memory_space<hbm>>
    tpu.enqueue_dma source(%dma_start3A_146 : memref<2x2048xf32, #tpu.memory_space<hbm>>) target(%arg8 : memref<2x2048xf32, #tpu.memory_space<vmem>>) target_semaphore(%arg12 : memref<!tpu.dma_semaphore, #tpu.memory_space<semaphore_mem>>)
    %scan3A = arith.constant 0 : i32
    %scan3A_147 = arith.constant 0 : i32
    %scan3A_148 = arith.constant 31 : i32
    %scan3A_149 = arith.addi %scan3A_147, %scan3A_148 : i32
    %scan3A_150 = arith.constant 1 : i32
    %scan3A_151 = scf.for %scan3A_160 = %scan3A_147 to %scan3A_149 step %scan3A_150 iter_args(%scan3A_161 = %scan3A) -> (i32)  : i32 {
      %mul3A_162 = arith.constant 2 : i32
      %mul3A_163 = arith.muli %scan3A_160, %mul3A_162 : i32
      %add3A_164 = arith.constant 0 : i32
      %add3A_165 = arith.addi %mul3A_163, %add3A_164 : i32
      %add3A_166 = arith.constant 1 : i32
      %add3A_167 = arith.addi %add3A_165, %add3A_166 : i32
      %lt3A_168 = arith.constant 62 : i32
      %lt3A_169 = arith.cmpi slt, %add3A_167, %lt3A_168 : i32
      %convert_element_type3A = arith.extui %lt3A_169 : i1 to i32
      %cond3A = arith.constant 0 : i32
      %cond3A_170 = arith.cmpi ne, %convert_element_type3A, %cond3A : i32
      scf.if %cond3A_170 {
        %add3A_238 = arith.constant 1 : i32
        %add3A_239 = arith.addi %add3A_165, %add3A_238 : i32
        %mul3A_240 = arith.constant 16 : i32
        %mul3A_241 = arith.muli %add3A_239, %mul3A_240 : i32
        %sub3A_242 = arith.constant 16 : i32
        %sub3A_243 = arith.subi %add3A_4, %sub3A_242 : i32
        %min3A_244 = arith.minsi %mul3A_241, %sub3A_243 : i32
        %add3A_245 = arith.addi %add3A_8, %min3A_244 : i32
        %mul3A_246 = arith.constant 128 : i32
        %mul3A_247 = arith.muli %add3A_245, %mul3A_246 : i32
        %dma_start3A_248 = arith.constant 0 : i32
        %dma_start3A_249 = tpu.memref_slice %arg2[%dma_start3A_248, %mul3A_247] : memref<2x4000000xf32, #tpu.memory_space<hbm>> -> memref<2x2048xf32, #tpu.memory_space<hbm>>
        %dma_start3A_250 = arith.constant 0 : i32
        %dma_start3A_251 = tpu.memref_slice %arg2[%dma_start3A_250, %mul3A_247] : memref<2x4000000xf32, #tpu.memory_space<hbm>> -> memref<2x2048xf32, #tpu.memory_space<hbm>>
        tpu.enqueue_dma source(%dma_start3A_251 : memref<2x2048xf32, #tpu.memory_space<hbm>>) target(%arg9 : memref<2x2048xf32, #tpu.memory_space<vmem>>) target_semaphore(%arg13 : memref<!tpu.dma_semaphore, #tpu.memory_space<semaphore_mem>>)
      } else {
      }
      %dma_wait3A_171 = arith.constant 0 : i32
      %dma_wait3A_172 = arith.constant 0 : i32
      %dma_wait3A_173 = tpu.memref_slice %arg2[%dma_wait3A_171, %dma_wait3A_172] : memref<2x4000000xf32, #tpu.memory_space<hbm>> -> memref<2x2048xf32, #tpu.memory_space<hbm>>
      %dma_wait3A_174 = arith.constant 0 : i32
      %dma_wait3A_175 = arith.constant 0 : i32
      %dma_wait3A_176 = tpu.memref_slice %arg2[%dma_wait3A_174, %dma_wait3A_175] : memref<2x4000000xf32, #tpu.memory_space<hbm>> -> memref<2x2048xf32, #tpu.memory_space<hbm>>
      tpu.wait_dma2 semaphore(%arg12 : memref<!tpu.dma_semaphore, #tpu.memory_space<semaphore_mem>>) src(%dma_wait3A_176 : memref<2x2048xf32, #tpu.memory_space<hbm>>) dst(%arg8 : memref<2x2048xf32, #tpu.memory_space<vmem>>)
      %ge3A = arith.constant 2 : i32
      %ge3A_177 = arith.cmpi sge, %add3A_165, %ge3A : i32
      %convert_element_type3A_178 = arith.extui %ge3A_177 : i1 to i32
      %cond3A_179 = arith.constant 0 : i32
      %cond3A_180 = arith.cmpi ne, %convert_element_type3A_178, %cond3A_179 : i32
      scf.if %cond3A_180 {
        %dma_wait3A_238 = arith.constant 0 : i32
        %dma_wait3A_239 = tpu.memref_slice %arg5[%dma_wait3A_238] : memref<4000000xf32, #tpu.memory_space<hbm>> -> memref<2048xf32, #tpu.memory_space<hbm>>
        %dma_wait3A_240 = arith.constant 0 : i32
        %dma_wait3A_241 = tpu.memref_slice %arg5[%dma_wait3A_240] : memref<4000000xf32, #tpu.memory_space<hbm>> -> memref<2048xf32, #tpu.memory_space<hbm>>
        tpu.wait_dma2 semaphore(%arg14 : memref<!tpu.dma_semaphore, #tpu.memory_space<semaphore_mem>>) src(%arg10 : memref<2048xf32, #tpu.memory_space<vmem>>) dst(%dma_wait3A_241 : memref<2048xf32, #tpu.memory_space<hbm>>)
      } else {
      }
      %scan3A_181 = arith.constant 0 : i32
      %scan3A_182 = arith.constant 0 : i32
      %scan3A_183 = arith.constant 16 : i32
      %scan3A_184 = arith.addi %scan3A_182, %scan3A_183 : i32
      %scan3A_185 = arith.constant 1 : i32
      %scan3A_186 = scf.for %scan3A_238 = %scan3A_182 to %scan3A_184 step %scan3A_185 iter_args(%scan3A_239 = %scan3A_181) -> (i32)  : i32 {
        %mul3A_240 = arith.constant 128 : i32
        %mul3A_241 = arith.muli %scan3A_238, %mul3A_240 : i32
        %mul3A_242 = arith.constant 128 : i32
        %mul3A_243 = arith.muli %scan3A_238, %mul3A_242 : i32
        %add3A_244 = arith.constant 0 : i32
        %add3A_245 = arith.addi %mul3A_241, %add3A_244 : i32
        %get3A = arith.constant 0 : i32
        %get3A_246 = arith.index_cast %get3A : i32 to index
        %get3A_247 = arith.index_cast %add3A_245 : i32 to index
        %get3A_248 = tpu.vector_load %arg8[%get3A_246, %get3A_247] {strides = array<i32>} : memref<2x2048xf32, #tpu.memory_space<vmem>>, vector<16xf32>,
        %add3A_249 = arith.constant 0 : i32
        %add3A_250 = arith.addi %mul3A_241, %add3A_249 : i32
        %get3A_251 = arith.constant 1 : i32
        %get3A_252 = arith.index_cast %get3A_251 : i32 to index
        %get3A_253 = arith.index_cast %add3A_250 : i32 to index
        %get3A_254 = tpu.vector_load %arg8[%get3A_252, %get3A_253] {strides = array<i32>} : memref<2x2048xf32, #tpu.memory_space<vmem>>, vector<16xf32>,
        %broadcast_in_dim3A_255 = arith.constant 0 : i32
        %broadcast_in_dim3A_256 = vector.broadcast %broadcast_in_dim3A_255 : i32 to vector<16xi32>
        %lt3A_257 = arith.cmpf olt, %gather3A, %get3A_248 : vector<16xf32>
        %jit3A_258 = arith.constant 8192 : i32
        %jit3A_259 = arith.constant 0 : i32
        %broadcast_in_dim3A_260 = vector.broadcast %jit3A_258 : i32 to vector<16xi32>
        %broadcast_in_dim3A_261 = vector.broadcast %jit3A_259 : i32 to vector<16xi32>
        %select_n3A_262 = arith.select %lt3A_257, %broadcast_in_dim3A_260, %broadcast_in_dim3A_261 : vector<16xi1>, vector<16xi32>
        %add3A_263 = arith.addi %broadcast_in_dim3A_256, %select_n3A_262 : vector<16xi32>
        %select_n3A_264 = arith.select %lt3A_257, %gather3A_17, %gather3A_14 : vector<16xi1>, vector<16xf32>
        %lt3A_265 = arith.cmpf olt, %select_n3A_264, %get3A_248 : vector<16xf32>
        %jit3A_266 = arith.constant 4096 : i32
        %jit3A_267 = arith.constant 0 : i32
        %broadcast_in_dim3A_268 = vector.broadcast %jit3A_266 : i32 to vector<16xi32>
        %broadcast_in_dim3A_269 = vector.broadcast %jit3A_267 : i32 to vector<16xi32>
        %select_n3A_270 = arith.select %lt3A_265, %broadcast_in_dim3A_268, %broadcast_in_dim3A_269 : vector<16xi1>, vector<16xi32>
        %add3A_271 = arith.addi %add3A_263, %select_n3A_270 : vector<16xi32>
        %select_n3A_272 = arith.select %lt3A_265, %gather3A_26, %gather3A_20 : vector<16xi1>, vector<16xf32>
        %select_n3A_273 = arith.select %lt3A_265, %gather3A_29, %gather3A_23 : vector<16xi1>, vector<16xf32>
        %select_n3A_274 = arith.select %lt3A_257, %select_n3A_273, %select_n3A_272 : vector<16xi1>, vector<16xf32>
        %lt3A_275 = arith.cmpf olt, %select_n3A_274, %get3A_248 : vector<16xf32>
        %jit3A_276 = arith.constant 2048 : i32
        %jit3A_277 = arith.constant 0 : i32
        %broadcast_in_dim3A_278 = vector.broadcast %jit3A_276 : i32 to vector<16xi32>
        %broadcast_in_dim3A_279 = vector.broadcast %jit3A_277 : i32 to vector<16xi32>
        %select_n3A_280 = arith.select %lt3A_275, %broadcast_in_dim3A_278, %broadcast_in_dim3A_279 : vector<16xi1>, vector<16xi32>
        %add3A_281 = arith.addi %add3A_271, %select_n3A_280 : vector<16xi32>
        %select_n3A_282 = arith.select %lt3A_275, %gather3A_44, %gather3A_32 : vector<16xi1>, vector<16xf32>
        %select_n3A_283 = arith.select %lt3A_275, %gather3A_47, %gather3A_35 : vector<16xi1>, vector<16xf32>
        %select_n3A_284 = arith.select %lt3A_275, %gather3A_50, %gather3A_38 : vector<16xi1>, vector<16xf32>
        %select_n3A_285 = arith.select %lt3A_275, %gather3A_53, %gather3A_41 : vector<16xi1>, vector<16xf32>
        %select_n3A_286 = arith.select %lt3A_265, %select_n3A_284, %select_n3A_282 : vector<16xi1>, vector<16xf32>
        %select_n3A_287 = arith.select %lt3A_265, %select_n3A_285, %select_n3A_283 : vector<16xi1>, vector<16xf32>
        %select_n3A_288 = arith.select %lt3A_257, %select_n3A_287, %select_n3A_286 : vector<16xi1>, vector<16xf32>
        %lt3A_289 = arith.cmpf olt, %select_n3A_288, %get3A_248 : vector<16xf32>
        %jit3A_290 = arith.constant 1024 : i32
        %jit3A_291 = arith.constant 0 : i32
        %broadcast_in_dim3A_292 = vector.broadcast %jit3A_290 : i32 to vector<16xi32>
        %broadcast_in_dim3A_293 = vector.broadcast %jit3A_291 : i32 to vector<16xi32>
        %select_n3A_294 = arith.select %lt3A_289, %broadcast_in_dim3A_292, %broadcast_in_dim3A_293 : vector<16xi1>, vector<16xi32>
        %add3A_295 = arith.addi %add3A_281, %select_n3A_294 : vector<16xi32>
        %add3A_296 = arith.addi %add3A_295, %add3A_101 : vector<16xi32>
        %gather3A_297 = tpu.vector_load_idx %arg6[%add3A_296] : memref<32768xf32, #tpu.memory_space<vmem>>[vector<16xi32>], vector<16xf32>,
        %lt3A_298 = arith.cmpf olt, %gather3A_297, %get3A_248 : vector<16xf32>
        %jit3A_299 = arith.constant 512 : i32
        %jit3A_300 = arith.constant 0 : i32
        %broadcast_in_dim3A_301 = vector.broadcast %jit3A_299 : i32 to vector<16xi32>
        %broadcast_in_dim3A_302 = vector.broadcast %jit3A_300 : i32 to vector<16xi32>
        %select_n3A_303 = arith.select %lt3A_298, %broadcast_in_dim3A_301, %broadcast_in_dim3A_302 : vector<16xi1>, vector<16xi32>
        %add3A_304 = arith.addi %add3A_295, %select_n3A_303 : vector<16xi32>
        %add3A_305 = arith.addi %add3A_304, %add3A_104 : vector<16xi32>
        %gather3A_306 = tpu.vector_load_idx %arg6[%add3A_305] : memref<32768xf32, #tpu.memory_space<vmem>>[vector<16xi32>], vector<16xf32>,
        %lt3A_307 = arith.cmpf olt, %gather3A_306, %get3A_248 : vector<16xf32>
        %jit3A_308 = arith.constant 256 : i32
        %jit3A_309 = arith.constant 0 : i32
        %broadcast_in_dim3A_310 = vector.broadcast %jit3A_308 : i32 to vector<16xi32>
        %broadcast_in_dim3A_311 = vector.broadcast %jit3A_309 : i32 to vector<16xi32>
        %select_n3A_312 = arith.select %lt3A_307, %broadcast_in_dim3A_310, %broadcast_in_dim3A_311 : vector<16xi1>, vector<16xi32>
        %add3A_313 = arith.addi %add3A_304, %select_n3A_312 : vector<16xi32>
        %add3A_314 = arith.addi %add3A_313, %add3A_107 : vector<16xi32>
        %gather3A_315 = tpu.vector_load_idx %arg6[%add3A_314] : memref<32768xf32, #tpu.memory_space<vmem>>[vector<16xi32>], vector<16xf32>,
        %lt3A_316 = arith.cmpf olt, %gather3A_315, %get3A_248 : vector<16xf32>
        %jit3A_317 = arith.constant 128 : i32
        %jit3A_318 = arith.constant 0 : i32
        %broadcast_in_dim3A_319 = vector.broadcast %jit3A_317 : i32 to vector<16xi32>
        %broadcast_in_dim3A_320 = vector.broadcast %jit3A_318 : i32 to vector<16xi32>
        %select_n3A_321 = arith.select %lt3A_316, %broadcast_in_dim3A_319, %broadcast_in_dim3A_320 : vector<16xi1>, vector<16xi32>
        %add3A_322 = arith.addi %add3A_313, %select_n3A_321 : vector<16xi32>
        %add3A_323 = arith.addi %add3A_322, %add3A_110 : vector<16xi32>
        %gather3A_324 = tpu.vector_load_idx %arg6[%add3A_323] : memref<32768xf32, #tpu.memory_space<vmem>>[vector<16xi32>], vector<16xf32>,
        %lt3A_325 = arith.cmpf olt, %gather3A_324, %get3A_248 : vector<16xf32>
        %jit3A_326 = arith.constant 64 : i32
        %jit3A_327 = arith.constant 0 : i32
        %broadcast_in_dim3A_328 = vector.broadcast %jit3A_326 : i32 to vector<16xi32>
        %broadcast_in_dim3A_329 = vector.broadcast %jit3A_327 : i32 to vector<16xi32>
        %select_n3A_330 = arith.select %lt3A_325, %broadcast_in_dim3A_328, %broadcast_in_dim3A_329 : vector<16xi1>, vector<16xi32>
        %add3A_331 = arith.addi %add3A_322, %select_n3A_330 : vector<16xi32>
        %add3A_332 = arith.addi %add3A_331, %add3A_113 : vector<16xi32>
        %gather3A_333 = tpu.vector_load_idx %arg6[%add3A_332] : memref<32768xf32, #tpu.memory_space<vmem>>[vector<16xi32>], vector<16xf32>,
        %lt3A_334 = arith.cmpf olt, %gather3A_333, %get3A_248 : vector<16xf32>
        %jit3A_335 = arith.constant 32 : i32
        %jit3A_336 = arith.constant 0 : i32
        %broadcast_in_dim3A_337 = vector.broadcast %jit3A_335 : i32 to vector<16xi32>
        %broadcast_in_dim3A_338 = vector.broadcast %jit3A_336 : i32 to vector<16xi32>
        %select_n3A_339 = arith.select %lt3A_334, %broadcast_in_dim3A_337, %broadcast_in_dim3A_338 : vector<16xi1>, vector<16xi32>
        %add3A_340 = arith.addi %add3A_331, %select_n3A_339 : vector<16xi32>
        %add3A_341 = arith.addi %add3A_340, %add3A_116 : vector<16xi32>
        %gather3A_342 = tpu.vector_load_idx %arg6[%add3A_341] : memref<32768xf32, #tpu.memory_space<vmem>>[vector<16xi32>], vector<16xf32>,
        %lt3A_343 = arith.cmpf olt, %gather3A_342, %get3A_248 : vector<16xf32>
        %jit3A_344 = arith.constant 16 : i32
        %jit3A_345 = arith.constant 0 : i32
        %broadcast_in_dim3A_346 = vector.broadcast %jit3A_344 : i32 to vector<16xi32>
        %broadcast_in_dim3A_347 = vector.broadcast %jit3A_345 : i32 to vector<16xi32>
        %select_n3A_348 = arith.select %lt3A_343, %broadcast_in_dim3A_346, %broadcast_in_dim3A_347 : vector<16xi1>, vector<16xi32>
        %add3A_349 = arith.addi %add3A_340, %select_n3A_348 : vector<16xi32>
        %sub3A_350 = arith.constant 16 : i32
        %sub3A_351 = vector.broadcast %sub3A_350 : i32 to vector<16xi32>
        %sub3A_352 = arith.subi %add3A_349, %sub3A_351 : vector<16xi32>
        %max3A = arith.constant 0 : i32
        %max3A_353 = vector.broadcast %max3A : i32 to vector<16xi32>
        %max3A_354 = arith.maxsi %sub3A_352, %max3A_353 : vector<16xi32>
        %shift_right_logical3A = arith.constant 1 : i32
        %shift_right_logical3A_355 = vector.broadcast %shift_right_logical3A : i32 to vector<16xi32>
        %shift_right_logical3A_356 = arith.shrui %max3A_354, %shift_right_logical3A_355 : vector<16xi32>
        %add3A_357 = arith.addi %shift_right_logical3A_356, %and3A_10 : vector<16xi32>
        %gather3A_358 = tpu.vector_load_idx %arg7[%add3A_357] : memref<65536xf32, #tpu.memory_space<vmem>>[vector<16xi32>], vector<16xf32>,
        %add3A_359 = arith.constant 16384 : i32
        %add3A_360 = vector.broadcast %add3A_359 : i32 to vector<16xi32>
        %add3A_361 = arith.addi %add3A_357, %add3A_360 : vector<16xi32>
        %gather3A_362 = tpu.vector_load_idx %arg7[%add3A_361] : memref<65536xf32, #tpu.memory_space<vmem>>[vector<16xi32>], vector<16xf32>,
        %add3A_363 = arith.constant 32768 : i32
        %add3A_364 = vector.broadcast %add3A_363 : i32 to vector<16xi32>
        %add3A_365 = arith.addi %add3A_357, %add3A_364 : vector<16xi32>
        %gather3A_366 = tpu.vector_load_idx %arg7[%add3A_365] : memref<65536xf32, #tpu.memory_space<vmem>>[vector<16xi32>], vector<16xf32>,
        %add3A_367 = arith.constant 49152 : i32
        %add3A_368 = vector.broadcast %add3A_367 : i32 to vector<16xi32>
        %add3A_369 = arith.addi %add3A_357, %add3A_368 : vector<16xi32>
        %gather3A_370 = tpu.vector_load_idx %arg7[%add3A_369] : memref<65536xf32, #tpu.memory_space<vmem>>[vector<16xi32>], vector<16xf32>,
        %mul3A_371 = arith.mulf %gather3A_370, %get3A_248 : vector<16xf32>
        %add3A_372 = arith.addf %mul3A_371, %gather3A_366 : vector<16xf32>
        %mul3A_373 = arith.mulf %add3A_372, %get3A_248 : vector<16xf32>
        %add3A_374 = arith.addf %mul3A_373, %gather3A_362 : vector<16xf32>
        %mul3A_375 = arith.mulf %add3A_374, %get3A_248 : vector<16xf32>
        %add3A_376 = arith.addf %mul3A_375, %gather3A_358 : vector<16xf32>
        %broadcast_in_dim3A_377 = arith.constant 0 : i32
        %broadcast_in_dim3A_378 = vector.broadcast %broadcast_in_dim3A_377 : i32 to vector<16xi32>
        %lt3A_379 = arith.cmpf olt, %gather3A_56, %get3A_254 : vector<16xf32>
        %jit3A_380 = arith.constant 8192 : i32
        %jit3A_381 = arith.constant 0 : i32
        %broadcast_in_dim3A_382 = vector.broadcast %jit3A_380 : i32 to vector<16xi32>
        %broadcast_in_dim3A_383 = vector.broadcast %jit3A_381 : i32 to vector<16xi32>
        %select_n3A_384 = arith.select %lt3A_379, %broadcast_in_dim3A_382, %broadcast_in_dim3A_383 : vector<16xi1>, vector<16xi32>
        %add3A_385 = arith.addi %broadcast_in_dim3A_378, %select_n3A_384 : vector<16xi32>
        %select_n3A_386 = arith.select %lt3A_379, %gather3A_62, %gather3A_59 : vector<16xi1>, vector<16xf32>
        %lt3A_387 = arith.cmpf olt, %select_n3A_386, %get3A_254 : vector<16xf32>
        %jit3A_388 = arith.constant 4096 : i32
        %jit3A_389 = arith.constant 0 : i32
        %broadcast_in_dim3A_390 = vector.broadcast %jit3A_388 : i32 to vector<16xi32>
        %broadcast_in_dim3A_391 = vector.broadcast %jit3A_389 : i32 to vector<16xi32>
        %select_n3A_392 = arith.select %lt3A_387, %broadcast_in_dim3A_390, %broadcast_in_dim3A_391 : vector<16xi1>, vector<16xi32>
        %add3A_393 = arith.addi %add3A_385, %select_n3A_392 : vector<16xi32>
        %select_n3A_394 = arith.select %lt3A_387, %gather3A_71, %gather3A_65 : vector<16xi1>, vector<16xf32>
        %select_n3A_395 = arith.select %lt3A_387, %gather3A_74, %gather3A_68 : vector<16xi1>, vector<16xf32>
        %select_n3A_396 = arith.select %lt3A_379, %select_n3A_395, %select_n3A_394 : vector<16xi1>, vector<16xf32>
        %lt3A_397 = arith.cmpf olt, %select_n3A_396, %get3A_254 : vector<16xf32>
        %jit3A_398 = arith.constant 2048 : i32
        %jit3A_399 = arith.constant 0 : i32
        %broadcast_in_dim3A_400 = vector.broadcast %jit3A_398 : i32 to vector<16xi32>
        %broadcast_in_dim3A_401 = vector.broadcast %jit3A_399 : i32 to vector<16xi32>
        %select_n3A_402 = arith.select %lt3A_397, %broadcast_in_dim3A_400, %broadcast_in_dim3A_401 : vector<16xi1>, vector<16xi32>
        %add3A_403 = arith.addi %add3A_393, %select_n3A_402 : vector<16xi32>
        %select_n3A_404 = arith.select %lt3A_397, %gather3A_89, %gather3A_77 : vector<16xi1>, vector<16xf32>
        %select_n3A_405 = arith.select %lt3A_397, %gather3A_92, %gather3A_80 : vector<16xi1>, vector<16xf32>
        %select_n3A_406 = arith.select %lt3A_397, %gather3A_95, %gather3A_83 : vector<16xi1>, vector<16xf32>
        %select_n3A_407 = arith.select %lt3A_397, %gather3A_98, %gather3A_86 : vector<16xi1>, vector<16xf32>
        %select_n3A_408 = arith.select %lt3A_387, %select_n3A_406, %select_n3A_404 : vector<16xi1>, vector<16xf32>
        %select_n3A_409 = arith.select %lt3A_387, %select_n3A_407, %select_n3A_405 : vector<16xi1>, vector<16xf32>
        %select_n3A_410 = arith.select %lt3A_379, %select_n3A_409, %select_n3A_408 : vector<16xi1>, vector<16xf32>
        %lt3A_411 = arith.cmpf olt, %select_n3A_410, %get3A_254 : vector<16xf32>
        %jit3A_412 = arith.constant 1024 : i32
        %jit3A_413 = arith.constant 0 : i32
        %broadcast_in_dim3A_414 = vector.broadcast %jit3A_412 : i32 to vector<16xi32>
        %broadcast_in_dim3A_415 = vector.broadcast %jit3A_413 : i32 to vector<16xi32>
        %select_n3A_416 = arith.select %lt3A_411, %broadcast_in_dim3A_414, %broadcast_in_dim3A_415 : vector<16xi1>, vector<16xi32>
        %add3A_417 = arith.addi %add3A_403, %select_n3A_416 : vector<16xi32>
        %add3A_418 = arith.addi %add3A_417, %add3A_119 : vector<16xi32>
        %gather3A_419 = tpu.vector_load_idx %arg6[%add3A_418] : memref<32768xf32, #tpu.memory_space<vmem>>[vector<16xi32>], vector<16xf32>,
        %lt3A_420 = arith.cmpf olt, %gather3A_419, %get3A_254 : vector<16xf32>
        %jit3A_421 = arith.constant 512 : i32
        %jit3A_422 = arith.constant 0 : i32
        %broadcast_in_dim3A_423 = vector.broadcast %jit3A_421 : i32 to vector<16xi32>
        %broadcast_in_dim3A_424 = vector.broadcast %jit3A_422 : i32 to vector<16xi32>
        %select_n3A_425 = arith.select %lt3A_420, %broadcast_in_dim3A_423, %broadcast_in_dim3A_424 : vector<16xi1>, vector<16xi32>
        %add3A_426 = arith.addi %add3A_417, %select_n3A_425 : vector<16xi32>
        %add3A_427 = arith.addi %add3A_426, %add3A_122 : vector<16xi32>
        %gather3A_428 = tpu.vector_load_idx %arg6[%add3A_427] : memref<32768xf32, #tpu.memory_space<vmem>>[vector<16xi32>], vector<16xf32>,
        %lt3A_429 = arith.cmpf olt, %gather3A_428, %get3A_254 : vector<16xf32>
        %jit3A_430 = arith.constant 256 : i32
        %jit3A_431 = arith.constant 0 : i32
        %broadcast_in_dim3A_432 = vector.broadcast %jit3A_430 : i32 to vector<16xi32>
        %broadcast_in_dim3A_433 = vector.broadcast %jit3A_431 : i32 to vector<16xi32>
        %select_n3A_434 = arith.select %lt3A_429, %broadcast_in_dim3A_432, %broadcast_in_dim3A_433 : vector<16xi1>, vector<16xi32>
        %add3A_435 = arith.addi %add3A_426, %select_n3A_434 : vector<16xi32>
        %add3A_436 = arith.addi %add3A_435, %add3A_125 : vector<16xi32>
        %gather3A_437 = tpu.vector_load_idx %arg6[%add3A_436] : memref<32768xf32, #tpu.memory_space<vmem>>[vector<16xi32>], vector<16xf32>,
        %lt3A_438 = arith.cmpf olt, %gather3A_437, %get3A_254 : vector<16xf32>
        %jit3A_439 = arith.constant 128 : i32
        %jit3A_440 = arith.constant 0 : i32
        %broadcast_in_dim3A_441 = vector.broadcast %jit3A_439 : i32 to vector<16xi32>
        %broadcast_in_dim3A_442 = vector.broadcast %jit3A_440 : i32 to vector<16xi32>
        %select_n3A_443 = arith.select %lt3A_438, %broadcast_in_dim3A_441, %broadcast_in_dim3A_442 : vector<16xi1>, vector<16xi32>
        %add3A_444 = arith.addi %add3A_435, %select_n3A_443 : vector<16xi32>
        %add3A_445 = arith.addi %add3A_444, %add3A_128 : vector<16xi32>
        %gather3A_446 = tpu.vector_load_idx %arg6[%add3A_445] : memref<32768xf32, #tpu.memory_space<vmem>>[vector<16xi32>], vector<16xf32>,
        %lt3A_447 = arith.cmpf olt, %gather3A_446, %get3A_254 : vector<16xf32>
        %jit3A_448 = arith.constant 64 : i32
        %jit3A_449 = arith.constant 0 : i32
        %broadcast_in_dim3A_450 = vector.broadcast %jit3A_448 : i32 to vector<16xi32>
        %broadcast_in_dim3A_451 = vector.broadcast %jit3A_449 : i32 to vector<16xi32>
        %select_n3A_452 = arith.select %lt3A_447, %broadcast_in_dim3A_450, %broadcast_in_dim3A_451 : vector<16xi1>, vector<16xi32>
        %add3A_453 = arith.addi %add3A_444, %select_n3A_452 : vector<16xi32>
        %add3A_454 = arith.addi %add3A_453, %add3A_131 : vector<16xi32>
        %gather3A_455 = tpu.vector_load_idx %arg6[%add3A_454] : memref<32768xf32, #tpu.memory_space<vmem>>[vector<16xi32>], vector<16xf32>,
        %lt3A_456 = arith.cmpf olt, %gather3A_455, %get3A_254 : vector<16xf32>
        %jit3A_457 = arith.constant 32 : i32
        %jit3A_458 = arith.constant 0 : i32
        %broadcast_in_dim3A_459 = vector.broadcast %jit3A_457 : i32 to vector<16xi32>
        %broadcast_in_dim3A_460 = vector.broadcast %jit3A_458 : i32 to vector<16xi32>
        %select_n3A_461 = arith.select %lt3A_456, %broadcast_in_dim3A_459, %broadcast_in_dim3A_460 : vector<16xi1>, vector<16xi32>
        %add3A_462 = arith.addi %add3A_453, %select_n3A_461 : vector<16xi32>
        %add3A_463 = arith.addi %add3A_462, %add3A_134 : vector<16xi32>
        %gather3A_464 = tpu.vector_load_idx %arg6[%add3A_463] : memref<32768xf32, #tpu.memory_space<vmem>>[vector<16xi32>], vector<16xf32>,
        %lt3A_465 = arith.cmpf olt, %gather3A_464, %get3A_254 : vector<16xf32>
        %jit3A_466 = arith.constant 16 : i32
        %jit3A_467 = arith.constant 0 : i32
        %broadcast_in_dim3A_468 = vector.broadcast %jit3A_466 : i32 to vector<16xi32>
        %broadcast_in_dim3A_469 = vector.broadcast %jit3A_467 : i32 to vector<16xi32>
        %select_n3A_470 = arith.select %lt3A_465, %broadcast_in_dim3A_468, %broadcast_in_dim3A_469 : vector<16xi1>, vector<16xi32>
        %add3A_471 = arith.addi %add3A_462, %select_n3A_470 : vector<16xi32>
        %sub3A_472 = arith.constant 16 : i32
        %sub3A_473 = vector.broadcast %sub3A_472 : i32 to vector<16xi32>
        %sub3A_474 = arith.subi %add3A_471, %sub3A_473 : vector<16xi32>
        %max3A_475 = arith.constant 0 : i32
        %max3A_476 = vector.broadcast %max3A_475 : i32 to vector<16xi32>
        %max3A_477 = arith.maxsi %sub3A_474, %max3A_476 : vector<16xi32>
        %shift_right_logical3A_478 = arith.constant 1 : i32
        %shift_right_logical3A_479 = vector.broadcast %shift_right_logical3A_478 : i32 to vector<16xi32>
        %shift_right_logical3A_480 = arith.shrui %max3A_477, %shift_right_logical3A_479 : vector<16xi32>
        %add3A_481 = arith.addi %shift_right_logical3A_480, %add3A_137 : vector<16xi32>
        %gather3A_482 = tpu.vector_load_idx %arg7[%add3A_481] : memref<65536xf32, #tpu.memory_space<vmem>>[vector<16xi32>], vector<16xf32>,
        %add3A_483 = arith.constant 16384 : i32
        %add3A_484 = vector.broadcast %add3A_483 : i32 to vector<16xi32>
        %add3A_485 = arith.addi %add3A_481, %add3A_484 : vector<16xi32>
        %gather3A_486 = tpu.vector_load_idx %arg7[%add3A_485] : memref<65536xf32, #tpu.memory_space<vmem>>[vector<16xi32>], vector<16xf32>,
        %add3A_487 = arith.constant 32768 : i32
        %add3A_488 = vector.broadcast %add3A_487 : i32 to vector<16xi32>
        %add3A_489 = arith.addi %add3A_481, %add3A_488 : vector<16xi32>
        %gather3A_490 = tpu.vector_load_idx %arg7[%add3A_489] : memref<65536xf32, #tpu.memory_space<vmem>>[vector<16xi32>], vector<16xf32>,
        %add3A_491 = arith.constant 49152 : i32
        %add3A_492 = vector.broadcast %add3A_491 : i32 to vector<16xi32>
        %add3A_493 = arith.addi %add3A_481, %add3A_492 : vector<16xi32>
        %gather3A_494 = tpu.vector_load_idx %arg7[%add3A_493] : memref<65536xf32, #tpu.memory_space<vmem>>[vector<16xi32>], vector<16xf32>,
        %mul3A_495 = arith.mulf %gather3A_494, %get3A_254 : vector<16xf32>
        %add3A_496 = arith.addf %mul3A_495, %gather3A_490 : vector<16xf32>
        %mul3A_497 = arith.mulf %add3A_496, %get3A_254 : vector<16xf32>
        %add3A_498 = arith.addf %mul3A_497, %gather3A_486 : vector<16xf32>
        %mul3A_499 = arith.mulf %add3A_498, %get3A_254 : vector<16xf32>
        %add3A_500 = arith.addf %mul3A_499, %gather3A_482 : vector<16xf32>
        %mul3A_501 = arith.mulf %add3A_376, %add3A_500 : vector<16xf32>
        %add3A_502 = arith.constant 0 : i32
        %add3A_503 = arith.addi %mul3A_243, %add3A_502 : i32
        %swap3A = arith.index_cast %add3A_503 : i32 to index
        %swap3A_504 = tpu.vector_load %arg10[%swap3A] {strides = array<i32>} : memref<2048xf32, #tpu.memory_space<vmem>>, vector<16xf32>,
        tpu.vector_store %arg10[%swap3A], %mul3A_501 {strides = array<i32>} : memref<2048xf32, #tpu.memory_space<vmem>>, vector<16xf32>,
        %add3A_505 = arith.constant 16 : i32
        %add3A_506 = arith.addi %mul3A_241, %add3A_505 : i32
        %get3A_507 = arith.constant 0 : i32
        %get3A_508 = arith.index_cast %get3A_507 : i32 to index
        %get3A_509 = arith.index_cast %add3A_506 : i32 to index
        %get3A_510 = tpu.vector_load %arg8[%get3A_508, %get3A_509] {strides = array<i32>} : memref<2x2048xf32, #tpu.memory_space<vmem>>, vector<16xf32>,
        %add3A_511 = arith.constant 16 : i32
        %add3A_512 = arith.addi %mul3A_241, %add3A_511 : i32
        %get3A_513 = arith.constant 1 : i32
        %get3A_514 = arith.index_cast %get3A_513 : i32 to index
        %get3A_515 = arith.index_cast %add3A_512 : i32 to index
        %get3A_516 = tpu.vector_load %arg8[%get3A_514, %get3A_515] {strides = array<i32>} : memref<2x2048xf32, #tpu.memory_space<vmem>>, vector<16xf32>,
        %broadcast_in_dim3A_517 = arith.constant 0 : i32
        %broadcast_in_dim3A_518 = vector.broadcast %broadcast_in_dim3A_517 : i32 to vector<16xi32>
        %lt3A_519 = arith.cmpf olt, %gather3A, %get3A_510 : vector<16xf32>
        %jit3A_520 = arith.constant 8192 : i32
        %jit3A_521 = arith.constant 0 : i32
        %broadcast_in_dim3A_522 = vector.broadcast %jit3A_520 : i32 to vector<16xi32>
        %broadcast_in_dim3A_523 = vector.broadcast %jit3A_521 : i32 to vector<16xi32>
        %select_n3A_524 = arith.select %lt3A_519, %broadcast_in_dim3A_522, %broadcast_in_dim3A_523 : vector<16xi1>, vector<16xi32>
        %add3A_525 = arith.addi %broadcast_in_dim3A_518, %select_n3A_524 : vector<16xi32>
        %select_n3A_526 = arith.select %lt3A_519, %gather3A_17, %gather3A_14 : vector<16xi1>, vector<16xf32>
        %lt3A_527 = arith.cmpf olt, %select_n3A_526, %get3A_510 : vector<16xf32>
        %jit3A_528 = arith.constant 4096 : i32
        %jit3A_529 = arith.constant 0 : i32
        %broadcast_in_dim3A_530 = vector.broadcast %jit3A_528 : i32 to vector<16xi32>
        %broadcast_in_dim3A_531 = vector.broadcast %jit3A_529 : i32 to vector<16xi32>
        %select_n3A_532 = arith.select %lt3A_527, %broadcast_in_dim3A_530, %broadcast_in_dim3A_531 : vector<16xi1>, vector<16xi32>
        %add3A_533 = arith.addi %add3A_525, %select_n3A_532 : vector<16xi32>
        %select_n3A_534 = arith.select %lt3A_527, %gather3A_26, %gather3A_20 : vector<16xi1>, vector<16xf32>
        %select_n3A_535 = arith.select %lt3A_527, %gather3A_29, %gather3A_23 : vector<16xi1>, vector<16xf32>
        %select_n3A_536 = arith.select %lt3A_519, %select_n3A_535, %select_n3A_534 : vector<16xi1>, vector<16xf32>
        %lt3A_537 = arith.cmpf olt, %select_n3A_536, %get3A_510 : vector<16xf32>
        %jit3A_538 = arith.constant 2048 : i32
        %jit3A_539 = arith.constant 0 : i32
        %broadcast_in_dim3A_540 = vector.broadcast %jit3A_538 : i32 to vector<16xi32>
        %broadcast_in_dim3A_541 = vector.broadcast %jit3A_539 : i32 to vector<16xi32>
        %select_n3A_542 = arith.select %lt3A_537, %broadcast_in_dim3A_540, %broadcast_in_dim3A_541 : vector<16xi1>, vector<16xi32>
        %add3A_543 = arith.addi %add3A_533, %select_n3A_542 : vector<16xi32>
        %select_n3A_544 = arith.select %lt3A_537, %gather3A_44, %gather3A_32 : vector<16xi1>, vector<16xf32>
        %select_n3A_545 = arith.select %lt3A_537, %gather3A_47, %gather3A_35 : vector<16xi1>, vector<16xf32>
        %select_n3A_546 = arith.select %lt3A_537, %gather3A_50, %gather3A_38 : vector<16xi1>, vector<16xf32>
        %select_n3A_547 = arith.select %lt3A_537, %gather3A_53, %gather3A_41 : vector<16xi1>, vector<16xf32>
        %select_n3A_548 = arith.select %lt3A_527, %select_n3A_546, %select_n3A_544 : vector<16xi1>, vector<16xf32>
        %select_n3A_549 = arith.select %lt3A_527, %select_n3A_547, %select_n3A_545 : vector<16xi1>, vector<16xf32>
        %select_n3A_550 = arith.select %lt3A_519, %select_n3A_549, %select_n3A_548 : vector<16xi1>, vector<16xf32>
        %lt3A_551 = arith.cmpf olt, %select_n3A_550, %get3A_510 : vector<16xf32>
        %jit3A_552 = arith.constant 1024 : i32
        %jit3A_553 = arith.constant 0 : i32
        %broadcast_in_dim3A_554 = vector.broadcast %jit3A_552 : i32 to vector<16xi32>
        %broadcast_in_dim3A_555 = vector.broadcast %jit3A_553 : i32 to vector<16xi32>
        %select_n3A_556 = arith.select %lt3A_551, %broadcast_in_dim3A_554, %broadcast_in_dim3A_555 : vector<16xi1>, vector<16xi32>
        %add3A_557 = arith.addi %add3A_543, %select_n3A_556 : vector<16xi32>
        %add3A_558 = arith.addi %add3A_557, %add3A_101 : vector<16xi32>
        %gather3A_559 = tpu.vector_load_idx %arg6[%add3A_558] : memref<32768xf32, #tpu.memory_space<vmem>>[vector<16xi32>], vector<16xf32>,
        %lt3A_560 = arith.cmpf olt, %gather3A_559, %get3A_510 : vector<16xf32>
        %jit3A_561 = arith.constant 512 : i32
        %jit3A_562 = arith.constant 0 : i32
        %broadcast_in_dim3A_563 = vector.broadcast %jit3A_561 : i32 to vector<16xi32>
        %broadcast_in_dim3A_564 = vector.broadcast %jit3A_562 : i32 to vector<16xi32>
        %select_n3A_565 = arith.select %lt3A_560, %broadcast_in_dim3A_563, %broadcast_in_dim3A_564 : vector<16xi1>, vector<16xi32>
        %add3A_566 = arith.addi %add3A_557, %select_n3A_565 : vector<16xi32>
        %add3A_567 = arith.addi %add3A_566, %add3A_104 : vector<16xi32>
        %gather3A_568 = tpu.vector_load_idx %arg6[%add3A_567] : memref<32768xf32, #tpu.memory_space<vmem>>[vector<16xi32>], vector<16xf32>,
        %lt3A_569 = arith.cmpf olt, %gather3A_568, %get3A_510 : vector<16xf32>
        %jit3A_570 = arith.constant 256 : i32
        %jit3A_571 = arith.constant 0 : i32
        %broadcast_in_dim3A_572 = vector.broadcast %jit3A_570 : i32 to vector<16xi32>
        %broadcast_in_dim3A_573 = vector.broadcast %jit3A_571 : i32 to vector<16xi32>
        %select_n3A_574 = arith.select %lt3A_569, %broadcast_in_dim3A_572, %broadcast_in_dim3A_573 : vector<16xi1>, vector<16xi32>
        %add3A_575 = arith.addi %add3A_566, %select_n3A_574 : vector<16xi32>
        %add3A_576 = arith.addi %add3A_575, %add3A_107 : vector<16xi32>
        %gather3A_577 = tpu.vector_load_idx %arg6[%add3A_576] : memref<32768xf32, #tpu.memory_space<vmem>>[vector<16xi32>], vector<16xf32>,
        %lt3A_578 = arith.cmpf olt, %gather3A_577, %get3A_510 : vector<16xf32>
        %jit3A_579 = arith.constant 128 : i32
        %jit3A_580 = arith.constant 0 : i32
        %broadcast_in_dim3A_581 = vector.broadcast %jit3A_579 : i32 to vector<16xi32>
        %broadcast_in_dim3A_582 = vector.broadcast %jit3A_580 : i32 to vector<16xi32>
        %select_n3A_583 = arith.select %lt3A_578, %broadcast_in_dim3A_581, %broadcast_in_dim3A_582 : vector<16xi1>, vector<16xi32>
        %add3A_584 = arith.addi %add3A_575, %select_n3A_583 : vector<16xi32>
        %add3A_585 = arith.addi %add3A_584, %add3A_110 : vector<16xi32>
        %gather3A_586 = tpu.vector_load_idx %arg6[%add3A_585] : memref<32768xf32, #tpu.memory_space<vmem>>[vector<16xi32>], vector<16xf32>,
        %lt3A_587 = arith.cmpf olt, %gather3A_586, %get3A_510 : vector<16xf32>
        %jit3A_588 = arith.constant 64 : i32
        %jit3A_589 = arith.constant 0 : i32
        %broadcast_in_dim3A_590 = vector.broadcast %jit3A_588 : i32 to vector<16xi32>
        %broadcast_in_dim3A_591 = vector.broadcast %jit3A_589 : i32 to vector<16xi32>
        %select_n3A_592 = arith.select %lt3A_587, %broadcast_in_dim3A_590, %broadcast_in_dim3A_591 : vector<16xi1>, vector<16xi32>
        %add3A_593 = arith.addi %add3A_584, %select_n3A_592 : vector<16xi32>
        %add3A_594 = arith.addi %add3A_593, %add3A_113 : vector<16xi32>
        %gather3A_595 = tpu.vector_load_idx %arg6[%add3A_594] : memref<32768xf32, #tpu.memory_space<vmem>>[vector<16xi32>], vector<16xf32>,
        %lt3A_596 = arith.cmpf olt, %gather3A_595, %get3A_510 : vector<16xf32>
        %jit3A_597 = arith.constant 32 : i32
        %jit3A_598 = arith.constant 0 : i32
        %broadcast_in_dim3A_599 = vector.broadcast %jit3A_597 : i32 to vector<16xi32>
        %broadcast_in_dim3A_600 = vector.broadcast %jit3A_598 : i32 to vector<16xi32>
        %select_n3A_601 = arith.select %lt3A_596, %broadcast_in_dim3A_599, %broadcast_in_dim3A_600 : vector<16xi1>, vector<16xi32>
        %add3A_602 = arith.addi %add3A_593, %select_n3A_601 : vector<16xi32>
        %add3A_603 = arith.addi %add3A_602, %add3A_116 : vector<16xi32>
        %gather3A_604 = tpu.vector_load_idx %arg6[%add3A_603] : memref<32768xf32, #tpu.memory_space<vmem>>[vector<16xi32>], vector<16xf32>,
        %lt3A_605 = arith.cmpf olt, %gather3A_604, %get3A_510 : vector<16xf32>
        %jit3A_606 = arith.constant 16 : i32
        %jit3A_607 = arith.constant 0 : i32
        %broadcast_in_dim3A_608 = vector.broadcast %jit3A_606 : i32 to vector<16xi32>
        %broadcast_in_dim3A_609 = vector.broadcast %jit3A_607 : i32 to vector<16xi32>
        %select_n3A_610 = arith.select %lt3A_605, %broadcast_in_dim3A_608, %broadcast_in_dim3A_609 : vector<16xi1>, vector<16xi32>
        %add3A_611 = arith.addi %add3A_602, %select_n3A_610 : vector<16xi32>
        %sub3A_612 = arith.constant 16 : i32
        %sub3A_613 = vector.broadcast %sub3A_612 : i32 to vector<16xi32>
        %sub3A_614 = arith.subi %add3A_611, %sub3A_613 : vector<16xi32>
        %max3A_615 = arith.constant 0 : i32
        %max3A_616 = vector.broadcast %max3A_615 : i32 to vector<16xi32>
        %max3A_617 = arith.maxsi %sub3A_614, %max3A_616 : vector<16xi32>
        %shift_right_logical3A_618 = arith.constant 1 : i32
        %shift_right_logical3A_619 = vector.broadcast %shift_right_logical3A_618 : i32 to vector<16xi32>
        %shift_right_logical3A_620 = arith.shrui %max3A_617, %shift_right_logical3A_619 : vector<16xi32>
        %add3A_621 = arith.addi %shift_right_logical3A_620, %and3A_10 : vector<16xi32>
        %gather3A_622 = tpu.vector_load_idx %arg7[%add3A_621] : memref<65536xf32, #tpu.memory_space<vmem>>[vector<16xi32>], vector<16xf32>,
        %add3A_623 = arith.constant 16384 : i32
        %add3A_624 = vector.broadcast %add3A_623 : i32 to vector<16xi32>
        %add3A_625 = arith.addi %add3A_621, %add3A_624 : vector<16xi32>
        %gather3A_626 = tpu.vector_load_idx %arg7[%add3A_625] : memref<65536xf32, #tpu.memory_space<vmem>>[vector<16xi32>], vector<16xf32>,
        %add3A_627 = arith.constant 32768 : i32
        %add3A_628 = vector.broadcast %add3A_627 : i32 to vector<16xi32>
        %add3A_629 = arith.addi %add3A_621, %add3A_628 : vector<16xi32>
        %gather3A_630 = tpu.vector_load_idx %arg7[%add3A_629] : memref<65536xf32, #tpu.memory_space<vmem>>[vector<16xi32>], vector<16xf32>,
        %add3A_631 = arith.constant 49152 : i32
        %add3A_632 = vector.broadcast %add3A_631 : i32 to vector<16xi32>
        %add3A_633 = arith.addi %add3A_621, %add3A_632 : vector<16xi32>
        %gather3A_634 = tpu.vector_load_idx %arg7[%add3A_633] : memref<65536xf32, #tpu.memory_space<vmem>>[vector<16xi32>], vector<16xf32>,
        %mul3A_635 = arith.mulf %gather3A_634, %get3A_510 : vector<16xf32>
        %add3A_636 = arith.addf %mul3A_635, %gather3A_630 : vector<16xf32>
        %mul3A_637 = arith.mulf %add3A_636, %get3A_510 : vector<16xf32>
        %add3A_638 = arith.addf %mul3A_637, %gather3A_626 : vector<16xf32>
        %mul3A_639 = arith.mulf %add3A_638, %get3A_510 : vector<16xf32>
        %add3A_640 = arith.addf %mul3A_639, %gather3A_622 : vector<16xf32>
        %broadcast_in_dim3A_641 = arith.constant 0 : i32
        %broadcast_in_dim3A_642 = vector.broadcast %broadcast_in_dim3A_641 : i32 to vector<16xi32>
        %lt3A_643 = arith.cmpf olt, %gather3A_56, %get3A_516 : vector<16xf32>
        %jit3A_644 = arith.constant 8192 : i32
        %jit3A_645 = arith.constant 0 : i32
        %broadcast_in_dim3A_646 = vector.broadcast %jit3A_644 : i32 to vector<16xi32>
        %broadcast_in_dim3A_647 = vector.broadcast %jit3A_645 : i32 to vector<16xi32>
        %select_n3A_648 = arith.select %lt3A_643, %broadcast_in_dim3A_646, %broadcast_in_dim3A_647 : vector<16xi1>, vector<16xi32>
        %add3A_649 = arith.addi %broadcast_in_dim3A_642, %select_n3A_648 : vector<16xi32>
        %select_n3A_650 = arith.select %lt3A_643, %gather3A_62, %gather3A_59 : vector<16xi1>, vector<16xf32>
        %lt3A_651 = arith.cmpf olt, %select_n3A_650, %get3A_516 : vector<16xf32>
        %jit3A_652 = arith.constant 4096 : i32
        %jit3A_653 = arith.constant 0 : i32
        %broadcast_in_dim3A_654 = vector.broadcast %jit3A_652 : i32 to vector<16xi32>
        %broadcast_in_dim3A_655 = vector.broadcast %jit3A_653 : i32 to vector<16xi32>
        %select_n3A_656 = arith.select %lt3A_651, %broadcast_in_dim3A_654, %broadcast_in_dim3A_655 : vector<16xi1>, vector<16xi32>
        %add3A_657 = arith.addi %add3A_649, %select_n3A_656 : vector<16xi32>
        %select_n3A_658 = arith.select %lt3A_651, %gather3A_71, %gather3A_65 : vector<16xi1>, vector<16xf32>
        %select_n3A_659 = arith.select %lt3A_651, %gather3A_74, %gather3A_68 : vector<16xi1>, vector<16xf32>
        %select_n3A_660 = arith.select %lt3A_643, %select_n3A_659, %select_n3A_658 : vector<16xi1>, vector<16xf32>
        %lt3A_661 = arith.cmpf olt, %select_n3A_660, %get3A_516 : vector<16xf32>
        %jit3A_662 = arith.constant 2048 : i32
        %jit3A_663 = arith.constant 0 : i32
        %broadcast_in_dim3A_664 = vector.broadcast %jit3A_662 : i32 to vector<16xi32>
        %broadcast_in_dim3A_665 = vector.broadcast %jit3A_663 : i32 to vector<16xi32>
        %select_n3A_666 = arith.select %lt3A_661, %broadcast_in_dim3A_664, %broadcast_in_dim3A_665 : vector<16xi1>, vector<16xi32>
        %add3A_667 = arith.addi %add3A_657, %select_n3A_666 : vector<16xi32>
        %select_n3A_668 = arith.select %lt3A_661, %gather3A_89, %gather3A_77 : vector<16xi1>, vector<16xf32>
        %select_n3A_669 = arith.select %lt3A_661, %gather3A_92, %gather3A_80 : vector<16xi1>, vector<16xf32>
        %select_n3A_670 = arith.select %lt3A_661, %gather3A_95, %gather3A_83 : vector<16xi1>, vector<16xf32>
        %select_n3A_671 = arith.select %lt3A_661, %gather3A_98, %gather3A_86 : vector<16xi1>, vector<16xf32>
        %select_n3A_672 = arith.select %lt3A_651, %select_n3A_670, %select_n3A_668 : vector<16xi1>, vector<16xf32>
        %select_n3A_673 = arith.select %lt3A_651, %select_n3A_671, %select_n3A_669 : vector<16xi1>, vector<16xf32>
        %select_n3A_674 = arith.select %lt3A_643, %select_n3A_673, %select_n3A_672 : vector<16xi1>, vector<16xf32>
        %lt3A_675 = arith.cmpf olt, %select_n3A_674, %get3A_516 : vector<16xf32>
        %jit3A_676 = arith.constant 1024 : i32
        %jit3A_677 = arith.constant 0 : i32
        %broadcast_in_dim3A_678 = vector.broadcast %jit3A_676 : i32 to vector<16xi32>
        %broadcast_in_dim3A_679 = vector.broadcast %jit3A_677 : i32 to vector<16xi32>
        %select_n3A_680 = arith.select %lt3A_675, %broadcast_in_dim3A_678, %broadcast_in_dim3A_679 : vector<16xi1>, vector<16xi32>
        %add3A_681 = arith.addi %add3A_667, %select_n3A_680 : vector<16xi32>
        %add3A_682 = arith.addi %add3A_681, %add3A_119 : vector<16xi32>
        %gather3A_683 = tpu.vector_load_idx %arg6[%add3A_682] : memref<32768xf32, #tpu.memory_space<vmem>>[vector<16xi32>], vector<16xf32>,
        %lt3A_684 = arith.cmpf olt, %gather3A_683, %get3A_516 : vector<16xf32>
        %jit3A_685 = arith.constant 512 : i32
        %jit3A_686 = arith.constant 0 : i32
        %broadcast_in_dim3A_687 = vector.broadcast %jit3A_685 : i32 to vector<16xi32>
        %broadcast_in_dim3A_688 = vector.broadcast %jit3A_686 : i32 to vector<16xi32>
        %select_n3A_689 = arith.select %lt3A_684, %broadcast_in_dim3A_687, %broadcast_in_dim3A_688 : vector<16xi1>, vector<16xi32>
        %add3A_690 = arith.addi %add3A_681, %select_n3A_689 : vector<16xi32>
        %add3A_691 = arith.addi %add3A_690, %add3A_122 : vector<16xi32>
        %gather3A_692 = tpu.vector_load_idx %arg6[%add3A_691] : memref<32768xf32, #tpu.memory_space<vmem>>[vector<16xi32>], vector<16xf32>,
        %lt3A_693 = arith.cmpf olt, %gather3A_692, %get3A_516 : vector<16xf32>
        %jit3A_694 = arith.constant 256 : i32
        %jit3A_695 = arith.constant 0 : i32
        %broadcast_in_dim3A_696 = vector.broadcast %jit3A_694 : i32 to vector<16xi32>
        %broadcast_in_dim3A_697 = vector.broadcast %jit3A_695 : i32 to vector<16xi32>
        %select_n3A_698 = arith.select %lt3A_693, %broadcast_in_dim3A_696, %broadcast_in_dim3A_697 : vector<16xi1>, vector<16xi32>
        %add3A_699 = arith.addi %add3A_690, %select_n3A_698 : vector<16xi32>
        %add3A_700 = arith.addi %add3A_699, %add3A_125 : vector<16xi32>
        %gather3A_701 = tpu.vector_load_idx %arg6[%add3A_700] : memref<32768xf32, #tpu.memory_space<vmem>>[vector<16xi32>], vector<16xf32>,
        %lt3A_702 = arith.cmpf olt, %gather3A_701, %get3A_516 : vector<16xf32>
        %jit3A_703 = arith.constant 128 : i32
        %jit3A_704 = arith.constant 0 : i32
        %broadcast_in_dim3A_705 = vector.broadcast %jit3A_703 : i32 to vector<16xi32>
        %broadcast_in_dim3A_706 = vector.broadcast %jit3A_704 : i32 to vector<16xi32>
        %select_n3A_707 = arith.select %lt3A_702, %broadcast_in_dim3A_705, %broadcast_in_dim3A_706 : vector<16xi1>, vector<16xi32>
        %add3A_708 = arith.addi %add3A_699, %select_n3A_707 : vector<16xi32>
        %add3A_709 = arith.addi %add3A_708, %add3A_128 : vector<16xi32>
        %gather3A_710 = tpu.vector_load_idx %arg6[%add3A_709] : memref<32768xf32, #tpu.memory_space<vmem>>[vector<16xi32>], vector<16xf32>,
        %lt3A_711 = arith.cmpf olt, %gather3A_710, %get3A_516 : vector<16xf32>
        %jit3A_712 = arith.constant 64 : i32
        %jit3A_713 = arith.constant 0 : i32
        %broadcast_in_dim3A_714 = vector.broadcast %jit3A_712 : i32 to vector<16xi32>
        %broadcast_in_dim3A_715 = vector.broadcast %jit3A_713 : i32 to vector<16xi32>
        %select_n3A_716 = arith.select %lt3A_711, %broadcast_in_dim3A_714, %broadcast_in_dim3A_715 : vector<16xi1>, vector<16xi32>
        %add3A_717 = arith.addi %add3A_708, %select_n3A_716 : vector<16xi32>
        %add3A_718 = arith.addi %add3A_717, %add3A_131 : vector<16xi32>
        %gather3A_719 = tpu.vector_load_idx %arg6[%add3A_718] : memref<32768xf32, #tpu.memory_space<vmem>>[vector<16xi32>], vector<16xf32>,
        %lt3A_720 = arith.cmpf olt, %gather3A_719, %get3A_516 : vector<16xf32>
        %jit3A_721 = arith.constant 32 : i32
        %jit3A_722 = arith.constant 0 : i32
        %broadcast_in_dim3A_723 = vector.broadcast %jit3A_721 : i32 to vector<16xi32>
        %broadcast_in_dim3A_724 = vector.broadcast %jit3A_722 : i32 to vector<16xi32>
        %select_n3A_725 = arith.select %lt3A_720, %broadcast_in_dim3A_723, %broadcast_in_dim3A_724 : vector<16xi1>, vector<16xi32>
        %add3A_726 = arith.addi %add3A_717, %select_n3A_725 : vector<16xi32>
        %add3A_727 = arith.addi %add3A_726, %add3A_134 : vector<16xi32>
        %gather3A_728 = tpu.vector_load_idx %arg6[%add3A_727] : memref<32768xf32, #tpu.memory_space<vmem>>[vector<16xi32>], vector<16xf32>,
        %lt3A_729 = arith.cmpf olt, %gather3A_728, %get3A_516 : vector<16xf32>
        %jit3A_730 = arith.constant 16 : i32
        %jit3A_731 = arith.constant 0 : i32
        %broadcast_in_dim3A_732 = vector.broadcast %jit3A_730 : i32 to vector<16xi32>
        %broadcast_in_dim3A_733 = vector.broadcast %jit3A_731 : i32 to vector<16xi32>
        %select_n3A_734 = arith.select %lt3A_729, %broadcast_in_dim3A_732, %broadcast_in_dim3A_733 : vector<16xi1>, vector<16xi32>
        %add3A_735 = arith.addi %add3A_726, %select_n3A_734 : vector<16xi32>
        %sub3A_736 = arith.constant 16 : i32
        %sub3A_737 = vector.broadcast %sub3A_736 : i32 to vector<16xi32>
        %sub3A_738 = arith.subi %add3A_735, %sub3A_737 : vector<16xi32>
        %max3A_739 = arith.constant 0 : i32
        %max3A_740 = vector.broadcast %max3A_739 : i32 to vector<16xi32>
        %max3A_741 = arith.maxsi %sub3A_738, %max3A_740 : vector<16xi32>
        %shift_right_logical3A_742 = arith.constant 1 : i32
        %shift_right_logical3A_743 = vector.broadcast %shift_right_logical3A_742 : i32 to vector<16xi32>
        %shift_right_logical3A_744 = arith.shrui %max3A_741, %shift_right_logical3A_743 : vector<16xi32>
        %add3A_745 = arith.addi %shift_right_logical3A_744, %add3A_137 : vector<16xi32>
        %gather3A_746 = tpu.vector_load_idx %arg7[%add3A_745] : memref<65536xf32, #tpu.memory_space<vmem>>[vector<16xi32>], vector<16xf32>,
        %add3A_747 = arith.constant 16384 : i32
        %add3A_748 = vector.broadcast %add3A_747 : i32 to vector<16xi32>
        %add3A_749 = arith.addi %add3A_745, %add3A_748 : vector<16xi32>
        %gather3A_750 = tpu.vector_load_idx %arg7[%add3A_749] : memref<65536xf32, #tpu.memory_space<vmem>>[vector<16xi32>], vector<16xf32>,
        %add3A_751 = arith.constant 32768 : i32
        %add3A_752 = vector.broadcast %add3A_751 : i32 to vector<16xi32>
        %add3A_753 = arith.addi %add3A_745, %add3A_752 : vector<16xi32>
        %gather3A_754 = tpu.vector_load_idx %arg7[%add3A_753] : memref<65536xf32, #tpu.memory_space<vmem>>[vector<16xi32>], vector<16xf32>,
        %add3A_755 = arith.constant 49152 : i32
        %add3A_756 = vector.broadcast %add3A_755 : i32 to vector<16xi32>
        %add3A_757 = arith.addi %add3A_745, %add3A_756 : vector<16xi32>
        %gather3A_758 = tpu.vector_load_idx %arg7[%add3A_757] : memref<65536xf32, #tpu.memory_space<vmem>>[vector<16xi32>], vector<16xf32>,
        %mul3A_759 = arith.mulf %gather3A_758, %get3A_516 : vector<16xf32>
        %add3A_760 = arith.addf %mul3A_759, %gather3A_754 : vector<16xf32>
        %mul3A_761 = arith.mulf %add3A_760, %get3A_516 : vector<16xf32>
        %add3A_762 = arith.addf %mul3A_761, %gather3A_750 : vector<16xf32>
        %mul3A_763 = arith.mulf %add3A_762, %get3A_516 : vector<16xf32>
        %add3A_764 = arith.addf %mul3A_763, %gather3A_746 : vector<16xf32>
        %mul3A_765 = arith.mulf %add3A_640, %add3A_764 : vector<16xf32>
        %add3A_766 = arith.constant 16 : i32
        %add3A_767 = arith.addi %mul3A_243, %add3A_766 : i32
        %swap3A_768 = arith.index_cast %add3A_767 : i32 to index
        %swap3A_769 = tpu.vector_load %arg10[%swap3A_768] {strides = array<i32>} : memref<2048xf32, #tpu.memory_space<vmem>>, vector<16xf32>,
        tpu.vector_store %arg10[%swap3A_768], %mul3A_765 {strides = array<i32>} : memref<2048xf32, #tpu.memory_space<vmem>>, vector<16xf32>,
        %add3A_770 = arith.constant 32 : i32
        %add3A_771 = arith.addi %mul3A_241, %add3A_770 : i32
        %get3A_772 = arith.constant 0 : i32
        %get3A_773 = arith.index_cast %get3A_772 : i32 to index
        %get3A_774 = arith.index_cast %add3A_771 : i32 to index
        %get3A_775 = tpu.vector_load %arg8[%get3A_773, %get3A_774] {strides = array<i32>} : memref<2x2048xf32, #tpu.memory_space<vmem>>, vector<16xf32>,
        %add3A_776 = arith.constant 32 : i32
        %add3A_777 = arith.addi %mul3A_241, %add3A_776 : i32
        %get3A_778 = arith.constant 1 : i32
        %get3A_779 = arith.index_cast %get3A_778 : i32 to index
        %get3A_780 = arith.index_cast %add3A_777 : i32 to index
        %get3A_781 = tpu.vector_load %arg8[%get3A_779, %get3A_780] {strides = array<i32>} : memref<2x2048xf32, #tpu.memory_space<vmem>>, vector<16xf32>,
        %broadcast_in_dim3A_782 = arith.constant 0 : i32
        %broadcast_in_dim3A_783 = vector.broadcast %broadcast_in_dim3A_782 : i32 to vector<16xi32>
        %lt3A_784 = arith.cmpf olt, %gather3A, %get3A_775 : vector<16xf32>
        %jit3A_785 = arith.constant 8192 : i32
        %jit3A_786 = arith.constant 0 : i32
        %broadcast_in_dim3A_787 = vector.broadcast %jit3A_785 : i32 to vector<16xi32>
        %broadcast_in_dim3A_788 = vector.broadcast %jit3A_786 : i32 to vector<16xi32>
        %select_n3A_789 = arith.select %lt3A_784, %broadcast_in_dim3A_787, %broadcast_in_dim3A_788 : vector<16xi1>, vector<16xi32>
        %add3A_790 = arith.addi %broadcast_in_dim3A_783, %select_n3A_789 : vector<16xi32>
        %select_n3A_791 = arith.select %lt3A_784, %gather3A_17, %gather3A_14 : vector<16xi1>, vector<16xf32>
        %lt3A_792 = arith.cmpf olt, %select_n3A_791, %get3A_775 : vector<16xf32>
        %jit3A_793 = arith.constant 4096 : i32
        %jit3A_794 = arith.constant 0 : i32
        %broadcast_in_dim3A_795 = vector.broadcast %jit3A_793 : i32 to vector<16xi32>
        %broadcast_in_dim3A_796 = vector.broadcast %jit3A_794 : i32 to vector<16xi32>
        %select_n3A_797 = arith.select %lt3A_792, %broadcast_in_dim3A_795, %broadcast_in_dim3A_796 : vector<16xi1>, vector<16xi32>
        %add3A_798 = arith.addi %add3A_790, %select_n3A_797 : vector<16xi32>
        %select_n3A_799 = arith.select %lt3A_792, %gather3A_26, %gather3A_20 : vector<16xi1>, vector<16xf32>
        %select_n3A_800 = arith.select %lt3A_792, %gather3A_29, %gather3A_23 : vector<16xi1>, vector<16xf32>
        %select_n3A_801 = arith.select %lt3A_784, %select_n3A_800, %select_n3A_799 : vector<16xi1>, vector<16xf32>
        %lt3A_802 = arith.cmpf olt, %select_n3A_801, %get3A_775 : vector<16xf32>
        %jit3A_803 = arith.constant 2048 : i32
        %jit3A_804 = arith.constant 0 : i32
        %broadcast_in_dim3A_805 = vector.broadcast %jit3A_803 : i32 to vector<16xi32>
        %broadcast_in_dim3A_806 = vector.broadcast %jit3A_804 : i32 to vector<16xi32>
        %select_n3A_807 = arith.select %lt3A_802, %broadcast_in_dim3A_805, %broadcast_in_dim3A_806 : vector<16xi1>, vector<16xi32>
        %add3A_808 = arith.addi %add3A_798, %select_n3A_807 : vector<16xi32>
        %select_n3A_809 = arith.select %lt3A_802, %gather3A_44, %gather3A_32 : vector<16xi1>, vector<16xf32>
        %select_n3A_810 = arith.select %lt3A_802, %gather3A_47, %gather3A_35 : vector<16xi1>, vector<16xf32>
        %select_n3A_811 = arith.select %lt3A_802, %gather3A_50, %gather3A_38 : vector<16xi1>, vector<16xf32>
        %select_n3A_812 = arith.select %lt3A_802, %gather3A_53, %gather3A_41 : vector<16xi1>, vector<16xf32>
        %select_n3A_813 = arith.select %lt3A_792, %select_n3A_811, %select_n3A_809 : vector<16xi1>, vector<16xf32>
        %select_n3A_814 = arith.select %lt3A_792, %select_n3A_812, %select_n3A_810 : vector<16xi1>, vector<16xf32>
        %select_n3A_815 = arith.select %lt3A_784, %select_n3A_814, %select_n3A_813 : vector<16xi1>, vector<16xf32>
        %lt3A_816 = arith.cmpf olt, %select_n3A_815, %get3A_775 : vector<16xf32>
        %jit3A_817 = arith.constant 1024 : i32
        %jit3A_818 = arith.constant 0 : i32
        %broadcast_in_dim3A_819 = vector.broadcast %jit3A_817 : i32 to vector<16xi32>
        %broadcast_in_dim3A_820 = vector.broadcast %jit3A_818 : i32 to vector<16xi32>
        %select_n3A_821 = arith.select %lt3A_816, %broadcast_in_dim3A_819, %broadcast_in_dim3A_820 : vector<16xi1>, vector<16xi32>
        %add3A_822 = arith.addi %add3A_808, %select_n3A_821 : vector<16xi32>
        %add3A_823 = arith.addi %add3A_822, %add3A_101 : vector<16xi32>
        %gather3A_824 = tpu.vector_load_idx %arg6[%add3A_823] : memref<32768xf32, #tpu.memory_space<vmem>>[vector<16xi32>], vector<16xf32>,
        %lt3A_825 = arith.cmpf olt, %gather3A_824, %get3A_775 : vector<16xf32>
        %jit3A_826 = arith.constant 512 : i32
        %jit3A_827 = arith.constant 0 : i32
        %broadcast_in_dim3A_828 = vector.broadcast %jit3A_826 : i32 to vector<16xi32>
        %broadcast_in_dim3A_829 = vector.broadcast %jit3A_827 : i32 to vector<16xi32>
        %select_n3A_830 = arith.select %lt3A_825, %broadcast_in_dim3A_828, %broadcast_in_dim3A_829 : vector<16xi1>, vector<16xi32>
        %add3A_831 = arith.addi %add3A_822, %select_n3A_830 : vector<16xi32>
        %add3A_832 = arith.addi %add3A_831, %add3A_104 : vector<16xi32>
        %gather3A_833 = tpu.vector_load_idx %arg6[%add3A_832] : memref<32768xf32, #tpu.memory_space<vmem>>[vector<16xi32>], vector<16xf32>,
        %lt3A_834 = arith.cmpf olt, %gather3A_833, %get3A_775 : vector<16xf32>
        %jit3A_835 = arith.constant 256 : i32
        %jit3A_836 = arith.constant 0 : i32
        %broadcast_in_dim3A_837 = vector.broadcast %jit3A_835 : i32 to vector<16xi32>
        %broadcast_in_dim3A_838 = vector.broadcast %jit3A_836 : i32 to vector<16xi32>
        %select_n3A_839 = arith.select %lt3A_834, %broadcast_in_dim3A_837, %broadcast_in_dim3A_838 : vector<16xi1>, vector<16xi32>
        %add3A_840 = arith.addi %add3A_831, %select_n3A_839 : vector<16xi32>
        %add3A_841 = arith.addi %add3A_840, %add3A_107 : vector<16xi32>
        %gather3A_842 = tpu.vector_load_idx %arg6[%add3A_841] : memref<32768xf32, #tpu.memory_space<vmem>>[vector<16xi32>], vector<16xf32>,
        %lt3A_843 = arith.cmpf olt, %gather3A_842, %get3A_775 : vector<16xf32>
        %jit3A_844 = arith.constant 128 : i32
        %jit3A_845 = arith.constant 0 : i32
        %broadcast_in_dim3A_846 = vector.broadcast %jit3A_844 : i32 to vector<16xi32>
        %broadcast_in_dim3A_847 = vector.broadcast %jit3A_845 : i32 to vector<16xi32>
        %select_n3A_848 = arith.select %lt3A_843, %broadcast_in_dim3A_846, %broadcast_in_dim3A_847 : vector<16xi1>, vector<16xi32>
        %add3A_849 = arith.addi %add3A_840, %select_n3A_848 : vector<16xi32>
        %add3A_850 = arith.addi %add3A_849, %add3A_110 : vector<16xi32>
        %gather3A_851 = tpu.vector_load_idx %arg6[%add3A_850] : memref<32768xf32, #tpu.memory_space<vmem>>[vector<16xi32>], vector<16xf32>,
        %lt3A_852 = arith.cmpf olt, %gather3A_851, %get3A_775 : vector<16xf32>
        %jit3A_853 = arith.constant 64 : i32
        %jit3A_854 = arith.constant 0 : i32
        %broadcast_in_dim3A_855 = vector.broadcast %jit3A_853 : i32 to vector<16xi32>
        %broadcast_in_dim3A_856 = vector.broadcast %jit3A_854 : i32 to vector<16xi32>
        %select_n3A_857 = arith.select %lt3A_852, %broadcast_in_dim3A_855, %broadcast_in_dim3A_856 : vector<16xi1>, vector<16xi32>
        %add3A_858 = arith.addi %add3A_849, %select_n3A_857 : vector<16xi32>
        %add3A_859 = arith.addi %add3A_858, %add3A_113 : vector<16xi32>
        %gather3A_860 = tpu.vector_load_idx %arg6[%add3A_859] : memref<32768xf32, #tpu.memory_space<vmem>>[vector<16xi32>], vector<16xf32>,
        %lt3A_861 = arith.cmpf olt, %gather3A_860, %get3A_775 : vector<16xf32>
        %jit3A_862 = arith.constant 32 : i32
        %jit3A_863 = arith.constant 0 : i32
        %broadcast_in_dim3A_864 = vector.broadcast %jit3A_862 : i32 to vector<16xi32>
        %broadcast_in_dim3A_865 = vector.broadcast %jit3A_863 : i32 to vector<16xi32>
        %select_n3A_866 = arith.select %lt3A_861, %broadcast_in_dim3A_864, %broadcast_in_dim3A_865 : vector<16xi1>, vector<16xi32>
        %add3A_867 = arith.addi %add3A_858, %select_n3A_866 : vector<16xi32>
        %add3A_868 = arith.addi %add3A_867, %add3A_116 : vector<16xi32>
        %gather3A_869 = tpu.vector_load_idx %arg6[%add3A_868] : memref<32768xf32, #tpu.memory_space<vmem>>[vector<16xi32>], vector<16xf32>,
        %lt3A_870 = arith.cmpf olt, %gather3A_869, %get3A_775 : vector<16xf32>
        %jit3A_871 = arith.constant 16 : i32
        %jit3A_872 = arith.constant 0 : i32
        %broadcast_in_dim3A_873 = vector.broadcast %jit3A_871 : i32 to vector<16xi32>
        %broadcast_in_dim3A_874 = vector.broadcast %jit3A_872 : i32 to vector<16xi32>
        %select_n3A_875 = arith.select %lt3A_870, %broadcast_in_dim3A_873, %broadcast_in_dim3A_874 : vector<16xi1>, vector<16xi32>
        %add3A_876 = arith.addi %add3A_867, %select_n3A_875 : vector<16xi32>
        %sub3A_877 = arith.constant 16 : i32
        %sub3A_878 = vector.broadcast %sub3A_877 : i32 to vector<16xi32>
        %sub3A_879 = arith.subi %add3A_876, %sub3A_878 : vector<16xi32>
        %max3A_880 = arith.constant 0 : i32
        %max3A_881 = vector.broadcast %max3A_880 : i32 to vector<16xi32>
        %max3A_882 = arith.maxsi %sub3A_879, %max3A_881 : vector<16xi32>
        %shift_right_logical3A_883 = arith.constant 1 : i32
        %shift_right_logical3A_884 = vector.broadcast %shift_right_logical3A_883 : i32 to vector<16xi32>
        %shift_right_logical3A_885 = arith.shrui %max3A_882, %shift_right_logical3A_884 : vector<16xi32>
        %add3A_886 = arith.addi %shift_right_logical3A_885, %and3A_10 : vector<16xi32>
        %gather3A_887 = tpu.vector_load_idx %arg7[%add3A_886] : memref<65536xf32, #tpu.memory_space<vmem>>[vector<16xi32>], vector<16xf32>,
        %add3A_888 = arith.constant 16384 : i32
        %add3A_889 = vector.broadcast %add3A_888 : i32 to vector<16xi32>
        %add3A_890 = arith.addi %add3A_886, %add3A_889 : vector<16xi32>
        %gather3A_891 = tpu.vector_load_idx %arg7[%add3A_890] : memref<65536xf32, #tpu.memory_space<vmem>>[vector<16xi32>], vector<16xf32>,
        %add3A_892 = arith.constant 32768 : i32
        %add3A_893 = vector.broadcast %add3A_892 : i32 to vector<16xi32>
        %add3A_894 = arith.addi %add3A_886, %add3A_893 : vector<16xi32>
        %gather3A_895 = tpu.vector_load_idx %arg7[%add3A_894] : memref<65536xf32, #tpu.memory_space<vmem>>[vector<16xi32>], vector<16xf32>,
        %add3A_896 = arith.constant 49152 : i32
        %add3A_897 = vector.broadcast %add3A_896 : i32 to vector<16xi32>
        %add3A_898 = arith.addi %add3A_886, %add3A_897 : vector<16xi32>
        %gather3A_899 = tpu.vector_load_idx %arg7[%add3A_898] : memref<65536xf32, #tpu.memory_space<vmem>>[vector<16xi32>], vector<16xf32>,
        %mul3A_900 = arith.mulf %gather3A_899, %get3A_775 : vector<16xf32>
        %add3A_901 = arith.addf %mul3A_900, %gather3A_895 : vector<16xf32>
        %mul3A_902 = arith.mulf %add3A_901, %get3A_775 : vector<16xf32>
        %add3A_903 = arith.addf %mul3A_902, %gather3A_891 : vector<16xf32>
        %mul3A_904 = arith.mulf %add3A_903, %get3A_775 : vector<16xf32>
        %add3A_905 = arith.addf %mul3A_904, %gather3A_887 : vector<16xf32>
        %broadcast_in_dim3A_906 = arith.constant 0 : i32
        %broadcast_in_dim3A_907 = vector.broadcast %broadcast_in_dim3A_906 : i32 to vector<16xi32>
        %lt3A_908 = arith.cmpf olt, %gather3A_56, %get3A_781 : vector<16xf32>
        %jit3A_909 = arith.constant 8192 : i32
        %jit3A_910 = arith.constant 0 : i32
        %broadcast_in_dim3A_911 = vector.broadcast %jit3A_909 : i32 to vector<16xi32>
        %broadcast_in_dim3A_912 = vector.broadcast %jit3A_910 : i32 to vector<16xi32>
        %select_n3A_913 = arith.select %lt3A_908, %broadcast_in_dim3A_911, %broadcast_in_dim3A_912 : vector<16xi1>, vector<16xi32>
        %add3A_914 = arith.addi %broadcast_in_dim3A_907, %select_n3A_913 : vector<16xi32>
        %select_n3A_915 = arith.select %lt3A_908, %gather3A_62, %gather3A_59 : vector<16xi1>, vector<16xf32>
        %lt3A_916 = arith.cmpf olt, %select_n3A_915, %get3A_781 : vector<16xf32>
        %jit3A_917 = arith.constant 4096 : i32
        %jit3A_918 = arith.constant 0 : i32
        %broadcast_in_dim3A_919 = vector.broadcast %jit3A_917 : i32 to vector<16xi32>
        %broadcast_in_dim3A_920 = vector.broadcast %jit3A_918 : i32 to vector<16xi32>
        %select_n3A_921 = arith.select %lt3A_916, %broadcast_in_dim3A_919, %broadcast_in_dim3A_920 : vector<16xi1>, vector<16xi32>
        %add3A_922 = arith.addi %add3A_914, %select_n3A_921 : vector<16xi32>
        %select_n3A_923 = arith.select %lt3A_916, %gather3A_71, %gather3A_65 : vector<16xi1>, vector<16xf32>
        %select_n3A_924 = arith.select %lt3A_916, %gather3A_74, %gather3A_68 : vector<16xi1>, vector<16xf32>
        %select_n3A_925 = arith.select %lt3A_908, %select_n3A_924, %select_n3A_923 : vector<16xi1>, vector<16xf32>
        %lt3A_926 = arith.cmpf olt, %select_n3A_925, %get3A_781 : vector<16xf32>
        %jit3A_927 = arith.constant 2048 : i32
        %jit3A_928 = arith.constant 0 : i32
        %broadcast_in_dim3A_929 = vector.broadcast %jit3A_927 : i32 to vector<16xi32>
        %broadcast_in_dim3A_930 = vector.broadcast %jit3A_928 : i32 to vector<16xi32>
        %select_n3A_931 = arith.select %lt3A_926, %broadcast_in_dim3A_929, %broadcast_in_dim3A_930 : vector<16xi1>, vector<16xi32>
        %add3A_932 = arith.addi %add3A_922, %select_n3A_931 : vector<16xi32>
        %select_n3A_933 = arith.select %lt3A_926, %gather3A_89, %gather3A_77 : vector<16xi1>, vector<16xf32>
        %select_n3A_934 = arith.select %lt3A_926, %gather3A_92, %gather3A_80 : vector<16xi1>, vector<16xf32>
        %select_n3A_935 = arith.select %lt3A_926, %gather3A_95, %gather3A_83 : vector<16xi1>, vector<16xf32>
        %select_n3A_936 = arith.select %lt3A_926, %gather3A_98, %gather3A_86 : vector<16xi1>, vector<16xf32>
        %select_n3A_937 = arith.select %lt3A_916, %select_n3A_935, %select_n3A_933 : vector<16xi1>, vector<16xf32>
        %select_n3A_938 = arith.select %lt3A_916, %select_n3A_936, %select_n3A_934 : vector<16xi1>, vector<16xf32>
        %select_n3A_939 = arith.select %lt3A_908, %select_n3A_938, %select_n3A_937 : vector<16xi1>, vector<16xf32>
        %lt3A_940 = arith.cmpf olt, %select_n3A_939, %get3A_781 : vector<16xf32>
        %jit3A_941 = arith.constant 1024 : i32
        %jit3A_942 = arith.constant 0 : i32
        %broadcast_in_dim3A_943 = vector.broadcast %jit3A_941 : i32 to vector<16xi32>
        %broadcast_in_dim3A_944 = vector.broadcast %jit3A_942 : i32 to vector<16xi32>
        %select_n3A_945 = arith.select %lt3A_940, %broadcast_in_dim3A_943, %broadcast_in_dim3A_944 : vector<16xi1>, vector<16xi32>
        %add3A_946 = arith.addi %add3A_932, %select_n3A_945 : vector<16xi32>
        %add3A_947 = arith.addi %add3A_946, %add3A_119 : vector<16xi32>
        %gather3A_948 = tpu.vector_load_idx %arg6[%add3A_947] : memref<32768xf32, #tpu.memory_space<vmem>>[vector<16xi32>], vector<16xf32>,
        %lt3A_949 = arith.cmpf olt, %gather3A_948, %get3A_781 : vector<16xf32>
        %jit3A_950 = arith.constant 512 : i32
        %jit3A_951 = arith.constant 0 : i32
        %broadcast_in_dim3A_952 = vector.broadcast %jit3A_950 : i32 to vector<16xi32>
        %broadcast_in_dim3A_953 = vector.broadcast %jit3A_951 : i32 to vector<16xi32>
        %select_n3A_954 = arith.select %lt3A_949, %broadcast_in_dim3A_952, %broadcast_in_dim3A_953 : vector<16xi1>, vector<16xi32>
        %add3A_955 = arith.addi %add3A_946, %select_n3A_954 : vector<16xi32>
        %add3A_956 = arith.addi %add3A_955, %add3A_122 : vector<16xi32>
        %gather3A_957 = tpu.vector_load_idx %arg6[%add3A_956] : memref<32768xf32, #tpu.memory_space<vmem>>[vector<16xi32>], vector<16xf32>,
        %lt3A_958 = arith.cmpf olt, %gather3A_957, %get3A_781 : vector<16xf32>
        %jit3A_959 = arith.constant 256 : i32
        %jit3A_960 = arith.constant 0 : i32
        %broadcast_in_dim3A_961 = vector.broadcast %jit3A_959 : i32 to vector<16xi32>
        %broadcast_in_dim3A_962 = vector.broadcast %jit3A_960 : i32 to vector<16xi32>
        %select_n3A_963 = arith.select %lt3A_958, %broadcast_in_dim3A_961, %broadcast_in_dim3A_962 : vector<16xi1>, vector<16xi32>
        %add3A_964 = arith.addi %add3A_955, %select_n3A_963 : vector<16xi32>
        %add3A_965 = arith.addi %add3A_964, %add3A_125 : vector<16xi32>
        %gather3A_966 = tpu.vector_load_idx %arg6[%add3A_965] : memref<32768xf32, #tpu.memory_space<vmem>>[vector<16xi32>], vector<16xf32>,
        %lt3A_967 = arith.cmpf olt, %gather3A_966, %get3A_781 : vector<16xf32>
        %jit3A_968 = arith.constant 128 : i32
        %jit3A_969 = arith.constant 0 : i32
        %broadcast_in_dim3A_970 = vector.broadcast %jit3A_968 : i32 to vector<16xi32>
        %broadcast_in_dim3A_971 = vector.broadcast %jit3A_969 : i32 to vector<16xi32>
        %select_n3A_972 = arith.select %lt3A_967, %broadcast_in_dim3A_970, %broadcast_in_dim3A_971 : vector<16xi1>, vector<16xi32>
        %add3A_973 = arith.addi %add3A_964, %select_n3A_972 : vector<16xi32>
        %add3A_974 = arith.addi %add3A_973, %add3A_128 : vector<16xi32>
        %gather3A_975 = tpu.vector_load_idx %arg6[%add3A_974] : memref<32768xf32, #tpu.memory_space<vmem>>[vector<16xi32>], vector<16xf32>,
        %lt3A_976 = arith.cmpf olt, %gather3A_975, %get3A_781 : vector<16xf32>
        %jit3A_977 = arith.constant 64 : i32
        %jit3A_978 = arith.constant 0 : i32
        %broadcast_in_dim3A_979 = vector.broadcast %jit3A_977 : i32 to vector<16xi32>
        %broadcast_in_dim3A_980 = vector.broadcast %jit3A_978 : i32 to vector<16xi32>
        %select_n3A_981 = arith.select %lt3A_976, %broadcast_in_dim3A_979, %broadcast_in_dim3A_980 : vector<16xi1>, vector<16xi32>
        %add3A_982 = arith.addi %add3A_973, %select_n3A_981 : vector<16xi32>
        %add3A_983 = arith.addi %add3A_982, %add3A_131 : vector<16xi32>
        %gather3A_984 = tpu.vector_load_idx %arg6[%add3A_983] : memref<32768xf32, #tpu.memory_space<vmem>>[vector<16xi32>], vector<16xf32>,
        %lt3A_985 = arith.cmpf olt, %gather3A_984, %get3A_781 : vector<16xf32>
        %jit3A_986 = arith.constant 32 : i32
        %jit3A_987 = arith.constant 0 : i32
        %broadcast_in_dim3A_988 = vector.broadcast %jit3A_986 : i32 to vector<16xi32>
        %broadcast_in_dim3A_989 = vector.broadcast %jit3A_987 : i32 to vector<16xi32>
        %select_n3A_990 = arith.select %lt3A_985, %broadcast_in_dim3A_988, %broadcast_in_dim3A_989 : vector<16xi1>, vector<16xi32>
        %add3A_991 = arith.addi %add3A_982, %select_n3A_990 : vector<16xi32>
        %add3A_992 = arith.addi %add3A_991, %add3A_134 : vector<16xi32>
        %gather3A_993 = tpu.vector_load_idx %arg6[%add3A_992] : memref<32768xf32, #tpu.memory_space<vmem>>[vector<16xi32>], vector<16xf32>,
        %lt3A_994 = arith.cmpf olt, %gather3A_993, %get3A_781 : vector<16xf32>
        %jit3A_995 = arith.constant 16 : i32
        %jit3A_996 = arith.constant 0 : i32
        %broadcast_in_dim3A_997 = vector.broadcast %jit3A_995 : i32 to vector<16xi32>
        %broadcast_in_dim3A_998 = vector.broadcast %jit3A_996 : i32 to vector<16xi32>
        %select_n3A_999 = arith.select %lt3A_994, %broadcast_in_dim3A_997, %broadcast_in_dim3A_998 : vector<16xi1>, vector<16xi32>
        %add3A_1000 = arith.addi %add3A_991, %select_n3A_999 : vector<16xi32>
        %sub3A_1001 = arith.constant 16 : i32
        %sub3A_1002 = vector.broadcast %sub3A_1001 : i32 to vector<16xi32>
        %sub3A_1003 = arith.subi %add3A_1000, %sub3A_1002 : vector<16xi32>
        %max3A_1004 = arith.constant 0 : i32
        %max3A_1005 = vector.broadcast %max3A_1004 : i32 to vector<16xi32>
        %max3A_1006 = arith.maxsi %sub3A_1003, %max3A_1005 : vector<16xi32>
        %shift_right_logical3A_1007 = arith.constant 1 : i32
        %shift_right_logical3A_1008 = vector.broadcast %shift_right_logical3A_1007 : i32 to vector<16xi32>
        %shift_right_logical3A_1009 = arith.shrui %max3A_1006, %shift_right_logical3A_1008 : vector<16xi32>
        %add3A_1010 = arith.addi %shift_right_logical3A_1009, %add3A_137 : vector<16xi32>
        %gather3A_1011 = tpu.vector_load_idx %arg7[%add3A_1010] : memref<65536xf32, #tpu.memory_space<vmem>>[vector<16xi32>], vector<16xf32>,
        %add3A_1012 = arith.constant 16384 : i32
        %add3A_1013 = vector.broadcast %add3A_1012 : i32 to vector<16xi32>
        %add3A_1014 = arith.addi %add3A_1010, %add3A_1013 : vector<16xi32>
        %gather3A_1015 = tpu.vector_load_idx %arg7[%add3A_1014] : memref<65536xf32, #tpu.memory_space<vmem>>[vector<16xi32>], vector<16xf32>,
        %add3A_1016 = arith.constant 32768 : i32
        %add3A_1017 = vector.broadcast %add3A_1016 : i32 to vector<16xi32>
        %add3A_1018 = arith.addi %add3A_1010, %add3A_1017 : vector<16xi32>
        %gather3A_1019 = tpu.vector_load_idx %arg7[%add3A_1018] : memref<65536xf32, #tpu.memory_space<vmem>>[vector<16xi32>], vector<16xf32>,
        %add3A_1020 = arith.constant 49152 : i32
        %add3A_1021 = vector.broadcast %add3A_1020 : i32 to vector<16xi32>
        %add3A_1022 = arith.addi %add3A_1010, %add3A_1021 : vector<16xi32>
        %gather3A_1023 = tpu.vector_load_idx %arg7[%add3A_1022] : memref<65536xf32, #tpu.memory_space<vmem>>[vector<16xi32>], vector<16xf32>,
        %mul3A_1024 = arith.mulf %gather3A_1023, %get3A_781 : vector<16xf32>
        %add3A_1025 = arith.addf %mul3A_1024, %gather3A_1019 : vector<16xf32>
        %mul3A_1026 = arith.mulf %add3A_1025, %get3A_781 : vector<16xf32>
        %add3A_1027 = arith.addf %mul3A_1026, %gather3A_1015 : vector<16xf32>
        %mul3A_1028 = arith.mulf %add3A_1027, %get3A_781 : vector<16xf32>
        %add3A_1029 = arith.addf %mul3A_1028, %gather3A_1011 : vector<16xf32>
        %mul3A_1030 = arith.mulf %add3A_905, %add3A_1029 : vector<16xf32>
        %add3A_1031 = arith.constant 32 : i32
        %add3A_1032 = arith.addi %mul3A_243, %add3A_1031 : i32
        %swap3A_1033 = arith.index_cast %add3A_1032 : i32 to index
        %swap3A_1034 = tpu.vector_load %arg10[%swap3A_1033] {strides = array<i32>} : memref<2048xf32, #tpu.memory_space<vmem>>, vector<16xf32>,
        tpu.vector_store %arg10[%swap3A_1033], %mul3A_1030 {strides = array<i32>} : memref<2048xf32, #tpu.memory_space<vmem>>, vector<16xf32>,
        %add3A_1035 = arith.constant 48 : i32
        %add3A_1036 = arith.addi %mul3A_241, %add3A_1035 : i32
        %get3A_1037 = arith.constant 0 : i32
        %get3A_1038 = arith.index_cast %get3A_1037 : i32 to index
        %get3A_1039 = arith.index_cast %add3A_1036 : i32 to index
        %get3A_1040 = tpu.vector_load %arg8[%get3A_1038, %get3A_1039] {strides = array<i32>} : memref<2x2048xf32, #tpu.memory_space<vmem>>, vector<16xf32>,
        %add3A_1041 = arith.constant 48 : i32
        %add3A_1042 = arith.addi %mul3A_241, %add3A_1041 : i32
        %get3A_1043 = arith.constant 1 : i32
        %get3A_1044 = arith.index_cast %get3A_1043 : i32 to index
        %get3A_1045 = arith.index_cast %add3A_1042 : i32 to index
        %get3A_1046 = tpu.vector_load %arg8[%get3A_1044, %get3A_1045] {strides = array<i32>} : memref<2x2048xf32, #tpu.memory_space<vmem>>, vector<16xf32>,
        %broadcast_in_dim3A_1047 = arith.constant 0 : i32
        %broadcast_in_dim3A_1048 = vector.broadcast %broadcast_in_dim3A_1047 : i32 to vector<16xi32>
        %lt3A_1049 = arith.cmpf olt, %gather3A, %get3A_1040 : vector<16xf32>
        %jit3A_1050 = arith.constant 8192 : i32
        %jit3A_1051 = arith.constant 0 : i32
        %broadcast_in_dim3A_1052 = vector.broadcast %jit3A_1050 : i32 to vector<16xi32>
        %broadcast_in_dim3A_1053 = vector.broadcast %jit3A_1051 : i32 to vector<16xi32>
        %select_n3A_1054 = arith.select %lt3A_1049, %broadcast_in_dim3A_1052, %broadcast_in_dim3A_1053 : vector<16xi1>, vector<16xi32>
        %add3A_1055 = arith.addi %broadcast_in_dim3A_1048, %select_n3A_1054 : vector<16xi32>
        %select_n3A_1056 = arith.select %lt3A_1049, %gather3A_17, %gather3A_14 : vector<16xi1>, vector<16xf32>
        %lt3A_1057 = arith.cmpf olt, %select_n3A_1056, %get3A_1040 : vector<16xf32>
        %jit3A_1058 = arith.constant 4096 : i32
        %jit3A_1059 = arith.constant 0 : i32
        %broadcast_in_dim3A_1060 = vector.broadcast %jit3A_1058 : i32 to vector<16xi32>
        %broadcast_in_dim3A_1061 = vector.broadcast %jit3A_1059 : i32 to vector<16xi32>
        %select_n3A_1062 = arith.select %lt3A_1057, %broadcast_in_dim3A_1060, %broadcast_in_dim3A_1061 : vector<16xi1>, vector<16xi32>
        %add3A_1063 = arith.addi %add3A_1055, %select_n3A_1062 : vector<16xi32>
        %select_n3A_1064 = arith.select %lt3A_1057, %gather3A_26, %gather3A_20 : vector<16xi1>, vector<16xf32>
        %select_n3A_1065 = arith.select %lt3A_1057, %gather3A_29, %gather3A_23 : vector<16xi1>, vector<16xf32>
        %select_n3A_1066 = arith.select %lt3A_1049, %select_n3A_1065, %select_n3A_1064 : vector<16xi1>, vector<16xf32>
        %lt3A_1067 = arith.cmpf olt, %select_n3A_1066, %get3A_1040 : vector<16xf32>
        %jit3A_1068 = arith.constant 2048 : i32
        %jit3A_1069 = arith.constant 0 : i32
        %broadcast_in_dim3A_1070 = vector.broadcast %jit3A_1068 : i32 to vector<16xi32>
        %broadcast_in_dim3A_1071 = vector.broadcast %jit3A_1069 : i32 to vector<16xi32>
        %select_n3A_1072 = arith.select %lt3A_1067, %broadcast_in_dim3A_1070, %broadcast_in_dim3A_1071 : vector<16xi1>, vector<16xi32>
        %add3A_1073 = arith.addi %add3A_1063, %select_n3A_1072 : vector<16xi32>
        %select_n3A_1074 = arith.select %lt3A_1067, %gather3A_44, %gather3A_32 : vector<16xi1>, vector<16xf32>
        %select_n3A_1075 = arith.select %lt3A_1067, %gather3A_47, %gather3A_35 : vector<16xi1>, vector<16xf32>
        %select_n3A_1076 = arith.select %lt3A_1067, %gather3A_50, %gather3A_38 : vector<16xi1>, vector<16xf32>
        %select_n3A_1077 = arith.select %lt3A_1067, %gather3A_53, %gather3A_41 : vector<16xi1>, vector<16xf32>
        %select_n3A_1078 = arith.select %lt3A_1057, %select_n3A_1076, %select_n3A_1074 : vector<16xi1>, vector<16xf32>
        %select_n3A_1079 = arith.select %lt3A_1057, %select_n3A_1077, %select_n3A_1075 : vector<16xi1>, vector<16xf32>
        %select_n3A_1080 = arith.select %lt3A_1049, %select_n3A_1079, %select_n3A_1078 : vector<16xi1>, vector<16xf32>
        %lt3A_1081 = arith.cmpf olt, %select_n3A_1080, %get3A_1040 : vector<16xf32>
        %jit3A_1082 = arith.constant 1024 : i32
        %jit3A_1083 = arith.constant 0 : i32
        %broadcast_in_dim3A_1084 = vector.broadcast %jit3A_1082 : i32 to vector<16xi32>
        %broadcast_in_dim3A_1085 = vector.broadcast %jit3A_1083 : i32 to vector<16xi32>
        %select_n3A_1086 = arith.select %lt3A_1081, %broadcast_in_dim3A_1084, %broadcast_in_dim3A_1085 : vector<16xi1>, vector<16xi32>
        %add3A_1087 = arith.addi %add3A_1073, %select_n3A_1086 : vector<16xi32>
        %add3A_1088 = arith.addi %add3A_1087, %add3A_101 : vector<16xi32>
        %gather3A_1089 = tpu.vector_load_idx %arg6[%add3A_1088] : memref<32768xf32, #tpu.memory_space<vmem>>[vector<16xi32>], vector<16xf32>,
        %lt3A_1090 = arith.cmpf olt, %gather3A_1089, %get3A_1040 : vector<16xf32>
        %jit3A_1091 = arith.constant 512 : i32
        %jit3A_1092 = arith.constant 0 : i32
        %broadcast_in_dim3A_1093 = vector.broadcast %jit3A_1091 : i32 to vector<16xi32>
        %broadcast_in_dim3A_1094 = vector.broadcast %jit3A_1092 : i32 to vector<16xi32>
        %select_n3A_1095 = arith.select %lt3A_1090, %broadcast_in_dim3A_1093, %broadcast_in_dim3A_1094 : vector<16xi1>, vector<16xi32>
        %add3A_1096 = arith.addi %add3A_1087, %select_n3A_1095 : vector<16xi32>
        %add3A_1097 = arith.addi %add3A_1096, %add3A_104 : vector<16xi32>
        %gather3A_1098 = tpu.vector_load_idx %arg6[%add3A_1097] : memref<32768xf32, #tpu.memory_space<vmem>>[vector<16xi32>], vector<16xf32>,
        %lt3A_1099 = arith.cmpf olt, %gather3A_1098, %get3A_1040 : vector<16xf32>
        %jit3A_1100 = arith.constant 256 : i32
        %jit3A_1101 = arith.constant 0 : i32
        %broadcast_in_dim3A_1102 = vector.broadcast %jit3A_1100 : i32 to vector<16xi32>
        %broadcast_in_dim3A_1103 = vector.broadcast %jit3A_1101 : i32 to vector<16xi32>
        %select_n3A_1104 = arith.select %lt3A_1099, %broadcast_in_dim3A_1102, %broadcast_in_dim3A_1103 : vector<16xi1>, vector<16xi32>
        %add3A_1105 = arith.addi %add3A_1096, %select_n3A_1104 : vector<16xi32>
        %add3A_1106 = arith.addi %add3A_1105, %add3A_107 : vector<16xi32>
        %gather3A_1107 = tpu.vector_load_idx %arg6[%add3A_1106] : memref<32768xf32, #tpu.memory_space<vmem>>[vector<16xi32>], vector<16xf32>,
        %lt3A_1108 = arith.cmpf olt, %gather3A_1107, %get3A_1040 : vector<16xf32>
        %jit3A_1109 = arith.constant 128 : i32
        %jit3A_1110 = arith.constant 0 : i32
        %broadcast_in_dim3A_1111 = vector.broadcast %jit3A_1109 : i32 to vector<16xi32>
        %broadcast_in_dim3A_1112 = vector.broadcast %jit3A_1110 : i32 to vector<16xi32>
        %select_n3A_1113 = arith.select %lt3A_1108, %broadcast_in_dim3A_1111, %broadcast_in_dim3A_1112 : vector<16xi1>, vector<16xi32>
        %add3A_1114 = arith.addi %add3A_1105, %select_n3A_1113 : vector<16xi32>
        %add3A_1115 = arith.addi %add3A_1114, %add3A_110 : vector<16xi32>
        %gather3A_1116 = tpu.vector_load_idx %arg6[%add3A_1115] : memref<32768xf32, #tpu.memory_space<vmem>>[vector<16xi32>], vector<16xf32>,
        %lt3A_1117 = arith.cmpf olt, %gather3A_1116, %get3A_1040 : vector<16xf32>
        %jit3A_1118 = arith.constant 64 : i32
        %jit3A_1119 = arith.constant 0 : i32
        %broadcast_in_dim3A_1120 = vector.broadcast %jit3A_1118 : i32 to vector<16xi32>
        %broadcast_in_dim3A_1121 = vector.broadcast %jit3A_1119 : i32 to vector<16xi32>
        %select_n3A_1122 = arith.select %lt3A_1117, %broadcast_in_dim3A_1120, %broadcast_in_dim3A_1121 : vector<16xi1>, vector<16xi32>
        %add3A_1123 = arith.addi %add3A_1114, %select_n3A_1122 : vector<16xi32>
        %add3A_1124 = arith.addi %add3A_1123, %add3A_113 : vector<16xi32>
        %gather3A_1125 = tpu.vector_load_idx %arg6[%add3A_1124] : memref<32768xf32, #tpu.memory_space<vmem>>[vector<16xi32>], vector<16xf32>,
        %lt3A_1126 = arith.cmpf olt, %gather3A_1125, %get3A_1040 : vector<16xf32>
        %jit3A_1127 = arith.constant 32 : i32
        %jit3A_1128 = arith.constant 0 : i32
        %broadcast_in_dim3A_1129 = vector.broadcast %jit3A_1127 : i32 to vector<16xi32>
        %broadcast_in_dim3A_1130 = vector.broadcast %jit3A_1128 : i32 to vector<16xi32>
        %select_n3A_1131 = arith.select %lt3A_1126, %broadcast_in_dim3A_1129, %broadcast_in_dim3A_1130 : vector<16xi1>, vector<16xi32>
        %add3A_1132 = arith.addi %add3A_1123, %select_n3A_1131 : vector<16xi32>
        %add3A_1133 = arith.addi %add3A_1132, %add3A_116 : vector<16xi32>
        %gather3A_1134 = tpu.vector_load_idx %arg6[%add3A_1133] : memref<32768xf32, #tpu.memory_space<vmem>>[vector<16xi32>], vector<16xf32>,
        %lt3A_1135 = arith.cmpf olt, %gather3A_1134, %get3A_1040 : vector<16xf32>
        %jit3A_1136 = arith.constant 16 : i32
        %jit3A_1137 = arith.constant 0 : i32
        %broadcast_in_dim3A_1138 = vector.broadcast %jit3A_1136 : i32 to vector<16xi32>
        %broadcast_in_dim3A_1139 = vector.broadcast %jit3A_1137 : i32 to vector<16xi32>
        %select_n3A_1140 = arith.select %lt3A_1135, %broadcast_in_dim3A_1138, %broadcast_in_dim3A_1139 : vector<16xi1>, vector<16xi32>
        %add3A_1141 = arith.addi %add3A_1132, %select_n3A_1140 : vector<16xi32>
        %sub3A_1142 = arith.constant 16 : i32
        %sub3A_1143 = vector.broadcast %sub3A_1142 : i32 to vector<16xi32>
        %sub3A_1144 = arith.subi %add3A_1141, %sub3A_1143 : vector<16xi32>
        %max3A_1145 = arith.constant 0 : i32
        %max3A_1146 = vector.broadcast %max3A_1145 : i32 to vector<16xi32>
        %max3A_1147 = arith.maxsi %sub3A_1144, %max3A_1146 : vector<16xi32>
        %shift_right_logical3A_1148 = arith.constant 1 : i32
        %shift_right_logical3A_1149 = vector.broadcast %shift_right_logical3A_1148 : i32 to vector<16xi32>
        %shift_right_logical3A_1150 = arith.shrui %max3A_1147, %shift_right_logical3A_1149 : vector<16xi32>
        %add3A_1151 = arith.addi %shift_right_logical3A_1150, %and3A_10 : vector<16xi32>
        %gather3A_1152 = tpu.vector_load_idx %arg7[%add3A_1151] : memref<65536xf32, #tpu.memory_space<vmem>>[vector<16xi32>], vector<16xf32>,
        %add3A_1153 = arith.constant 16384 : i32
        %add3A_1154 = vector.broadcast %add3A_1153 : i32 to vector<16xi32>
        %add3A_1155 = arith.addi %add3A_1151, %add3A_1154 : vector<16xi32>
        %gather3A_1156 = tpu.vector_load_idx %arg7[%add3A_1155] : memref<65536xf32, #tpu.memory_space<vmem>>[vector<16xi32>], vector<16xf32>,
        %add3A_1157 = arith.constant 32768 : i32
        %add3A_1158 = vector.broadcast %add3A_1157 : i32 to vector<16xi32>
        %add3A_1159 = arith.addi %add3A_1151, %add3A_1158 : vector<16xi32>
        %gather3A_1160 = tpu.vector_load_idx %arg7[%add3A_1159] : memref<65536xf32, #tpu.memory_space<vmem>>[vector<16xi32>], vector<16xf32>,
        %add3A_1161 = arith.constant 49152 : i32
        %add3A_1162 = vector.broadcast %add3A_1161 : i32 to vector<16xi32>
        %add3A_1163 = arith.addi %add3A_1151, %add3A_1162 : vector<16xi32>
        %gather3A_1164 = tpu.vector_load_idx %arg7[%add3A_1163] : memref<65536xf32, #tpu.memory_space<vmem>>[vector<16xi32>], vector<16xf32>,
        %mul3A_1165 = arith.mulf %gather3A_1164, %get3A_1040 : vector<16xf32>
        %add3A_1166 = arith.addf %mul3A_1165, %gather3A_1160 : vector<16xf32>
        %mul3A_1167 = arith.mulf %add3A_1166, %get3A_1040 : vector<16xf32>
        %add3A_1168 = arith.addf %mul3A_1167, %gather3A_1156 : vector<16xf32>
        %mul3A_1169 = arith.mulf %add3A_1168, %get3A_1040 : vector<16xf32>
        %add3A_1170 = arith.addf %mul3A_1169, %gather3A_1152 : vector<16xf32>
        %broadcast_in_dim3A_1171 = arith.constant 0 : i32
        %broadcast_in_dim3A_1172 = vector.broadcast %broadcast_in_dim3A_1171 : i32 to vector<16xi32>
        %lt3A_1173 = arith.cmpf olt, %gather3A_56, %get3A_1046 : vector<16xf32>
        %jit3A_1174 = arith.constant 8192 : i32
        %jit3A_1175 = arith.constant 0 : i32
        %broadcast_in_dim3A_1176 = vector.broadcast %jit3A_1174 : i32 to vector<16xi32>
        %broadcast_in_dim3A_1177 = vector.broadcast %jit3A_1175 : i32 to vector<16xi32>
        %select_n3A_1178 = arith.select %lt3A_1173, %broadcast_in_dim3A_1176, %broadcast_in_dim3A_1177 : vector<16xi1>, vector<16xi32>
        %add3A_1179 = arith.addi %broadcast_in_dim3A_1172, %select_n3A_1178 : vector<16xi32>
        %select_n3A_1180 = arith.select %lt3A_1173, %gather3A_62, %gather3A_59 : vector<16xi1>, vector<16xf32>
        %lt3A_1181 = arith.cmpf olt, %select_n3A_1180, %get3A_1046 : vector<16xf32>
        %jit3A_1182 = arith.constant 4096 : i32
        %jit3A_1183 = arith.constant 0 : i32
        %broadcast_in_dim3A_1184 = vector.broadcast %jit3A_1182 : i32 to vector<16xi32>
        %broadcast_in_dim3A_1185 = vector.broadcast %jit3A_1183 : i32 to vector<16xi32>
        %select_n3A_1186 = arith.select %lt3A_1181, %broadcast_in_dim3A_1184, %broadcast_in_dim3A_1185 : vector<16xi1>, vector<16xi32>
        %add3A_1187 = arith.addi %add3A_1179, %select_n3A_1186 : vector<16xi32>
        %select_n3A_1188 = arith.select %lt3A_1181, %gather3A_71, %gather3A_65 : vector<16xi1>, vector<16xf32>
        %select_n3A_1189 = arith.select %lt3A_1181, %gather3A_74, %gather3A_68 : vector<16xi1>, vector<16xf32>
        %select_n3A_1190 = arith.select %lt3A_1173, %select_n3A_1189, %select_n3A_1188 : vector<16xi1>, vector<16xf32>
        %lt3A_1191 = arith.cmpf olt, %select_n3A_1190, %get3A_1046 : vector<16xf32>
        %jit3A_1192 = arith.constant 2048 : i32
        %jit3A_1193 = arith.constant 0 : i32
        %broadcast_in_dim3A_1194 = vector.broadcast %jit3A_1192 : i32 to vector<16xi32>
        %broadcast_in_dim3A_1195 = vector.broadcast %jit3A_1193 : i32 to vector<16xi32>
        %select_n3A_1196 = arith.select %lt3A_1191, %broadcast_in_dim3A_1194, %broadcast_in_dim3A_1195 : vector<16xi1>, vector<16xi32>
        %add3A_1197 = arith.addi %add3A_1187, %select_n3A_1196 : vector<16xi32>
        %select_n3A_1198 = arith.select %lt3A_1191, %gather3A_89, %gather3A_77 : vector<16xi1>, vector<16xf32>
        %select_n3A_1199 = arith.select %lt3A_1191, %gather3A_92, %gather3A_80 : vector<16xi1>, vector<16xf32>
        %select_n3A_1200 = arith.select %lt3A_1191, %gather3A_95, %gather3A_83 : vector<16xi1>, vector<16xf32>
        %select_n3A_1201 = arith.select %lt3A_1191, %gather3A_98, %gather3A_86 : vector<16xi1>, vector<16xf32>
        %select_n3A_1202 = arith.select %lt3A_1181, %select_n3A_1200, %select_n3A_1198 : vector<16xi1>, vector<16xf32>
        %select_n3A_1203 = arith.select %lt3A_1181, %select_n3A_1201, %select_n3A_1199 : vector<16xi1>, vector<16xf32>
        %select_n3A_1204 = arith.select %lt3A_1173, %select_n3A_1203, %select_n3A_1202 : vector<16xi1>, vector<16xf32>
        %lt3A_1205 = arith.cmpf olt, %select_n3A_1204, %get3A_1046 : vector<16xf32>
        %jit3A_1206 = arith.constant 1024 : i32
        %jit3A_1207 = arith.constant 0 : i32
        %broadcast_in_dim3A_1208 = vector.broadcast %jit3A_1206 : i32 to vector<16xi32>
        %broadcast_in_dim3A_1209 = vector.broadcast %jit3A_1207 : i32 to vector<16xi32>
        %select_n3A_1210 = arith.select %lt3A_1205, %broadcast_in_dim3A_1208, %broadcast_in_dim3A_1209 : vector<16xi1>, vector<16xi32>
        %add3A_1211 = arith.addi %add3A_1197, %select_n3A_1210 : vector<16xi32>
        %add3A_1212 = arith.addi %add3A_1211, %add3A_119 : vector<16xi32>
        %gather3A_1213 = tpu.vector_load_idx %arg6[%add3A_1212] : memref<32768xf32, #tpu.memory_space<vmem>>[vector<16xi32>], vector<16xf32>,
        %lt3A_1214 = arith.cmpf olt, %gather3A_1213, %get3A_1046 : vector<16xf32>
        %jit3A_1215 = arith.constant 512 : i32
        %jit3A_1216 = arith.constant 0 : i32
        %broadcast_in_dim3A_1217 = vector.broadcast %jit3A_1215 : i32 to vector<16xi32>
        %broadcast_in_dim3A_1218 = vector.broadcast %jit3A_1216 : i32 to vector<16xi32>
        %select_n3A_1219 = arith.select %lt3A_1214, %broadcast_in_dim3A_1217, %broadcast_in_dim3A_1218 : vector<16xi1>, vector<16xi32>
        %add3A_1220 = arith.addi %add3A_1211, %select_n3A_1219 : vector<16xi32>
        %add3A_1221 = arith.addi %add3A_1220, %add3A_122 : vector<16xi32>
        %gather3A_1222 = tpu.vector_load_idx %arg6[%add3A_1221] : memref<32768xf32, #tpu.memory_space<vmem>>[vector<16xi32>], vector<16xf32>,
        %lt3A_1223 = arith.cmpf olt, %gather3A_1222, %get3A_1046 : vector<16xf32>
        %jit3A_1224 = arith.constant 256 : i32
        %jit3A_1225 = arith.constant 0 : i32
        %broadcast_in_dim3A_1226 = vector.broadcast %jit3A_1224 : i32 to vector<16xi32>
        %broadcast_in_dim3A_1227 = vector.broadcast %jit3A_1225 : i32 to vector<16xi32>
        %select_n3A_1228 = arith.select %lt3A_1223, %broadcast_in_dim3A_1226, %broadcast_in_dim3A_1227 : vector<16xi1>, vector<16xi32>
        %add3A_1229 = arith.addi %add3A_1220, %select_n3A_1228 : vector<16xi32>
        %add3A_1230 = arith.addi %add3A_1229, %add3A_125 : vector<16xi32>
        %gather3A_1231 = tpu.vector_load_idx %arg6[%add3A_1230] : memref<32768xf32, #tpu.memory_space<vmem>>[vector<16xi32>], vector<16xf32>,
        %lt3A_1232 = arith.cmpf olt, %gather3A_1231, %get3A_1046 : vector<16xf32>
        %jit3A_1233 = arith.constant 128 : i32
        %jit3A_1234 = arith.constant 0 : i32
        %broadcast_in_dim3A_1235 = vector.broadcast %jit3A_1233 : i32 to vector<16xi32>
        %broadcast_in_dim3A_1236 = vector.broadcast %jit3A_1234 : i32 to vector<16xi32>
        %select_n3A_1237 = arith.select %lt3A_1232, %broadcast_in_dim3A_1235, %broadcast_in_dim3A_1236 : vector<16xi1>, vector<16xi32>
        %add3A_1238 = arith.addi %add3A_1229, %select_n3A_1237 : vector<16xi32>
        %add3A_1239 = arith.addi %add3A_1238, %add3A_128 : vector<16xi32>
        %gather3A_1240 = tpu.vector_load_idx %arg6[%add3A_1239] : memref<32768xf32, #tpu.memory_space<vmem>>[vector<16xi32>], vector<16xf32>,
        %lt3A_1241 = arith.cmpf olt, %gather3A_1240, %get3A_1046 : vector<16xf32>
        %jit3A_1242 = arith.constant 64 : i32
        %jit3A_1243 = arith.constant 0 : i32
        %broadcast_in_dim3A_1244 = vector.broadcast %jit3A_1242 : i32 to vector<16xi32>
        %broadcast_in_dim3A_1245 = vector.broadcast %jit3A_1243 : i32 to vector<16xi32>
        %select_n3A_1246 = arith.select %lt3A_1241, %broadcast_in_dim3A_1244, %broadcast_in_dim3A_1245 : vector<16xi1>, vector<16xi32>
        %add3A_1247 = arith.addi %add3A_1238, %select_n3A_1246 : vector<16xi32>
        %add3A_1248 = arith.addi %add3A_1247, %add3A_131 : vector<16xi32>
        %gather3A_1249 = tpu.vector_load_idx %arg6[%add3A_1248] : memref<32768xf32, #tpu.memory_space<vmem>>[vector<16xi32>], vector<16xf32>,
        %lt3A_1250 = arith.cmpf olt, %gather3A_1249, %get3A_1046 : vector<16xf32>
        %jit3A_1251 = arith.constant 32 : i32
        %jit3A_1252 = arith.constant 0 : i32
        %broadcast_in_dim3A_1253 = vector.broadcast %jit3A_1251 : i32 to vector<16xi32>
        %broadcast_in_dim3A_1254 = vector.broadcast %jit3A_1252 : i32 to vector<16xi32>
        %select_n3A_1255 = arith.select %lt3A_1250, %broadcast_in_dim3A_1253, %broadcast_in_dim3A_1254 : vector<16xi1>, vector<16xi32>
        %add3A_1256 = arith.addi %add3A_1247, %select_n3A_1255 : vector<16xi32>
        %add3A_1257 = arith.addi %add3A_1256, %add3A_134 : vector<16xi32>
        %gather3A_1258 = tpu.vector_load_idx %arg6[%add3A_1257] : memref<32768xf32, #tpu.memory_space<vmem>>[vector<16xi32>], vector<16xf32>,
        %lt3A_1259 = arith.cmpf olt, %gather3A_1258, %get3A_1046 : vector<16xf32>
        %jit3A_1260 = arith.constant 16 : i32
        %jit3A_1261 = arith.constant 0 : i32
        %broadcast_in_dim3A_1262 = vector.broadcast %jit3A_1260 : i32 to vector<16xi32>
        %broadcast_in_dim3A_1263 = vector.broadcast %jit3A_1261 : i32 to vector<16xi32>
        %select_n3A_1264 = arith.select %lt3A_1259, %broadcast_in_dim3A_1262, %broadcast_in_dim3A_1263 : vector<16xi1>, vector<16xi32>
        %add3A_1265 = arith.addi %add3A_1256, %select_n3A_1264 : vector<16xi32>
        %sub3A_1266 = arith.constant 16 : i32
        %sub3A_1267 = vector.broadcast %sub3A_1266 : i32 to vector<16xi32>
        %sub3A_1268 = arith.subi %add3A_1265, %sub3A_1267 : vector<16xi32>
        %max3A_1269 = arith.constant 0 : i32
        %max3A_1270 = vector.broadcast %max3A_1269 : i32 to vector<16xi32>
        %max3A_1271 = arith.maxsi %sub3A_1268, %max3A_1270 : vector<16xi32>
        %shift_right_logical3A_1272 = arith.constant 1 : i32
        %shift_right_logical3A_1273 = vector.broadcast %shift_right_logical3A_1272 : i32 to vector<16xi32>
        %shift_right_logical3A_1274 = arith.shrui %max3A_1271, %shift_right_logical3A_1273 : vector<16xi32>
        %add3A_1275 = arith.addi %shift_right_logical3A_1274, %add3A_137 : vector<16xi32>
        %gather3A_1276 = tpu.vector_load_idx %arg7[%add3A_1275] : memref<65536xf32, #tpu.memory_space<vmem>>[vector<16xi32>], vector<16xf32>,
        %add3A_1277 = arith.constant 16384 : i32
        %add3A_1278 = vector.broadcast %add3A_1277 : i32 to vector<16xi32>
        %add3A_1279 = arith.addi %add3A_1275, %add3A_1278 : vector<16xi32>
        %gather3A_1280 = tpu.vector_load_idx %arg7[%add3A_1279] : memref<65536xf32, #tpu.memory_space<vmem>>[vector<16xi32>], vector<16xf32>,
        %add3A_1281 = arith.constant 32768 : i32
        %add3A_1282 = vector.broadcast %add3A_1281 : i32 to vector<16xi32>
        %add3A_1283 = arith.addi %add3A_1275, %add3A_1282 : vector<16xi32>
        %gather3A_1284 = tpu.vector_load_idx %arg7[%add3A_1283] : memref<65536xf32, #tpu.memory_space<vmem>>[vector<16xi32>], vector<16xf32>,
        %add3A_1285 = arith.constant 49152 : i32
        %add3A_1286 = vector.broadcast %add3A_1285 : i32 to vector<16xi32>
        %add3A_1287 = arith.addi %add3A_1275, %add3A_1286 : vector<16xi32>
        %gather3A_1288 = tpu.vector_load_idx %arg7[%add3A_1287] : memref<65536xf32, #tpu.memory_space<vmem>>[vector<16xi32>], vector<16xf32>,
        %mul3A_1289 = arith.mulf %gather3A_1288, %get3A_1046 : vector<16xf32>
        %add3A_1290 = arith.addf %mul3A_1289, %gather3A_1284 : vector<16xf32>
        %mul3A_1291 = arith.mulf %add3A_1290, %get3A_1046 : vector<16xf32>
        %add3A_1292 = arith.addf %mul3A_1291, %gather3A_1280 : vector<16xf32>
        %mul3A_1293 = arith.mulf %add3A_1292, %get3A_1046 : vector<16xf32>
        %add3A_1294 = arith.addf %mul3A_1293, %gather3A_1276 : vector<16xf32>
        %mul3A_1295 = arith.mulf %add3A_1170, %add3A_1294 : vector<16xf32>
        %add3A_1296 = arith.constant 48 : i32
        %add3A_1297 = arith.addi %mul3A_243, %add3A_1296 : i32
        %swap3A_1298 = arith.index_cast %add3A_1297 : i32 to index
        %swap3A_1299 = tpu.vector_load %arg10[%swap3A_1298] {strides = array<i32>} : memref<2048xf32, #tpu.memory_space<vmem>>, vector<16xf32>,
        tpu.vector_store %arg10[%swap3A_1298], %mul3A_1295 {strides = array<i32>} : memref<2048xf32, #tpu.memory_space<vmem>>, vector<16xf32>,
        %add3A_1300 = arith.constant 64 : i32
        %add3A_1301 = arith.addi %mul3A_241, %add3A_1300 : i32
        %get3A_1302 = arith.constant 0 : i32
        %get3A_1303 = arith.index_cast %get3A_1302 : i32 to index
        %get3A_1304 = arith.index_cast %add3A_1301 : i32 to index
        %get3A_1305 = tpu.vector_load %arg8[%get3A_1303, %get3A_1304] {strides = array<i32>} : memref<2x2048xf32, #tpu.memory_space<vmem>>, vector<16xf32>,
        %add3A_1306 = arith.constant 64 : i32
        %add3A_1307 = arith.addi %mul3A_241, %add3A_1306 : i32
        %get3A_1308 = arith.constant 1 : i32
        %get3A_1309 = arith.index_cast %get3A_1308 : i32 to index
        %get3A_1310 = arith.index_cast %add3A_1307 : i32 to index
        %get3A_1311 = tpu.vector_load %arg8[%get3A_1309, %get3A_1310] {strides = array<i32>} : memref<2x2048xf32, #tpu.memory_space<vmem>>, vector<16xf32>,
        %broadcast_in_dim3A_1312 = arith.constant 0 : i32
        %broadcast_in_dim3A_1313 = vector.broadcast %broadcast_in_dim3A_1312 : i32 to vector<16xi32>
        %lt3A_1314 = arith.cmpf olt, %gather3A, %get3A_1305 : vector<16xf32>
        %jit3A_1315 = arith.constant 8192 : i32
        %jit3A_1316 = arith.constant 0 : i32
        %broadcast_in_dim3A_1317 = vector.broadcast %jit3A_1315 : i32 to vector<16xi32>
        %broadcast_in_dim3A_1318 = vector.broadcast %jit3A_1316 : i32 to vector<16xi32>
        %select_n3A_1319 = arith.select %lt3A_1314, %broadcast_in_dim3A_1317, %broadcast_in_dim3A_1318 : vector<16xi1>, vector<16xi32>
        %add3A_1320 = arith.addi %broadcast_in_dim3A_1313, %select_n3A_1319 : vector<16xi32>
        %select_n3A_1321 = arith.select %lt3A_1314, %gather3A_17, %gather3A_14 : vector<16xi1>, vector<16xf32>
        %lt3A_1322 = arith.cmpf olt, %select_n3A_1321, %get3A_1305 : vector<16xf32>
        %jit3A_1323 = arith.constant 4096 : i32
        %jit3A_1324 = arith.constant 0 : i32
        %broadcast_in_dim3A_1325 = vector.broadcast %jit3A_1323 : i32 to vector<16xi32>
        %broadcast_in_dim3A_1326 = vector.broadcast %jit3A_1324 : i32 to vector<16xi32>
        %select_n3A_1327 = arith.select %lt3A_1322, %broadcast_in_dim3A_1325, %broadcast_in_dim3A_1326 : vector<16xi1>, vector<16xi32>
        %add3A_1328 = arith.addi %add3A_1320, %select_n3A_1327 : vector<16xi32>
        %select_n3A_1329 = arith.select %lt3A_1322, %gather3A_26, %gather3A_20 : vector<16xi1>, vector<16xf32>
        %select_n3A_1330 = arith.select %lt3A_1322, %gather3A_29, %gather3A_23 : vector<16xi1>, vector<16xf32>
        %select_n3A_1331 = arith.select %lt3A_1314, %select_n3A_1330, %select_n3A_1329 : vector<16xi1>, vector<16xf32>
        %lt3A_1332 = arith.cmpf olt, %select_n3A_1331, %get3A_1305 : vector<16xf32>
        %jit3A_1333 = arith.constant 2048 : i32
        %jit3A_1334 = arith.constant 0 : i32
        %broadcast_in_dim3A_1335 = vector.broadcast %jit3A_1333 : i32 to vector<16xi32>
        %broadcast_in_dim3A_1336 = vector.broadcast %jit3A_1334 : i32 to vector<16xi32>
        %select_n3A_1337 = arith.select %lt3A_1332, %broadcast_in_dim3A_1335, %broadcast_in_dim3A_1336 : vector<16xi1>, vector<16xi32>
        %add3A_1338 = arith.addi %add3A_1328, %select_n3A_1337 : vector<16xi32>
        %select_n3A_1339 = arith.select %lt3A_1332, %gather3A_44, %gather3A_32 : vector<16xi1>, vector<16xf32>
        %select_n3A_1340 = arith.select %lt3A_1332, %gather3A_47, %gather3A_35 : vector<16xi1>, vector<16xf32>
        %select_n3A_1341 = arith.select %lt3A_1332, %gather3A_50, %gather3A_38 : vector<16xi1>, vector<16xf32>
        %select_n3A_1342 = arith.select %lt3A_1332, %gather3A_53, %gather3A_41 : vector<16xi1>, vector<16xf32>
        %select_n3A_1343 = arith.select %lt3A_1322, %select_n3A_1341, %select_n3A_1339 : vector<16xi1>, vector<16xf32>
        %select_n3A_1344 = arith.select %lt3A_1322, %select_n3A_1342, %select_n3A_1340 : vector<16xi1>, vector<16xf32>
        %select_n3A_1345 = arith.select %lt3A_1314, %select_n3A_1344, %select_n3A_1343 : vector<16xi1>, vector<16xf32>
        %lt3A_1346 = arith.cmpf olt, %select_n3A_1345, %get3A_1305 : vector<16xf32>
        %jit3A_1347 = arith.constant 1024 : i32
        %jit3A_1348 = arith.constant 0 : i32
        %broadcast_in_dim3A_1349 = vector.broadcast %jit3A_1347 : i32 to vector<16xi32>
        %broadcast_in_dim3A_1350 = vector.broadcast %jit3A_1348 : i32 to vector<16xi32>
        %select_n3A_1351 = arith.select %lt3A_1346, %broadcast_in_dim3A_1349, %broadcast_in_dim3A_1350 : vector<16xi1>, vector<16xi32>
        %add3A_1352 = arith.addi %add3A_1338, %select_n3A_1351 : vector<16xi32>
        %add3A_1353 = arith.addi %add3A_1352, %add3A_101 : vector<16xi32>
        %gather3A_1354 = tpu.vector_load_idx %arg6[%add3A_1353] : memref<32768xf32, #tpu.memory_space<vmem>>[vector<16xi32>], vector<16xf32>,
        %lt3A_1355 = arith.cmpf olt, %gather3A_1354, %get3A_1305 : vector<16xf32>
        %jit3A_1356 = arith.constant 512 : i32
        %jit3A_1357 = arith.constant 0 : i32
        %broadcast_in_dim3A_1358 = vector.broadcast %jit3A_1356 : i32 to vector<16xi32>
        %broadcast_in_dim3A_1359 = vector.broadcast %jit3A_1357 : i32 to vector<16xi32>
        %select_n3A_1360 = arith.select %lt3A_1355, %broadcast_in_dim3A_1358, %broadcast_in_dim3A_1359 : vector<16xi1>, vector<16xi32>
        %add3A_1361 = arith.addi %add3A_1352, %select_n3A_1360 : vector<16xi32>
        %add3A_1362 = arith.addi %add3A_1361, %add3A_104 : vector<16xi32>
        %gather3A_1363 = tpu.vector_load_idx %arg6[%add3A_1362] : memref<32768xf32, #tpu.memory_space<vmem>>[vector<16xi32>], vector<16xf32>,
        %lt3A_1364 = arith.cmpf olt, %gather3A_1363, %get3A_1305 : vector<16xf32>
        %jit3A_1365 = arith.constant 256 : i32
        %jit3A_1366 = arith.constant 0 : i32
        %broadcast_in_dim3A_1367 = vector.broadcast %jit3A_1365 : i32 to vector<16xi32>
        %broadcast_in_dim3A_1368 = vector.broadcast %jit3A_1366 : i32 to vector<16xi32>
        %select_n3A_1369 = arith.select %lt3A_1364, %broadcast_in_dim3A_1367, %broadcast_in_dim3A_1368 : vector<16xi1>, vector<16xi32>
        %add3A_1370 = arith.addi %add3A_1361, %select_n3A_1369 : vector<16xi32>
        %add3A_1371 = arith.addi %add3A_1370, %add3A_107 : vector<16xi32>
        %gather3A_1372 = tpu.vector_load_idx %arg6[%add3A_1371] : memref<32768xf32, #tpu.memory_space<vmem>>[vector<16xi32>], vector<16xf32>,
        %lt3A_1373 = arith.cmpf olt, %gather3A_1372, %get3A_1305 : vector<16xf32>
        %jit3A_1374 = arith.constant 128 : i32
        %jit3A_1375 = arith.constant 0 : i32
        %broadcast_in_dim3A_1376 = vector.broadcast %jit3A_1374 : i32 to vector<16xi32>
        %broadcast_in_dim3A_1377 = vector.broadcast %jit3A_1375 : i32 to vector<16xi32>
        %select_n3A_1378 = arith.select %lt3A_1373, %broadcast_in_dim3A_1376, %broadcast_in_dim3A_1377 : vector<16xi1>, vector<16xi32>
        %add3A_1379 = arith.addi %add3A_1370, %select_n3A_1378 : vector<16xi32>
        %add3A_1380 = arith.addi %add3A_1379, %add3A_110 : vector<16xi32>
        %gather3A_1381 = tpu.vector_load_idx %arg6[%add3A_1380] : memref<32768xf32, #tpu.memory_space<vmem>>[vector<16xi32>], vector<16xf32>,
        %lt3A_1382 = arith.cmpf olt, %gather3A_1381, %get3A_1305 : vector<16xf32>
        %jit3A_1383 = arith.constant 64 : i32
        %jit3A_1384 = arith.constant 0 : i32
        %broadcast_in_dim3A_1385 = vector.broadcast %jit3A_1383 : i32 to vector<16xi32>
        %broadcast_in_dim3A_1386 = vector.broadcast %jit3A_1384 : i32 to vector<16xi32>
        %select_n3A_1387 = arith.select %lt3A_1382, %broadcast_in_dim3A_1385, %broadcast_in_dim3A_1386 : vector<16xi1>, vector<16xi32>
        %add3A_1388 = arith.addi %add3A_1379, %select_n3A_1387 : vector<16xi32>
        %add3A_1389 = arith.addi %add3A_1388, %add3A_113 : vector<16xi32>
        %gather3A_1390 = tpu.vector_load_idx %arg6[%add3A_1389] : memref<32768xf32, #tpu.memory_space<vmem>>[vector<16xi32>], vector<16xf32>,
        %lt3A_1391 = arith.cmpf olt, %gather3A_1390, %get3A_1305 : vector<16xf32>
        %jit3A_1392 = arith.constant 32 : i32
        %jit3A_1393 = arith.constant 0 : i32
        %broadcast_in_dim3A_1394 = vector.broadcast %jit3A_1392 : i32 to vector<16xi32>
        %broadcast_in_dim3A_1395 = vector.broadcast %jit3A_1393 : i32 to vector<16xi32>
        %select_n3A_1396 = arith.select %lt3A_1391, %broadcast_in_dim3A_1394, %broadcast_in_dim3A_1395 : vector<16xi1>, vector<16xi32>
        %add3A_1397 = arith.addi %add3A_1388, %select_n3A_1396 : vector<16xi32>
        %add3A_1398 = arith.addi %add3A_1397, %add3A_116 : vector<16xi32>
        %gather3A_1399 = tpu.vector_load_idx %arg6[%add3A_1398] : memref<32768xf32, #tpu.memory_space<vmem>>[vector<16xi32>], vector<16xf32>,
        %lt3A_1400 = arith.cmpf olt, %gather3A_1399, %get3A_1305 : vector<16xf32>
        %jit3A_1401 = arith.constant 16 : i32
        %jit3A_1402 = arith.constant 0 : i32
        %broadcast_in_dim3A_1403 = vector.broadcast %jit3A_1401 : i32 to vector<16xi32>
        %broadcast_in_dim3A_1404 = vector.broadcast %jit3A_1402 : i32 to vector<16xi32>
        %select_n3A_1405 = arith.select %lt3A_1400, %broadcast_in_dim3A_1403, %broadcast_in_dim3A_1404 : vector<16xi1>, vector<16xi32>
        %add3A_1406 = arith.addi %add3A_1397, %select_n3A_1405 : vector<16xi32>
        %sub3A_1407 = arith.constant 16 : i32
        %sub3A_1408 = vector.broadcast %sub3A_1407 : i32 to vector<16xi32>
        %sub3A_1409 = arith.subi %add3A_1406, %sub3A_1408 : vector<16xi32>
        %max3A_1410 = arith.constant 0 : i32
        %max3A_1411 = vector.broadcast %max3A_1410 : i32 to vector<16xi32>
        %max3A_1412 = arith.maxsi %sub3A_1409, %max3A_1411 : vector<16xi32>
        %shift_right_logical3A_1413 = arith.constant 1 : i32
        %shift_right_logical3A_1414 = vector.broadcast %shift_right_logical3A_1413 : i32 to vector<16xi32>
        %shift_right_logical3A_1415 = arith.shrui %max3A_1412, %shift_right_logical3A_1414 : vector<16xi32>
        %add3A_1416 = arith.addi %shift_right_logical3A_1415, %and3A_10 : vector<16xi32>
        %gather3A_1417 = tpu.vector_load_idx %arg7[%add3A_1416] : memref<65536xf32, #tpu.memory_space<vmem>>[vector<16xi32>], vector<16xf32>,
        %add3A_1418 = arith.constant 16384 : i32
        %add3A_1419 = vector.broadcast %add3A_1418 : i32 to vector<16xi32>
        %add3A_1420 = arith.addi %add3A_1416, %add3A_1419 : vector<16xi32>
        %gather3A_1421 = tpu.vector_load_idx %arg7[%add3A_1420] : memref<65536xf32, #tpu.memory_space<vmem>>[vector<16xi32>], vector<16xf32>,
        %add3A_1422 = arith.constant 32768 : i32
        %add3A_1423 = vector.broadcast %add3A_1422 : i32 to vector<16xi32>
        %add3A_1424 = arith.addi %add3A_1416, %add3A_1423 : vector<16xi32>
        %gather3A_1425 = tpu.vector_load_idx %arg7[%add3A_1424] : memref<65536xf32, #tpu.memory_space<vmem>>[vector<16xi32>], vector<16xf32>,
        %add3A_1426 = arith.constant 49152 : i32
        %add3A_1427 = vector.broadcast %add3A_1426 : i32 to vector<16xi32>
        %add3A_1428 = arith.addi %add3A_1416, %add3A_1427 : vector<16xi32>
        %gather3A_1429 = tpu.vector_load_idx %arg7[%add3A_1428] : memref<65536xf32, #tpu.memory_space<vmem>>[vector<16xi32>], vector<16xf32>,
        %mul3A_1430 = arith.mulf %gather3A_1429, %get3A_1305 : vector<16xf32>
        %add3A_1431 = arith.addf %mul3A_1430, %gather3A_1425 : vector<16xf32>
        %mul3A_1432 = arith.mulf %add3A_1431, %get3A_1305 : vector<16xf32>
        %add3A_1433 = arith.addf %mul3A_1432, %gather3A_1421 : vector<16xf32>
        %mul3A_1434 = arith.mulf %add3A_1433, %get3A_1305 : vector<16xf32>
        %add3A_1435 = arith.addf %mul3A_1434, %gather3A_1417 : vector<16xf32>
        %broadcast_in_dim3A_1436 = arith.constant 0 : i32
        %broadcast_in_dim3A_1437 = vector.broadcast %broadcast_in_dim3A_1436 : i32 to vector<16xi32>
        %lt3A_1438 = arith.cmpf olt, %gather3A_56, %get3A_1311 : vector<16xf32>
        %jit3A_1439 = arith.constant 8192 : i32
        %jit3A_1440 = arith.constant 0 : i32
        %broadcast_in_dim3A_1441 = vector.broadcast %jit3A_1439 : i32 to vector<16xi32>
        %broadcast_in_dim3A_1442 = vector.broadcast %jit3A_1440 : i32 to vector<16xi32>
        %select_n3A_1443 = arith.select %lt3A_1438, %broadcast_in_dim3A_1441, %broadcast_in_dim3A_1442 : vector<16xi1>, vector<16xi32>
        %add3A_1444 = arith.addi %broadcast_in_dim3A_1437, %select_n3A_1443 : vector<16xi32>
        %select_n3A_1445 = arith.select %lt3A_1438, %gather3A_62, %gather3A_59 : vector<16xi1>, vector<16xf32>
        %lt3A_1446 = arith.cmpf olt, %select_n3A_1445, %get3A_1311 : vector<16xf32>
        %jit3A_1447 = arith.constant 4096 : i32
        %jit3A_1448 = arith.constant 0 : i32
        %broadcast_in_dim3A_1449 = vector.broadcast %jit3A_1447 : i32 to vector<16xi32>
        %broadcast_in_dim3A_1450 = vector.broadcast %jit3A_1448 : i32 to vector<16xi32>
        %select_n3A_1451 = arith.select %lt3A_1446, %broadcast_in_dim3A_1449, %broadcast_in_dim3A_1450 : vector<16xi1>, vector<16xi32>
        %add3A_1452 = arith.addi %add3A_1444, %select_n3A_1451 : vector<16xi32>
        %select_n3A_1453 = arith.select %lt3A_1446, %gather3A_71, %gather3A_65 : vector<16xi1>, vector<16xf32>
        %select_n3A_1454 = arith.select %lt3A_1446, %gather3A_74, %gather3A_68 : vector<16xi1>, vector<16xf32>
        %select_n3A_1455 = arith.select %lt3A_1438, %select_n3A_1454, %select_n3A_1453 : vector<16xi1>, vector<16xf32>
        %lt3A_1456 = arith.cmpf olt, %select_n3A_1455, %get3A_1311 : vector<16xf32>
        %jit3A_1457 = arith.constant 2048 : i32
        %jit3A_1458 = arith.constant 0 : i32
        %broadcast_in_dim3A_1459 = vector.broadcast %jit3A_1457 : i32 to vector<16xi32>
        %broadcast_in_dim3A_1460 = vector.broadcast %jit3A_1458 : i32 to vector<16xi32>
        %select_n3A_1461 = arith.select %lt3A_1456, %broadcast_in_dim3A_1459, %broadcast_in_dim3A_1460 : vector<16xi1>, vector<16xi32>
        %add3A_1462 = arith.addi %add3A_1452, %select_n3A_1461 : vector<16xi32>
        %select_n3A_1463 = arith.select %lt3A_1456, %gather3A_89, %gather3A_77 : vector<16xi1>, vector<16xf32>
        %select_n3A_1464 = arith.select %lt3A_1456, %gather3A_92, %gather3A_80 : vector<16xi1>, vector<16xf32>
        %select_n3A_1465 = arith.select %lt3A_1456, %gather3A_95, %gather3A_83 : vector<16xi1>, vector<16xf32>
        %select_n3A_1466 = arith.select %lt3A_1456, %gather3A_98, %gather3A_86 : vector<16xi1>, vector<16xf32>
        %select_n3A_1467 = arith.select %lt3A_1446, %select_n3A_1465, %select_n3A_1463 : vector<16xi1>, vector<16xf32>
        %select_n3A_1468 = arith.select %lt3A_1446, %select_n3A_1466, %select_n3A_1464 : vector<16xi1>, vector<16xf32>
        %select_n3A_1469 = arith.select %lt3A_1438, %select_n3A_1468, %select_n3A_1467 : vector<16xi1>, vector<16xf32>
        %lt3A_1470 = arith.cmpf olt, %select_n3A_1469, %get3A_1311 : vector<16xf32>
        %jit3A_1471 = arith.constant 1024 : i32
        %jit3A_1472 = arith.constant 0 : i32
        %broadcast_in_dim3A_1473 = vector.broadcast %jit3A_1471 : i32 to vector<16xi32>
        %broadcast_in_dim3A_1474 = vector.broadcast %jit3A_1472 : i32 to vector<16xi32>
        %select_n3A_1475 = arith.select %lt3A_1470, %broadcast_in_dim3A_1473, %broadcast_in_dim3A_1474 : vector<16xi1>, vector<16xi32>
        %add3A_1476 = arith.addi %add3A_1462, %select_n3A_1475 : vector<16xi32>
        %add3A_1477 = arith.addi %add3A_1476, %add3A_119 : vector<16xi32>
        %gather3A_1478 = tpu.vector_load_idx %arg6[%add3A_1477] : memref<32768xf32, #tpu.memory_space<vmem>>[vector<16xi32>], vector<16xf32>,
        %lt3A_1479 = arith.cmpf olt, %gather3A_1478, %get3A_1311 : vector<16xf32>
        %jit3A_1480 = arith.constant 512 : i32
        %jit3A_1481 = arith.constant 0 : i32
        %broadcast_in_dim3A_1482 = vector.broadcast %jit3A_1480 : i32 to vector<16xi32>
        %broadcast_in_dim3A_1483 = vector.broadcast %jit3A_1481 : i32 to vector<16xi32>
        %select_n3A_1484 = arith.select %lt3A_1479, %broadcast_in_dim3A_1482, %broadcast_in_dim3A_1483 : vector<16xi1>, vector<16xi32>
        %add3A_1485 = arith.addi %add3A_1476, %select_n3A_1484 : vector<16xi32>
        %add3A_1486 = arith.addi %add3A_1485, %add3A_122 : vector<16xi32>
        %gather3A_1487 = tpu.vector_load_idx %arg6[%add3A_1486] : memref<32768xf32, #tpu.memory_space<vmem>>[vector<16xi32>], vector<16xf32>,
        %lt3A_1488 = arith.cmpf olt, %gather3A_1487, %get3A_1311 : vector<16xf32>
        %jit3A_1489 = arith.constant 256 : i32
        %jit3A_1490 = arith.constant 0 : i32
        %broadcast_in_dim3A_1491 = vector.broadcast %jit3A_1489 : i32 to vector<16xi32>
        %broadcast_in_dim3A_1492 = vector.broadcast %jit3A_1490 : i32 to vector<16xi32>
        %select_n3A_1493 = arith.select %lt3A_1488, %broadcast_in_dim3A_1491, %broadcast_in_dim3A_1492 : vector<16xi1>, vector<16xi32>
        %add3A_1494 = arith.addi %add3A_1485, %select_n3A_1493 : vector<16xi32>
        %add3A_1495 = arith.addi %add3A_1494, %add3A_125 : vector<16xi32>
        %gather3A_1496 = tpu.vector_load_idx %arg6[%add3A_1495] : memref<32768xf32, #tpu.memory_space<vmem>>[vector<16xi32>], vector<16xf32>,
        %lt3A_1497 = arith.cmpf olt, %gather3A_1496, %get3A_1311 : vector<16xf32>
        %jit3A_1498 = arith.constant 128 : i32
        %jit3A_1499 = arith.constant 0 : i32
        %broadcast_in_dim3A_1500 = vector.broadcast %jit3A_1498 : i32 to vector<16xi32>
        %broadcast_in_dim3A_1501 = vector.broadcast %jit3A_1499 : i32 to vector<16xi32>
        %select_n3A_1502 = arith.select %lt3A_1497, %broadcast_in_dim3A_1500, %broadcast_in_dim3A_1501 : vector<16xi1>, vector<16xi32>
        %add3A_1503 = arith.addi %add3A_1494, %select_n3A_1502 : vector<16xi32>
        %add3A_1504 = arith.addi %add3A_1503, %add3A_128 : vector<16xi32>
        %gather3A_1505 = tpu.vector_load_idx %arg6[%add3A_1504] : memref<32768xf32, #tpu.memory_space<vmem>>[vector<16xi32>], vector<16xf32>,
        %lt3A_1506 = arith.cmpf olt, %gather3A_1505, %get3A_1311 : vector<16xf32>
        %jit3A_1507 = arith.constant 64 : i32
        %jit3A_1508 = arith.constant 0 : i32
        %broadcast_in_dim3A_1509 = vector.broadcast %jit3A_1507 : i32 to vector<16xi32>
        %broadcast_in_dim3A_1510 = vector.broadcast %jit3A_1508 : i32 to vector<16xi32>
        %select_n3A_1511 = arith.select %lt3A_1506, %broadcast_in_dim3A_1509, %broadcast_in_dim3A_1510 : vector<16xi1>, vector<16xi32>
        %add3A_1512 = arith.addi %add3A_1503, %select_n3A_1511 : vector<16xi32>
        %add3A_1513 = arith.addi %add3A_1512, %add3A_131 : vector<16xi32>
        %gather3A_1514 = tpu.vector_load_idx %arg6[%add3A_1513] : memref<32768xf32, #tpu.memory_space<vmem>>[vector<16xi32>], vector<16xf32>,
        %lt3A_1515 = arith.cmpf olt, %gather3A_1514, %get3A_1311 : vector<16xf32>
        %jit3A_1516 = arith.constant 32 : i32
        %jit3A_1517 = arith.constant 0 : i32
        %broadcast_in_dim3A_1518 = vector.broadcast %jit3A_1516 : i32 to vector<16xi32>
        %broadcast_in_dim3A_1519 = vector.broadcast %jit3A_1517 : i32 to vector<16xi32>
        %select_n3A_1520 = arith.select %lt3A_1515, %broadcast_in_dim3A_1518, %broadcast_in_dim3A_1519 : vector<16xi1>, vector<16xi32>
        %add3A_1521 = arith.addi %add3A_1512, %select_n3A_1520 : vector<16xi32>
        %add3A_1522 = arith.addi %add3A_1521, %add3A_134 : vector<16xi32>
        %gather3A_1523 = tpu.vector_load_idx %arg6[%add3A_1522] : memref<32768xf32, #tpu.memory_space<vmem>>[vector<16xi32>], vector<16xf32>,
        %lt3A_1524 = arith.cmpf olt, %gather3A_1523, %get3A_1311 : vector<16xf32>
        %jit3A_1525 = arith.constant 16 : i32
        %jit3A_1526 = arith.constant 0 : i32
        %broadcast_in_dim3A_1527 = vector.broadcast %jit3A_1525 : i32 to vector<16xi32>
        %broadcast_in_dim3A_1528 = vector.broadcast %jit3A_1526 : i32 to vector<16xi32>
        %select_n3A_1529 = arith.select %lt3A_1524, %broadcast_in_dim3A_1527, %broadcast_in_dim3A_1528 : vector<16xi1>, vector<16xi32>
        %add3A_1530 = arith.addi %add3A_1521, %select_n3A_1529 : vector<16xi32>
        %sub3A_1531 = arith.constant 16 : i32
        %sub3A_1532 = vector.broadcast %sub3A_1531 : i32 to vector<16xi32>
        %sub3A_1533 = arith.subi %add3A_1530, %sub3A_1532 : vector<16xi32>
        %max3A_1534 = arith.constant 0 : i32
        %max3A_1535 = vector.broadcast %max3A_1534 : i32 to vector<16xi32>
        %max3A_1536 = arith.maxsi %sub3A_1533, %max3A_1535 : vector<16xi32>
        %shift_right_logical3A_1537 = arith.constant 1 : i32
        %shift_right_logical3A_1538 = vector.broadcast %shift_right_logical3A_1537 : i32 to vector<16xi32>
        %shift_right_logical3A_1539 = arith.shrui %max3A_1536, %shift_right_logical3A_1538 : vector<16xi32>
        %add3A_1540 = arith.addi %shift_right_logical3A_1539, %add3A_137 : vector<16xi32>
        %gather3A_1541 = tpu.vector_load_idx %arg7[%add3A_1540] : memref<65536xf32, #tpu.memory_space<vmem>>[vector<16xi32>], vector<16xf32>,
        %add3A_1542 = arith.constant 16384 : i32
        %add3A_1543 = vector.broadcast %add3A_1542 : i32 to vector<16xi32>
        %add3A_1544 = arith.addi %add3A_1540, %add3A_1543 : vector<16xi32>
        %gather3A_1545 = tpu.vector_load_idx %arg7[%add3A_1544] : memref<65536xf32, #tpu.memory_space<vmem>>[vector<16xi32>], vector<16xf32>,
        %add3A_1546 = arith.constant 32768 : i32
        %add3A_1547 = vector.broadcast %add3A_1546 : i32 to vector<16xi32>
        %add3A_1548 = arith.addi %add3A_1540, %add3A_1547 : vector<16xi32>
        %gather3A_1549 = tpu.vector_load_idx %arg7[%add3A_1548] : memref<65536xf32, #tpu.memory_space<vmem>>[vector<16xi32>], vector<16xf32>,
        %add3A_1550 = arith.constant 49152 : i32
        %add3A_1551 = vector.broadcast %add3A_1550 : i32 to vector<16xi32>
        %add3A_1552 = arith.addi %add3A_1540, %add3A_1551 : vector<16xi32>
        %gather3A_1553 = tpu.vector_load_idx %arg7[%add3A_1552] : memref<65536xf32, #tpu.memory_space<vmem>>[vector<16xi32>], vector<16xf32>,
        %mul3A_1554 = arith.mulf %gather3A_1553, %get3A_1311 : vector<16xf32>
        %add3A_1555 = arith.addf %mul3A_1554, %gather3A_1549 : vector<16xf32>
        %mul3A_1556 = arith.mulf %add3A_1555, %get3A_1311 : vector<16xf32>
        %add3A_1557 = arith.addf %mul3A_1556, %gather3A_1545 : vector<16xf32>
        %mul3A_1558 = arith.mulf %add3A_1557, %get3A_1311 : vector<16xf32>
        %add3A_1559 = arith.addf %mul3A_1558, %gather3A_1541 : vector<16xf32>
        %mul3A_1560 = arith.mulf %add3A_1435, %add3A_1559 : vector<16xf32>
        %add3A_1561 = arith.constant 64 : i32
        %add3A_1562 = arith.addi %mul3A_243, %add3A_1561 : i32
        %swap3A_1563 = arith.index_cast %add3A_1562 : i32 to index
        %swap3A_1564 = tpu.vector_load %arg10[%swap3A_1563] {strides = array<i32>} : memref<2048xf32, #tpu.memory_space<vmem>>, vector<16xf32>,
        tpu.vector_store %arg10[%swap3A_1563], %mul3A_1560 {strides = array<i32>} : memref<2048xf32, #tpu.memory_space<vmem>>, vector<16xf32>,
        %add3A_1565 = arith.constant 80 : i32
        %add3A_1566 = arith.addi %mul3A_241, %add3A_1565 : i32
        %get3A_1567 = arith.constant 0 : i32
        %get3A_1568 = arith.index_cast %get3A_1567 : i32 to index
        %get3A_1569 = arith.index_cast %add3A_1566 : i32 to index
        %get3A_1570 = tpu.vector_load %arg8[%get3A_1568, %get3A_1569] {strides = array<i32>} : memref<2x2048xf32, #tpu.memory_space<vmem>>, vector<16xf32>,
        %add3A_1571 = arith.constant 80 : i32
        %add3A_1572 = arith.addi %mul3A_241, %add3A_1571 : i32
        %get3A_1573 = arith.constant 1 : i32
        %get3A_1574 = arith.index_cast %get3A_1573 : i32 to index
        %get3A_1575 = arith.index_cast %add3A_1572 : i32 to index
        %get3A_1576 = tpu.vector_load %arg8[%get3A_1574, %get3A_1575] {strides = array<i32>} : memref<2x2048xf32, #tpu.memory_space<vmem>>, vector<16xf32>,
        %broadcast_in_dim3A_1577 = arith.constant 0 : i32
        %broadcast_in_dim3A_1578 = vector.broadcast %broadcast_in_dim3A_1577 : i32 to vector<16xi32>
        %lt3A_1579 = arith.cmpf olt, %gather3A, %get3A_1570 : vector<16xf32>
        %jit3A_1580 = arith.constant 8192 : i32
        %jit3A_1581 = arith.constant 0 : i32
        %broadcast_in_dim3A_1582 = vector.broadcast %jit3A_1580 : i32 to vector<16xi32>
        %broadcast_in_dim3A_1583 = vector.broadcast %jit3A_1581 : i32 to vector<16xi32>
        %select_n3A_1584 = arith.select %lt3A_1579, %broadcast_in_dim3A_1582, %broadcast_in_dim3A_1583 : vector<16xi1>, vector<16xi32>
        %add3A_1585 = arith.addi %broadcast_in_dim3A_1578, %select_n3A_1584 : vector<16xi32>
        %select_n3A_1586 = arith.select %lt3A_1579, %gather3A_17, %gather3A_14 : vector<16xi1>, vector<16xf32>
        %lt3A_1587 = arith.cmpf olt, %select_n3A_1586, %get3A_1570 : vector<16xf32>
        %jit3A_1588 = arith.constant 4096 : i32
        %jit3A_1589 = arith.constant 0 : i32
        %broadcast_in_dim3A_1590 = vector.broadcast %jit3A_1588 : i32 to vector<16xi32>
        %broadcast_in_dim3A_1591 = vector.broadcast %jit3A_1589 : i32 to vector<16xi32>
        %select_n3A_1592 = arith.select %lt3A_1587, %broadcast_in_dim3A_1590, %broadcast_in_dim3A_1591 : vector<16xi1>, vector<16xi32>
        %add3A_1593 = arith.addi %add3A_1585, %select_n3A_1592 : vector<16xi32>
        %select_n3A_1594 = arith.select %lt3A_1587, %gather3A_26, %gather3A_20 : vector<16xi1>, vector<16xf32>
        %select_n3A_1595 = arith.select %lt3A_1587, %gather3A_29, %gather3A_23 : vector<16xi1>, vector<16xf32>
        %select_n3A_1596 = arith.select %lt3A_1579, %select_n3A_1595, %select_n3A_1594 : vector<16xi1>, vector<16xf32>
        %lt3A_1597 = arith.cmpf olt, %select_n3A_1596, %get3A_1570 : vector<16xf32>
        %jit3A_1598 = arith.constant 2048 : i32
        %jit3A_1599 = arith.constant 0 : i32
        %broadcast_in_dim3A_1600 = vector.broadcast %jit3A_1598 : i32 to vector<16xi32>
        %broadcast_in_dim3A_1601 = vector.broadcast %jit3A_1599 : i32 to vector<16xi32>
        %select_n3A_1602 = arith.select %lt3A_1597, %broadcast_in_dim3A_1600, %broadcast_in_dim3A_1601 : vector<16xi1>, vector<16xi32>
        %add3A_1603 = arith.addi %add3A_1593, %select_n3A_1602 : vector<16xi32>
        %select_n3A_1604 = arith.select %lt3A_1597, %gather3A_44, %gather3A_32 : vector<16xi1>, vector<16xf32>
        %select_n3A_1605 = arith.select %lt3A_1597, %gather3A_47, %gather3A_35 : vector<16xi1>, vector<16xf32>
        %select_n3A_1606 = arith.select %lt3A_1597, %gather3A_50, %gather3A_38 : vector<16xi1>, vector<16xf32>
        %select_n3A_1607 = arith.select %lt3A_1597, %gather3A_53, %gather3A_41 : vector<16xi1>, vector<16xf32>
        %select_n3A_1608 = arith.select %lt3A_1587, %select_n3A_1606, %select_n3A_1604 : vector<16xi1>, vector<16xf32>
        %select_n3A_1609 = arith.select %lt3A_1587, %select_n3A_1607, %select_n3A_1605 : vector<16xi1>, vector<16xf32>
        %select_n3A_1610 = arith.select %lt3A_1579, %select_n3A_1609, %select_n3A_1608 : vector<16xi1>, vector<16xf32>
        %lt3A_1611 = arith.cmpf olt, %select_n3A_1610, %get3A_1570 : vector<16xf32>
        %jit3A_1612 = arith.constant 1024 : i32
        %jit3A_1613 = arith.constant 0 : i32
        %broadcast_in_dim3A_1614 = vector.broadcast %jit3A_1612 : i32 to vector<16xi32>
        %broadcast_in_dim3A_1615 = vector.broadcast %jit3A_1613 : i32 to vector<16xi32>
        %select_n3A_1616 = arith.select %lt3A_1611, %broadcast_in_dim3A_1614, %broadcast_in_dim3A_1615 : vector<16xi1>, vector<16xi32>
        %add3A_1617 = arith.addi %add3A_1603, %select_n3A_1616 : vector<16xi32>
        %add3A_1618 = arith.addi %add3A_1617, %add3A_101 : vector<16xi32>
        %gather3A_1619 = tpu.vector_load_idx %arg6[%add3A_1618] : memref<32768xf32, #tpu.memory_space<vmem>>[vector<16xi32>], vector<16xf32>,
        %lt3A_1620 = arith.cmpf olt, %gather3A_1619, %get3A_1570 : vector<16xf32>
        %jit3A_1621 = arith.constant 512 : i32
        %jit3A_1622 = arith.constant 0 : i32
        %broadcast_in_dim3A_1623 = vector.broadcast %jit3A_1621 : i32 to vector<16xi32>
        %broadcast_in_dim3A_1624 = vector.broadcast %jit3A_1622 : i32 to vector<16xi32>
        %select_n3A_1625 = arith.select %lt3A_1620, %broadcast_in_dim3A_1623, %broadcast_in_dim3A_1624 : vector<16xi1>, vector<16xi32>
        %add3A_1626 = arith.addi %add3A_1617, %select_n3A_1625 : vector<16xi32>
        %add3A_1627 = arith.addi %add3A_1626, %add3A_104 : vector<16xi32>
        %gather3A_1628 = tpu.vector_load_idx %arg6[%add3A_1627] : memref<32768xf32, #tpu.memory_space<vmem>>[vector<16xi32>], vector<16xf32>,
        %lt3A_1629 = arith.cmpf olt, %gather3A_1628, %get3A_1570 : vector<16xf32>
        %jit3A_1630 = arith.constant 256 : i32
        %jit3A_1631 = arith.constant 0 : i32
        %broadcast_in_dim3A_1632 = vector.broadcast %jit3A_1630 : i32 to vector<16xi32>
        %broadcast_in_dim3A_1633 = vector.broadcast %jit3A_1631 : i32 to vector<16xi32>
        %select_n3A_1634 = arith.select %lt3A_1629, %broadcast_in_dim3A_1632, %broadcast_in_dim3A_1633 : vector<16xi1>, vector<16xi32>
        %add3A_1635 = arith.addi %add3A_1626, %select_n3A_1634 : vector<16xi32>
        %add3A_1636 = arith.addi %add3A_1635, %add3A_107 : vector<16xi32>
        %gather3A_1637 = tpu.vector_load_idx %arg6[%add3A_1636] : memref<32768xf32, #tpu.memory_space<vmem>>[vector<16xi32>], vector<16xf32>,
        %lt3A_1638 = arith.cmpf olt, %gather3A_1637, %get3A_1570 : vector<16xf32>
        %jit3A_1639 = arith.constant 128 : i32
        %jit3A_1640 = arith.constant 0 : i32
        %broadcast_in_dim3A_1641 = vector.broadcast %jit3A_1639 : i32 to vector<16xi32>
        %broadcast_in_dim3A_1642 = vector.broadcast %jit3A_1640 : i32 to vector<16xi32>
        %select_n3A_1643 = arith.select %lt3A_1638, %broadcast_in_dim3A_1641, %broadcast_in_dim3A_1642 : vector<16xi1>, vector<16xi32>
        %add3A_1644 = arith.addi %add3A_1635, %select_n3A_1643 : vector<16xi32>
        %add3A_1645 = arith.addi %add3A_1644, %add3A_110 : vector<16xi32>
        %gather3A_1646 = tpu.vector_load_idx %arg6[%add3A_1645] : memref<32768xf32, #tpu.memory_space<vmem>>[vector<16xi32>], vector<16xf32>,
        %lt3A_1647 = arith.cmpf olt, %gather3A_1646, %get3A_1570 : vector<16xf32>
        %jit3A_1648 = arith.constant 64 : i32
        %jit3A_1649 = arith.constant 0 : i32
        %broadcast_in_dim3A_1650 = vector.broadcast %jit3A_1648 : i32 to vector<16xi32>
        %broadcast_in_dim3A_1651 = vector.broadcast %jit3A_1649 : i32 to vector<16xi32>
        %select_n3A_1652 = arith.select %lt3A_1647, %broadcast_in_dim3A_1650, %broadcast_in_dim3A_1651 : vector<16xi1>, vector<16xi32>
        %add3A_1653 = arith.addi %add3A_1644, %select_n3A_1652 : vector<16xi32>
        %add3A_1654 = arith.addi %add3A_1653, %add3A_113 : vector<16xi32>
        %gather3A_1655 = tpu.vector_load_idx %arg6[%add3A_1654] : memref<32768xf32, #tpu.memory_space<vmem>>[vector<16xi32>], vector<16xf32>,
        %lt3A_1656 = arith.cmpf olt, %gather3A_1655, %get3A_1570 : vector<16xf32>
        %jit3A_1657 = arith.constant 32 : i32
        %jit3A_1658 = arith.constant 0 : i32
        %broadcast_in_dim3A_1659 = vector.broadcast %jit3A_1657 : i32 to vector<16xi32>
        %broadcast_in_dim3A_1660 = vector.broadcast %jit3A_1658 : i32 to vector<16xi32>
        %select_n3A_1661 = arith.select %lt3A_1656, %broadcast_in_dim3A_1659, %broadcast_in_dim3A_1660 : vector<16xi1>, vector<16xi32>
        %add3A_1662 = arith.addi %add3A_1653, %select_n3A_1661 : vector<16xi32>
        %add3A_1663 = arith.addi %add3A_1662, %add3A_116 : vector<16xi32>
        %gather3A_1664 = tpu.vector_load_idx %arg6[%add3A_1663] : memref<32768xf32, #tpu.memory_space<vmem>>[vector<16xi32>], vector<16xf32>,
        %lt3A_1665 = arith.cmpf olt, %gather3A_1664, %get3A_1570 : vector<16xf32>
        %jit3A_1666 = arith.constant 16 : i32
        %jit3A_1667 = arith.constant 0 : i32
        %broadcast_in_dim3A_1668 = vector.broadcast %jit3A_1666 : i32 to vector<16xi32>
        %broadcast_in_dim3A_1669 = vector.broadcast %jit3A_1667 : i32 to vector<16xi32>
        %select_n3A_1670 = arith.select %lt3A_1665, %broadcast_in_dim3A_1668, %broadcast_in_dim3A_1669 : vector<16xi1>, vector<16xi32>
        %add3A_1671 = arith.addi %add3A_1662, %select_n3A_1670 : vector<16xi32>
        %sub3A_1672 = arith.constant 16 : i32
        %sub3A_1673 = vector.broadcast %sub3A_1672 : i32 to vector<16xi32>
        %sub3A_1674 = arith.subi %add3A_1671, %sub3A_1673 : vector<16xi32>
        %max3A_1675 = arith.constant 0 : i32
        %max3A_1676 = vector.broadcast %max3A_1675 : i32 to vector<16xi32>
        %max3A_1677 = arith.maxsi %sub3A_1674, %max3A_1676 : vector<16xi32>
        %shift_right_logical3A_1678 = arith.constant 1 : i32
        %shift_right_logical3A_1679 = vector.broadcast %shift_right_logical3A_1678 : i32 to vector<16xi32>
        %shift_right_logical3A_1680 = arith.shrui %max3A_1677, %shift_right_logical3A_1679 : vector<16xi32>
        %add3A_1681 = arith.addi %shift_right_logical3A_1680, %and3A_10 : vector<16xi32>
        %gather3A_1682 = tpu.vector_load_idx %arg7[%add3A_1681] : memref<65536xf32, #tpu.memory_space<vmem>>[vector<16xi32>], vector<16xf32>,
        %add3A_1683 = arith.constant 16384 : i32
        %add3A_1684 = vector.broadcast %add3A_1683 : i32 to vector<16xi32>
        %add3A_1685 = arith.addi %add3A_1681, %add3A_1684 : vector<16xi32>
        %gather3A_1686 = tpu.vector_load_idx %arg7[%add3A_1685] : memref<65536xf32, #tpu.memory_space<vmem>>[vector<16xi32>], vector<16xf32>,
        %add3A_1687 = arith.constant 32768 : i32
        %add3A_1688 = vector.broadcast %add3A_1687 : i32 to vector<16xi32>
        %add3A_1689 = arith.addi %add3A_1681, %add3A_1688 : vector<16xi32>
        %gather3A_1690 = tpu.vector_load_idx %arg7[%add3A_1689] : memref<65536xf32, #tpu.memory_space<vmem>>[vector<16xi32>], vector<16xf32>,
        %add3A_1691 = arith.constant 49152 : i32
        %add3A_1692 = vector.broadcast %add3A_1691 : i32 to vector<16xi32>
        %add3A_1693 = arith.addi %add3A_1681, %add3A_1692 : vector<16xi32>
        %gather3A_1694 = tpu.vector_load_idx %arg7[%add3A_1693] : memref<65536xf32, #tpu.memory_space<vmem>>[vector<16xi32>], vector<16xf32>,
        %mul3A_1695 = arith.mulf %gather3A_1694, %get3A_1570 : vector<16xf32>
        %add3A_1696 = arith.addf %mul3A_1695, %gather3A_1690 : vector<16xf32>
        %mul3A_1697 = arith.mulf %add3A_1696, %get3A_1570 : vector<16xf32>
        %add3A_1698 = arith.addf %mul3A_1697, %gather3A_1686 : vector<16xf32>
        %mul3A_1699 = arith.mulf %add3A_1698, %get3A_1570 : vector<16xf32>
        %add3A_1700 = arith.addf %mul3A_1699, %gather3A_1682 : vector<16xf32>
        %broadcast_in_dim3A_1701 = arith.constant 0 : i32
        %broadcast_in_dim3A_1702 = vector.broadcast %broadcast_in_dim3A_1701 : i32 to vector<16xi32>
        %lt3A_1703 = arith.cmpf olt, %gather3A_56, %get3A_1576 : vector<16xf32>
        %jit3A_1704 = arith.constant 8192 : i32
        %jit3A_1705 = arith.constant 0 : i32
        %broadcast_in_dim3A_1706 = vector.broadcast %jit3A_1704 : i32 to vector<16xi32>
        %broadcast_in_dim3A_1707 = vector.broadcast %jit3A_1705 : i32 to vector<16xi32>
        %select_n3A_1708 = arith.select %lt3A_1703, %broadcast_in_dim3A_1706, %broadcast_in_dim3A_1707 : vector<16xi1>, vector<16xi32>
        %add3A_1709 = arith.addi %broadcast_in_dim3A_1702, %select_n3A_1708 : vector<16xi32>
        %select_n3A_1710 = arith.select %lt3A_1703, %gather3A_62, %gather3A_59 : vector<16xi1>, vector<16xf32>
        %lt3A_1711 = arith.cmpf olt, %select_n3A_1710, %get3A_1576 : vector<16xf32>
        %jit3A_1712 = arith.constant 4096 : i32
        %jit3A_1713 = arith.constant 0 : i32
        %broadcast_in_dim3A_1714 = vector.broadcast %jit3A_1712 : i32 to vector<16xi32>
        %broadcast_in_dim3A_1715 = vector.broadcast %jit3A_1713 : i32 to vector<16xi32>
        %select_n3A_1716 = arith.select %lt3A_1711, %broadcast_in_dim3A_1714, %broadcast_in_dim3A_1715 : vector<16xi1>, vector<16xi32>
        %add3A_1717 = arith.addi %add3A_1709, %select_n3A_1716 : vector<16xi32>
        %select_n3A_1718 = arith.select %lt3A_1711, %gather3A_71, %gather3A_65 : vector<16xi1>, vector<16xf32>
        %select_n3A_1719 = arith.select %lt3A_1711, %gather3A_74, %gather3A_68 : vector<16xi1>, vector<16xf32>
        %select_n3A_1720 = arith.select %lt3A_1703, %select_n3A_1719, %select_n3A_1718 : vector<16xi1>, vector<16xf32>
        %lt3A_1721 = arith.cmpf olt, %select_n3A_1720, %get3A_1576 : vector<16xf32>
        %jit3A_1722 = arith.constant 2048 : i32
        %jit3A_1723 = arith.constant 0 : i32
        %broadcast_in_dim3A_1724 = vector.broadcast %jit3A_1722 : i32 to vector<16xi32>
        %broadcast_in_dim3A_1725 = vector.broadcast %jit3A_1723 : i32 to vector<16xi32>
        %select_n3A_1726 = arith.select %lt3A_1721, %broadcast_in_dim3A_1724, %broadcast_in_dim3A_1725 : vector<16xi1>, vector<16xi32>
        %add3A_1727 = arith.addi %add3A_1717, %select_n3A_1726 : vector<16xi32>
        %select_n3A_1728 = arith.select %lt3A_1721, %gather3A_89, %gather3A_77 : vector<16xi1>, vector<16xf32>
        %select_n3A_1729 = arith.select %lt3A_1721, %gather3A_92, %gather3A_80 : vector<16xi1>, vector<16xf32>
        %select_n3A_1730 = arith.select %lt3A_1721, %gather3A_95, %gather3A_83 : vector<16xi1>, vector<16xf32>
        %select_n3A_1731 = arith.select %lt3A_1721, %gather3A_98, %gather3A_86 : vector<16xi1>, vector<16xf32>
        %select_n3A_1732 = arith.select %lt3A_1711, %select_n3A_1730, %select_n3A_1728 : vector<16xi1>, vector<16xf32>
        %select_n3A_1733 = arith.select %lt3A_1711, %select_n3A_1731, %select_n3A_1729 : vector<16xi1>, vector<16xf32>
        %select_n3A_1734 = arith.select %lt3A_1703, %select_n3A_1733, %select_n3A_1732 : vector<16xi1>, vector<16xf32>
        %lt3A_1735 = arith.cmpf olt, %select_n3A_1734, %get3A_1576 : vector<16xf32>
        %jit3A_1736 = arith.constant 1024 : i32
        %jit3A_1737 = arith.constant 0 : i32
        %broadcast_in_dim3A_1738 = vector.broadcast %jit3A_1736 : i32 to vector<16xi32>
        %broadcast_in_dim3A_1739 = vector.broadcast %jit3A_1737 : i32 to vector<16xi32>
        %select_n3A_1740 = arith.select %lt3A_1735, %broadcast_in_dim3A_1738, %broadcast_in_dim3A_1739 : vector<16xi1>, vector<16xi32>
        %add3A_1741 = arith.addi %add3A_1727, %select_n3A_1740 : vector<16xi32>
        %add3A_1742 = arith.addi %add3A_1741, %add3A_119 : vector<16xi32>
        %gather3A_1743 = tpu.vector_load_idx %arg6[%add3A_1742] : memref<32768xf32, #tpu.memory_space<vmem>>[vector<16xi32>], vector<16xf32>,
        %lt3A_1744 = arith.cmpf olt, %gather3A_1743, %get3A_1576 : vector<16xf32>
        %jit3A_1745 = arith.constant 512 : i32
        %jit3A_1746 = arith.constant 0 : i32
        %broadcast_in_dim3A_1747 = vector.broadcast %jit3A_1745 : i32 to vector<16xi32>
        %broadcast_in_dim3A_1748 = vector.broadcast %jit3A_1746 : i32 to vector<16xi32>
        %select_n3A_1749 = arith.select %lt3A_1744, %broadcast_in_dim3A_1747, %broadcast_in_dim3A_1748 : vector<16xi1>, vector<16xi32>
        %add3A_1750 = arith.addi %add3A_1741, %select_n3A_1749 : vector<16xi32>
        %add3A_1751 = arith.addi %add3A_1750, %add3A_122 : vector<16xi32>
        %gather3A_1752 = tpu.vector_load_idx %arg6[%add3A_1751] : memref<32768xf32, #tpu.memory_space<vmem>>[vector<16xi32>], vector<16xf32>,
        %lt3A_1753 = arith.cmpf olt, %gather3A_1752, %get3A_1576 : vector<16xf32>
        %jit3A_1754 = arith.constant 256 : i32
        %jit3A_1755 = arith.constant 0 : i32
        %broadcast_in_dim3A_1756 = vector.broadcast %jit3A_1754 : i32 to vector<16xi32>
        %broadcast_in_dim3A_1757 = vector.broadcast %jit3A_1755 : i32 to vector<16xi32>
        %select_n3A_1758 = arith.select %lt3A_1753, %broadcast_in_dim3A_1756, %broadcast_in_dim3A_1757 : vector<16xi1>, vector<16xi32>
        %add3A_1759 = arith.addi %add3A_1750, %select_n3A_1758 : vector<16xi32>
        %add3A_1760 = arith.addi %add3A_1759, %add3A_125 : vector<16xi32>
        %gather3A_1761 = tpu.vector_load_idx %arg6[%add3A_1760] : memref<32768xf32, #tpu.memory_space<vmem>>[vector<16xi32>], vector<16xf32>,
        %lt3A_1762 = arith.cmpf olt, %gather3A_1761, %get3A_1576 : vector<16xf32>
        %jit3A_1763 = arith.constant 128 : i32
        %jit3A_1764 = arith.constant 0 : i32
        %broadcast_in_dim3A_1765 = vector.broadcast %jit3A_1763 : i32 to vector<16xi32>
        %broadcast_in_dim3A_1766 = vector.broadcast %jit3A_1764 : i32 to vector<16xi32>
        %select_n3A_1767 = arith.select %lt3A_1762, %broadcast_in_dim3A_1765, %broadcast_in_dim3A_1766 : vector<16xi1>, vector<16xi32>
        %add3A_1768 = arith.addi %add3A_1759, %select_n3A_1767 : vector<16xi32>
        %add3A_1769 = arith.addi %add3A_1768, %add3A_128 : vector<16xi32>
        %gather3A_1770 = tpu.vector_load_idx %arg6[%add3A_1769] : memref<32768xf32, #tpu.memory_space<vmem>>[vector<16xi32>], vector<16xf32>,
        %lt3A_1771 = arith.cmpf olt, %gather3A_1770, %get3A_1576 : vector<16xf32>
        %jit3A_1772 = arith.constant 64 : i32
        %jit3A_1773 = arith.constant 0 : i32
        %broadcast_in_dim3A_1774 = vector.broadcast %jit3A_1772 : i32 to vector<16xi32>
        %broadcast_in_dim3A_1775 = vector.broadcast %jit3A_1773 : i32 to vector<16xi32>
        %select_n3A_1776 = arith.select %lt3A_1771, %broadcast_in_dim3A_1774, %broadcast_in_dim3A_1775 : vector<16xi1>, vector<16xi32>
        %add3A_1777 = arith.addi %add3A_1768, %select_n3A_1776 : vector<16xi32>
        %add3A_1778 = arith.addi %add3A_1777, %add3A_131 : vector<16xi32>
        %gather3A_1779 = tpu.vector_load_idx %arg6[%add3A_1778] : memref<32768xf32, #tpu.memory_space<vmem>>[vector<16xi32>], vector<16xf32>,
        %lt3A_1780 = arith.cmpf olt, %gather3A_1779, %get3A_1576 : vector<16xf32>
        %jit3A_1781 = arith.constant 32 : i32
        %jit3A_1782 = arith.constant 0 : i32
        %broadcast_in_dim3A_1783 = vector.broadcast %jit3A_1781 : i32 to vector<16xi32>
        %broadcast_in_dim3A_1784 = vector.broadcast %jit3A_1782 : i32 to vector<16xi32>
        %select_n3A_1785 = arith.select %lt3A_1780, %broadcast_in_dim3A_1783, %broadcast_in_dim3A_1784 : vector<16xi1>, vector<16xi32>
        %add3A_1786 = arith.addi %add3A_1777, %select_n3A_1785 : vector<16xi32>
        %add3A_1787 = arith.addi %add3A_1786, %add3A_134 : vector<16xi32>
        %gather3A_1788 = tpu.vector_load_idx %arg6[%add3A_1787] : memref<32768xf32, #tpu.memory_space<vmem>>[vector<16xi32>], vector<16xf32>,
        %lt3A_1789 = arith.cmpf olt, %gather3A_1788, %get3A_1576 : vector<16xf32>
        %jit3A_1790 = arith.constant 16 : i32
        %jit3A_1791 = arith.constant 0 : i32
        %broadcast_in_dim3A_1792 = vector.broadcast %jit3A_1790 : i32 to vector<16xi32>
        %broadcast_in_dim3A_1793 = vector.broadcast %jit3A_1791 : i32 to vector<16xi32>
        %select_n3A_1794 = arith.select %lt3A_1789, %broadcast_in_dim3A_1792, %broadcast_in_dim3A_1793 : vector<16xi1>, vector<16xi32>
        %add3A_1795 = arith.addi %add3A_1786, %select_n3A_1794 : vector<16xi32>
        %sub3A_1796 = arith.constant 16 : i32
        %sub3A_1797 = vector.broadcast %sub3A_1796 : i32 to vector<16xi32>
        %sub3A_1798 = arith.subi %add3A_1795, %sub3A_1797 : vector<16xi32>
        %max3A_1799 = arith.constant 0 : i32
        %max3A_1800 = vector.broadcast %max3A_1799 : i32 to vector<16xi32>
        %max3A_1801 = arith.maxsi %sub3A_1798, %max3A_1800 : vector<16xi32>
        %shift_right_logical3A_1802 = arith.constant 1 : i32
        %shift_right_logical3A_1803 = vector.broadcast %shift_right_logical3A_1802 : i32 to vector<16xi32>
        %shift_right_logical3A_1804 = arith.shrui %max3A_1801, %shift_right_logical3A_1803 : vector<16xi32>
        %add3A_1805 = arith.addi %shift_right_logical3A_1804, %add3A_137 : vector<16xi32>
        %gather3A_1806 = tpu.vector_load_idx %arg7[%add3A_1805] : memref<65536xf32, #tpu.memory_space<vmem>>[vector<16xi32>], vector<16xf32>,
        %add3A_1807 = arith.constant 16384 : i32
        %add3A_1808 = vector.broadcast %add3A_1807 : i32 to vector<16xi32>
        %add3A_1809 = arith.addi %add3A_1805, %add3A_1808 : vector<16xi32>
        %gather3A_1810 = tpu.vector_load_idx %arg7[%add3A_1809] : memref<65536xf32, #tpu.memory_space<vmem>>[vector<16xi32>], vector<16xf32>,
        %add3A_1811 = arith.constant 32768 : i32
        %add3A_1812 = vector.broadcast %add3A_1811 : i32 to vector<16xi32>
        %add3A_1813 = arith.addi %add3A_1805, %add3A_1812 : vector<16xi32>
        %gather3A_1814 = tpu.vector_load_idx %arg7[%add3A_1813] : memref<65536xf32, #tpu.memory_space<vmem>>[vector<16xi32>], vector<16xf32>,
        %add3A_1815 = arith.constant 49152 : i32
        %add3A_1816 = vector.broadcast %add3A_1815 : i32 to vector<16xi32>
        %add3A_1817 = arith.addi %add3A_1805, %add3A_1816 : vector<16xi32>
        %gather3A_1818 = tpu.vector_load_idx %arg7[%add3A_1817] : memref<65536xf32, #tpu.memory_space<vmem>>[vector<16xi32>], vector<16xf32>,
        %mul3A_1819 = arith.mulf %gather3A_1818, %get3A_1576 : vector<16xf32>
        %add3A_1820 = arith.addf %mul3A_1819, %gather3A_1814 : vector<16xf32>
        %mul3A_1821 = arith.mulf %add3A_1820, %get3A_1576 : vector<16xf32>
        %add3A_1822 = arith.addf %mul3A_1821, %gather3A_1810 : vector<16xf32>
        %mul3A_1823 = arith.mulf %add3A_1822, %get3A_1576 : vector<16xf32>
        %add3A_1824 = arith.addf %mul3A_1823, %gather3A_1806 : vector<16xf32>
        %mul3A_1825 = arith.mulf %add3A_1700, %add3A_1824 : vector<16xf32>
        %add3A_1826 = arith.constant 80 : i32
        %add3A_1827 = arith.addi %mul3A_243, %add3A_1826 : i32
        %swap3A_1828 = arith.index_cast %add3A_1827 : i32 to index
        %swap3A_1829 = tpu.vector_load %arg10[%swap3A_1828] {strides = array<i32>} : memref<2048xf32, #tpu.memory_space<vmem>>, vector<16xf32>,
        tpu.vector_store %arg10[%swap3A_1828], %mul3A_1825 {strides = array<i32>} : memref<2048xf32, #tpu.memory_space<vmem>>, vector<16xf32>,
        %add3A_1830 = arith.constant 96 : i32
        %add3A_1831 = arith.addi %mul3A_241, %add3A_1830 : i32
        %get3A_1832 = arith.constant 0 : i32
        %get3A_1833 = arith.index_cast %get3A_1832 : i32 to index
        %get3A_1834 = arith.index_cast %add3A_1831 : i32 to index
        %get3A_1835 = tpu.vector_load %arg8[%get3A_1833, %get3A_1834] {strides = array<i32>} : memref<2x2048xf32, #tpu.memory_space<vmem>>, vector<16xf32>,
        %add3A_1836 = arith.constant 96 : i32
        %add3A_1837 = arith.addi %mul3A_241, %add3A_1836 : i32
        %get3A_1838 = arith.constant 1 : i32
        %get3A_1839 = arith.index_cast %get3A_1838 : i32 to index
        %get3A_1840 = arith.index_cast %add3A_1837 : i32 to index
        %get3A_1841 = tpu.vector_load %arg8[%get3A_1839, %get3A_1840] {strides = array<i32>} : memref<2x2048xf32, #tpu.memory_space<vmem>>, vector<16xf32>,
        %broadcast_in_dim3A_1842 = arith.constant 0 : i32
        %broadcast_in_dim3A_1843 = vector.broadcast %broadcast_in_dim3A_1842 : i32 to vector<16xi32>
        %lt3A_1844 = arith.cmpf olt, %gather3A, %get3A_1835 : vector<16xf32>
        %jit3A_1845 = arith.constant 8192 : i32
        %jit3A_1846 = arith.constant 0 : i32
        %broadcast_in_dim3A_1847 = vector.broadcast %jit3A_1845 : i32 to vector<16xi32>
        %broadcast_in_dim3A_1848 = vector.broadcast %jit3A_1846 : i32 to vector<16xi32>
        %select_n3A_1849 = arith.select %lt3A_1844, %broadcast_in_dim3A_1847, %broadcast_in_dim3A_1848 : vector<16xi1>, vector<16xi32>
        %add3A_1850 = arith.addi %broadcast_in_dim3A_1843, %select_n3A_1849 : vector<16xi32>
        %select_n3A_1851 = arith.select %lt3A_1844, %gather3A_17, %gather3A_14 : vector<16xi1>, vector<16xf32>
        %lt3A_1852 = arith.cmpf olt, %select_n3A_1851, %get3A_1835 : vector<16xf32>
        %jit3A_1853 = arith.constant 4096 : i32
        %jit3A_1854 = arith.constant 0 : i32
        %broadcast_in_dim3A_1855 = vector.broadcast %jit3A_1853 : i32 to vector<16xi32>
        %broadcast_in_dim3A_1856 = vector.broadcast %jit3A_1854 : i32 to vector<16xi32>
        %select_n3A_1857 = arith.select %lt3A_1852, %broadcast_in_dim3A_1855, %broadcast_in_dim3A_1856 : vector<16xi1>, vector<16xi32>
        %add3A_1858 = arith.addi %add3A_1850, %select_n3A_1857 : vector<16xi32>
        %select_n3A_1859 = arith.select %lt3A_1852, %gather3A_26, %gather3A_20 : vector<16xi1>, vector<16xf32>
        %select_n3A_1860 = arith.select %lt3A_1852, %gather3A_29, %gather3A_23 : vector<16xi1>, vector<16xf32>
        %select_n3A_1861 = arith.select %lt3A_1844, %select_n3A_1860, %select_n3A_1859 : vector<16xi1>, vector<16xf32>
        %lt3A_1862 = arith.cmpf olt, %select_n3A_1861, %get3A_1835 : vector<16xf32>
        %jit3A_1863 = arith.constant 2048 : i32
        %jit3A_1864 = arith.constant 0 : i32
        %broadcast_in_dim3A_1865 = vector.broadcast %jit3A_1863 : i32 to vector<16xi32>
        %broadcast_in_dim3A_1866 = vector.broadcast %jit3A_1864 : i32 to vector<16xi32>
        %select_n3A_1867 = arith.select %lt3A_1862, %broadcast_in_dim3A_1865, %broadcast_in_dim3A_1866 : vector<16xi1>, vector<16xi32>
        %add3A_1868 = arith.addi %add3A_1858, %select_n3A_1867 : vector<16xi32>
        %select_n3A_1869 = arith.select %lt3A_1862, %gather3A_44, %gather3A_32 : vector<16xi1>, vector<16xf32>
        %select_n3A_1870 = arith.select %lt3A_1862, %gather3A_47, %gather3A_35 : vector<16xi1>, vector<16xf32>
        %select_n3A_1871 = arith.select %lt3A_1862, %gather3A_50, %gather3A_38 : vector<16xi1>, vector<16xf32>
        %select_n3A_1872 = arith.select %lt3A_1862, %gather3A_53, %gather3A_41 : vector<16xi1>, vector<16xf32>
        %select_n3A_1873 = arith.select %lt3A_1852, %select_n3A_1871, %select_n3A_1869 : vector<16xi1>, vector<16xf32>
        %select_n3A_1874 = arith.select %lt3A_1852, %select_n3A_1872, %select_n3A_1870 : vector<16xi1>, vector<16xf32>
        %select_n3A_1875 = arith.select %lt3A_1844, %select_n3A_1874, %select_n3A_1873 : vector<16xi1>, vector<16xf32>
        %lt3A_1876 = arith.cmpf olt, %select_n3A_1875, %get3A_1835 : vector<16xf32>
        %jit3A_1877 = arith.constant 1024 : i32
        %jit3A_1878 = arith.constant 0 : i32
        %broadcast_in_dim3A_1879 = vector.broadcast %jit3A_1877 : i32 to vector<16xi32>
        %broadcast_in_dim3A_1880 = vector.broadcast %jit3A_1878 : i32 to vector<16xi32>
        %select_n3A_1881 = arith.select %lt3A_1876, %broadcast_in_dim3A_1879, %broadcast_in_dim3A_1880 : vector<16xi1>, vector<16xi32>
        %add3A_1882 = arith.addi %add3A_1868, %select_n3A_1881 : vector<16xi32>
        %add3A_1883 = arith.addi %add3A_1882, %add3A_101 : vector<16xi32>
        %gather3A_1884 = tpu.vector_load_idx %arg6[%add3A_1883] : memref<32768xf32, #tpu.memory_space<vmem>>[vector<16xi32>], vector<16xf32>,
        %lt3A_1885 = arith.cmpf olt, %gather3A_1884, %get3A_1835 : vector<16xf32>
        %jit3A_1886 = arith.constant 512 : i32
        %jit3A_1887 = arith.constant 0 : i32
        %broadcast_in_dim3A_1888 = vector.broadcast %jit3A_1886 : i32 to vector<16xi32>
        %broadcast_in_dim3A_1889 = vector.broadcast %jit3A_1887 : i32 to vector<16xi32>
        %select_n3A_1890 = arith.select %lt3A_1885, %broadcast_in_dim3A_1888, %broadcast_in_dim3A_1889 : vector<16xi1>, vector<16xi32>
        %add3A_1891 = arith.addi %add3A_1882, %select_n3A_1890 : vector<16xi32>
        %add3A_1892 = arith.addi %add3A_1891, %add3A_104 : vector<16xi32>
        %gather3A_1893 = tpu.vector_load_idx %arg6[%add3A_1892] : memref<32768xf32, #tpu.memory_space<vmem>>[vector<16xi32>], vector<16xf32>,
        %lt3A_1894 = arith.cmpf olt, %gather3A_1893, %get3A_1835 : vector<16xf32>
        %jit3A_1895 = arith.constant 256 : i32
        %jit3A_1896 = arith.constant 0 : i32
        %broadcast_in_dim3A_1897 = vector.broadcast %jit3A_1895 : i32 to vector<16xi32>
        %broadcast_in_dim3A_1898 = vector.broadcast %jit3A_1896 : i32 to vector<16xi32>
        %select_n3A_1899 = arith.select %lt3A_1894, %broadcast_in_dim3A_1897, %broadcast_in_dim3A_1898 : vector<16xi1>, vector<16xi32>
        %add3A_1900 = arith.addi %add3A_1891, %select_n3A_1899 : vector<16xi32>
        %add3A_1901 = arith.addi %add3A_1900, %add3A_107 : vector<16xi32>
        %gather3A_1902 = tpu.vector_load_idx %arg6[%add3A_1901] : memref<32768xf32, #tpu.memory_space<vmem>>[vector<16xi32>], vector<16xf32>,
        %lt3A_1903 = arith.cmpf olt, %gather3A_1902, %get3A_1835 : vector<16xf32>
        %jit3A_1904 = arith.constant 128 : i32
        %jit3A_1905 = arith.constant 0 : i32
        %broadcast_in_dim3A_1906 = vector.broadcast %jit3A_1904 : i32 to vector<16xi32>
        %broadcast_in_dim3A_1907 = vector.broadcast %jit3A_1905 : i32 to vector<16xi32>
        %select_n3A_1908 = arith.select %lt3A_1903, %broadcast_in_dim3A_1906, %broadcast_in_dim3A_1907 : vector<16xi1>, vector<16xi32>
        %add3A_1909 = arith.addi %add3A_1900, %select_n3A_1908 : vector<16xi32>
        %add3A_1910 = arith.addi %add3A_1909, %add3A_110 : vector<16xi32>
        %gather3A_1911 = tpu.vector_load_idx %arg6[%add3A_1910] : memref<32768xf32, #tpu.memory_space<vmem>>[vector<16xi32>], vector<16xf32>,
        %lt3A_1912 = arith.cmpf olt, %gather3A_1911, %get3A_1835 : vector<16xf32>
        %jit3A_1913 = arith.constant 64 : i32
        %jit3A_1914 = arith.constant 0 : i32
        %broadcast_in_dim3A_1915 = vector.broadcast %jit3A_1913 : i32 to vector<16xi32>
        %broadcast_in_dim3A_1916 = vector.broadcast %jit3A_1914 : i32 to vector<16xi32>
        %select_n3A_1917 = arith.select %lt3A_1912, %broadcast_in_dim3A_1915, %broadcast_in_dim3A_1916 : vector<16xi1>, vector<16xi32>
        %add3A_1918 = arith.addi %add3A_1909, %select_n3A_1917 : vector<16xi32>
        %add3A_1919 = arith.addi %add3A_1918, %add3A_113 : vector<16xi32>
        %gather3A_1920 = tpu.vector_load_idx %arg6[%add3A_1919] : memref<32768xf32, #tpu.memory_space<vmem>>[vector<16xi32>], vector<16xf32>,
        %lt3A_1921 = arith.cmpf olt, %gather3A_1920, %get3A_1835 : vector<16xf32>
        %jit3A_1922 = arith.constant 32 : i32
        %jit3A_1923 = arith.constant 0 : i32
        %broadcast_in_dim3A_1924 = vector.broadcast %jit3A_1922 : i32 to vector<16xi32>
        %broadcast_in_dim3A_1925 = vector.broadcast %jit3A_1923 : i32 to vector<16xi32>
        %select_n3A_1926 = arith.select %lt3A_1921, %broadcast_in_dim3A_1924, %broadcast_in_dim3A_1925 : vector<16xi1>, vector<16xi32>
        %add3A_1927 = arith.addi %add3A_1918, %select_n3A_1926 : vector<16xi32>
        %add3A_1928 = arith.addi %add3A_1927, %add3A_116 : vector<16xi32>
        %gather3A_1929 = tpu.vector_load_idx %arg6[%add3A_1928] : memref<32768xf32, #tpu.memory_space<vmem>>[vector<16xi32>], vector<16xf32>,
        %lt3A_1930 = arith.cmpf olt, %gather3A_1929, %get3A_1835 : vector<16xf32>
        %jit3A_1931 = arith.constant 16 : i32
        %jit3A_1932 = arith.constant 0 : i32
        %broadcast_in_dim3A_1933 = vector.broadcast %jit3A_1931 : i32 to vector<16xi32>
        %broadcast_in_dim3A_1934 = vector.broadcast %jit3A_1932 : i32 to vector<16xi32>
        %select_n3A_1935 = arith.select %lt3A_1930, %broadcast_in_dim3A_1933, %broadcast_in_dim3A_1934 : vector<16xi1>, vector<16xi32>
        %add3A_1936 = arith.addi %add3A_1927, %select_n3A_1935 : vector<16xi32>
        %sub3A_1937 = arith.constant 16 : i32
        %sub3A_1938 = vector.broadcast %sub3A_1937 : i32 to vector<16xi32>
        %sub3A_1939 = arith.subi %add3A_1936, %sub3A_1938 : vector<16xi32>
        %max3A_1940 = arith.constant 0 : i32
        %max3A_1941 = vector.broadcast %max3A_1940 : i32 to vector<16xi32>
        %max3A_1942 = arith.maxsi %sub3A_1939, %max3A_1941 : vector<16xi32>
        %shift_right_logical3A_1943 = arith.constant 1 : i32
        %shift_right_logical3A_1944 = vector.broadcast %shift_right_logical3A_1943 : i32 to vector<16xi32>
        %shift_right_logical3A_1945 = arith.shrui %max3A_1942, %shift_right_logical3A_1944 : vector<16xi32>
        %add3A_1946 = arith.addi %shift_right_logical3A_1945, %and3A_10 : vector<16xi32>
        %gather3A_1947 = tpu.vector_load_idx %arg7[%add3A_1946] : memref<65536xf32, #tpu.memory_space<vmem>>[vector<16xi32>], vector<16xf32>,
        %add3A_1948 = arith.constant 16384 : i32
        %add3A_1949 = vector.broadcast %add3A_1948 : i32 to vector<16xi32>
        %add3A_1950 = arith.addi %add3A_1946, %add3A_1949 : vector<16xi32>
        %gather3A_1951 = tpu.vector_load_idx %arg7[%add3A_1950] : memref<65536xf32, #tpu.memory_space<vmem>>[vector<16xi32>], vector<16xf32>,
        %add3A_1952 = arith.constant 32768 : i32
        %add3A_1953 = vector.broadcast %add3A_1952 : i32 to vector<16xi32>
        %add3A_1954 = arith.addi %add3A_1946, %add3A_1953 : vector<16xi32>
        %gather3A_1955 = tpu.vector_load_idx %arg7[%add3A_1954] : memref<65536xf32, #tpu.memory_space<vmem>>[vector<16xi32>], vector<16xf32>,
        %add3A_1956 = arith.constant 49152 : i32
        %add3A_1957 = vector.broadcast %add3A_1956 : i32 to vector<16xi32>
        %add3A_1958 = arith.addi %add3A_1946, %add3A_1957 : vector<16xi32>
        %gather3A_1959 = tpu.vector_load_idx %arg7[%add3A_1958] : memref<65536xf32, #tpu.memory_space<vmem>>[vector<16xi32>], vector<16xf32>,
        %mul3A_1960 = arith.mulf %gather3A_1959, %get3A_1835 : vector<16xf32>
        %add3A_1961 = arith.addf %mul3A_1960, %gather3A_1955 : vector<16xf32>
        %mul3A_1962 = arith.mulf %add3A_1961, %get3A_1835 : vector<16xf32>
        %add3A_1963 = arith.addf %mul3A_1962, %gather3A_1951 : vector<16xf32>
        %mul3A_1964 = arith.mulf %add3A_1963, %get3A_1835 : vector<16xf32>
        %add3A_1965 = arith.addf %mul3A_1964, %gather3A_1947 : vector<16xf32>
        %broadcast_in_dim3A_1966 = arith.constant 0 : i32
        %broadcast_in_dim3A_1967 = vector.broadcast %broadcast_in_dim3A_1966 : i32 to vector<16xi32>
        %lt3A_1968 = arith.cmpf olt, %gather3A_56, %get3A_1841 : vector<16xf32>
        %jit3A_1969 = arith.constant 8192 : i32
        %jit3A_1970 = arith.constant 0 : i32
        %broadcast_in_dim3A_1971 = vector.broadcast %jit3A_1969 : i32 to vector<16xi32>
        %broadcast_in_dim3A_1972 = vector.broadcast %jit3A_1970 : i32 to vector<16xi32>
        %select_n3A_1973 = arith.select %lt3A_1968, %broadcast_in_dim3A_1971, %broadcast_in_dim3A_1972 : vector<16xi1>, vector<16xi32>
        %add3A_1974 = arith.addi %broadcast_in_dim3A_1967, %select_n3A_1973 : vector<16xi32>
        %select_n3A_1975 = arith.select %lt3A_1968, %gather3A_62, %gather3A_59 : vector<16xi1>, vector<16xf32>
        %lt3A_1976 = arith.cmpf olt, %select_n3A_1975, %get3A_1841 : vector<16xf32>
        %jit3A_1977 = arith.constant 4096 : i32
        %jit3A_1978 = arith.constant 0 : i32
        %broadcast_in_dim3A_1979 = vector.broadcast %jit3A_1977 : i32 to vector<16xi32>
        %broadcast_in_dim3A_1980 = vector.broadcast %jit3A_1978 : i32 to vector<16xi32>
        %select_n3A_1981 = arith.select %lt3A_1976, %broadcast_in_dim3A_1979, %broadcast_in_dim3A_1980 : vector<16xi1>, vector<16xi32>
        %add3A_1982 = arith.addi %add3A_1974, %select_n3A_1981 : vector<16xi32>
        %select_n3A_1983 = arith.select %lt3A_1976, %gather3A_71, %gather3A_65 : vector<16xi1>, vector<16xf32>
        %select_n3A_1984 = arith.select %lt3A_1976, %gather3A_74, %gather3A_68 : vector<16xi1>, vector<16xf32>
        %select_n3A_1985 = arith.select %lt3A_1968, %select_n3A_1984, %select_n3A_1983 : vector<16xi1>, vector<16xf32>
        %lt3A_1986 = arith.cmpf olt, %select_n3A_1985, %get3A_1841 : vector<16xf32>
        %jit3A_1987 = arith.constant 2048 : i32
        %jit3A_1988 = arith.constant 0 : i32
        %broadcast_in_dim3A_1989 = vector.broadcast %jit3A_1987 : i32 to vector<16xi32>
        %broadcast_in_dim3A_1990 = vector.broadcast %jit3A_1988 : i32 to vector<16xi32>
        %select_n3A_1991 = arith.select %lt3A_1986, %broadcast_in_dim3A_1989, %broadcast_in_dim3A_1990 : vector<16xi1>, vector<16xi32>
        %add3A_1992 = arith.addi %add3A_1982, %select_n3A_1991 : vector<16xi32>
        %select_n3A_1993 = arith.select %lt3A_1986, %gather3A_89, %gather3A_77 : vector<16xi1>, vector<16xf32>
        %select_n3A_1994 = arith.select %lt3A_1986, %gather3A_92, %gather3A_80 : vector<16xi1>, vector<16xf32>
        %select_n3A_1995 = arith.select %lt3A_1986, %gather3A_95, %gather3A_83 : vector<16xi1>, vector<16xf32>
        %select_n3A_1996 = arith.select %lt3A_1986, %gather3A_98, %gather3A_86 : vector<16xi1>, vector<16xf32>
        %select_n3A_1997 = arith.select %lt3A_1976, %select_n3A_1995, %select_n3A_1993 : vector<16xi1>, vector<16xf32>
        %select_n3A_1998 = arith.select %lt3A_1976, %select_n3A_1996, %select_n3A_1994 : vector<16xi1>, vector<16xf32>
        %select_n3A_1999 = arith.select %lt3A_1968, %select_n3A_1998, %select_n3A_1997 : vector<16xi1>, vector<16xf32>
        %lt3A_2000 = arith.cmpf olt, %select_n3A_1999, %get3A_1841 : vector<16xf32>
        %jit3A_2001 = arith.constant 1024 : i32
        %jit3A_2002 = arith.constant 0 : i32
        %broadcast_in_dim3A_2003 = vector.broadcast %jit3A_2001 : i32 to vector<16xi32>
        %broadcast_in_dim3A_2004 = vector.broadcast %jit3A_2002 : i32 to vector<16xi32>
        %select_n3A_2005 = arith.select %lt3A_2000, %broadcast_in_dim3A_2003, %broadcast_in_dim3A_2004 : vector<16xi1>, vector<16xi32>
        %add3A_2006 = arith.addi %add3A_1992, %select_n3A_2005 : vector<16xi32>
        %add3A_2007 = arith.addi %add3A_2006, %add3A_119 : vector<16xi32>
        %gather3A_2008 = tpu.vector_load_idx %arg6[%add3A_2007] : memref<32768xf32, #tpu.memory_space<vmem>>[vector<16xi32>], vector<16xf32>,
        %lt3A_2009 = arith.cmpf olt, %gather3A_2008, %get3A_1841 : vector<16xf32>
        %jit3A_2010 = arith.constant 512 : i32
        %jit3A_2011 = arith.constant 0 : i32
        %broadcast_in_dim3A_2012 = vector.broadcast %jit3A_2010 : i32 to vector<16xi32>
        %broadcast_in_dim3A_2013 = vector.broadcast %jit3A_2011 : i32 to vector<16xi32>
        %select_n3A_2014 = arith.select %lt3A_2009, %broadcast_in_dim3A_2012, %broadcast_in_dim3A_2013 : vector<16xi1>, vector<16xi32>
        %add3A_2015 = arith.addi %add3A_2006, %select_n3A_2014 : vector<16xi32>
        %add3A_2016 = arith.addi %add3A_2015, %add3A_122 : vector<16xi32>
        %gather3A_2017 = tpu.vector_load_idx %arg6[%add3A_2016] : memref<32768xf32, #tpu.memory_space<vmem>>[vector<16xi32>], vector<16xf32>,
        %lt3A_2018 = arith.cmpf olt, %gather3A_2017, %get3A_1841 : vector<16xf32>
        %jit3A_2019 = arith.constant 256 : i32
        %jit3A_2020 = arith.constant 0 : i32
        %broadcast_in_dim3A_2021 = vector.broadcast %jit3A_2019 : i32 to vector<16xi32>
        %broadcast_in_dim3A_2022 = vector.broadcast %jit3A_2020 : i32 to vector<16xi32>
        %select_n3A_2023 = arith.select %lt3A_2018, %broadcast_in_dim3A_2021, %broadcast_in_dim3A_2022 : vector<16xi1>, vector<16xi32>
        %add3A_2024 = arith.addi %add3A_2015, %select_n3A_2023 : vector<16xi32>
        %add3A_2025 = arith.addi %add3A_2024, %add3A_125 : vector<16xi32>
        %gather3A_2026 = tpu.vector_load_idx %arg6[%add3A_2025] : memref<32768xf32, #tpu.memory_space<vmem>>[vector<16xi32>], vector<16xf32>,
        %lt3A_2027 = arith.cmpf olt, %gather3A_2026, %get3A_1841 : vector<16xf32>
        %jit3A_2028 = arith.constant 128 : i32
        %jit3A_2029 = arith.constant 0 : i32
        %broadcast_in_dim3A_2030 = vector.broadcast %jit3A_2028 : i32 to vector<16xi32>
        %broadcast_in_dim3A_2031 = vector.broadcast %jit3A_2029 : i32 to vector<16xi32>
        %select_n3A_2032 = arith.select %lt3A_2027, %broadcast_in_dim3A_2030, %broadcast_in_dim3A_2031 : vector<16xi1>, vector<16xi32>
        %add3A_2033 = arith.addi %add3A_2024, %select_n3A_2032 : vector<16xi32>
        %add3A_2034 = arith.addi %add3A_2033, %add3A_128 : vector<16xi32>
        %gather3A_2035 = tpu.vector_load_idx %arg6[%add3A_2034] : memref<32768xf32, #tpu.memory_space<vmem>>[vector<16xi32>], vector<16xf32>,
        %lt3A_2036 = arith.cmpf olt, %gather3A_2035, %get3A_1841 : vector<16xf32>
        %jit3A_2037 = arith.constant 64 : i32
        %jit3A_2038 = arith.constant 0 : i32
        %broadcast_in_dim3A_2039 = vector.broadcast %jit3A_2037 : i32 to vector<16xi32>
        %broadcast_in_dim3A_2040 = vector.broadcast %jit3A_2038 : i32 to vector<16xi32>
        %select_n3A_2041 = arith.select %lt3A_2036, %broadcast_in_dim3A_2039, %broadcast_in_dim3A_2040 : vector<16xi1>, vector<16xi32>
        %add3A_2042 = arith.addi %add3A_2033, %select_n3A_2041 : vector<16xi32>
        %add3A_2043 = arith.addi %add3A_2042, %add3A_131 : vector<16xi32>
        %gather3A_2044 = tpu.vector_load_idx %arg6[%add3A_2043] : memref<32768xf32, #tpu.memory_space<vmem>>[vector<16xi32>], vector<16xf32>,
        %lt3A_2045 = arith.cmpf olt, %gather3A_2044, %get3A_1841 : vector<16xf32>
        %jit3A_2046 = arith.constant 32 : i32
        %jit3A_2047 = arith.constant 0 : i32
        %broadcast_in_dim3A_2048 = vector.broadcast %jit3A_2046 : i32 to vector<16xi32>
        %broadcast_in_dim3A_2049 = vector.broadcast %jit3A_2047 : i32 to vector<16xi32>
        %select_n3A_2050 = arith.select %lt3A_2045, %broadcast_in_dim3A_2048, %broadcast_in_dim3A_2049 : vector<16xi1>, vector<16xi32>
        %add3A_2051 = arith.addi %add3A_2042, %select_n3A_2050 : vector<16xi32>
        %add3A_2052 = arith.addi %add3A_2051, %add3A_134 : vector<16xi32>
        %gather3A_2053 = tpu.vector_load_idx %arg6[%add3A_2052] : memref<32768xf32, #tpu.memory_space<vmem>>[vector<16xi32>], vector<16xf32>,
        %lt3A_2054 = arith.cmpf olt, %gather3A_2053, %get3A_1841 : vector<16xf32>
        %jit3A_2055 = arith.constant 16 : i32
        %jit3A_2056 = arith.constant 0 : i32
        %broadcast_in_dim3A_2057 = vector.broadcast %jit3A_2055 : i32 to vector<16xi32>
        %broadcast_in_dim3A_2058 = vector.broadcast %jit3A_2056 : i32 to vector<16xi32>
        %select_n3A_2059 = arith.select %lt3A_2054, %broadcast_in_dim3A_2057, %broadcast_in_dim3A_2058 : vector<16xi1>, vector<16xi32>
        %add3A_2060 = arith.addi %add3A_2051, %select_n3A_2059 : vector<16xi32>
        %sub3A_2061 = arith.constant 16 : i32
        %sub3A_2062 = vector.broadcast %sub3A_2061 : i32 to vector<16xi32>
        %sub3A_2063 = arith.subi %add3A_2060, %sub3A_2062 : vector<16xi32>
        %max3A_2064 = arith.constant 0 : i32
        %max3A_2065 = vector.broadcast %max3A_2064 : i32 to vector<16xi32>
        %max3A_2066 = arith.maxsi %sub3A_2063, %max3A_2065 : vector<16xi32>
        %shift_right_logical3A_2067 = arith.constant 1 : i32
        %shift_right_logical3A_2068 = vector.broadcast %shift_right_logical3A_2067 : i32 to vector<16xi32>
        %shift_right_logical3A_2069 = arith.shrui %max3A_2066, %shift_right_logical3A_2068 : vector<16xi32>
        %add3A_2070 = arith.addi %shift_right_logical3A_2069, %add3A_137 : vector<16xi32>
        %gather3A_2071 = tpu.vector_load_idx %arg7[%add3A_2070] : memref<65536xf32, #tpu.memory_space<vmem>>[vector<16xi32>], vector<16xf32>,
        %add3A_2072 = arith.constant 16384 : i32
        %add3A_2073 = vector.broadcast %add3A_2072 : i32 to vector<16xi32>
        %add3A_2074 = arith.addi %add3A_2070, %add3A_2073 : vector<16xi32>
        %gather3A_2075 = tpu.vector_load_idx %arg7[%add3A_2074] : memref<65536xf32, #tpu.memory_space<vmem>>[vector<16xi32>], vector<16xf32>,
        %add3A_2076 = arith.constant 32768 : i32
        %add3A_2077 = vector.broadcast %add3A_2076 : i32 to vector<16xi32>
        %add3A_2078 = arith.addi %add3A_2070, %add3A_2077 : vector<16xi32>
        %gather3A_2079 = tpu.vector_load_idx %arg7[%add3A_2078] : memref<65536xf32, #tpu.memory_space<vmem>>[vector<16xi32>], vector<16xf32>,
        %add3A_2080 = arith.constant 49152 : i32
        %add3A_2081 = vector.broadcast %add3A_2080 : i32 to vector<16xi32>
        %add3A_2082 = arith.addi %add3A_2070, %add3A_2081 : vector<16xi32>
        %gather3A_2083 = tpu.vector_load_idx %arg7[%add3A_2082] : memref<65536xf32, #tpu.memory_space<vmem>>[vector<16xi32>], vector<16xf32>,
        %mul3A_2084 = arith.mulf %gather3A_2083, %get3A_1841 : vector<16xf32>
        %add3A_2085 = arith.addf %mul3A_2084, %gather3A_2079 : vector<16xf32>
        %mul3A_2086 = arith.mulf %add3A_2085, %get3A_1841 : vector<16xf32>
        %add3A_2087 = arith.addf %mul3A_2086, %gather3A_2075 : vector<16xf32>
        %mul3A_2088 = arith.mulf %add3A_2087, %get3A_1841 : vector<16xf32>
        %add3A_2089 = arith.addf %mul3A_2088, %gather3A_2071 : vector<16xf32>
        %mul3A_2090 = arith.mulf %add3A_1965, %add3A_2089 : vector<16xf32>
        %add3A_2091 = arith.constant 96 : i32
        %add3A_2092 = arith.addi %mul3A_243, %add3A_2091 : i32
        %swap3A_2093 = arith.index_cast %add3A_2092 : i32 to index
        %swap3A_2094 = tpu.vector_load %arg10[%swap3A_2093] {strides = array<i32>} : memref<2048xf32, #tpu.memory_space<vmem>>, vector<16xf32>,
        tpu.vector_store %arg10[%swap3A_2093], %mul3A_2090 {strides = array<i32>} : memref<2048xf32, #tpu.memory_space<vmem>>, vector<16xf32>,
        %add3A_2095 = arith.constant 112 : i32
        %add3A_2096 = arith.addi %mul3A_241, %add3A_2095 : i32
        %get3A_2097 = arith.constant 0 : i32
        %get3A_2098 = arith.index_cast %get3A_2097 : i32 to index
        %get3A_2099 = arith.index_cast %add3A_2096 : i32 to index
        %get3A_2100 = tpu.vector_load %arg8[%get3A_2098, %get3A_2099] {strides = array<i32>} : memref<2x2048xf32, #tpu.memory_space<vmem>>, vector<16xf32>,
        %add3A_2101 = arith.constant 112 : i32
        %add3A_2102 = arith.addi %mul3A_241, %add3A_2101 : i32
        %get3A_2103 = arith.constant 1 : i32
        %get3A_2104 = arith.index_cast %get3A_2103 : i32 to index
        %get3A_2105 = arith.index_cast %add3A_2102 : i32 to index
        %get3A_2106 = tpu.vector_load %arg8[%get3A_2104, %get3A_2105] {strides = array<i32>} : memref<2x2048xf32, #tpu.memory_space<vmem>>, vector<16xf32>,
        %broadcast_in_dim3A_2107 = arith.constant 0 : i32
        %broadcast_in_dim3A_2108 = vector.broadcast %broadcast_in_dim3A_2107 : i32 to vector<16xi32>
        %lt3A_2109 = arith.cmpf olt, %gather3A, %get3A_2100 : vector<16xf32>
        %jit3A_2110 = arith.constant 8192 : i32
        %jit3A_2111 = arith.constant 0 : i32
        %broadcast_in_dim3A_2112 = vector.broadcast %jit3A_2110 : i32 to vector<16xi32>
        %broadcast_in_dim3A_2113 = vector.broadcast %jit3A_2111 : i32 to vector<16xi32>
        %select_n3A_2114 = arith.select %lt3A_2109, %broadcast_in_dim3A_2112, %broadcast_in_dim3A_2113 : vector<16xi1>, vector<16xi32>
        %add3A_2115 = arith.addi %broadcast_in_dim3A_2108, %select_n3A_2114 : vector<16xi32>
        %select_n3A_2116 = arith.select %lt3A_2109, %gather3A_17, %gather3A_14 : vector<16xi1>, vector<16xf32>
        %lt3A_2117 = arith.cmpf olt, %select_n3A_2116, %get3A_2100 : vector<16xf32>
        %jit3A_2118 = arith.constant 4096 : i32
        %jit3A_2119 = arith.constant 0 : i32
        %broadcast_in_dim3A_2120 = vector.broadcast %jit3A_2118 : i32 to vector<16xi32>
        %broadcast_in_dim3A_2121 = vector.broadcast %jit3A_2119 : i32 to vector<16xi32>
        %select_n3A_2122 = arith.select %lt3A_2117, %broadcast_in_dim3A_2120, %broadcast_in_dim3A_2121 : vector<16xi1>, vector<16xi32>
        %add3A_2123 = arith.addi %add3A_2115, %select_n3A_2122 : vector<16xi32>
        %select_n3A_2124 = arith.select %lt3A_2117, %gather3A_26, %gather3A_20 : vector<16xi1>, vector<16xf32>
        %select_n3A_2125 = arith.select %lt3A_2117, %gather3A_29, %gather3A_23 : vector<16xi1>, vector<16xf32>
        %select_n3A_2126 = arith.select %lt3A_2109, %select_n3A_2125, %select_n3A_2124 : vector<16xi1>, vector<16xf32>
        %lt3A_2127 = arith.cmpf olt, %select_n3A_2126, %get3A_2100 : vector<16xf32>
        %jit3A_2128 = arith.constant 2048 : i32
        %jit3A_2129 = arith.constant 0 : i32
        %broadcast_in_dim3A_2130 = vector.broadcast %jit3A_2128 : i32 to vector<16xi32>
        %broadcast_in_dim3A_2131 = vector.broadcast %jit3A_2129 : i32 to vector<16xi32>
        %select_n3A_2132 = arith.select %lt3A_2127, %broadcast_in_dim3A_2130, %broadcast_in_dim3A_2131 : vector<16xi1>, vector<16xi32>
        %add3A_2133 = arith.addi %add3A_2123, %select_n3A_2132 : vector<16xi32>
        %select_n3A_2134 = arith.select %lt3A_2127, %gather3A_44, %gather3A_32 : vector<16xi1>, vector<16xf32>
        %select_n3A_2135 = arith.select %lt3A_2127, %gather3A_47, %gather3A_35 : vector<16xi1>, vector<16xf32>
        %select_n3A_2136 = arith.select %lt3A_2127, %gather3A_50, %gather3A_38 : vector<16xi1>, vector<16xf32>
        %select_n3A_2137 = arith.select %lt3A_2127, %gather3A_53, %gather3A_41 : vector<16xi1>, vector<16xf32>
        %select_n3A_2138 = arith.select %lt3A_2117, %select_n3A_2136, %select_n3A_2134 : vector<16xi1>, vector<16xf32>
        %select_n3A_2139 = arith.select %lt3A_2117, %select_n3A_2137, %select_n3A_2135 : vector<16xi1>, vector<16xf32>
        %select_n3A_2140 = arith.select %lt3A_2109, %select_n3A_2139, %select_n3A_2138 : vector<16xi1>, vector<16xf32>
        %lt3A_2141 = arith.cmpf olt, %select_n3A_2140, %get3A_2100 : vector<16xf32>
        %jit3A_2142 = arith.constant 1024 : i32
        %jit3A_2143 = arith.constant 0 : i32
        %broadcast_in_dim3A_2144 = vector.broadcast %jit3A_2142 : i32 to vector<16xi32>
        %broadcast_in_dim3A_2145 = vector.broadcast %jit3A_2143 : i32 to vector<16xi32>
        %select_n3A_2146 = arith.select %lt3A_2141, %broadcast_in_dim3A_2144, %broadcast_in_dim3A_2145 : vector<16xi1>, vector<16xi32>
        %add3A_2147 = arith.addi %add3A_2133, %select_n3A_2146 : vector<16xi32>
        %add3A_2148 = arith.addi %add3A_2147, %add3A_101 : vector<16xi32>
        %gather3A_2149 = tpu.vector_load_idx %arg6[%add3A_2148] : memref<32768xf32, #tpu.memory_space<vmem>>[vector<16xi32>], vector<16xf32>,
        %lt3A_2150 = arith.cmpf olt, %gather3A_2149, %get3A_2100 : vector<16xf32>
        %jit3A_2151 = arith.constant 512 : i32
        %jit3A_2152 = arith.constant 0 : i32
        %broadcast_in_dim3A_2153 = vector.broadcast %jit3A_2151 : i32 to vector<16xi32>
        %broadcast_in_dim3A_2154 = vector.broadcast %jit3A_2152 : i32 to vector<16xi32>
        %select_n3A_2155 = arith.select %lt3A_2150, %broadcast_in_dim3A_2153, %broadcast_in_dim3A_2154 : vector<16xi1>, vector<16xi32>
        %add3A_2156 = arith.addi %add3A_2147, %select_n3A_2155 : vector<16xi32>
        %add3A_2157 = arith.addi %add3A_2156, %add3A_104 : vector<16xi32>
        %gather3A_2158 = tpu.vector_load_idx %arg6[%add3A_2157] : memref<32768xf32, #tpu.memory_space<vmem>>[vector<16xi32>], vector<16xf32>,
        %lt3A_2159 = arith.cmpf olt, %gather3A_2158, %get3A_2100 : vector<16xf32>
        %jit3A_2160 = arith.constant 256 : i32
        %jit3A_2161 = arith.constant 0 : i32
        %broadcast_in_dim3A_2162 = vector.broadcast %jit3A_2160 : i32 to vector<16xi32>
        %broadcast_in_dim3A_2163 = vector.broadcast %jit3A_2161 : i32 to vector<16xi32>
        %select_n3A_2164 = arith.select %lt3A_2159, %broadcast_in_dim3A_2162, %broadcast_in_dim3A_2163 : vector<16xi1>, vector<16xi32>
        %add3A_2165 = arith.addi %add3A_2156, %select_n3A_2164 : vector<16xi32>
        %add3A_2166 = arith.addi %add3A_2165, %add3A_107 : vector<16xi32>
        %gather3A_2167 = tpu.vector_load_idx %arg6[%add3A_2166] : memref<32768xf32, #tpu.memory_space<vmem>>[vector<16xi32>], vector<16xf32>,
        %lt3A_2168 = arith.cmpf olt, %gather3A_2167, %get3A_2100 : vector<16xf32>
        %jit3A_2169 = arith.constant 128 : i32
        %jit3A_2170 = arith.constant 0 : i32
        %broadcast_in_dim3A_2171 = vector.broadcast %jit3A_2169 : i32 to vector<16xi32>
        %broadcast_in_dim3A_2172 = vector.broadcast %jit3A_2170 : i32 to vector<16xi32>
        %select_n3A_2173 = arith.select %lt3A_2168, %broadcast_in_dim3A_2171, %broadcast_in_dim3A_2172 : vector<16xi1>, vector<16xi32>
        %add3A_2174 = arith.addi %add3A_2165, %select_n3A_2173 : vector<16xi32>
        %add3A_2175 = arith.addi %add3A_2174, %add3A_110 : vector<16xi32>
        %gather3A_2176 = tpu.vector_load_idx %arg6[%add3A_2175] : memref<32768xf32, #tpu.memory_space<vmem>>[vector<16xi32>], vector<16xf32>,
        %lt3A_2177 = arith.cmpf olt, %gather3A_2176, %get3A_2100 : vector<16xf32>
        %jit3A_2178 = arith.constant 64 : i32
        %jit3A_2179 = arith.constant 0 : i32
        %broadcast_in_dim3A_2180 = vector.broadcast %jit3A_2178 : i32 to vector<16xi32>
        %broadcast_in_dim3A_2181 = vector.broadcast %jit3A_2179 : i32 to vector<16xi32>
        %select_n3A_2182 = arith.select %lt3A_2177, %broadcast_in_dim3A_2180, %broadcast_in_dim3A_2181 : vector<16xi1>, vector<16xi32>
        %add3A_2183 = arith.addi %add3A_2174, %select_n3A_2182 : vector<16xi32>
        %add3A_2184 = arith.addi %add3A_2183, %add3A_113 : vector<16xi32>
        %gather3A_2185 = tpu.vector_load_idx %arg6[%add3A_2184] : memref<32768xf32, #tpu.memory_space<vmem>>[vector<16xi32>], vector<16xf32>,
        %lt3A_2186 = arith.cmpf olt, %gather3A_2185, %get3A_2100 : vector<16xf32>
        %jit3A_2187 = arith.constant 32 : i32
        %jit3A_2188 = arith.constant 0 : i32
        %broadcast_in_dim3A_2189 = vector.broadcast %jit3A_2187 : i32 to vector<16xi32>
        %broadcast_in_dim3A_2190 = vector.broadcast %jit3A_2188 : i32 to vector<16xi32>
        %select_n3A_2191 = arith.select %lt3A_2186, %broadcast_in_dim3A_2189, %broadcast_in_dim3A_2190 : vector<16xi1>, vector<16xi32>
        %add3A_2192 = arith.addi %add3A_2183, %select_n3A_2191 : vector<16xi32>
        %add3A_2193 = arith.addi %add3A_2192, %add3A_116 : vector<16xi32>
        %gather3A_2194 = tpu.vector_load_idx %arg6[%add3A_2193] : memref<32768xf32, #tpu.memory_space<vmem>>[vector<16xi32>], vector<16xf32>,
        %lt3A_2195 = arith.cmpf olt, %gather3A_2194, %get3A_2100 : vector<16xf32>
        %jit3A_2196 = arith.constant 16 : i32
        %jit3A_2197 = arith.constant 0 : i32
        %broadcast_in_dim3A_2198 = vector.broadcast %jit3A_2196 : i32 to vector<16xi32>
        %broadcast_in_dim3A_2199 = vector.broadcast %jit3A_2197 : i32 to vector<16xi32>
        %select_n3A_2200 = arith.select %lt3A_2195, %broadcast_in_dim3A_2198, %broadcast_in_dim3A_2199 : vector<16xi1>, vector<16xi32>
        %add3A_2201 = arith.addi %add3A_2192, %select_n3A_2200 : vector<16xi32>
        %sub3A_2202 = arith.constant 16 : i32
        %sub3A_2203 = vector.broadcast %sub3A_2202 : i32 to vector<16xi32>
        %sub3A_2204 = arith.subi %add3A_2201, %sub3A_2203 : vector<16xi32>
        %max3A_2205 = arith.constant 0 : i32
        %max3A_2206 = vector.broadcast %max3A_2205 : i32 to vector<16xi32>
        %max3A_2207 = arith.maxsi %sub3A_2204, %max3A_2206 : vector<16xi32>
        %shift_right_logical3A_2208 = arith.constant 1 : i32
        %shift_right_logical3A_2209 = vector.broadcast %shift_right_logical3A_2208 : i32 to vector<16xi32>
        %shift_right_logical3A_2210 = arith.shrui %max3A_2207, %shift_right_logical3A_2209 : vector<16xi32>
        %add3A_2211 = arith.addi %shift_right_logical3A_2210, %and3A_10 : vector<16xi32>
        %gather3A_2212 = tpu.vector_load_idx %arg7[%add3A_2211] : memref<65536xf32, #tpu.memory_space<vmem>>[vector<16xi32>], vector<16xf32>,
        %add3A_2213 = arith.constant 16384 : i32
        %add3A_2214 = vector.broadcast %add3A_2213 : i32 to vector<16xi32>
        %add3A_2215 = arith.addi %add3A_2211, %add3A_2214 : vector<16xi32>
        %gather3A_2216 = tpu.vector_load_idx %arg7[%add3A_2215] : memref<65536xf32, #tpu.memory_space<vmem>>[vector<16xi32>], vector<16xf32>,
        %add3A_2217 = arith.constant 32768 : i32
        %add3A_2218 = vector.broadcast %add3A_2217 : i32 to vector<16xi32>
        %add3A_2219 = arith.addi %add3A_2211, %add3A_2218 : vector<16xi32>
        %gather3A_2220 = tpu.vector_load_idx %arg7[%add3A_2219] : memref<65536xf32, #tpu.memory_space<vmem>>[vector<16xi32>], vector<16xf32>,
        %add3A_2221 = arith.constant 49152 : i32
        %add3A_2222 = vector.broadcast %add3A_2221 : i32 to vector<16xi32>
        %add3A_2223 = arith.addi %add3A_2211, %add3A_2222 : vector<16xi32>
        %gather3A_2224 = tpu.vector_load_idx %arg7[%add3A_2223] : memref<65536xf32, #tpu.memory_space<vmem>>[vector<16xi32>], vector<16xf32>,
        %mul3A_2225 = arith.mulf %gather3A_2224, %get3A_2100 : vector<16xf32>
        %add3A_2226 = arith.addf %mul3A_2225, %gather3A_2220 : vector<16xf32>
        %mul3A_2227 = arith.mulf %add3A_2226, %get3A_2100 : vector<16xf32>
        %add3A_2228 = arith.addf %mul3A_2227, %gather3A_2216 : vector<16xf32>
        %mul3A_2229 = arith.mulf %add3A_2228, %get3A_2100 : vector<16xf32>
        %add3A_2230 = arith.addf %mul3A_2229, %gather3A_2212 : vector<16xf32>
        %broadcast_in_dim3A_2231 = arith.constant 0 : i32
        %broadcast_in_dim3A_2232 = vector.broadcast %broadcast_in_dim3A_2231 : i32 to vector<16xi32>
        %lt3A_2233 = arith.cmpf olt, %gather3A_56, %get3A_2106 : vector<16xf32>
        %jit3A_2234 = arith.constant 8192 : i32
        %jit3A_2235 = arith.constant 0 : i32
        %broadcast_in_dim3A_2236 = vector.broadcast %jit3A_2234 : i32 to vector<16xi32>
        %broadcast_in_dim3A_2237 = vector.broadcast %jit3A_2235 : i32 to vector<16xi32>
        %select_n3A_2238 = arith.select %lt3A_2233, %broadcast_in_dim3A_2236, %broadcast_in_dim3A_2237 : vector<16xi1>, vector<16xi32>
        %add3A_2239 = arith.addi %broadcast_in_dim3A_2232, %select_n3A_2238 : vector<16xi32>
        %select_n3A_2240 = arith.select %lt3A_2233, %gather3A_62, %gather3A_59 : vector<16xi1>, vector<16xf32>
        %lt3A_2241 = arith.cmpf olt, %select_n3A_2240, %get3A_2106 : vector<16xf32>
        %jit3A_2242 = arith.constant 4096 : i32
        %jit3A_2243 = arith.constant 0 : i32
        %broadcast_in_dim3A_2244 = vector.broadcast %jit3A_2242 : i32 to vector<16xi32>
        %broadcast_in_dim3A_2245 = vector.broadcast %jit3A_2243 : i32 to vector<16xi32>
        %select_n3A_2246 = arith.select %lt3A_2241, %broadcast_in_dim3A_2244, %broadcast_in_dim3A_2245 : vector<16xi1>, vector<16xi32>
        %add3A_2247 = arith.addi %add3A_2239, %select_n3A_2246 : vector<16xi32>
        %select_n3A_2248 = arith.select %lt3A_2241, %gather3A_71, %gather3A_65 : vector<16xi1>, vector<16xf32>
        %select_n3A_2249 = arith.select %lt3A_2241, %gather3A_74, %gather3A_68 : vector<16xi1>, vector<16xf32>
        %select_n3A_2250 = arith.select %lt3A_2233, %select_n3A_2249, %select_n3A_2248 : vector<16xi1>, vector<16xf32>
        %lt3A_2251 = arith.cmpf olt, %select_n3A_2250, %get3A_2106 : vector<16xf32>
        %jit3A_2252 = arith.constant 2048 : i32
        %jit3A_2253 = arith.constant 0 : i32
        %broadcast_in_dim3A_2254 = vector.broadcast %jit3A_2252 : i32 to vector<16xi32>
        %broadcast_in_dim3A_2255 = vector.broadcast %jit3A_2253 : i32 to vector<16xi32>
        %select_n3A_2256 = arith.select %lt3A_2251, %broadcast_in_dim3A_2254, %broadcast_in_dim3A_2255 : vector<16xi1>, vector<16xi32>
        %add3A_2257 = arith.addi %add3A_2247, %select_n3A_2256 : vector<16xi32>
        %select_n3A_2258 = arith.select %lt3A_2251, %gather3A_89, %gather3A_77 : vector<16xi1>, vector<16xf32>
        %select_n3A_2259 = arith.select %lt3A_2251, %gather3A_92, %gather3A_80 : vector<16xi1>, vector<16xf32>
        %select_n3A_2260 = arith.select %lt3A_2251, %gather3A_95, %gather3A_83 : vector<16xi1>, vector<16xf32>
        %select_n3A_2261 = arith.select %lt3A_2251, %gather3A_98, %gather3A_86 : vector<16xi1>, vector<16xf32>
        %select_n3A_2262 = arith.select %lt3A_2241, %select_n3A_2260, %select_n3A_2258 : vector<16xi1>, vector<16xf32>
        %select_n3A_2263 = arith.select %lt3A_2241, %select_n3A_2261, %select_n3A_2259 : vector<16xi1>, vector<16xf32>
        %select_n3A_2264 = arith.select %lt3A_2233, %select_n3A_2263, %select_n3A_2262 : vector<16xi1>, vector<16xf32>
        %lt3A_2265 = arith.cmpf olt, %select_n3A_2264, %get3A_2106 : vector<16xf32>
        %jit3A_2266 = arith.constant 1024 : i32
        %jit3A_2267 = arith.constant 0 : i32
        %broadcast_in_dim3A_2268 = vector.broadcast %jit3A_2266 : i32 to vector<16xi32>
        %broadcast_in_dim3A_2269 = vector.broadcast %jit3A_2267 : i32 to vector<16xi32>
        %select_n3A_2270 = arith.select %lt3A_2265, %broadcast_in_dim3A_2268, %broadcast_in_dim3A_2269 : vector<16xi1>, vector<16xi32>
        %add3A_2271 = arith.addi %add3A_2257, %select_n3A_2270 : vector<16xi32>
        %add3A_2272 = arith.addi %add3A_2271, %add3A_119 : vector<16xi32>
        %gather3A_2273 = tpu.vector_load_idx %arg6[%add3A_2272] : memref<32768xf32, #tpu.memory_space<vmem>>[vector<16xi32>], vector<16xf32>,
        %lt3A_2274 = arith.cmpf olt, %gather3A_2273, %get3A_2106 : vector<16xf32>
        %jit3A_2275 = arith.constant 512 : i32
        %jit3A_2276 = arith.constant 0 : i32
        %broadcast_in_dim3A_2277 = vector.broadcast %jit3A_2275 : i32 to vector<16xi32>
        %broadcast_in_dim3A_2278 = vector.broadcast %jit3A_2276 : i32 to vector<16xi32>
        %select_n3A_2279 = arith.select %lt3A_2274, %broadcast_in_dim3A_2277, %broadcast_in_dim3A_2278 : vector<16xi1>, vector<16xi32>
        %add3A_2280 = arith.addi %add3A_2271, %select_n3A_2279 : vector<16xi32>
        %add3A_2281 = arith.addi %add3A_2280, %add3A_122 : vector<16xi32>
        %gather3A_2282 = tpu.vector_load_idx %arg6[%add3A_2281] : memref<32768xf32, #tpu.memory_space<vmem>>[vector<16xi32>], vector<16xf32>,
        %lt3A_2283 = arith.cmpf olt, %gather3A_2282, %get3A_2106 : vector<16xf32>
        %jit3A_2284 = arith.constant 256 : i32
        %jit3A_2285 = arith.constant 0 : i32
        %broadcast_in_dim3A_2286 = vector.broadcast %jit3A_2284 : i32 to vector<16xi32>
        %broadcast_in_dim3A_2287 = vector.broadcast %jit3A_2285 : i32 to vector<16xi32>
        %select_n3A_2288 = arith.select %lt3A_2283, %broadcast_in_dim3A_2286, %broadcast_in_dim3A_2287 : vector<16xi1>, vector<16xi32>
        %add3A_2289 = arith.addi %add3A_2280, %select_n3A_2288 : vector<16xi32>
        %add3A_2290 = arith.addi %add3A_2289, %add3A_125 : vector<16xi32>
        %gather3A_2291 = tpu.vector_load_idx %arg6[%add3A_2290] : memref<32768xf32, #tpu.memory_space<vmem>>[vector<16xi32>], vector<16xf32>,
        %lt3A_2292 = arith.cmpf olt, %gather3A_2291, %get3A_2106 : vector<16xf32>
        %jit3A_2293 = arith.constant 128 : i32
        %jit3A_2294 = arith.constant 0 : i32
        %broadcast_in_dim3A_2295 = vector.broadcast %jit3A_2293 : i32 to vector<16xi32>
        %broadcast_in_dim3A_2296 = vector.broadcast %jit3A_2294 : i32 to vector<16xi32>
        %select_n3A_2297 = arith.select %lt3A_2292, %broadcast_in_dim3A_2295, %broadcast_in_dim3A_2296 : vector<16xi1>, vector<16xi32>
        %add3A_2298 = arith.addi %add3A_2289, %select_n3A_2297 : vector<16xi32>
        %add3A_2299 = arith.addi %add3A_2298, %add3A_128 : vector<16xi32>
        %gather3A_2300 = tpu.vector_load_idx %arg6[%add3A_2299] : memref<32768xf32, #tpu.memory_space<vmem>>[vector<16xi32>], vector<16xf32>,
        %lt3A_2301 = arith.cmpf olt, %gather3A_2300, %get3A_2106 : vector<16xf32>
        %jit3A_2302 = arith.constant 64 : i32
        %jit3A_2303 = arith.constant 0 : i32
        %broadcast_in_dim3A_2304 = vector.broadcast %jit3A_2302 : i32 to vector<16xi32>
        %broadcast_in_dim3A_2305 = vector.broadcast %jit3A_2303 : i32 to vector<16xi32>
        %select_n3A_2306 = arith.select %lt3A_2301, %broadcast_in_dim3A_2304, %broadcast_in_dim3A_2305 : vector<16xi1>, vector<16xi32>
        %add3A_2307 = arith.addi %add3A_2298, %select_n3A_2306 : vector<16xi32>
        %add3A_2308 = arith.addi %add3A_2307, %add3A_131 : vector<16xi32>
        %gather3A_2309 = tpu.vector_load_idx %arg6[%add3A_2308] : memref<32768xf32, #tpu.memory_space<vmem>>[vector<16xi32>], vector<16xf32>,
        %lt3A_2310 = arith.cmpf olt, %gather3A_2309, %get3A_2106 : vector<16xf32>
        %jit3A_2311 = arith.constant 32 : i32
        %jit3A_2312 = arith.constant 0 : i32
        %broadcast_in_dim3A_2313 = vector.broadcast %jit3A_2311 : i32 to vector<16xi32>
        %broadcast_in_dim3A_2314 = vector.broadcast %jit3A_2312 : i32 to vector<16xi32>
        %select_n3A_2315 = arith.select %lt3A_2310, %broadcast_in_dim3A_2313, %broadcast_in_dim3A_2314 : vector<16xi1>, vector<16xi32>
        %add3A_2316 = arith.addi %add3A_2307, %select_n3A_2315 : vector<16xi32>
        %add3A_2317 = arith.addi %add3A_2316, %add3A_134 : vector<16xi32>
        %gather3A_2318 = tpu.vector_load_idx %arg6[%add3A_2317] : memref<32768xf32, #tpu.memory_space<vmem>>[vector<16xi32>], vector<16xf32>,
        %lt3A_2319 = arith.cmpf olt, %gather3A_2318, %get3A_2106 : vector<16xf32>
        %jit3A_2320 = arith.constant 16 : i32
        %jit3A_2321 = arith.constant 0 : i32
        %broadcast_in_dim3A_2322 = vector.broadcast %jit3A_2320 : i32 to vector<16xi32>
        %broadcast_in_dim3A_2323 = vector.broadcast %jit3A_2321 : i32 to vector<16xi32>
        %select_n3A_2324 = arith.select %lt3A_2319, %broadcast_in_dim3A_2322, %broadcast_in_dim3A_2323 : vector<16xi1>, vector<16xi32>
        %add3A_2325 = arith.addi %add3A_2316, %select_n3A_2324 : vector<16xi32>
        %sub3A_2326 = arith.constant 16 : i32
        %sub3A_2327 = vector.broadcast %sub3A_2326 : i32 to vector<16xi32>
        %sub3A_2328 = arith.subi %add3A_2325, %sub3A_2327 : vector<16xi32>
        %max3A_2329 = arith.constant 0 : i32
        %max3A_2330 = vector.broadcast %max3A_2329 : i32 to vector<16xi32>
        %max3A_2331 = arith.maxsi %sub3A_2328, %max3A_2330 : vector<16xi32>
        %shift_right_logical3A_2332 = arith.constant 1 : i32
        %shift_right_logical3A_2333 = vector.broadcast %shift_right_logical3A_2332 : i32 to vector<16xi32>
        %shift_right_logical3A_2334 = arith.shrui %max3A_2331, %shift_right_logical3A_2333 : vector<16xi32>
        %add3A_2335 = arith.addi %shift_right_logical3A_2334, %add3A_137 : vector<16xi32>
        %gather3A_2336 = tpu.vector_load_idx %arg7[%add3A_2335] : memref<65536xf32, #tpu.memory_space<vmem>>[vector<16xi32>], vector<16xf32>,
        %add3A_2337 = arith.constant 16384 : i32
        %add3A_2338 = vector.broadcast %add3A_2337 : i32 to vector<16xi32>
        %add3A_2339 = arith.addi %add3A_2335, %add3A_2338 : vector<16xi32>
        %gather3A_2340 = tpu.vector_load_idx %arg7[%add3A_2339] : memref<65536xf32, #tpu.memory_space<vmem>>[vector<16xi32>], vector<16xf32>,
        %add3A_2341 = arith.constant 32768 : i32
        %add3A_2342 = vector.broadcast %add3A_2341 : i32 to vector<16xi32>
        %add3A_2343 = arith.addi %add3A_2335, %add3A_2342 : vector<16xi32>
        %gather3A_2344 = tpu.vector_load_idx %arg7[%add3A_2343] : memref<65536xf32, #tpu.memory_space<vmem>>[vector<16xi32>], vector<16xf32>,
        %add3A_2345 = arith.constant 49152 : i32
        %add3A_2346 = vector.broadcast %add3A_2345 : i32 to vector<16xi32>
        %add3A_2347 = arith.addi %add3A_2335, %add3A_2346 : vector<16xi32>
        %gather3A_2348 = tpu.vector_load_idx %arg7[%add3A_2347] : memref<65536xf32, #tpu.memory_space<vmem>>[vector<16xi32>], vector<16xf32>,
        %mul3A_2349 = arith.mulf %gather3A_2348, %get3A_2106 : vector<16xf32>
        %add3A_2350 = arith.addf %mul3A_2349, %gather3A_2344 : vector<16xf32>
        %mul3A_2351 = arith.mulf %add3A_2350, %get3A_2106 : vector<16xf32>
        %add3A_2352 = arith.addf %mul3A_2351, %gather3A_2340 : vector<16xf32>
        %mul3A_2353 = arith.mulf %add3A_2352, %get3A_2106 : vector<16xf32>
        %add3A_2354 = arith.addf %mul3A_2353, %gather3A_2336 : vector<16xf32>
        %mul3A_2355 = arith.mulf %add3A_2230, %add3A_2354 : vector<16xf32>
        %add3A_2356 = arith.constant 112 : i32
        %add3A_2357 = arith.addi %mul3A_243, %add3A_2356 : i32
        %swap3A_2358 = arith.index_cast %add3A_2357 : i32 to index
        %swap3A_2359 = tpu.vector_load %arg10[%swap3A_2358] {strides = array<i32>} : memref<2048xf32, #tpu.memory_space<vmem>>, vector<16xf32>,
        tpu.vector_store %arg10[%swap3A_2358], %mul3A_2355 {strides = array<i32>} : memref<2048xf32, #tpu.memory_space<vmem>>, vector<16xf32>,
        %scan3A_2360 = arith.constant 0 : i32
        scf.yield %scan3A_2360 : i32
      }
      %scan3A_187 = arith.constant 16 : i32
      %mul3A_188 = arith.constant 16 : i32
      %mul3A_189 = arith.muli %add3A_165, %mul3A_188 : i32
      %sub3A_190 = arith.constant 16 : i32
      %sub3A_191 = arith.subi %add3A_4, %sub3A_190 : i32
      %min3A_192 = arith.minsi %mul3A_189, %sub3A_191 : i32
      %add3A_193 = arith.addi %add3A_8, %min3A_192 : i32
      %mul3A_194 = arith.constant 128 : i32
      %mul3A_195 = arith.muli %add3A_193, %mul3A_194 : i32
      %dma_start3A_196 = tpu.memref_slice %arg5[%mul3A_195] : memref<4000000xf32, #tpu.memory_space<hbm>> -> memref<2048xf32, #tpu.memory_space<hbm>>
      %dma_start3A_197 = tpu.memref_slice %arg5[%mul3A_195] : memref<4000000xf32, #tpu.memory_space<hbm>> -> memref<2048xf32, #tpu.memory_space<hbm>>
      tpu.enqueue_dma source(%arg10 : memref<2048xf32, #tpu.memory_space<vmem>>) target(%dma_start3A_197 : memref<2048xf32, #tpu.memory_space<hbm>>) target_semaphore(%arg14 : memref<!tpu.dma_semaphore, #tpu.memory_space<semaphore_mem>>)
      %mul3A_198 = arith.constant 2 : i32
      %mul3A_199 = arith.muli %scan3A_160, %mul3A_198 : i32
      %add3A_200 = arith.constant 1 : i32
      %add3A_201 = arith.addi %mul3A_199, %add3A_200 : i32
      %add3A_202 = arith.constant 1 : i32
      %add3A_203 = arith.addi %add3A_201, %add3A_202 : i32
      %lt3A_204 = arith.constant 62 : i32
      %lt3A_205 = arith.cmpi slt, %add3A_203, %lt3A_204 : i32
      %convert_element_type3A_206 = arith.extui %lt3A_205 : i1 to i32
      %cond3A_207 = arith.constant 0 : i32
      %cond3A_208 = arith.cmpi ne, %convert_element_type3A_206, %cond3A_207 : i32
      scf.if %cond3A_208 {
        %add3A_238 = arith.constant 1 : i32
        %add3A_239 = arith.addi %add3A_201, %add3A_238 : i32
        %mul3A_240 = arith.constant 16 : i32
        %mul3A_241 = arith.muli %add3A_239, %mul3A_240 : i32
        %sub3A_242 = arith.constant 16 : i32
        %sub3A_243 = arith.subi %add3A_4, %sub3A_242 : i32
        %min3A_244 = arith.minsi %mul3A_241, %sub3A_243 : i32
        %add3A_245 = arith.addi %add3A_8, %min3A_244 : i32
        %mul3A_246 = arith.constant 128 : i32
        %mul3A_247 = arith.muli %add3A_245, %mul3A_246 : i32
        %dma_start3A_248 = arith.constant 0 : i32
        %dma_start3A_249 = tpu.memref_slice %arg2[%dma_start3A_248, %mul3A_247] : memref<2x4000000xf32, #tpu.memory_space<hbm>> -> memref<2x2048xf32, #tpu.memory_space<hbm>>
        %dma_start3A_250 = arith.constant 0 : i32
        %dma_start3A_251 = tpu.memref_slice %arg2[%dma_start3A_250, %mul3A_247] : memref<2x4000000xf32, #tpu.memory_space<hbm>> -> memref<2x2048xf32, #tpu.memory_space<hbm>>
        tpu.enqueue_dma source(%dma_start3A_251 : memref<2x2048xf32, #tpu.memory_space<hbm>>) target(%arg8 : memref<2x2048xf32, #tpu.memory_space<vmem>>) target_semaphore(%arg12 : memref<!tpu.dma_semaphore, #tpu.memory_space<semaphore_mem>>)
      } else {
      }
      %dma_wait3A_209 = arith.constant 0 : i32
      %dma_wait3A_210 = arith.constant 0 : i32
      %dma_wait3A_211 = tpu.memref_slice %arg2[%dma_wait3A_209, %dma_wait3A_210] : memref<2x4000000xf32, #tpu.memory_space<hbm>> -> memref<2x2048xf32, #tpu.memory_space<hbm>>
      %dma_wait3A_212 = arith.constant 0 : i32
      %dma_wait3A_213 = arith.constant 0 : i32
      %dma_wait3A_214 = tpu.memref_slice %arg2[%dma_wait3A_212, %dma_wait3A_213] : memref<2x4000000xf32, #tpu.memory_space<hbm>> -> memref<2x2048xf32, #tpu.memory_space<hbm>>
      tpu.wait_dma2 semaphore(%arg13 : memref<!tpu.dma_semaphore, #tpu.memory_space<semaphore_mem>>) src(%dma_wait3A_214 : memref<2x2048xf32, #tpu.memory_space<hbm>>) dst(%arg9 : memref<2x2048xf32, #tpu.memory_space<vmem>>)
      %ge3A_215 = arith.constant 2 : i32
      %ge3A_216 = arith.cmpi sge, %add3A_201, %ge3A_215 : i32
      %convert_element_type3A_217 = arith.extui %ge3A_216 : i1 to i32
      %cond3A_218 = arith.constant 0 : i32
      %cond3A_219 = arith.cmpi ne, %convert_element_type3A_217, %cond3A_218 : i32
      scf.if %cond3A_219 {
        %dma_wait3A_238 = arith.constant 0 : i32
        %dma_wait3A_239 = tpu.memref_slice %arg5[%dma_wait3A_238] : memref<4000000xf32, #tpu.memory_space<hbm>> -> memref<2048xf32, #tpu.memory_space<hbm>>
        %dma_wait3A_240 = arith.constant 0 : i32
        %dma_wait3A_241 = tpu.memref_slice %arg5[%dma_wait3A_240] : memref<4000000xf32, #tpu.memory_space<hbm>> -> memref<2048xf32, #tpu.memory_space<hbm>>
        tpu.wait_dma2 semaphore(%arg15 : memref<!tpu.dma_semaphore, #tpu.memory_space<semaphore_mem>>) src(%arg11 : memref<2048xf32, #tpu.memory_space<vmem>>) dst(%dma_wait3A_241 : memref<2048xf32, #tpu.memory_space<hbm>>)
      } else {
      }
      %scan3A_220 = arith.constant 0 : i32
      %scan3A_221 = arith.constant 0 : i32
      %scan3A_222 = arith.constant 16 : i32
      %scan3A_223 = arith.addi %scan3A_221, %scan3A_222 : i32
      %scan3A_224 = arith.constant 1 : i32
      %scan3A_225 = scf.for %scan3A_238 = %scan3A_221 to %scan3A_223 step %scan3A_224 iter_args(%scan3A_239 = %scan3A_220) -> (i32)  : i32 {
        %mul3A_240 = arith.constant 128 : i32
        %mul3A_241 = arith.muli %scan3A_238, %mul3A_240 : i32
        %mul3A_242 = arith.constant 128 : i32
        %mul3A_243 = arith.muli %scan3A_238, %mul3A_242 : i32
        %add3A_244 = arith.constant 0 : i32
        %add3A_245 = arith.addi %mul3A_241, %add3A_244 : i32
        %get3A = arith.constant 0 : i32
        %get3A_246 = arith.index_cast %get3A : i32 to index
        %get3A_247 = arith.index_cast %add3A_245 : i32 to index
        %get3A_248 = tpu.vector_load %arg9[%get3A_246, %get3A_247] {strides = array<i32>} : memref<2x2048xf32, #tpu.memory_space<vmem>>, vector<16xf32>,
        %add3A_249 = arith.constant 0 : i32
        %add3A_250 = arith.addi %mul3A_241, %add3A_249 : i32
        %get3A_251 = arith.constant 1 : i32
        %get3A_252 = arith.index_cast %get3A_251 : i32 to index
        %get3A_253 = arith.index_cast %add3A_250 : i32 to index
        %get3A_254 = tpu.vector_load %arg9[%get3A_252, %get3A_253] {strides = array<i32>} : memref<2x2048xf32, #tpu.memory_space<vmem>>, vector<16xf32>,
        %broadcast_in_dim3A_255 = arith.constant 0 : i32
        %broadcast_in_dim3A_256 = vector.broadcast %broadcast_in_dim3A_255 : i32 to vector<16xi32>
        %lt3A_257 = arith.cmpf olt, %gather3A, %get3A_248 : vector<16xf32>
        %jit3A_258 = arith.constant 8192 : i32
        %jit3A_259 = arith.constant 0 : i32
        %broadcast_in_dim3A_260 = vector.broadcast %jit3A_258 : i32 to vector<16xi32>
        %broadcast_in_dim3A_261 = vector.broadcast %jit3A_259 : i32 to vector<16xi32>
        %select_n3A_262 = arith.select %lt3A_257, %broadcast_in_dim3A_260, %broadcast_in_dim3A_261 : vector<16xi1>, vector<16xi32>
        %add3A_263 = arith.addi %broadcast_in_dim3A_256, %select_n3A_262 : vector<16xi32>
        %select_n3A_264 = arith.select %lt3A_257, %gather3A_17, %gather3A_14 : vector<16xi1>, vector<16xf32>
        %lt3A_265 = arith.cmpf olt, %select_n3A_264, %get3A_248 : vector<16xf32>
        %jit3A_266 = arith.constant 4096 : i32
        %jit3A_267 = arith.constant 0 : i32
        %broadcast_in_dim3A_268 = vector.broadcast %jit3A_266 : i32 to vector<16xi32>
        %broadcast_in_dim3A_269 = vector.broadcast %jit3A_267 : i32 to vector<16xi32>
        %select_n3A_270 = arith.select %lt3A_265, %broadcast_in_dim3A_268, %broadcast_in_dim3A_269 : vector<16xi1>, vector<16xi32>
        %add3A_271 = arith.addi %add3A_263, %select_n3A_270 : vector<16xi32>
        %select_n3A_272 = arith.select %lt3A_265, %gather3A_26, %gather3A_20 : vector<16xi1>, vector<16xf32>
        %select_n3A_273 = arith.select %lt3A_265, %gather3A_29, %gather3A_23 : vector<16xi1>, vector<16xf32>
        %select_n3A_274 = arith.select %lt3A_257, %select_n3A_273, %select_n3A_272 : vector<16xi1>, vector<16xf32>
        %lt3A_275 = arith.cmpf olt, %select_n3A_274, %get3A_248 : vector<16xf32>
        %jit3A_276 = arith.constant 2048 : i32
        %jit3A_277 = arith.constant 0 : i32
        %broadcast_in_dim3A_278 = vector.broadcast %jit3A_276 : i32 to vector<16xi32>
        %broadcast_in_dim3A_279 = vector.broadcast %jit3A_277 : i32 to vector<16xi32>
        %select_n3A_280 = arith.select %lt3A_275, %broadcast_in_dim3A_278, %broadcast_in_dim3A_279 : vector<16xi1>, vector<16xi32>
        %add3A_281 = arith.addi %add3A_271, %select_n3A_280 : vector<16xi32>
        %select_n3A_282 = arith.select %lt3A_275, %gather3A_44, %gather3A_32 : vector<16xi1>, vector<16xf32>
        %select_n3A_283 = arith.select %lt3A_275, %gather3A_47, %gather3A_35 : vector<16xi1>, vector<16xf32>
        %select_n3A_284 = arith.select %lt3A_275, %gather3A_50, %gather3A_38 : vector<16xi1>, vector<16xf32>
        %select_n3A_285 = arith.select %lt3A_275, %gather3A_53, %gather3A_41 : vector<16xi1>, vector<16xf32>
        %select_n3A_286 = arith.select %lt3A_265, %select_n3A_284, %select_n3A_282 : vector<16xi1>, vector<16xf32>
        %select_n3A_287 = arith.select %lt3A_265, %select_n3A_285, %select_n3A_283 : vector<16xi1>, vector<16xf32>
        %select_n3A_288 = arith.select %lt3A_257, %select_n3A_287, %select_n3A_286 : vector<16xi1>, vector<16xf32>
        %lt3A_289 = arith.cmpf olt, %select_n3A_288, %get3A_248 : vector<16xf32>
        %jit3A_290 = arith.constant 1024 : i32
        %jit3A_291 = arith.constant 0 : i32
        %broadcast_in_dim3A_292 = vector.broadcast %jit3A_290 : i32 to vector<16xi32>
        %broadcast_in_dim3A_293 = vector.broadcast %jit3A_291 : i32 to vector<16xi32>
        %select_n3A_294 = arith.select %lt3A_289, %broadcast_in_dim3A_292, %broadcast_in_dim3A_293 : vector<16xi1>, vector<16xi32>
        %add3A_295 = arith.addi %add3A_281, %select_n3A_294 : vector<16xi32>
        %add3A_296 = arith.addi %add3A_295, %add3A_101 : vector<16xi32>
        %gather3A_297 = tpu.vector_load_idx %arg6[%add3A_296] : memref<32768xf32, #tpu.memory_space<vmem>>[vector<16xi32>], vector<16xf32>,
        %lt3A_298 = arith.cmpf olt, %gather3A_297, %get3A_248 : vector<16xf32>
        %jit3A_299 = arith.constant 512 : i32
        %jit3A_300 = arith.constant 0 : i32
        %broadcast_in_dim3A_301 = vector.broadcast %jit3A_299 : i32 to vector<16xi32>
        %broadcast_in_dim3A_302 = vector.broadcast %jit3A_300 : i32 to vector<16xi32>
        %select_n3A_303 = arith.select %lt3A_298, %broadcast_in_dim3A_301, %broadcast_in_dim3A_302 : vector<16xi1>, vector<16xi32>
        %add3A_304 = arith.addi %add3A_295, %select_n3A_303 : vector<16xi32>
        %add3A_305 = arith.addi %add3A_304, %add3A_104 : vector<16xi32>
        %gather3A_306 = tpu.vector_load_idx %arg6[%add3A_305] : memref<32768xf32, #tpu.memory_space<vmem>>[vector<16xi32>], vector<16xf32>,
        %lt3A_307 = arith.cmpf olt, %gather3A_306, %get3A_248 : vector<16xf32>
        %jit3A_308 = arith.constant 256 : i32
        %jit3A_309 = arith.constant 0 : i32
        %broadcast_in_dim3A_310 = vector.broadcast %jit3A_308 : i32 to vector<16xi32>
        %broadcast_in_dim3A_311 = vector.broadcast %jit3A_309 : i32 to vector<16xi32>
        %select_n3A_312 = arith.select %lt3A_307, %broadcast_in_dim3A_310, %broadcast_in_dim3A_311 : vector<16xi1>, vector<16xi32>
        %add3A_313 = arith.addi %add3A_304, %select_n3A_312 : vector<16xi32>
        %add3A_314 = arith.addi %add3A_313, %add3A_107 : vector<16xi32>
        %gather3A_315 = tpu.vector_load_idx %arg6[%add3A_314] : memref<32768xf32, #tpu.memory_space<vmem>>[vector<16xi32>], vector<16xf32>,
        %lt3A_316 = arith.cmpf olt, %gather3A_315, %get3A_248 : vector<16xf32>
        %jit3A_317 = arith.constant 128 : i32
        %jit3A_318 = arith.constant 0 : i32
        %broadcast_in_dim3A_319 = vector.broadcast %jit3A_317 : i32 to vector<16xi32>
        %broadcast_in_dim3A_320 = vector.broadcast %jit3A_318 : i32 to vector<16xi32>
        %select_n3A_321 = arith.select %lt3A_316, %broadcast_in_dim3A_319, %broadcast_in_dim3A_320 : vector<16xi1>, vector<16xi32>
        %add3A_322 = arith.addi %add3A_313, %select_n3A_321 : vector<16xi32>
        %add3A_323 = arith.addi %add3A_322, %add3A_110 : vector<16xi32>
        %gather3A_324 = tpu.vector_load_idx %arg6[%add3A_323] : memref<32768xf32, #tpu.memory_space<vmem>>[vector<16xi32>], vector<16xf32>,
        %lt3A_325 = arith.cmpf olt, %gather3A_324, %get3A_248 : vector<16xf32>
        %jit3A_326 = arith.constant 64 : i32
        %jit3A_327 = arith.constant 0 : i32
        %broadcast_in_dim3A_328 = vector.broadcast %jit3A_326 : i32 to vector<16xi32>
        %broadcast_in_dim3A_329 = vector.broadcast %jit3A_327 : i32 to vector<16xi32>
        %select_n3A_330 = arith.select %lt3A_325, %broadcast_in_dim3A_328, %broadcast_in_dim3A_329 : vector<16xi1>, vector<16xi32>
        %add3A_331 = arith.addi %add3A_322, %select_n3A_330 : vector<16xi32>
        %add3A_332 = arith.addi %add3A_331, %add3A_113 : vector<16xi32>
        %gather3A_333 = tpu.vector_load_idx %arg6[%add3A_332] : memref<32768xf32, #tpu.memory_space<vmem>>[vector<16xi32>], vector<16xf32>,
        %lt3A_334 = arith.cmpf olt, %gather3A_333, %get3A_248 : vector<16xf32>
        %jit3A_335 = arith.constant 32 : i32
        %jit3A_336 = arith.constant 0 : i32
        %broadcast_in_dim3A_337 = vector.broadcast %jit3A_335 : i32 to vector<16xi32>
        %broadcast_in_dim3A_338 = vector.broadcast %jit3A_336 : i32 to vector<16xi32>
        %select_n3A_339 = arith.select %lt3A_334, %broadcast_in_dim3A_337, %broadcast_in_dim3A_338 : vector<16xi1>, vector<16xi32>
        %add3A_340 = arith.addi %add3A_331, %select_n3A_339 : vector<16xi32>
        %add3A_341 = arith.addi %add3A_340, %add3A_116 : vector<16xi32>
        %gather3A_342 = tpu.vector_load_idx %arg6[%add3A_341] : memref<32768xf32, #tpu.memory_space<vmem>>[vector<16xi32>], vector<16xf32>,
        %lt3A_343 = arith.cmpf olt, %gather3A_342, %get3A_248 : vector<16xf32>
        %jit3A_344 = arith.constant 16 : i32
        %jit3A_345 = arith.constant 0 : i32
        %broadcast_in_dim3A_346 = vector.broadcast %jit3A_344 : i32 to vector<16xi32>
        %broadcast_in_dim3A_347 = vector.broadcast %jit3A_345 : i32 to vector<16xi32>
        %select_n3A_348 = arith.select %lt3A_343, %broadcast_in_dim3A_346, %broadcast_in_dim3A_347 : vector<16xi1>, vector<16xi32>
        %add3A_349 = arith.addi %add3A_340, %select_n3A_348 : vector<16xi32>
        %sub3A_350 = arith.constant 16 : i32
        %sub3A_351 = vector.broadcast %sub3A_350 : i32 to vector<16xi32>
        %sub3A_352 = arith.subi %add3A_349, %sub3A_351 : vector<16xi32>
        %max3A = arith.constant 0 : i32
        %max3A_353 = vector.broadcast %max3A : i32 to vector<16xi32>
        %max3A_354 = arith.maxsi %sub3A_352, %max3A_353 : vector<16xi32>
        %shift_right_logical3A = arith.constant 1 : i32
        %shift_right_logical3A_355 = vector.broadcast %shift_right_logical3A : i32 to vector<16xi32>
        %shift_right_logical3A_356 = arith.shrui %max3A_354, %shift_right_logical3A_355 : vector<16xi32>
        %add3A_357 = arith.addi %shift_right_logical3A_356, %and3A_10 : vector<16xi32>
        %gather3A_358 = tpu.vector_load_idx %arg7[%add3A_357] : memref<65536xf32, #tpu.memory_space<vmem>>[vector<16xi32>], vector<16xf32>,
        %add3A_359 = arith.constant 16384 : i32
        %add3A_360 = vector.broadcast %add3A_359 : i32 to vector<16xi32>
        %add3A_361 = arith.addi %add3A_357, %add3A_360 : vector<16xi32>
        %gather3A_362 = tpu.vector_load_idx %arg7[%add3A_361] : memref<65536xf32, #tpu.memory_space<vmem>>[vector<16xi32>], vector<16xf32>,
        %add3A_363 = arith.constant 32768 : i32
        %add3A_364 = vector.broadcast %add3A_363 : i32 to vector<16xi32>
        %add3A_365 = arith.addi %add3A_357, %add3A_364 : vector<16xi32>
        %gather3A_366 = tpu.vector_load_idx %arg7[%add3A_365] : memref<65536xf32, #tpu.memory_space<vmem>>[vector<16xi32>], vector<16xf32>,
        %add3A_367 = arith.constant 49152 : i32
        %add3A_368 = vector.broadcast %add3A_367 : i32 to vector<16xi32>
        %add3A_369 = arith.addi %add3A_357, %add3A_368 : vector<16xi32>
        %gather3A_370 = tpu.vector_load_idx %arg7[%add3A_369] : memref<65536xf32, #tpu.memory_space<vmem>>[vector<16xi32>], vector<16xf32>,
        %mul3A_371 = arith.mulf %gather3A_370, %get3A_248 : vector<16xf32>
        %add3A_372 = arith.addf %mul3A_371, %gather3A_366 : vector<16xf32>
        %mul3A_373 = arith.mulf %add3A_372, %get3A_248 : vector<16xf32>
        %add3A_374 = arith.addf %mul3A_373, %gather3A_362 : vector<16xf32>
        %mul3A_375 = arith.mulf %add3A_374, %get3A_248 : vector<16xf32>
        %add3A_376 = arith.addf %mul3A_375, %gather3A_358 : vector<16xf32>
        %broadcast_in_dim3A_377 = arith.constant 0 : i32
        %broadcast_in_dim3A_378 = vector.broadcast %broadcast_in_dim3A_377 : i32 to vector<16xi32>
        %lt3A_379 = arith.cmpf olt, %gather3A_56, %get3A_254 : vector<16xf32>
        %jit3A_380 = arith.constant 8192 : i32
        %jit3A_381 = arith.constant 0 : i32
        %broadcast_in_dim3A_382 = vector.broadcast %jit3A_380 : i32 to vector<16xi32>
        %broadcast_in_dim3A_383 = vector.broadcast %jit3A_381 : i32 to vector<16xi32>
        %select_n3A_384 = arith.select %lt3A_379, %broadcast_in_dim3A_382, %broadcast_in_dim3A_383 : vector<16xi1>, vector<16xi32>
        %add3A_385 = arith.addi %broadcast_in_dim3A_378, %select_n3A_384 : vector<16xi32>
        %select_n3A_386 = arith.select %lt3A_379, %gather3A_62, %gather3A_59 : vector<16xi1>, vector<16xf32>
        %lt3A_387 = arith.cmpf olt, %select_n3A_386, %get3A_254 : vector<16xf32>
        %jit3A_388 = arith.constant 4096 : i32
        %jit3A_389 = arith.constant 0 : i32
        %broadcast_in_dim3A_390 = vector.broadcast %jit3A_388 : i32 to vector<16xi32>
        %broadcast_in_dim3A_391 = vector.broadcast %jit3A_389 : i32 to vector<16xi32>
        %select_n3A_392 = arith.select %lt3A_387, %broadcast_in_dim3A_390, %broadcast_in_dim3A_391 : vector<16xi1>, vector<16xi32>
        %add3A_393 = arith.addi %add3A_385, %select_n3A_392 : vector<16xi32>
        %select_n3A_394 = arith.select %lt3A_387, %gather3A_71, %gather3A_65 : vector<16xi1>, vector<16xf32>
        %select_n3A_395 = arith.select %lt3A_387, %gather3A_74, %gather3A_68 : vector<16xi1>, vector<16xf32>
        %select_n3A_396 = arith.select %lt3A_379, %select_n3A_395, %select_n3A_394 : vector<16xi1>, vector<16xf32>
        %lt3A_397 = arith.cmpf olt, %select_n3A_396, %get3A_254 : vector<16xf32>
        %jit3A_398 = arith.constant 2048 : i32
        %jit3A_399 = arith.constant 0 : i32
        %broadcast_in_dim3A_400 = vector.broadcast %jit3A_398 : i32 to vector<16xi32>
        %broadcast_in_dim3A_401 = vector.broadcast %jit3A_399 : i32 to vector<16xi32>
        %select_n3A_402 = arith.select %lt3A_397, %broadcast_in_dim3A_400, %broadcast_in_dim3A_401 : vector<16xi1>, vector<16xi32>
        %add3A_403 = arith.addi %add3A_393, %select_n3A_402 : vector<16xi32>
        %select_n3A_404 = arith.select %lt3A_397, %gather3A_89, %gather3A_77 : vector<16xi1>, vector<16xf32>
        %select_n3A_405 = arith.select %lt3A_397, %gather3A_92, %gather3A_80 : vector<16xi1>, vector<16xf32>
        %select_n3A_406 = arith.select %lt3A_397, %gather3A_95, %gather3A_83 : vector<16xi1>, vector<16xf32>
        %select_n3A_407 = arith.select %lt3A_397, %gather3A_98, %gather3A_86 : vector<16xi1>, vector<16xf32>
        %select_n3A_408 = arith.select %lt3A_387, %select_n3A_406, %select_n3A_404 : vector<16xi1>, vector<16xf32>
        %select_n3A_409 = arith.select %lt3A_387, %select_n3A_407, %select_n3A_405 : vector<16xi1>, vector<16xf32>
        %select_n3A_410 = arith.select %lt3A_379, %select_n3A_409, %select_n3A_408 : vector<16xi1>, vector<16xf32>
        %lt3A_411 = arith.cmpf olt, %select_n3A_410, %get3A_254 : vector<16xf32>
        %jit3A_412 = arith.constant 1024 : i32
        %jit3A_413 = arith.constant 0 : i32
        %broadcast_in_dim3A_414 = vector.broadcast %jit3A_412 : i32 to vector<16xi32>
        %broadcast_in_dim3A_415 = vector.broadcast %jit3A_413 : i32 to vector<16xi32>
        %select_n3A_416 = arith.select %lt3A_411, %broadcast_in_dim3A_414, %broadcast_in_dim3A_415 : vector<16xi1>, vector<16xi32>
        %add3A_417 = arith.addi %add3A_403, %select_n3A_416 : vector<16xi32>
        %add3A_418 = arith.addi %add3A_417, %add3A_119 : vector<16xi32>
        %gather3A_419 = tpu.vector_load_idx %arg6[%add3A_418] : memref<32768xf32, #tpu.memory_space<vmem>>[vector<16xi32>], vector<16xf32>,
        %lt3A_420 = arith.cmpf olt, %gather3A_419, %get3A_254 : vector<16xf32>
        %jit3A_421 = arith.constant 512 : i32
        %jit3A_422 = arith.constant 0 : i32
        %broadcast_in_dim3A_423 = vector.broadcast %jit3A_421 : i32 to vector<16xi32>
        %broadcast_in_dim3A_424 = vector.broadcast %jit3A_422 : i32 to vector<16xi32>
        %select_n3A_425 = arith.select %lt3A_420, %broadcast_in_dim3A_423, %broadcast_in_dim3A_424 : vector<16xi1>, vector<16xi32>
        %add3A_426 = arith.addi %add3A_417, %select_n3A_425 : vector<16xi32>
        %add3A_427 = arith.addi %add3A_426, %add3A_122 : vector<16xi32>
        %gather3A_428 = tpu.vector_load_idx %arg6[%add3A_427] : memref<32768xf32, #tpu.memory_space<vmem>>[vector<16xi32>], vector<16xf32>,
        %lt3A_429 = arith.cmpf olt, %gather3A_428, %get3A_254 : vector<16xf32>
        %jit3A_430 = arith.constant 256 : i32
        %jit3A_431 = arith.constant 0 : i32
        %broadcast_in_dim3A_432 = vector.broadcast %jit3A_430 : i32 to vector<16xi32>
        %broadcast_in_dim3A_433 = vector.broadcast %jit3A_431 : i32 to vector<16xi32>
        %select_n3A_434 = arith.select %lt3A_429, %broadcast_in_dim3A_432, %broadcast_in_dim3A_433 : vector<16xi1>, vector<16xi32>
        %add3A_435 = arith.addi %add3A_426, %select_n3A_434 : vector<16xi32>
        %add3A_436 = arith.addi %add3A_435, %add3A_125 : vector<16xi32>
        %gather3A_437 = tpu.vector_load_idx %arg6[%add3A_436] : memref<32768xf32, #tpu.memory_space<vmem>>[vector<16xi32>], vector<16xf32>,
        %lt3A_438 = arith.cmpf olt, %gather3A_437, %get3A_254 : vector<16xf32>
        %jit3A_439 = arith.constant 128 : i32
        %jit3A_440 = arith.constant 0 : i32
        %broadcast_in_dim3A_441 = vector.broadcast %jit3A_439 : i32 to vector<16xi32>
        %broadcast_in_dim3A_442 = vector.broadcast %jit3A_440 : i32 to vector<16xi32>
        %select_n3A_443 = arith.select %lt3A_438, %broadcast_in_dim3A_441, %broadcast_in_dim3A_442 : vector<16xi1>, vector<16xi32>
        %add3A_444 = arith.addi %add3A_435, %select_n3A_443 : vector<16xi32>
        %add3A_445 = arith.addi %add3A_444, %add3A_128 : vector<16xi32>
        %gather3A_446 = tpu.vector_load_idx %arg6[%add3A_445] : memref<32768xf32, #tpu.memory_space<vmem>>[vector<16xi32>], vector<16xf32>,
        %lt3A_447 = arith.cmpf olt, %gather3A_446, %get3A_254 : vector<16xf32>
        %jit3A_448 = arith.constant 64 : i32
        %jit3A_449 = arith.constant 0 : i32
        %broadcast_in_dim3A_450 = vector.broadcast %jit3A_448 : i32 to vector<16xi32>
        %broadcast_in_dim3A_451 = vector.broadcast %jit3A_449 : i32 to vector<16xi32>
        %select_n3A_452 = arith.select %lt3A_447, %broadcast_in_dim3A_450, %broadcast_in_dim3A_451 : vector<16xi1>, vector<16xi32>
        %add3A_453 = arith.addi %add3A_444, %select_n3A_452 : vector<16xi32>
        %add3A_454 = arith.addi %add3A_453, %add3A_131 : vector<16xi32>
        %gather3A_455 = tpu.vector_load_idx %arg6[%add3A_454] : memref<32768xf32, #tpu.memory_space<vmem>>[vector<16xi32>], vector<16xf32>,
        %lt3A_456 = arith.cmpf olt, %gather3A_455, %get3A_254 : vector<16xf32>
        %jit3A_457 = arith.constant 32 : i32
        %jit3A_458 = arith.constant 0 : i32
        %broadcast_in_dim3A_459 = vector.broadcast %jit3A_457 : i32 to vector<16xi32>
        %broadcast_in_dim3A_460 = vector.broadcast %jit3A_458 : i32 to vector<16xi32>
        %select_n3A_461 = arith.select %lt3A_456, %broadcast_in_dim3A_459, %broadcast_in_dim3A_460 : vector<16xi1>, vector<16xi32>
        %add3A_462 = arith.addi %add3A_453, %select_n3A_461 : vector<16xi32>
        %add3A_463 = arith.addi %add3A_462, %add3A_134 : vector<16xi32>
        %gather3A_464 = tpu.vector_load_idx %arg6[%add3A_463] : memref<32768xf32, #tpu.memory_space<vmem>>[vector<16xi32>], vector<16xf32>,
        %lt3A_465 = arith.cmpf olt, %gather3A_464, %get3A_254 : vector<16xf32>
        %jit3A_466 = arith.constant 16 : i32
        %jit3A_467 = arith.constant 0 : i32
        %broadcast_in_dim3A_468 = vector.broadcast %jit3A_466 : i32 to vector<16xi32>
        %broadcast_in_dim3A_469 = vector.broadcast %jit3A_467 : i32 to vector<16xi32>
        %select_n3A_470 = arith.select %lt3A_465, %broadcast_in_dim3A_468, %broadcast_in_dim3A_469 : vector<16xi1>, vector<16xi32>
        %add3A_471 = arith.addi %add3A_462, %select_n3A_470 : vector<16xi32>
        %sub3A_472 = arith.constant 16 : i32
        %sub3A_473 = vector.broadcast %sub3A_472 : i32 to vector<16xi32>
        %sub3A_474 = arith.subi %add3A_471, %sub3A_473 : vector<16xi32>
        %max3A_475 = arith.constant 0 : i32
        %max3A_476 = vector.broadcast %max3A_475 : i32 to vector<16xi32>
        %max3A_477 = arith.maxsi %sub3A_474, %max3A_476 : vector<16xi32>
        %shift_right_logical3A_478 = arith.constant 1 : i32
        %shift_right_logical3A_479 = vector.broadcast %shift_right_logical3A_478 : i32 to vector<16xi32>
        %shift_right_logical3A_480 = arith.shrui %max3A_477, %shift_right_logical3A_479 : vector<16xi32>
        %add3A_481 = arith.addi %shift_right_logical3A_480, %add3A_137 : vector<16xi32>
        %gather3A_482 = tpu.vector_load_idx %arg7[%add3A_481] : memref<65536xf32, #tpu.memory_space<vmem>>[vector<16xi32>], vector<16xf32>,
        %add3A_483 = arith.constant 16384 : i32
        %add3A_484 = vector.broadcast %add3A_483 : i32 to vector<16xi32>
        %add3A_485 = arith.addi %add3A_481, %add3A_484 : vector<16xi32>
        %gather3A_486 = tpu.vector_load_idx %arg7[%add3A_485] : memref<65536xf32, #tpu.memory_space<vmem>>[vector<16xi32>], vector<16xf32>,
        %add3A_487 = arith.constant 32768 : i32
        %add3A_488 = vector.broadcast %add3A_487 : i32 to vector<16xi32>
        %add3A_489 = arith.addi %add3A_481, %add3A_488 : vector<16xi32>
        %gather3A_490 = tpu.vector_load_idx %arg7[%add3A_489] : memref<65536xf32, #tpu.memory_space<vmem>>[vector<16xi32>], vector<16xf32>,
        %add3A_491 = arith.constant 49152 : i32
        %add3A_492 = vector.broadcast %add3A_491 : i32 to vector<16xi32>
        %add3A_493 = arith.addi %add3A_481, %add3A_492 : vector<16xi32>
        %gather3A_494 = tpu.vector_load_idx %arg7[%add3A_493] : memref<65536xf32, #tpu.memory_space<vmem>>[vector<16xi32>], vector<16xf32>,
        %mul3A_495 = arith.mulf %gather3A_494, %get3A_254 : vector<16xf32>
        %add3A_496 = arith.addf %mul3A_495, %gather3A_490 : vector<16xf32>
        %mul3A_497 = arith.mulf %add3A_496, %get3A_254 : vector<16xf32>
        %add3A_498 = arith.addf %mul3A_497, %gather3A_486 : vector<16xf32>
        %mul3A_499 = arith.mulf %add3A_498, %get3A_254 : vector<16xf32>
        %add3A_500 = arith.addf %mul3A_499, %gather3A_482 : vector<16xf32>
        %mul3A_501 = arith.mulf %add3A_376, %add3A_500 : vector<16xf32>
        %add3A_502 = arith.constant 0 : i32
        %add3A_503 = arith.addi %mul3A_243, %add3A_502 : i32
        %swap3A = arith.index_cast %add3A_503 : i32 to index
        %swap3A_504 = tpu.vector_load %arg11[%swap3A] {strides = array<i32>} : memref<2048xf32, #tpu.memory_space<vmem>>, vector<16xf32>,
        tpu.vector_store %arg11[%swap3A], %mul3A_501 {strides = array<i32>} : memref<2048xf32, #tpu.memory_space<vmem>>, vector<16xf32>,
        %add3A_505 = arith.constant 16 : i32
        %add3A_506 = arith.addi %mul3A_241, %add3A_505 : i32
        %get3A_507 = arith.constant 0 : i32
        %get3A_508 = arith.index_cast %get3A_507 : i32 to index
        %get3A_509 = arith.index_cast %add3A_506 : i32 to index
        %get3A_510 = tpu.vector_load %arg9[%get3A_508, %get3A_509] {strides = array<i32>} : memref<2x2048xf32, #tpu.memory_space<vmem>>, vector<16xf32>,
        %add3A_511 = arith.constant 16 : i32
        %add3A_512 = arith.addi %mul3A_241, %add3A_511 : i32
        %get3A_513 = arith.constant 1 : i32
        %get3A_514 = arith.index_cast %get3A_513 : i32 to index
        %get3A_515 = arith.index_cast %add3A_512 : i32 to index
        %get3A_516 = tpu.vector_load %arg9[%get3A_514, %get3A_515] {strides = array<i32>} : memref<2x2048xf32, #tpu.memory_space<vmem>>, vector<16xf32>,
        %broadcast_in_dim3A_517 = arith.constant 0 : i32
        %broadcast_in_dim3A_518 = vector.broadcast %broadcast_in_dim3A_517 : i32 to vector<16xi32>
        %lt3A_519 = arith.cmpf olt, %gather3A, %get3A_510 : vector<16xf32>
        %jit3A_520 = arith.constant 8192 : i32
        %jit3A_521 = arith.constant 0 : i32
        %broadcast_in_dim3A_522 = vector.broadcast %jit3A_520 : i32 to vector<16xi32>
        %broadcast_in_dim3A_523 = vector.broadcast %jit3A_521 : i32 to vector<16xi32>
        %select_n3A_524 = arith.select %lt3A_519, %broadcast_in_dim3A_522, %broadcast_in_dim3A_523 : vector<16xi1>, vector<16xi32>
        %add3A_525 = arith.addi %broadcast_in_dim3A_518, %select_n3A_524 : vector<16xi32>
        %select_n3A_526 = arith.select %lt3A_519, %gather3A_17, %gather3A_14 : vector<16xi1>, vector<16xf32>
        %lt3A_527 = arith.cmpf olt, %select_n3A_526, %get3A_510 : vector<16xf32>
        %jit3A_528 = arith.constant 4096 : i32
        %jit3A_529 = arith.constant 0 : i32
        %broadcast_in_dim3A_530 = vector.broadcast %jit3A_528 : i32 to vector<16xi32>
        %broadcast_in_dim3A_531 = vector.broadcast %jit3A_529 : i32 to vector<16xi32>
        %select_n3A_532 = arith.select %lt3A_527, %broadcast_in_dim3A_530, %broadcast_in_dim3A_531 : vector<16xi1>, vector<16xi32>
        %add3A_533 = arith.addi %add3A_525, %select_n3A_532 : vector<16xi32>
        %select_n3A_534 = arith.select %lt3A_527, %gather3A_26, %gather3A_20 : vector<16xi1>, vector<16xf32>
        %select_n3A_535 = arith.select %lt3A_527, %gather3A_29, %gather3A_23 : vector<16xi1>, vector<16xf32>
        %select_n3A_536 = arith.select %lt3A_519, %select_n3A_535, %select_n3A_534 : vector<16xi1>, vector<16xf32>
        %lt3A_537 = arith.cmpf olt, %select_n3A_536, %get3A_510 : vector<16xf32>
        %jit3A_538 = arith.constant 2048 : i32
        %jit3A_539 = arith.constant 0 : i32
        %broadcast_in_dim3A_540 = vector.broadcast %jit3A_538 : i32 to vector<16xi32>
        %broadcast_in_dim3A_541 = vector.broadcast %jit3A_539 : i32 to vector<16xi32>
        %select_n3A_542 = arith.select %lt3A_537, %broadcast_in_dim3A_540, %broadcast_in_dim3A_541 : vector<16xi1>, vector<16xi32>
        %add3A_543 = arith.addi %add3A_533, %select_n3A_542 : vector<16xi32>
        %select_n3A_544 = arith.select %lt3A_537, %gather3A_44, %gather3A_32 : vector<16xi1>, vector<16xf32>
        %select_n3A_545 = arith.select %lt3A_537, %gather3A_47, %gather3A_35 : vector<16xi1>, vector<16xf32>
        %select_n3A_546 = arith.select %lt3A_537, %gather3A_50, %gather3A_38 : vector<16xi1>, vector<16xf32>
        %select_n3A_547 = arith.select %lt3A_537, %gather3A_53, %gather3A_41 : vector<16xi1>, vector<16xf32>
        %select_n3A_548 = arith.select %lt3A_527, %select_n3A_546, %select_n3A_544 : vector<16xi1>, vector<16xf32>
        %select_n3A_549 = arith.select %lt3A_527, %select_n3A_547, %select_n3A_545 : vector<16xi1>, vector<16xf32>
        %select_n3A_550 = arith.select %lt3A_519, %select_n3A_549, %select_n3A_548 : vector<16xi1>, vector<16xf32>
        %lt3A_551 = arith.cmpf olt, %select_n3A_550, %get3A_510 : vector<16xf32>
        %jit3A_552 = arith.constant 1024 : i32
        %jit3A_553 = arith.constant 0 : i32
        %broadcast_in_dim3A_554 = vector.broadcast %jit3A_552 : i32 to vector<16xi32>
        %broadcast_in_dim3A_555 = vector.broadcast %jit3A_553 : i32 to vector<16xi32>
        %select_n3A_556 = arith.select %lt3A_551, %broadcast_in_dim3A_554, %broadcast_in_dim3A_555 : vector<16xi1>, vector<16xi32>
        %add3A_557 = arith.addi %add3A_543, %select_n3A_556 : vector<16xi32>
        %add3A_558 = arith.addi %add3A_557, %add3A_101 : vector<16xi32>
        %gather3A_559 = tpu.vector_load_idx %arg6[%add3A_558] : memref<32768xf32, #tpu.memory_space<vmem>>[vector<16xi32>], vector<16xf32>,
        %lt3A_560 = arith.cmpf olt, %gather3A_559, %get3A_510 : vector<16xf32>
        %jit3A_561 = arith.constant 512 : i32
        %jit3A_562 = arith.constant 0 : i32
        %broadcast_in_dim3A_563 = vector.broadcast %jit3A_561 : i32 to vector<16xi32>
        %broadcast_in_dim3A_564 = vector.broadcast %jit3A_562 : i32 to vector<16xi32>
        %select_n3A_565 = arith.select %lt3A_560, %broadcast_in_dim3A_563, %broadcast_in_dim3A_564 : vector<16xi1>, vector<16xi32>
        %add3A_566 = arith.addi %add3A_557, %select_n3A_565 : vector<16xi32>
        %add3A_567 = arith.addi %add3A_566, %add3A_104 : vector<16xi32>
        %gather3A_568 = tpu.vector_load_idx %arg6[%add3A_567] : memref<32768xf32, #tpu.memory_space<vmem>>[vector<16xi32>], vector<16xf32>,
        %lt3A_569 = arith.cmpf olt, %gather3A_568, %get3A_510 : vector<16xf32>
        %jit3A_570 = arith.constant 256 : i32
        %jit3A_571 = arith.constant 0 : i32
        %broadcast_in_dim3A_572 = vector.broadcast %jit3A_570 : i32 to vector<16xi32>
        %broadcast_in_dim3A_573 = vector.broadcast %jit3A_571 : i32 to vector<16xi32>
        %select_n3A_574 = arith.select %lt3A_569, %broadcast_in_dim3A_572, %broadcast_in_dim3A_573 : vector<16xi1>, vector<16xi32>
        %add3A_575 = arith.addi %add3A_566, %select_n3A_574 : vector<16xi32>
        %add3A_576 = arith.addi %add3A_575, %add3A_107 : vector<16xi32>
        %gather3A_577 = tpu.vector_load_idx %arg6[%add3A_576] : memref<32768xf32, #tpu.memory_space<vmem>>[vector<16xi32>], vector<16xf32>,
        %lt3A_578 = arith.cmpf olt, %gather3A_577, %get3A_510 : vector<16xf32>
        %jit3A_579 = arith.constant 128 : i32
        %jit3A_580 = arith.constant 0 : i32
        %broadcast_in_dim3A_581 = vector.broadcast %jit3A_579 : i32 to vector<16xi32>
        %broadcast_in_dim3A_582 = vector.broadcast %jit3A_580 : i32 to vector<16xi32>
        %select_n3A_583 = arith.select %lt3A_578, %broadcast_in_dim3A_581, %broadcast_in_dim3A_582 : vector<16xi1>, vector<16xi32>
        %add3A_584 = arith.addi %add3A_575, %select_n3A_583 : vector<16xi32>
        %add3A_585 = arith.addi %add3A_584, %add3A_110 : vector<16xi32>
        %gather3A_586 = tpu.vector_load_idx %arg6[%add3A_585] : memref<32768xf32, #tpu.memory_space<vmem>>[vector<16xi32>], vector<16xf32>,
        %lt3A_587 = arith.cmpf olt, %gather3A_586, %get3A_510 : vector<16xf32>
        %jit3A_588 = arith.constant 64 : i32
        %jit3A_589 = arith.constant 0 : i32
        %broadcast_in_dim3A_590 = vector.broadcast %jit3A_588 : i32 to vector<16xi32>
        %broadcast_in_dim3A_591 = vector.broadcast %jit3A_589 : i32 to vector<16xi32>
        %select_n3A_592 = arith.select %lt3A_587, %broadcast_in_dim3A_590, %broadcast_in_dim3A_591 : vector<16xi1>, vector<16xi32>
        %add3A_593 = arith.addi %add3A_584, %select_n3A_592 : vector<16xi32>
        %add3A_594 = arith.addi %add3A_593, %add3A_113 : vector<16xi32>
        %gather3A_595 = tpu.vector_load_idx %arg6[%add3A_594] : memref<32768xf32, #tpu.memory_space<vmem>>[vector<16xi32>], vector<16xf32>,
        %lt3A_596 = arith.cmpf olt, %gather3A_595, %get3A_510 : vector<16xf32>
        %jit3A_597 = arith.constant 32 : i32
        %jit3A_598 = arith.constant 0 : i32
        %broadcast_in_dim3A_599 = vector.broadcast %jit3A_597 : i32 to vector<16xi32>
        %broadcast_in_dim3A_600 = vector.broadcast %jit3A_598 : i32 to vector<16xi32>
        %select_n3A_601 = arith.select %lt3A_596, %broadcast_in_dim3A_599, %broadcast_in_dim3A_600 : vector<16xi1>, vector<16xi32>
        %add3A_602 = arith.addi %add3A_593, %select_n3A_601 : vector<16xi32>
        %add3A_603 = arith.addi %add3A_602, %add3A_116 : vector<16xi32>
        %gather3A_604 = tpu.vector_load_idx %arg6[%add3A_603] : memref<32768xf32, #tpu.memory_space<vmem>>[vector<16xi32>], vector<16xf32>,
        %lt3A_605 = arith.cmpf olt, %gather3A_604, %get3A_510 : vector<16xf32>
        %jit3A_606 = arith.constant 16 : i32
        %jit3A_607 = arith.constant 0 : i32
        %broadcast_in_dim3A_608 = vector.broadcast %jit3A_606 : i32 to vector<16xi32>
        %broadcast_in_dim3A_609 = vector.broadcast %jit3A_607 : i32 to vector<16xi32>
        %select_n3A_610 = arith.select %lt3A_605, %broadcast_in_dim3A_608, %broadcast_in_dim3A_609 : vector<16xi1>, vector<16xi32>
        %add3A_611 = arith.addi %add3A_602, %select_n3A_610 : vector<16xi32>
        %sub3A_612 = arith.constant 16 : i32
        %sub3A_613 = vector.broadcast %sub3A_612 : i32 to vector<16xi32>
        %sub3A_614 = arith.subi %add3A_611, %sub3A_613 : vector<16xi32>
        %max3A_615 = arith.constant 0 : i32
        %max3A_616 = vector.broadcast %max3A_615 : i32 to vector<16xi32>
        %max3A_617 = arith.maxsi %sub3A_614, %max3A_616 : vector<16xi32>
        %shift_right_logical3A_618 = arith.constant 1 : i32
        %shift_right_logical3A_619 = vector.broadcast %shift_right_logical3A_618 : i32 to vector<16xi32>
        %shift_right_logical3A_620 = arith.shrui %max3A_617, %shift_right_logical3A_619 : vector<16xi32>
        %add3A_621 = arith.addi %shift_right_logical3A_620, %and3A_10 : vector<16xi32>
        %gather3A_622 = tpu.vector_load_idx %arg7[%add3A_621] : memref<65536xf32, #tpu.memory_space<vmem>>[vector<16xi32>], vector<16xf32>,
        %add3A_623 = arith.constant 16384 : i32
        %add3A_624 = vector.broadcast %add3A_623 : i32 to vector<16xi32>
        %add3A_625 = arith.addi %add3A_621, %add3A_624 : vector<16xi32>
        %gather3A_626 = tpu.vector_load_idx %arg7[%add3A_625] : memref<65536xf32, #tpu.memory_space<vmem>>[vector<16xi32>], vector<16xf32>,
        %add3A_627 = arith.constant 32768 : i32
        %add3A_628 = vector.broadcast %add3A_627 : i32 to vector<16xi32>
        %add3A_629 = arith.addi %add3A_621, %add3A_628 : vector<16xi32>
        %gather3A_630 = tpu.vector_load_idx %arg7[%add3A_629] : memref<65536xf32, #tpu.memory_space<vmem>>[vector<16xi32>], vector<16xf32>,
        %add3A_631 = arith.constant 49152 : i32
        %add3A_632 = vector.broadcast %add3A_631 : i32 to vector<16xi32>
        %add3A_633 = arith.addi %add3A_621, %add3A_632 : vector<16xi32>
        %gather3A_634 = tpu.vector_load_idx %arg7[%add3A_633] : memref<65536xf32, #tpu.memory_space<vmem>>[vector<16xi32>], vector<16xf32>,
        %mul3A_635 = arith.mulf %gather3A_634, %get3A_510 : vector<16xf32>
        %add3A_636 = arith.addf %mul3A_635, %gather3A_630 : vector<16xf32>
        %mul3A_637 = arith.mulf %add3A_636, %get3A_510 : vector<16xf32>
        %add3A_638 = arith.addf %mul3A_637, %gather3A_626 : vector<16xf32>
        %mul3A_639 = arith.mulf %add3A_638, %get3A_510 : vector<16xf32>
        %add3A_640 = arith.addf %mul3A_639, %gather3A_622 : vector<16xf32>
        %broadcast_in_dim3A_641 = arith.constant 0 : i32
        %broadcast_in_dim3A_642 = vector.broadcast %broadcast_in_dim3A_641 : i32 to vector<16xi32>
        %lt3A_643 = arith.cmpf olt, %gather3A_56, %get3A_516 : vector<16xf32>
        %jit3A_644 = arith.constant 8192 : i32
        %jit3A_645 = arith.constant 0 : i32
        %broadcast_in_dim3A_646 = vector.broadcast %jit3A_644 : i32 to vector<16xi32>
        %broadcast_in_dim3A_647 = vector.broadcast %jit3A_645 : i32 to vector<16xi32>
        %select_n3A_648 = arith.select %lt3A_643, %broadcast_in_dim3A_646, %broadcast_in_dim3A_647 : vector<16xi1>, vector<16xi32>
        %add3A_649 = arith.addi %broadcast_in_dim3A_642, %select_n3A_648 : vector<16xi32>
        %select_n3A_650 = arith.select %lt3A_643, %gather3A_62, %gather3A_59 : vector<16xi1>, vector<16xf32>
        %lt3A_651 = arith.cmpf olt, %select_n3A_650, %get3A_516 : vector<16xf32>
        %jit3A_652 = arith.constant 4096 : i32
        %jit3A_653 = arith.constant 0 : i32
        %broadcast_in_dim3A_654 = vector.broadcast %jit3A_652 : i32 to vector<16xi32>
        %broadcast_in_dim3A_655 = vector.broadcast %jit3A_653 : i32 to vector<16xi32>
        %select_n3A_656 = arith.select %lt3A_651, %broadcast_in_dim3A_654, %broadcast_in_dim3A_655 : vector<16xi1>, vector<16xi32>
        %add3A_657 = arith.addi %add3A_649, %select_n3A_656 : vector<16xi32>
        %select_n3A_658 = arith.select %lt3A_651, %gather3A_71, %gather3A_65 : vector<16xi1>, vector<16xf32>
        %select_n3A_659 = arith.select %lt3A_651, %gather3A_74, %gather3A_68 : vector<16xi1>, vector<16xf32>
        %select_n3A_660 = arith.select %lt3A_643, %select_n3A_659, %select_n3A_658 : vector<16xi1>, vector<16xf32>
        %lt3A_661 = arith.cmpf olt, %select_n3A_660, %get3A_516 : vector<16xf32>
        %jit3A_662 = arith.constant 2048 : i32
        %jit3A_663 = arith.constant 0 : i32
        %broadcast_in_dim3A_664 = vector.broadcast %jit3A_662 : i32 to vector<16xi32>
        %broadcast_in_dim3A_665 = vector.broadcast %jit3A_663 : i32 to vector<16xi32>
        %select_n3A_666 = arith.select %lt3A_661, %broadcast_in_dim3A_664, %broadcast_in_dim3A_665 : vector<16xi1>, vector<16xi32>
        %add3A_667 = arith.addi %add3A_657, %select_n3A_666 : vector<16xi32>
        %select_n3A_668 = arith.select %lt3A_661, %gather3A_89, %gather3A_77 : vector<16xi1>, vector<16xf32>
        %select_n3A_669 = arith.select %lt3A_661, %gather3A_92, %gather3A_80 : vector<16xi1>, vector<16xf32>
        %select_n3A_670 = arith.select %lt3A_661, %gather3A_95, %gather3A_83 : vector<16xi1>, vector<16xf32>
        %select_n3A_671 = arith.select %lt3A_661, %gather3A_98, %gather3A_86 : vector<16xi1>, vector<16xf32>
        %select_n3A_672 = arith.select %lt3A_651, %select_n3A_670, %select_n3A_668 : vector<16xi1>, vector<16xf32>
        %select_n3A_673 = arith.select %lt3A_651, %select_n3A_671, %select_n3A_669 : vector<16xi1>, vector<16xf32>
        %select_n3A_674 = arith.select %lt3A_643, %select_n3A_673, %select_n3A_672 : vector<16xi1>, vector<16xf32>
        %lt3A_675 = arith.cmpf olt, %select_n3A_674, %get3A_516 : vector<16xf32>
        %jit3A_676 = arith.constant 1024 : i32
        %jit3A_677 = arith.constant 0 : i32
        %broadcast_in_dim3A_678 = vector.broadcast %jit3A_676 : i32 to vector<16xi32>
        %broadcast_in_dim3A_679 = vector.broadcast %jit3A_677 : i32 to vector<16xi32>
        %select_n3A_680 = arith.select %lt3A_675, %broadcast_in_dim3A_678, %broadcast_in_dim3A_679 : vector<16xi1>, vector<16xi32>
        %add3A_681 = arith.addi %add3A_667, %select_n3A_680 : vector<16xi32>
        %add3A_682 = arith.addi %add3A_681, %add3A_119 : vector<16xi32>
        %gather3A_683 = tpu.vector_load_idx %arg6[%add3A_682] : memref<32768xf32, #tpu.memory_space<vmem>>[vector<16xi32>], vector<16xf32>,
        %lt3A_684 = arith.cmpf olt, %gather3A_683, %get3A_516 : vector<16xf32>
        %jit3A_685 = arith.constant 512 : i32
        %jit3A_686 = arith.constant 0 : i32
        %broadcast_in_dim3A_687 = vector.broadcast %jit3A_685 : i32 to vector<16xi32>
        %broadcast_in_dim3A_688 = vector.broadcast %jit3A_686 : i32 to vector<16xi32>
        %select_n3A_689 = arith.select %lt3A_684, %broadcast_in_dim3A_687, %broadcast_in_dim3A_688 : vector<16xi1>, vector<16xi32>
        %add3A_690 = arith.addi %add3A_681, %select_n3A_689 : vector<16xi32>
        %add3A_691 = arith.addi %add3A_690, %add3A_122 : vector<16xi32>
        %gather3A_692 = tpu.vector_load_idx %arg6[%add3A_691] : memref<32768xf32, #tpu.memory_space<vmem>>[vector<16xi32>], vector<16xf32>,
        %lt3A_693 = arith.cmpf olt, %gather3A_692, %get3A_516 : vector<16xf32>
        %jit3A_694 = arith.constant 256 : i32
        %jit3A_695 = arith.constant 0 : i32
        %broadcast_in_dim3A_696 = vector.broadcast %jit3A_694 : i32 to vector<16xi32>
        %broadcast_in_dim3A_697 = vector.broadcast %jit3A_695 : i32 to vector<16xi32>
        %select_n3A_698 = arith.select %lt3A_693, %broadcast_in_dim3A_696, %broadcast_in_dim3A_697 : vector<16xi1>, vector<16xi32>
        %add3A_699 = arith.addi %add3A_690, %select_n3A_698 : vector<16xi32>
        %add3A_700 = arith.addi %add3A_699, %add3A_125 : vector<16xi32>
        %gather3A_701 = tpu.vector_load_idx %arg6[%add3A_700] : memref<32768xf32, #tpu.memory_space<vmem>>[vector<16xi32>], vector<16xf32>,
        %lt3A_702 = arith.cmpf olt, %gather3A_701, %get3A_516 : vector<16xf32>
        %jit3A_703 = arith.constant 128 : i32
        %jit3A_704 = arith.constant 0 : i32
        %broadcast_in_dim3A_705 = vector.broadcast %jit3A_703 : i32 to vector<16xi32>
        %broadcast_in_dim3A_706 = vector.broadcast %jit3A_704 : i32 to vector<16xi32>
        %select_n3A_707 = arith.select %lt3A_702, %broadcast_in_dim3A_705, %broadcast_in_dim3A_706 : vector<16xi1>, vector<16xi32>
        %add3A_708 = arith.addi %add3A_699, %select_n3A_707 : vector<16xi32>
        %add3A_709 = arith.addi %add3A_708, %add3A_128 : vector<16xi32>
        %gather3A_710 = tpu.vector_load_idx %arg6[%add3A_709] : memref<32768xf32, #tpu.memory_space<vmem>>[vector<16xi32>], vector<16xf32>,
        %lt3A_711 = arith.cmpf olt, %gather3A_710, %get3A_516 : vector<16xf32>
        %jit3A_712 = arith.constant 64 : i32
        %jit3A_713 = arith.constant 0 : i32
        %broadcast_in_dim3A_714 = vector.broadcast %jit3A_712 : i32 to vector<16xi32>
        %broadcast_in_dim3A_715 = vector.broadcast %jit3A_713 : i32 to vector<16xi32>
        %select_n3A_716 = arith.select %lt3A_711, %broadcast_in_dim3A_714, %broadcast_in_dim3A_715 : vector<16xi1>, vector<16xi32>
        %add3A_717 = arith.addi %add3A_708, %select_n3A_716 : vector<16xi32>
        %add3A_718 = arith.addi %add3A_717, %add3A_131 : vector<16xi32>
        %gather3A_719 = tpu.vector_load_idx %arg6[%add3A_718] : memref<32768xf32, #tpu.memory_space<vmem>>[vector<16xi32>], vector<16xf32>,
        %lt3A_720 = arith.cmpf olt, %gather3A_719, %get3A_516 : vector<16xf32>
        %jit3A_721 = arith.constant 32 : i32
        %jit3A_722 = arith.constant 0 : i32
        %broadcast_in_dim3A_723 = vector.broadcast %jit3A_721 : i32 to vector<16xi32>
        %broadcast_in_dim3A_724 = vector.broadcast %jit3A_722 : i32 to vector<16xi32>
        %select_n3A_725 = arith.select %lt3A_720, %broadcast_in_dim3A_723, %broadcast_in_dim3A_724 : vector<16xi1>, vector<16xi32>
        %add3A_726 = arith.addi %add3A_717, %select_n3A_725 : vector<16xi32>
        %add3A_727 = arith.addi %add3A_726, %add3A_134 : vector<16xi32>
        %gather3A_728 = tpu.vector_load_idx %arg6[%add3A_727] : memref<32768xf32, #tpu.memory_space<vmem>>[vector<16xi32>], vector<16xf32>,
        %lt3A_729 = arith.cmpf olt, %gather3A_728, %get3A_516 : vector<16xf32>
        %jit3A_730 = arith.constant 16 : i32
        %jit3A_731 = arith.constant 0 : i32
        %broadcast_in_dim3A_732 = vector.broadcast %jit3A_730 : i32 to vector<16xi32>
        %broadcast_in_dim3A_733 = vector.broadcast %jit3A_731 : i32 to vector<16xi32>
        %select_n3A_734 = arith.select %lt3A_729, %broadcast_in_dim3A_732, %broadcast_in_dim3A_733 : vector<16xi1>, vector<16xi32>
        %add3A_735 = arith.addi %add3A_726, %select_n3A_734 : vector<16xi32>
        %sub3A_736 = arith.constant 16 : i32
        %sub3A_737 = vector.broadcast %sub3A_736 : i32 to vector<16xi32>
        %sub3A_738 = arith.subi %add3A_735, %sub3A_737 : vector<16xi32>
        %max3A_739 = arith.constant 0 : i32
        %max3A_740 = vector.broadcast %max3A_739 : i32 to vector<16xi32>
        %max3A_741 = arith.maxsi %sub3A_738, %max3A_740 : vector<16xi32>
        %shift_right_logical3A_742 = arith.constant 1 : i32
        %shift_right_logical3A_743 = vector.broadcast %shift_right_logical3A_742 : i32 to vector<16xi32>
        %shift_right_logical3A_744 = arith.shrui %max3A_741, %shift_right_logical3A_743 : vector<16xi32>
        %add3A_745 = arith.addi %shift_right_logical3A_744, %add3A_137 : vector<16xi32>
        %gather3A_746 = tpu.vector_load_idx %arg7[%add3A_745] : memref<65536xf32, #tpu.memory_space<vmem>>[vector<16xi32>], vector<16xf32>,
        %add3A_747 = arith.constant 16384 : i32
        %add3A_748 = vector.broadcast %add3A_747 : i32 to vector<16xi32>
        %add3A_749 = arith.addi %add3A_745, %add3A_748 : vector<16xi32>
        %gather3A_750 = tpu.vector_load_idx %arg7[%add3A_749] : memref<65536xf32, #tpu.memory_space<vmem>>[vector<16xi32>], vector<16xf32>,
        %add3A_751 = arith.constant 32768 : i32
        %add3A_752 = vector.broadcast %add3A_751 : i32 to vector<16xi32>
        %add3A_753 = arith.addi %add3A_745, %add3A_752 : vector<16xi32>
        %gather3A_754 = tpu.vector_load_idx %arg7[%add3A_753] : memref<65536xf32, #tpu.memory_space<vmem>>[vector<16xi32>], vector<16xf32>,
        %add3A_755 = arith.constant 49152 : i32
        %add3A_756 = vector.broadcast %add3A_755 : i32 to vector<16xi32>
        %add3A_757 = arith.addi %add3A_745, %add3A_756 : vector<16xi32>
        %gather3A_758 = tpu.vector_load_idx %arg7[%add3A_757] : memref<65536xf32, #tpu.memory_space<vmem>>[vector<16xi32>], vector<16xf32>,
        %mul3A_759 = arith.mulf %gather3A_758, %get3A_516 : vector<16xf32>
        %add3A_760 = arith.addf %mul3A_759, %gather3A_754 : vector<16xf32>
        %mul3A_761 = arith.mulf %add3A_760, %get3A_516 : vector<16xf32>
        %add3A_762 = arith.addf %mul3A_761, %gather3A_750 : vector<16xf32>
        %mul3A_763 = arith.mulf %add3A_762, %get3A_516 : vector<16xf32>
        %add3A_764 = arith.addf %mul3A_763, %gather3A_746 : vector<16xf32>
        %mul3A_765 = arith.mulf %add3A_640, %add3A_764 : vector<16xf32>
        %add3A_766 = arith.constant 16 : i32
        %add3A_767 = arith.addi %mul3A_243, %add3A_766 : i32
        %swap3A_768 = arith.index_cast %add3A_767 : i32 to index
        %swap3A_769 = tpu.vector_load %arg11[%swap3A_768] {strides = array<i32>} : memref<2048xf32, #tpu.memory_space<vmem>>, vector<16xf32>,
        tpu.vector_store %arg11[%swap3A_768], %mul3A_765 {strides = array<i32>} : memref<2048xf32, #tpu.memory_space<vmem>>, vector<16xf32>,
        %add3A_770 = arith.constant 32 : i32
        %add3A_771 = arith.addi %mul3A_241, %add3A_770 : i32
        %get3A_772 = arith.constant 0 : i32
        %get3A_773 = arith.index_cast %get3A_772 : i32 to index
        %get3A_774 = arith.index_cast %add3A_771 : i32 to index
        %get3A_775 = tpu.vector_load %arg9[%get3A_773, %get3A_774] {strides = array<i32>} : memref<2x2048xf32, #tpu.memory_space<vmem>>, vector<16xf32>,
        %add3A_776 = arith.constant 32 : i32
        %add3A_777 = arith.addi %mul3A_241, %add3A_776 : i32
        %get3A_778 = arith.constant 1 : i32
        %get3A_779 = arith.index_cast %get3A_778 : i32 to index
        %get3A_780 = arith.index_cast %add3A_777 : i32 to index
        %get3A_781 = tpu.vector_load %arg9[%get3A_779, %get3A_780] {strides = array<i32>} : memref<2x2048xf32, #tpu.memory_space<vmem>>, vector<16xf32>,
        %broadcast_in_dim3A_782 = arith.constant 0 : i32
        %broadcast_in_dim3A_783 = vector.broadcast %broadcast_in_dim3A_782 : i32 to vector<16xi32>
        %lt3A_784 = arith.cmpf olt, %gather3A, %get3A_775 : vector<16xf32>
        %jit3A_785 = arith.constant 8192 : i32
        %jit3A_786 = arith.constant 0 : i32
        %broadcast_in_dim3A_787 = vector.broadcast %jit3A_785 : i32 to vector<16xi32>
        %broadcast_in_dim3A_788 = vector.broadcast %jit3A_786 : i32 to vector<16xi32>
        %select_n3A_789 = arith.select %lt3A_784, %broadcast_in_dim3A_787, %broadcast_in_dim3A_788 : vector<16xi1>, vector<16xi32>
        %add3A_790 = arith.addi %broadcast_in_dim3A_783, %select_n3A_789 : vector<16xi32>
        %select_n3A_791 = arith.select %lt3A_784, %gather3A_17, %gather3A_14 : vector<16xi1>, vector<16xf32>
        %lt3A_792 = arith.cmpf olt, %select_n3A_791, %get3A_775 : vector<16xf32>
        %jit3A_793 = arith.constant 4096 : i32
        %jit3A_794 = arith.constant 0 : i32
        %broadcast_in_dim3A_795 = vector.broadcast %jit3A_793 : i32 to vector<16xi32>
        %broadcast_in_dim3A_796 = vector.broadcast %jit3A_794 : i32 to vector<16xi32>
        %select_n3A_797 = arith.select %lt3A_792, %broadcast_in_dim3A_795, %broadcast_in_dim3A_796 : vector<16xi1>, vector<16xi32>
        %add3A_798 = arith.addi %add3A_790, %select_n3A_797 : vector<16xi32>
        %select_n3A_799 = arith.select %lt3A_792, %gather3A_26, %gather3A_20 : vector<16xi1>, vector<16xf32>
        %select_n3A_800 = arith.select %lt3A_792, %gather3A_29, %gather3A_23 : vector<16xi1>, vector<16xf32>
        %select_n3A_801 = arith.select %lt3A_784, %select_n3A_800, %select_n3A_799 : vector<16xi1>, vector<16xf32>
        %lt3A_802 = arith.cmpf olt, %select_n3A_801, %get3A_775 : vector<16xf32>
        %jit3A_803 = arith.constant 2048 : i32
        %jit3A_804 = arith.constant 0 : i32
        %broadcast_in_dim3A_805 = vector.broadcast %jit3A_803 : i32 to vector<16xi32>
        %broadcast_in_dim3A_806 = vector.broadcast %jit3A_804 : i32 to vector<16xi32>
        %select_n3A_807 = arith.select %lt3A_802, %broadcast_in_dim3A_805, %broadcast_in_dim3A_806 : vector<16xi1>, vector<16xi32>
        %add3A_808 = arith.addi %add3A_798, %select_n3A_807 : vector<16xi32>
        %select_n3A_809 = arith.select %lt3A_802, %gather3A_44, %gather3A_32 : vector<16xi1>, vector<16xf32>
        %select_n3A_810 = arith.select %lt3A_802, %gather3A_47, %gather3A_35 : vector<16xi1>, vector<16xf32>
        %select_n3A_811 = arith.select %lt3A_802, %gather3A_50, %gather3A_38 : vector<16xi1>, vector<16xf32>
        %select_n3A_812 = arith.select %lt3A_802, %gather3A_53, %gather3A_41 : vector<16xi1>, vector<16xf32>
        %select_n3A_813 = arith.select %lt3A_792, %select_n3A_811, %select_n3A_809 : vector<16xi1>, vector<16xf32>
        %select_n3A_814 = arith.select %lt3A_792, %select_n3A_812, %select_n3A_810 : vector<16xi1>, vector<16xf32>
        %select_n3A_815 = arith.select %lt3A_784, %select_n3A_814, %select_n3A_813 : vector<16xi1>, vector<16xf32>
        %lt3A_816 = arith.cmpf olt, %select_n3A_815, %get3A_775 : vector<16xf32>
        %jit3A_817 = arith.constant 1024 : i32
        %jit3A_818 = arith.constant 0 : i32
        %broadcast_in_dim3A_819 = vector.broadcast %jit3A_817 : i32 to vector<16xi32>
        %broadcast_in_dim3A_820 = vector.broadcast %jit3A_818 : i32 to vector<16xi32>
        %select_n3A_821 = arith.select %lt3A_816, %broadcast_in_dim3A_819, %broadcast_in_dim3A_820 : vector<16xi1>, vector<16xi32>
        %add3A_822 = arith.addi %add3A_808, %select_n3A_821 : vector<16xi32>
        %add3A_823 = arith.addi %add3A_822, %add3A_101 : vector<16xi32>
        %gather3A_824 = tpu.vector_load_idx %arg6[%add3A_823] : memref<32768xf32, #tpu.memory_space<vmem>>[vector<16xi32>], vector<16xf32>,
        %lt3A_825 = arith.cmpf olt, %gather3A_824, %get3A_775 : vector<16xf32>
        %jit3A_826 = arith.constant 512 : i32
        %jit3A_827 = arith.constant 0 : i32
        %broadcast_in_dim3A_828 = vector.broadcast %jit3A_826 : i32 to vector<16xi32>
        %broadcast_in_dim3A_829 = vector.broadcast %jit3A_827 : i32 to vector<16xi32>
        %select_n3A_830 = arith.select %lt3A_825, %broadcast_in_dim3A_828, %broadcast_in_dim3A_829 : vector<16xi1>, vector<16xi32>
        %add3A_831 = arith.addi %add3A_822, %select_n3A_830 : vector<16xi32>
        %add3A_832 = arith.addi %add3A_831, %add3A_104 : vector<16xi32>
        %gather3A_833 = tpu.vector_load_idx %arg6[%add3A_832] : memref<32768xf32, #tpu.memory_space<vmem>>[vector<16xi32>], vector<16xf32>,
        %lt3A_834 = arith.cmpf olt, %gather3A_833, %get3A_775 : vector<16xf32>
        %jit3A_835 = arith.constant 256 : i32
        %jit3A_836 = arith.constant 0 : i32
        %broadcast_in_dim3A_837 = vector.broadcast %jit3A_835 : i32 to vector<16xi32>
        %broadcast_in_dim3A_838 = vector.broadcast %jit3A_836 : i32 to vector<16xi32>
        %select_n3A_839 = arith.select %lt3A_834, %broadcast_in_dim3A_837, %broadcast_in_dim3A_838 : vector<16xi1>, vector<16xi32>
        %add3A_840 = arith.addi %add3A_831, %select_n3A_839 : vector<16xi32>
        %add3A_841 = arith.addi %add3A_840, %add3A_107 : vector<16xi32>
        %gather3A_842 = tpu.vector_load_idx %arg6[%add3A_841] : memref<32768xf32, #tpu.memory_space<vmem>>[vector<16xi32>], vector<16xf32>,
        %lt3A_843 = arith.cmpf olt, %gather3A_842, %get3A_775 : vector<16xf32>
        %jit3A_844 = arith.constant 128 : i32
        %jit3A_845 = arith.constant 0 : i32
        %broadcast_in_dim3A_846 = vector.broadcast %jit3A_844 : i32 to vector<16xi32>
        %broadcast_in_dim3A_847 = vector.broadcast %jit3A_845 : i32 to vector<16xi32>
        %select_n3A_848 = arith.select %lt3A_843, %broadcast_in_dim3A_846, %broadcast_in_dim3A_847 : vector<16xi1>, vector<16xi32>
        %add3A_849 = arith.addi %add3A_840, %select_n3A_848 : vector<16xi32>
        %add3A_850 = arith.addi %add3A_849, %add3A_110 : vector<16xi32>
        %gather3A_851 = tpu.vector_load_idx %arg6[%add3A_850] : memref<32768xf32, #tpu.memory_space<vmem>>[vector<16xi32>], vector<16xf32>,
        %lt3A_852 = arith.cmpf olt, %gather3A_851, %get3A_775 : vector<16xf32>
        %jit3A_853 = arith.constant 64 : i32
        %jit3A_854 = arith.constant 0 : i32
        %broadcast_in_dim3A_855 = vector.broadcast %jit3A_853 : i32 to vector<16xi32>
        %broadcast_in_dim3A_856 = vector.broadcast %jit3A_854 : i32 to vector<16xi32>
        %select_n3A_857 = arith.select %lt3A_852, %broadcast_in_dim3A_855, %broadcast_in_dim3A_856 : vector<16xi1>, vector<16xi32>
        %add3A_858 = arith.addi %add3A_849, %select_n3A_857 : vector<16xi32>
        %add3A_859 = arith.addi %add3A_858, %add3A_113 : vector<16xi32>
        %gather3A_860 = tpu.vector_load_idx %arg6[%add3A_859] : memref<32768xf32, #tpu.memory_space<vmem>>[vector<16xi32>], vector<16xf32>,
        %lt3A_861 = arith.cmpf olt, %gather3A_860, %get3A_775 : vector<16xf32>
        %jit3A_862 = arith.constant 32 : i32
        %jit3A_863 = arith.constant 0 : i32
        %broadcast_in_dim3A_864 = vector.broadcast %jit3A_862 : i32 to vector<16xi32>
        %broadcast_in_dim3A_865 = vector.broadcast %jit3A_863 : i32 to vector<16xi32>
        %select_n3A_866 = arith.select %lt3A_861, %broadcast_in_dim3A_864, %broadcast_in_dim3A_865 : vector<16xi1>, vector<16xi32>
        %add3A_867 = arith.addi %add3A_858, %select_n3A_866 : vector<16xi32>
        %add3A_868 = arith.addi %add3A_867, %add3A_116 : vector<16xi32>
        %gather3A_869 = tpu.vector_load_idx %arg6[%add3A_868] : memref<32768xf32, #tpu.memory_space<vmem>>[vector<16xi32>], vector<16xf32>,
        %lt3A_870 = arith.cmpf olt, %gather3A_869, %get3A_775 : vector<16xf32>
        %jit3A_871 = arith.constant 16 : i32
        %jit3A_872 = arith.constant 0 : i32
        %broadcast_in_dim3A_873 = vector.broadcast %jit3A_871 : i32 to vector<16xi32>
        %broadcast_in_dim3A_874 = vector.broadcast %jit3A_872 : i32 to vector<16xi32>
        %select_n3A_875 = arith.select %lt3A_870, %broadcast_in_dim3A_873, %broadcast_in_dim3A_874 : vector<16xi1>, vector<16xi32>
        %add3A_876 = arith.addi %add3A_867, %select_n3A_875 : vector<16xi32>
        %sub3A_877 = arith.constant 16 : i32
        %sub3A_878 = vector.broadcast %sub3A_877 : i32 to vector<16xi32>
        %sub3A_879 = arith.subi %add3A_876, %sub3A_878 : vector<16xi32>
        %max3A_880 = arith.constant 0 : i32
        %max3A_881 = vector.broadcast %max3A_880 : i32 to vector<16xi32>
        %max3A_882 = arith.maxsi %sub3A_879, %max3A_881 : vector<16xi32>
        %shift_right_logical3A_883 = arith.constant 1 : i32
        %shift_right_logical3A_884 = vector.broadcast %shift_right_logical3A_883 : i32 to vector<16xi32>
        %shift_right_logical3A_885 = arith.shrui %max3A_882, %shift_right_logical3A_884 : vector<16xi32>
        %add3A_886 = arith.addi %shift_right_logical3A_885, %and3A_10 : vector<16xi32>
        %gather3A_887 = tpu.vector_load_idx %arg7[%add3A_886] : memref<65536xf32, #tpu.memory_space<vmem>>[vector<16xi32>], vector<16xf32>,
        %add3A_888 = arith.constant 16384 : i32
        %add3A_889 = vector.broadcast %add3A_888 : i32 to vector<16xi32>
        %add3A_890 = arith.addi %add3A_886, %add3A_889 : vector<16xi32>
        %gather3A_891 = tpu.vector_load_idx %arg7[%add3A_890] : memref<65536xf32, #tpu.memory_space<vmem>>[vector<16xi32>], vector<16xf32>,
        %add3A_892 = arith.constant 32768 : i32
        %add3A_893 = vector.broadcast %add3A_892 : i32 to vector<16xi32>
        %add3A_894 = arith.addi %add3A_886, %add3A_893 : vector<16xi32>
        %gather3A_895 = tpu.vector_load_idx %arg7[%add3A_894] : memref<65536xf32, #tpu.memory_space<vmem>>[vector<16xi32>], vector<16xf32>,
        %add3A_896 = arith.constant 49152 : i32
        %add3A_897 = vector.broadcast %add3A_896 : i32 to vector<16xi32>
        %add3A_898 = arith.addi %add3A_886, %add3A_897 : vector<16xi32>
        %gather3A_899 = tpu.vector_load_idx %arg7[%add3A_898] : memref<65536xf32, #tpu.memory_space<vmem>>[vector<16xi32>], vector<16xf32>,
        %mul3A_900 = arith.mulf %gather3A_899, %get3A_775 : vector<16xf32>
        %add3A_901 = arith.addf %mul3A_900, %gather3A_895 : vector<16xf32>
        %mul3A_902 = arith.mulf %add3A_901, %get3A_775 : vector<16xf32>
        %add3A_903 = arith.addf %mul3A_902, %gather3A_891 : vector<16xf32>
        %mul3A_904 = arith.mulf %add3A_903, %get3A_775 : vector<16xf32>
        %add3A_905 = arith.addf %mul3A_904, %gather3A_887 : vector<16xf32>
        %broadcast_in_dim3A_906 = arith.constant 0 : i32
        %broadcast_in_dim3A_907 = vector.broadcast %broadcast_in_dim3A_906 : i32 to vector<16xi32>
        %lt3A_908 = arith.cmpf olt, %gather3A_56, %get3A_781 : vector<16xf32>
        %jit3A_909 = arith.constant 8192 : i32
        %jit3A_910 = arith.constant 0 : i32
        %broadcast_in_dim3A_911 = vector.broadcast %jit3A_909 : i32 to vector<16xi32>
        %broadcast_in_dim3A_912 = vector.broadcast %jit3A_910 : i32 to vector<16xi32>
        %select_n3A_913 = arith.select %lt3A_908, %broadcast_in_dim3A_911, %broadcast_in_dim3A_912 : vector<16xi1>, vector<16xi32>
        %add3A_914 = arith.addi %broadcast_in_dim3A_907, %select_n3A_913 : vector<16xi32>
        %select_n3A_915 = arith.select %lt3A_908, %gather3A_62, %gather3A_59 : vector<16xi1>, vector<16xf32>
        %lt3A_916 = arith.cmpf olt, %select_n3A_915, %get3A_781 : vector<16xf32>
        %jit3A_917 = arith.constant 4096 : i32
        %jit3A_918 = arith.constant 0 : i32
        %broadcast_in_dim3A_919 = vector.broadcast %jit3A_917 : i32 to vector<16xi32>
        %broadcast_in_dim3A_920 = vector.broadcast %jit3A_918 : i32 to vector<16xi32>
        %select_n3A_921 = arith.select %lt3A_916, %broadcast_in_dim3A_919, %broadcast_in_dim3A_920 : vector<16xi1>, vector<16xi32>
        %add3A_922 = arith.addi %add3A_914, %select_n3A_921 : vector<16xi32>
        %select_n3A_923 = arith.select %lt3A_916, %gather3A_71, %gather3A_65 : vector<16xi1>, vector<16xf32>
        %select_n3A_924 = arith.select %lt3A_916, %gather3A_74, %gather3A_68 : vector<16xi1>, vector<16xf32>
        %select_n3A_925 = arith.select %lt3A_908, %select_n3A_924, %select_n3A_923 : vector<16xi1>, vector<16xf32>
        %lt3A_926 = arith.cmpf olt, %select_n3A_925, %get3A_781 : vector<16xf32>
        %jit3A_927 = arith.constant 2048 : i32
        %jit3A_928 = arith.constant 0 : i32
        %broadcast_in_dim3A_929 = vector.broadcast %jit3A_927 : i32 to vector<16xi32>
        %broadcast_in_dim3A_930 = vector.broadcast %jit3A_928 : i32 to vector<16xi32>
        %select_n3A_931 = arith.select %lt3A_926, %broadcast_in_dim3A_929, %broadcast_in_dim3A_930 : vector<16xi1>, vector<16xi32>
        %add3A_932 = arith.addi %add3A_922, %select_n3A_931 : vector<16xi32>
        %select_n3A_933 = arith.select %lt3A_926, %gather3A_89, %gather3A_77 : vector<16xi1>, vector<16xf32>
        %select_n3A_934 = arith.select %lt3A_926, %gather3A_92, %gather3A_80 : vector<16xi1>, vector<16xf32>
        %select_n3A_935 = arith.select %lt3A_926, %gather3A_95, %gather3A_83 : vector<16xi1>, vector<16xf32>
        %select_n3A_936 = arith.select %lt3A_926, %gather3A_98, %gather3A_86 : vector<16xi1>, vector<16xf32>
        %select_n3A_937 = arith.select %lt3A_916, %select_n3A_935, %select_n3A_933 : vector<16xi1>, vector<16xf32>
        %select_n3A_938 = arith.select %lt3A_916, %select_n3A_936, %select_n3A_934 : vector<16xi1>, vector<16xf32>
        %select_n3A_939 = arith.select %lt3A_908, %select_n3A_938, %select_n3A_937 : vector<16xi1>, vector<16xf32>
        %lt3A_940 = arith.cmpf olt, %select_n3A_939, %get3A_781 : vector<16xf32>
        %jit3A_941 = arith.constant 1024 : i32
        %jit3A_942 = arith.constant 0 : i32
        %broadcast_in_dim3A_943 = vector.broadcast %jit3A_941 : i32 to vector<16xi32>
        %broadcast_in_dim3A_944 = vector.broadcast %jit3A_942 : i32 to vector<16xi32>
        %select_n3A_945 = arith.select %lt3A_940, %broadcast_in_dim3A_943, %broadcast_in_dim3A_944 : vector<16xi1>, vector<16xi32>
        %add3A_946 = arith.addi %add3A_932, %select_n3A_945 : vector<16xi32>
        %add3A_947 = arith.addi %add3A_946, %add3A_119 : vector<16xi32>
        %gather3A_948 = tpu.vector_load_idx %arg6[%add3A_947] : memref<32768xf32, #tpu.memory_space<vmem>>[vector<16xi32>], vector<16xf32>,
        %lt3A_949 = arith.cmpf olt, %gather3A_948, %get3A_781 : vector<16xf32>
        %jit3A_950 = arith.constant 512 : i32
        %jit3A_951 = arith.constant 0 : i32
        %broadcast_in_dim3A_952 = vector.broadcast %jit3A_950 : i32 to vector<16xi32>
        %broadcast_in_dim3A_953 = vector.broadcast %jit3A_951 : i32 to vector<16xi32>
        %select_n3A_954 = arith.select %lt3A_949, %broadcast_in_dim3A_952, %broadcast_in_dim3A_953 : vector<16xi1>, vector<16xi32>
        %add3A_955 = arith.addi %add3A_946, %select_n3A_954 : vector<16xi32>
        %add3A_956 = arith.addi %add3A_955, %add3A_122 : vector<16xi32>
        %gather3A_957 = tpu.vector_load_idx %arg6[%add3A_956] : memref<32768xf32, #tpu.memory_space<vmem>>[vector<16xi32>], vector<16xf32>,
        %lt3A_958 = arith.cmpf olt, %gather3A_957, %get3A_781 : vector<16xf32>
        %jit3A_959 = arith.constant 256 : i32
        %jit3A_960 = arith.constant 0 : i32
        %broadcast_in_dim3A_961 = vector.broadcast %jit3A_959 : i32 to vector<16xi32>
        %broadcast_in_dim3A_962 = vector.broadcast %jit3A_960 : i32 to vector<16xi32>
        %select_n3A_963 = arith.select %lt3A_958, %broadcast_in_dim3A_961, %broadcast_in_dim3A_962 : vector<16xi1>, vector<16xi32>
        %add3A_964 = arith.addi %add3A_955, %select_n3A_963 : vector<16xi32>
        %add3A_965 = arith.addi %add3A_964, %add3A_125 : vector<16xi32>
        %gather3A_966 = tpu.vector_load_idx %arg6[%add3A_965] : memref<32768xf32, #tpu.memory_space<vmem>>[vector<16xi32>], vector<16xf32>,
        %lt3A_967 = arith.cmpf olt, %gather3A_966, %get3A_781 : vector<16xf32>
        %jit3A_968 = arith.constant 128 : i32
        %jit3A_969 = arith.constant 0 : i32
        %broadcast_in_dim3A_970 = vector.broadcast %jit3A_968 : i32 to vector<16xi32>
        %broadcast_in_dim3A_971 = vector.broadcast %jit3A_969 : i32 to vector<16xi32>
        %select_n3A_972 = arith.select %lt3A_967, %broadcast_in_dim3A_970, %broadcast_in_dim3A_971 : vector<16xi1>, vector<16xi32>
        %add3A_973 = arith.addi %add3A_964, %select_n3A_972 : vector<16xi32>
        %add3A_974 = arith.addi %add3A_973, %add3A_128 : vector<16xi32>
        %gather3A_975 = tpu.vector_load_idx %arg6[%add3A_974] : memref<32768xf32, #tpu.memory_space<vmem>>[vector<16xi32>], vector<16xf32>,
        %lt3A_976 = arith.cmpf olt, %gather3A_975, %get3A_781 : vector<16xf32>
        %jit3A_977 = arith.constant 64 : i32
        %jit3A_978 = arith.constant 0 : i32
        %broadcast_in_dim3A_979 = vector.broadcast %jit3A_977 : i32 to vector<16xi32>
        %broadcast_in_dim3A_980 = vector.broadcast %jit3A_978 : i32 to vector<16xi32>
        %select_n3A_981 = arith.select %lt3A_976, %broadcast_in_dim3A_979, %broadcast_in_dim3A_980 : vector<16xi1>, vector<16xi32>
        %add3A_982 = arith.addi %add3A_973, %select_n3A_981 : vector<16xi32>
        %add3A_983 = arith.addi %add3A_982, %add3A_131 : vector<16xi32>
        %gather3A_984 = tpu.vector_load_idx %arg6[%add3A_983] : memref<32768xf32, #tpu.memory_space<vmem>>[vector<16xi32>], vector<16xf32>,
        %lt3A_985 = arith.cmpf olt, %gather3A_984, %get3A_781 : vector<16xf32>
        %jit3A_986 = arith.constant 32 : i32
        %jit3A_987 = arith.constant 0 : i32
        %broadcast_in_dim3A_988 = vector.broadcast %jit3A_986 : i32 to vector<16xi32>
        %broadcast_in_dim3A_989 = vector.broadcast %jit3A_987 : i32 to vector<16xi32>
        %select_n3A_990 = arith.select %lt3A_985, %broadcast_in_dim3A_988, %broadcast_in_dim3A_989 : vector<16xi1>, vector<16xi32>
        %add3A_991 = arith.addi %add3A_982, %select_n3A_990 : vector<16xi32>
        %add3A_992 = arith.addi %add3A_991, %add3A_134 : vector<16xi32>
        %gather3A_993 = tpu.vector_load_idx %arg6[%add3A_992] : memref<32768xf32, #tpu.memory_space<vmem>>[vector<16xi32>], vector<16xf32>,
        %lt3A_994 = arith.cmpf olt, %gather3A_993, %get3A_781 : vector<16xf32>
        %jit3A_995 = arith.constant 16 : i32
        %jit3A_996 = arith.constant 0 : i32
        %broadcast_in_dim3A_997 = vector.broadcast %jit3A_995 : i32 to vector<16xi32>
        %broadcast_in_dim3A_998 = vector.broadcast %jit3A_996 : i32 to vector<16xi32>
        %select_n3A_999 = arith.select %lt3A_994, %broadcast_in_dim3A_997, %broadcast_in_dim3A_998 : vector<16xi1>, vector<16xi32>
        %add3A_1000 = arith.addi %add3A_991, %select_n3A_999 : vector<16xi32>
        %sub3A_1001 = arith.constant 16 : i32
        %sub3A_1002 = vector.broadcast %sub3A_1001 : i32 to vector<16xi32>
        %sub3A_1003 = arith.subi %add3A_1000, %sub3A_1002 : vector<16xi32>
        %max3A_1004 = arith.constant 0 : i32
        %max3A_1005 = vector.broadcast %max3A_1004 : i32 to vector<16xi32>
        %max3A_1006 = arith.maxsi %sub3A_1003, %max3A_1005 : vector<16xi32>
        %shift_right_logical3A_1007 = arith.constant 1 : i32
        %shift_right_logical3A_1008 = vector.broadcast %shift_right_logical3A_1007 : i32 to vector<16xi32>
        %shift_right_logical3A_1009 = arith.shrui %max3A_1006, %shift_right_logical3A_1008 : vector<16xi32>
        %add3A_1010 = arith.addi %shift_right_logical3A_1009, %add3A_137 : vector<16xi32>
        %gather3A_1011 = tpu.vector_load_idx %arg7[%add3A_1010] : memref<65536xf32, #tpu.memory_space<vmem>>[vector<16xi32>], vector<16xf32>,
        %add3A_1012 = arith.constant 16384 : i32
        %add3A_1013 = vector.broadcast %add3A_1012 : i32 to vector<16xi32>
        %add3A_1014 = arith.addi %add3A_1010, %add3A_1013 : vector<16xi32>
        %gather3A_1015 = tpu.vector_load_idx %arg7[%add3A_1014] : memref<65536xf32, #tpu.memory_space<vmem>>[vector<16xi32>], vector<16xf32>,
        %add3A_1016 = arith.constant 32768 : i32
        %add3A_1017 = vector.broadcast %add3A_1016 : i32 to vector<16xi32>
        %add3A_1018 = arith.addi %add3A_1010, %add3A_1017 : vector<16xi32>
        %gather3A_1019 = tpu.vector_load_idx %arg7[%add3A_1018] : memref<65536xf32, #tpu.memory_space<vmem>>[vector<16xi32>], vector<16xf32>,
        %add3A_1020 = arith.constant 49152 : i32
        %add3A_1021 = vector.broadcast %add3A_1020 : i32 to vector<16xi32>
        %add3A_1022 = arith.addi %add3A_1010, %add3A_1021 : vector<16xi32>
        %gather3A_1023 = tpu.vector_load_idx %arg7[%add3A_1022] : memref<65536xf32, #tpu.memory_space<vmem>>[vector<16xi32>], vector<16xf32>,
        %mul3A_1024 = arith.mulf %gather3A_1023, %get3A_781 : vector<16xf32>
        %add3A_1025 = arith.addf %mul3A_1024, %gather3A_1019 : vector<16xf32>
        %mul3A_1026 = arith.mulf %add3A_1025, %get3A_781 : vector<16xf32>
        %add3A_1027 = arith.addf %mul3A_1026, %gather3A_1015 : vector<16xf32>
        %mul3A_1028 = arith.mulf %add3A_1027, %get3A_781 : vector<16xf32>
        %add3A_1029 = arith.addf %mul3A_1028, %gather3A_1011 : vector<16xf32>
        %mul3A_1030 = arith.mulf %add3A_905, %add3A_1029 : vector<16xf32>
        %add3A_1031 = arith.constant 32 : i32
        %add3A_1032 = arith.addi %mul3A_243, %add3A_1031 : i32
        %swap3A_1033 = arith.index_cast %add3A_1032 : i32 to index
        %swap3A_1034 = tpu.vector_load %arg11[%swap3A_1033] {strides = array<i32>} : memref<2048xf32, #tpu.memory_space<vmem>>, vector<16xf32>,
        tpu.vector_store %arg11[%swap3A_1033], %mul3A_1030 {strides = array<i32>} : memref<2048xf32, #tpu.memory_space<vmem>>, vector<16xf32>,
        %add3A_1035 = arith.constant 48 : i32
        %add3A_1036 = arith.addi %mul3A_241, %add3A_1035 : i32
        %get3A_1037 = arith.constant 0 : i32
        %get3A_1038 = arith.index_cast %get3A_1037 : i32 to index
        %get3A_1039 = arith.index_cast %add3A_1036 : i32 to index
        %get3A_1040 = tpu.vector_load %arg9[%get3A_1038, %get3A_1039] {strides = array<i32>} : memref<2x2048xf32, #tpu.memory_space<vmem>>, vector<16xf32>,
        %add3A_1041 = arith.constant 48 : i32
        %add3A_1042 = arith.addi %mul3A_241, %add3A_1041 : i32
        %get3A_1043 = arith.constant 1 : i32
        %get3A_1044 = arith.index_cast %get3A_1043 : i32 to index
        %get3A_1045 = arith.index_cast %add3A_1042 : i32 to index
        %get3A_1046 = tpu.vector_load %arg9[%get3A_1044, %get3A_1045] {strides = array<i32>} : memref<2x2048xf32, #tpu.memory_space<vmem>>, vector<16xf32>,
        %broadcast_in_dim3A_1047 = arith.constant 0 : i32
        %broadcast_in_dim3A_1048 = vector.broadcast %broadcast_in_dim3A_1047 : i32 to vector<16xi32>
        %lt3A_1049 = arith.cmpf olt, %gather3A, %get3A_1040 : vector<16xf32>
        %jit3A_1050 = arith.constant 8192 : i32
        %jit3A_1051 = arith.constant 0 : i32
        %broadcast_in_dim3A_1052 = vector.broadcast %jit3A_1050 : i32 to vector<16xi32>
        %broadcast_in_dim3A_1053 = vector.broadcast %jit3A_1051 : i32 to vector<16xi32>
        %select_n3A_1054 = arith.select %lt3A_1049, %broadcast_in_dim3A_1052, %broadcast_in_dim3A_1053 : vector<16xi1>, vector<16xi32>
        %add3A_1055 = arith.addi %broadcast_in_dim3A_1048, %select_n3A_1054 : vector<16xi32>
        %select_n3A_1056 = arith.select %lt3A_1049, %gather3A_17, %gather3A_14 : vector<16xi1>, vector<16xf32>
        %lt3A_1057 = arith.cmpf olt, %select_n3A_1056, %get3A_1040 : vector<16xf32>
        %jit3A_1058 = arith.constant 4096 : i32
        %jit3A_1059 = arith.constant 0 : i32
        %broadcast_in_dim3A_1060 = vector.broadcast %jit3A_1058 : i32 to vector<16xi32>
        %broadcast_in_dim3A_1061 = vector.broadcast %jit3A_1059 : i32 to vector<16xi32>
        %select_n3A_1062 = arith.select %lt3A_1057, %broadcast_in_dim3A_1060, %broadcast_in_dim3A_1061 : vector<16xi1>, vector<16xi32>
        %add3A_1063 = arith.addi %add3A_1055, %select_n3A_1062 : vector<16xi32>
        %select_n3A_1064 = arith.select %lt3A_1057, %gather3A_26, %gather3A_20 : vector<16xi1>, vector<16xf32>
        %select_n3A_1065 = arith.select %lt3A_1057, %gather3A_29, %gather3A_23 : vector<16xi1>, vector<16xf32>
        %select_n3A_1066 = arith.select %lt3A_1049, %select_n3A_1065, %select_n3A_1064 : vector<16xi1>, vector<16xf32>
        %lt3A_1067 = arith.cmpf olt, %select_n3A_1066, %get3A_1040 : vector<16xf32>
        %jit3A_1068 = arith.constant 2048 : i32
        %jit3A_1069 = arith.constant 0 : i32
        %broadcast_in_dim3A_1070 = vector.broadcast %jit3A_1068 : i32 to vector<16xi32>
        %broadcast_in_dim3A_1071 = vector.broadcast %jit3A_1069 : i32 to vector<16xi32>
        %select_n3A_1072 = arith.select %lt3A_1067, %broadcast_in_dim3A_1070, %broadcast_in_dim3A_1071 : vector<16xi1>, vector<16xi32>
        %add3A_1073 = arith.addi %add3A_1063, %select_n3A_1072 : vector<16xi32>
        %select_n3A_1074 = arith.select %lt3A_1067, %gather3A_44, %gather3A_32 : vector<16xi1>, vector<16xf32>
        %select_n3A_1075 = arith.select %lt3A_1067, %gather3A_47, %gather3A_35 : vector<16xi1>, vector<16xf32>
        %select_n3A_1076 = arith.select %lt3A_1067, %gather3A_50, %gather3A_38 : vector<16xi1>, vector<16xf32>
        %select_n3A_1077 = arith.select %lt3A_1067, %gather3A_53, %gather3A_41 : vector<16xi1>, vector<16xf32>
        %select_n3A_1078 = arith.select %lt3A_1057, %select_n3A_1076, %select_n3A_1074 : vector<16xi1>, vector<16xf32>
        %select_n3A_1079 = arith.select %lt3A_1057, %select_n3A_1077, %select_n3A_1075 : vector<16xi1>, vector<16xf32>
        %select_n3A_1080 = arith.select %lt3A_1049, %select_n3A_1079, %select_n3A_1078 : vector<16xi1>, vector<16xf32>
        %lt3A_1081 = arith.cmpf olt, %select_n3A_1080, %get3A_1040 : vector<16xf32>
        %jit3A_1082 = arith.constant 1024 : i32
        %jit3A_1083 = arith.constant 0 : i32
        %broadcast_in_dim3A_1084 = vector.broadcast %jit3A_1082 : i32 to vector<16xi32>
        %broadcast_in_dim3A_1085 = vector.broadcast %jit3A_1083 : i32 to vector<16xi32>
        %select_n3A_1086 = arith.select %lt3A_1081, %broadcast_in_dim3A_1084, %broadcast_in_dim3A_1085 : vector<16xi1>, vector<16xi32>
        %add3A_1087 = arith.addi %add3A_1073, %select_n3A_1086 : vector<16xi32>
        %add3A_1088 = arith.addi %add3A_1087, %add3A_101 : vector<16xi32>
        %gather3A_1089 = tpu.vector_load_idx %arg6[%add3A_1088] : memref<32768xf32, #tpu.memory_space<vmem>>[vector<16xi32>], vector<16xf32>,
        %lt3A_1090 = arith.cmpf olt, %gather3A_1089, %get3A_1040 : vector<16xf32>
        %jit3A_1091 = arith.constant 512 : i32
        %jit3A_1092 = arith.constant 0 : i32
        %broadcast_in_dim3A_1093 = vector.broadcast %jit3A_1091 : i32 to vector<16xi32>
        %broadcast_in_dim3A_1094 = vector.broadcast %jit3A_1092 : i32 to vector<16xi32>
        %select_n3A_1095 = arith.select %lt3A_1090, %broadcast_in_dim3A_1093, %broadcast_in_dim3A_1094 : vector<16xi1>, vector<16xi32>
        %add3A_1096 = arith.addi %add3A_1087, %select_n3A_1095 : vector<16xi32>
        %add3A_1097 = arith.addi %add3A_1096, %add3A_104 : vector<16xi32>
        %gather3A_1098 = tpu.vector_load_idx %arg6[%add3A_1097] : memref<32768xf32, #tpu.memory_space<vmem>>[vector<16xi32>], vector<16xf32>,
        %lt3A_1099 = arith.cmpf olt, %gather3A_1098, %get3A_1040 : vector<16xf32>
        %jit3A_1100 = arith.constant 256 : i32
        %jit3A_1101 = arith.constant 0 : i32
        %broadcast_in_dim3A_1102 = vector.broadcast %jit3A_1100 : i32 to vector<16xi32>
        %broadcast_in_dim3A_1103 = vector.broadcast %jit3A_1101 : i32 to vector<16xi32>
        %select_n3A_1104 = arith.select %lt3A_1099, %broadcast_in_dim3A_1102, %broadcast_in_dim3A_1103 : vector<16xi1>, vector<16xi32>
        %add3A_1105 = arith.addi %add3A_1096, %select_n3A_1104 : vector<16xi32>
        %add3A_1106 = arith.addi %add3A_1105, %add3A_107 : vector<16xi32>
        %gather3A_1107 = tpu.vector_load_idx %arg6[%add3A_1106] : memref<32768xf32, #tpu.memory_space<vmem>>[vector<16xi32>], vector<16xf32>,
        %lt3A_1108 = arith.cmpf olt, %gather3A_1107, %get3A_1040 : vector<16xf32>
        %jit3A_1109 = arith.constant 128 : i32
        %jit3A_1110 = arith.constant 0 : i32
        %broadcast_in_dim3A_1111 = vector.broadcast %jit3A_1109 : i32 to vector<16xi32>
        %broadcast_in_dim3A_1112 = vector.broadcast %jit3A_1110 : i32 to vector<16xi32>
        %select_n3A_1113 = arith.select %lt3A_1108, %broadcast_in_dim3A_1111, %broadcast_in_dim3A_1112 : vector<16xi1>, vector<16xi32>
        %add3A_1114 = arith.addi %add3A_1105, %select_n3A_1113 : vector<16xi32>
        %add3A_1115 = arith.addi %add3A_1114, %add3A_110 : vector<16xi32>
        %gather3A_1116 = tpu.vector_load_idx %arg6[%add3A_1115] : memref<32768xf32, #tpu.memory_space<vmem>>[vector<16xi32>], vector<16xf32>,
        %lt3A_1117 = arith.cmpf olt, %gather3A_1116, %get3A_1040 : vector<16xf32>
        %jit3A_1118 = arith.constant 64 : i32
        %jit3A_1119 = arith.constant 0 : i32
        %broadcast_in_dim3A_1120 = vector.broadcast %jit3A_1118 : i32 to vector<16xi32>
        %broadcast_in_dim3A_1121 = vector.broadcast %jit3A_1119 : i32 to vector<16xi32>
        %select_n3A_1122 = arith.select %lt3A_1117, %broadcast_in_dim3A_1120, %broadcast_in_dim3A_1121 : vector<16xi1>, vector<16xi32>
        %add3A_1123 = arith.addi %add3A_1114, %select_n3A_1122 : vector<16xi32>
        %add3A_1124 = arith.addi %add3A_1123, %add3A_113 : vector<16xi32>
        %gather3A_1125 = tpu.vector_load_idx %arg6[%add3A_1124] : memref<32768xf32, #tpu.memory_space<vmem>>[vector<16xi32>], vector<16xf32>,
        %lt3A_1126 = arith.cmpf olt, %gather3A_1125, %get3A_1040 : vector<16xf32>
        %jit3A_1127 = arith.constant 32 : i32
        %jit3A_1128 = arith.constant 0 : i32
        %broadcast_in_dim3A_1129 = vector.broadcast %jit3A_1127 : i32 to vector<16xi32>
        %broadcast_in_dim3A_1130 = vector.broadcast %jit3A_1128 : i32 to vector<16xi32>
        %select_n3A_1131 = arith.select %lt3A_1126, %broadcast_in_dim3A_1129, %broadcast_in_dim3A_1130 : vector<16xi1>, vector<16xi32>
        %add3A_1132 = arith.addi %add3A_1123, %select_n3A_1131 : vector<16xi32>
        %add3A_1133 = arith.addi %add3A_1132, %add3A_116 : vector<16xi32>
        %gather3A_1134 = tpu.vector_load_idx %arg6[%add3A_1133] : memref<32768xf32, #tpu.memory_space<vmem>>[vector<16xi32>], vector<16xf32>,
        %lt3A_1135 = arith.cmpf olt, %gather3A_1134, %get3A_1040 : vector<16xf32>
        %jit3A_1136 = arith.constant 16 : i32
        %jit3A_1137 = arith.constant 0 : i32
        %broadcast_in_dim3A_1138 = vector.broadcast %jit3A_1136 : i32 to vector<16xi32>
        %broadcast_in_dim3A_1139 = vector.broadcast %jit3A_1137 : i32 to vector<16xi32>
        %select_n3A_1140 = arith.select %lt3A_1135, %broadcast_in_dim3A_1138, %broadcast_in_dim3A_1139 : vector<16xi1>, vector<16xi32>
        %add3A_1141 = arith.addi %add3A_1132, %select_n3A_1140 : vector<16xi32>
        %sub3A_1142 = arith.constant 16 : i32
        %sub3A_1143 = vector.broadcast %sub3A_1142 : i32 to vector<16xi32>
        %sub3A_1144 = arith.subi %add3A_1141, %sub3A_1143 : vector<16xi32>
        %max3A_1145 = arith.constant 0 : i32
        %max3A_1146 = vector.broadcast %max3A_1145 : i32 to vector<16xi32>
        %max3A_1147 = arith.maxsi %sub3A_1144, %max3A_1146 : vector<16xi32>
        %shift_right_logical3A_1148 = arith.constant 1 : i32
        %shift_right_logical3A_1149 = vector.broadcast %shift_right_logical3A_1148 : i32 to vector<16xi32>
        %shift_right_logical3A_1150 = arith.shrui %max3A_1147, %shift_right_logical3A_1149 : vector<16xi32>
        %add3A_1151 = arith.addi %shift_right_logical3A_1150, %and3A_10 : vector<16xi32>
        %gather3A_1152 = tpu.vector_load_idx %arg7[%add3A_1151] : memref<65536xf32, #tpu.memory_space<vmem>>[vector<16xi32>], vector<16xf32>,
        %add3A_1153 = arith.constant 16384 : i32
        %add3A_1154 = vector.broadcast %add3A_1153 : i32 to vector<16xi32>
        %add3A_1155 = arith.addi %add3A_1151, %add3A_1154 : vector<16xi32>
        %gather3A_1156 = tpu.vector_load_idx %arg7[%add3A_1155] : memref<65536xf32, #tpu.memory_space<vmem>>[vector<16xi32>], vector<16xf32>,
        %add3A_1157 = arith.constant 32768 : i32
        %add3A_1158 = vector.broadcast %add3A_1157 : i32 to vector<16xi32>
        %add3A_1159 = arith.addi %add3A_1151, %add3A_1158 : vector<16xi32>
        %gather3A_1160 = tpu.vector_load_idx %arg7[%add3A_1159] : memref<65536xf32, #tpu.memory_space<vmem>>[vector<16xi32>], vector<16xf32>,
        %add3A_1161 = arith.constant 49152 : i32
        %add3A_1162 = vector.broadcast %add3A_1161 : i32 to vector<16xi32>
        %add3A_1163 = arith.addi %add3A_1151, %add3A_1162 : vector<16xi32>
        %gather3A_1164 = tpu.vector_load_idx %arg7[%add3A_1163] : memref<65536xf32, #tpu.memory_space<vmem>>[vector<16xi32>], vector<16xf32>,
        %mul3A_1165 = arith.mulf %gather3A_1164, %get3A_1040 : vector<16xf32>
        %add3A_1166 = arith.addf %mul3A_1165, %gather3A_1160 : vector<16xf32>
        %mul3A_1167 = arith.mulf %add3A_1166, %get3A_1040 : vector<16xf32>
        %add3A_1168 = arith.addf %mul3A_1167, %gather3A_1156 : vector<16xf32>
        %mul3A_1169 = arith.mulf %add3A_1168, %get3A_1040 : vector<16xf32>
        %add3A_1170 = arith.addf %mul3A_1169, %gather3A_1152 : vector<16xf32>
        %broadcast_in_dim3A_1171 = arith.constant 0 : i32
        %broadcast_in_dim3A_1172 = vector.broadcast %broadcast_in_dim3A_1171 : i32 to vector<16xi32>
        %lt3A_1173 = arith.cmpf olt, %gather3A_56, %get3A_1046 : vector<16xf32>
        %jit3A_1174 = arith.constant 8192 : i32
        %jit3A_1175 = arith.constant 0 : i32
        %broadcast_in_dim3A_1176 = vector.broadcast %jit3A_1174 : i32 to vector<16xi32>
        %broadcast_in_dim3A_1177 = vector.broadcast %jit3A_1175 : i32 to vector<16xi32>
        %select_n3A_1178 = arith.select %lt3A_1173, %broadcast_in_dim3A_1176, %broadcast_in_dim3A_1177 : vector<16xi1>, vector<16xi32>
        %add3A_1179 = arith.addi %broadcast_in_dim3A_1172, %select_n3A_1178 : vector<16xi32>
        %select_n3A_1180 = arith.select %lt3A_1173, %gather3A_62, %gather3A_59 : vector<16xi1>, vector<16xf32>
        %lt3A_1181 = arith.cmpf olt, %select_n3A_1180, %get3A_1046 : vector<16xf32>
        %jit3A_1182 = arith.constant 4096 : i32
        %jit3A_1183 = arith.constant 0 : i32
        %broadcast_in_dim3A_1184 = vector.broadcast %jit3A_1182 : i32 to vector<16xi32>
        %broadcast_in_dim3A_1185 = vector.broadcast %jit3A_1183 : i32 to vector<16xi32>
        %select_n3A_1186 = arith.select %lt3A_1181, %broadcast_in_dim3A_1184, %broadcast_in_dim3A_1185 : vector<16xi1>, vector<16xi32>
        %add3A_1187 = arith.addi %add3A_1179, %select_n3A_1186 : vector<16xi32>
        %select_n3A_1188 = arith.select %lt3A_1181, %gather3A_71, %gather3A_65 : vector<16xi1>, vector<16xf32>
        %select_n3A_1189 = arith.select %lt3A_1181, %gather3A_74, %gather3A_68 : vector<16xi1>, vector<16xf32>
        %select_n3A_1190 = arith.select %lt3A_1173, %select_n3A_1189, %select_n3A_1188 : vector<16xi1>, vector<16xf32>
        %lt3A_1191 = arith.cmpf olt, %select_n3A_1190, %get3A_1046 : vector<16xf32>
        %jit3A_1192 = arith.constant 2048 : i32
        %jit3A_1193 = arith.constant 0 : i32
        %broadcast_in_dim3A_1194 = vector.broadcast %jit3A_1192 : i32 to vector<16xi32>
        %broadcast_in_dim3A_1195 = vector.broadcast %jit3A_1193 : i32 to vector<16xi32>
        %select_n3A_1196 = arith.select %lt3A_1191, %broadcast_in_dim3A_1194, %broadcast_in_dim3A_1195 : vector<16xi1>, vector<16xi32>
        %add3A_1197 = arith.addi %add3A_1187, %select_n3A_1196 : vector<16xi32>
        %select_n3A_1198 = arith.select %lt3A_1191, %gather3A_89, %gather3A_77 : vector<16xi1>, vector<16xf32>
        %select_n3A_1199 = arith.select %lt3A_1191, %gather3A_92, %gather3A_80 : vector<16xi1>, vector<16xf32>
        %select_n3A_1200 = arith.select %lt3A_1191, %gather3A_95, %gather3A_83 : vector<16xi1>, vector<16xf32>
        %select_n3A_1201 = arith.select %lt3A_1191, %gather3A_98, %gather3A_86 : vector<16xi1>, vector<16xf32>
        %select_n3A_1202 = arith.select %lt3A_1181, %select_n3A_1200, %select_n3A_1198 : vector<16xi1>, vector<16xf32>
        %select_n3A_1203 = arith.select %lt3A_1181, %select_n3A_1201, %select_n3A_1199 : vector<16xi1>, vector<16xf32>
        %select_n3A_1204 = arith.select %lt3A_1173, %select_n3A_1203, %select_n3A_1202 : vector<16xi1>, vector<16xf32>
        %lt3A_1205 = arith.cmpf olt, %select_n3A_1204, %get3A_1046 : vector<16xf32>
        %jit3A_1206 = arith.constant 1024 : i32
        %jit3A_1207 = arith.constant 0 : i32
        %broadcast_in_dim3A_1208 = vector.broadcast %jit3A_1206 : i32 to vector<16xi32>
        %broadcast_in_dim3A_1209 = vector.broadcast %jit3A_1207 : i32 to vector<16xi32>
        %select_n3A_1210 = arith.select %lt3A_1205, %broadcast_in_dim3A_1208, %broadcast_in_dim3A_1209 : vector<16xi1>, vector<16xi32>
        %add3A_1211 = arith.addi %add3A_1197, %select_n3A_1210 : vector<16xi32>
        %add3A_1212 = arith.addi %add3A_1211, %add3A_119 : vector<16xi32>
        %gather3A_1213 = tpu.vector_load_idx %arg6[%add3A_1212] : memref<32768xf32, #tpu.memory_space<vmem>>[vector<16xi32>], vector<16xf32>,
        %lt3A_1214 = arith.cmpf olt, %gather3A_1213, %get3A_1046 : vector<16xf32>
        %jit3A_1215 = arith.constant 512 : i32
        %jit3A_1216 = arith.constant 0 : i32
        %broadcast_in_dim3A_1217 = vector.broadcast %jit3A_1215 : i32 to vector<16xi32>
        %broadcast_in_dim3A_1218 = vector.broadcast %jit3A_1216 : i32 to vector<16xi32>
        %select_n3A_1219 = arith.select %lt3A_1214, %broadcast_in_dim3A_1217, %broadcast_in_dim3A_1218 : vector<16xi1>, vector<16xi32>
        %add3A_1220 = arith.addi %add3A_1211, %select_n3A_1219 : vector<16xi32>
        %add3A_1221 = arith.addi %add3A_1220, %add3A_122 : vector<16xi32>
        %gather3A_1222 = tpu.vector_load_idx %arg6[%add3A_1221] : memref<32768xf32, #tpu.memory_space<vmem>>[vector<16xi32>], vector<16xf32>,
        %lt3A_1223 = arith.cmpf olt, %gather3A_1222, %get3A_1046 : vector<16xf32>
        %jit3A_1224 = arith.constant 256 : i32
        %jit3A_1225 = arith.constant 0 : i32
        %broadcast_in_dim3A_1226 = vector.broadcast %jit3A_1224 : i32 to vector<16xi32>
        %broadcast_in_dim3A_1227 = vector.broadcast %jit3A_1225 : i32 to vector<16xi32>
        %select_n3A_1228 = arith.select %lt3A_1223, %broadcast_in_dim3A_1226, %broadcast_in_dim3A_1227 : vector<16xi1>, vector<16xi32>
        %add3A_1229 = arith.addi %add3A_1220, %select_n3A_1228 : vector<16xi32>
        %add3A_1230 = arith.addi %add3A_1229, %add3A_125 : vector<16xi32>
        %gather3A_1231 = tpu.vector_load_idx %arg6[%add3A_1230] : memref<32768xf32, #tpu.memory_space<vmem>>[vector<16xi32>], vector<16xf32>,
        %lt3A_1232 = arith.cmpf olt, %gather3A_1231, %get3A_1046 : vector<16xf32>
        %jit3A_1233 = arith.constant 128 : i32
        %jit3A_1234 = arith.constant 0 : i32
        %broadcast_in_dim3A_1235 = vector.broadcast %jit3A_1233 : i32 to vector<16xi32>
        %broadcast_in_dim3A_1236 = vector.broadcast %jit3A_1234 : i32 to vector<16xi32>
        %select_n3A_1237 = arith.select %lt3A_1232, %broadcast_in_dim3A_1235, %broadcast_in_dim3A_1236 : vector<16xi1>, vector<16xi32>
        %add3A_1238 = arith.addi %add3A_1229, %select_n3A_1237 : vector<16xi32>
        %add3A_1239 = arith.addi %add3A_1238, %add3A_128 : vector<16xi32>
        %gather3A_1240 = tpu.vector_load_idx %arg6[%add3A_1239] : memref<32768xf32, #tpu.memory_space<vmem>>[vector<16xi32>], vector<16xf32>,
        %lt3A_1241 = arith.cmpf olt, %gather3A_1240, %get3A_1046 : vector<16xf32>
        %jit3A_1242 = arith.constant 64 : i32
        %jit3A_1243 = arith.constant 0 : i32
        %broadcast_in_dim3A_1244 = vector.broadcast %jit3A_1242 : i32 to vector<16xi32>
        %broadcast_in_dim3A_1245 = vector.broadcast %jit3A_1243 : i32 to vector<16xi32>
        %select_n3A_1246 = arith.select %lt3A_1241, %broadcast_in_dim3A_1244, %broadcast_in_dim3A_1245 : vector<16xi1>, vector<16xi32>
        %add3A_1247 = arith.addi %add3A_1238, %select_n3A_1246 : vector<16xi32>
        %add3A_1248 = arith.addi %add3A_1247, %add3A_131 : vector<16xi32>
        %gather3A_1249 = tpu.vector_load_idx %arg6[%add3A_1248] : memref<32768xf32, #tpu.memory_space<vmem>>[vector<16xi32>], vector<16xf32>,
        %lt3A_1250 = arith.cmpf olt, %gather3A_1249, %get3A_1046 : vector<16xf32>
        %jit3A_1251 = arith.constant 32 : i32
        %jit3A_1252 = arith.constant 0 : i32
        %broadcast_in_dim3A_1253 = vector.broadcast %jit3A_1251 : i32 to vector<16xi32>
        %broadcast_in_dim3A_1254 = vector.broadcast %jit3A_1252 : i32 to vector<16xi32>
        %select_n3A_1255 = arith.select %lt3A_1250, %broadcast_in_dim3A_1253, %broadcast_in_dim3A_1254 : vector<16xi1>, vector<16xi32>
        %add3A_1256 = arith.addi %add3A_1247, %select_n3A_1255 : vector<16xi32>
        %add3A_1257 = arith.addi %add3A_1256, %add3A_134 : vector<16xi32>
        %gather3A_1258 = tpu.vector_load_idx %arg6[%add3A_1257] : memref<32768xf32, #tpu.memory_space<vmem>>[vector<16xi32>], vector<16xf32>,
        %lt3A_1259 = arith.cmpf olt, %gather3A_1258, %get3A_1046 : vector<16xf32>
        %jit3A_1260 = arith.constant 16 : i32
        %jit3A_1261 = arith.constant 0 : i32
        %broadcast_in_dim3A_1262 = vector.broadcast %jit3A_1260 : i32 to vector<16xi32>
        %broadcast_in_dim3A_1263 = vector.broadcast %jit3A_1261 : i32 to vector<16xi32>
        %select_n3A_1264 = arith.select %lt3A_1259, %broadcast_in_dim3A_1262, %broadcast_in_dim3A_1263 : vector<16xi1>, vector<16xi32>
        %add3A_1265 = arith.addi %add3A_1256, %select_n3A_1264 : vector<16xi32>
        %sub3A_1266 = arith.constant 16 : i32
        %sub3A_1267 = vector.broadcast %sub3A_1266 : i32 to vector<16xi32>
        %sub3A_1268 = arith.subi %add3A_1265, %sub3A_1267 : vector<16xi32>
        %max3A_1269 = arith.constant 0 : i32
        %max3A_1270 = vector.broadcast %max3A_1269 : i32 to vector<16xi32>
        %max3A_1271 = arith.maxsi %sub3A_1268, %max3A_1270 : vector<16xi32>
        %shift_right_logical3A_1272 = arith.constant 1 : i32
        %shift_right_logical3A_1273 = vector.broadcast %shift_right_logical3A_1272 : i32 to vector<16xi32>
        %shift_right_logical3A_1274 = arith.shrui %max3A_1271, %shift_right_logical3A_1273 : vector<16xi32>
        %add3A_1275 = arith.addi %shift_right_logical3A_1274, %add3A_137 : vector<16xi32>
        %gather3A_1276 = tpu.vector_load_idx %arg7[%add3A_1275] : memref<65536xf32, #tpu.memory_space<vmem>>[vector<16xi32>], vector<16xf32>,
        %add3A_1277 = arith.constant 16384 : i32
        %add3A_1278 = vector.broadcast %add3A_1277 : i32 to vector<16xi32>
        %add3A_1279 = arith.addi %add3A_1275, %add3A_1278 : vector<16xi32>
        %gather3A_1280 = tpu.vector_load_idx %arg7[%add3A_1279] : memref<65536xf32, #tpu.memory_space<vmem>>[vector<16xi32>], vector<16xf32>,
        %add3A_1281 = arith.constant 32768 : i32
        %add3A_1282 = vector.broadcast %add3A_1281 : i32 to vector<16xi32>
        %add3A_1283 = arith.addi %add3A_1275, %add3A_1282 : vector<16xi32>
        %gather3A_1284 = tpu.vector_load_idx %arg7[%add3A_1283] : memref<65536xf32, #tpu.memory_space<vmem>>[vector<16xi32>], vector<16xf32>,
        %add3A_1285 = arith.constant 49152 : i32
        %add3A_1286 = vector.broadcast %add3A_1285 : i32 to vector<16xi32>
        %add3A_1287 = arith.addi %add3A_1275, %add3A_1286 : vector<16xi32>
        %gather3A_1288 = tpu.vector_load_idx %arg7[%add3A_1287] : memref<65536xf32, #tpu.memory_space<vmem>>[vector<16xi32>], vector<16xf32>,
        %mul3A_1289 = arith.mulf %gather3A_1288, %get3A_1046 : vector<16xf32>
        %add3A_1290 = arith.addf %mul3A_1289, %gather3A_1284 : vector<16xf32>
        %mul3A_1291 = arith.mulf %add3A_1290, %get3A_1046 : vector<16xf32>
        %add3A_1292 = arith.addf %mul3A_1291, %gather3A_1280 : vector<16xf32>
        %mul3A_1293 = arith.mulf %add3A_1292, %get3A_1046 : vector<16xf32>
        %add3A_1294 = arith.addf %mul3A_1293, %gather3A_1276 : vector<16xf32>
        %mul3A_1295 = arith.mulf %add3A_1170, %add3A_1294 : vector<16xf32>
        %add3A_1296 = arith.constant 48 : i32
        %add3A_1297 = arith.addi %mul3A_243, %add3A_1296 : i32
        %swap3A_1298 = arith.index_cast %add3A_1297 : i32 to index
        %swap3A_1299 = tpu.vector_load %arg11[%swap3A_1298] {strides = array<i32>} : memref<2048xf32, #tpu.memory_space<vmem>>, vector<16xf32>,
        tpu.vector_store %arg11[%swap3A_1298], %mul3A_1295 {strides = array<i32>} : memref<2048xf32, #tpu.memory_space<vmem>>, vector<16xf32>,
        %add3A_1300 = arith.constant 64 : i32
        %add3A_1301 = arith.addi %mul3A_241, %add3A_1300 : i32
        %get3A_1302 = arith.constant 0 : i32
        %get3A_1303 = arith.index_cast %get3A_1302 : i32 to index
        %get3A_1304 = arith.index_cast %add3A_1301 : i32 to index
        %get3A_1305 = tpu.vector_load %arg9[%get3A_1303, %get3A_1304] {strides = array<i32>} : memref<2x2048xf32, #tpu.memory_space<vmem>>, vector<16xf32>,
        %add3A_1306 = arith.constant 64 : i32
        %add3A_1307 = arith.addi %mul3A_241, %add3A_1306 : i32
        %get3A_1308 = arith.constant 1 : i32
        %get3A_1309 = arith.index_cast %get3A_1308 : i32 to index
        %get3A_1310 = arith.index_cast %add3A_1307 : i32 to index
        %get3A_1311 = tpu.vector_load %arg9[%get3A_1309, %get3A_1310] {strides = array<i32>} : memref<2x2048xf32, #tpu.memory_space<vmem>>, vector<16xf32>,
        %broadcast_in_dim3A_1312 = arith.constant 0 : i32
        %broadcast_in_dim3A_1313 = vector.broadcast %broadcast_in_dim3A_1312 : i32 to vector<16xi32>
        %lt3A_1314 = arith.cmpf olt, %gather3A, %get3A_1305 : vector<16xf32>
        %jit3A_1315 = arith.constant 8192 : i32
        %jit3A_1316 = arith.constant 0 : i32
        %broadcast_in_dim3A_1317 = vector.broadcast %jit3A_1315 : i32 to vector<16xi32>
        %broadcast_in_dim3A_1318 = vector.broadcast %jit3A_1316 : i32 to vector<16xi32>
        %select_n3A_1319 = arith.select %lt3A_1314, %broadcast_in_dim3A_1317, %broadcast_in_dim3A_1318 : vector<16xi1>, vector<16xi32>
        %add3A_1320 = arith.addi %broadcast_in_dim3A_1313, %select_n3A_1319 : vector<16xi32>
        %select_n3A_1321 = arith.select %lt3A_1314, %gather3A_17, %gather3A_14 : vector<16xi1>, vector<16xf32>
        %lt3A_1322 = arith.cmpf olt, %select_n3A_1321, %get3A_1305 : vector<16xf32>
        %jit3A_1323 = arith.constant 4096 : i32
        %jit3A_1324 = arith.constant 0 : i32
        %broadcast_in_dim3A_1325 = vector.broadcast %jit3A_1323 : i32 to vector<16xi32>
        %broadcast_in_dim3A_1326 = vector.broadcast %jit3A_1324 : i32 to vector<16xi32>
        %select_n3A_1327 = arith.select %lt3A_1322, %broadcast_in_dim3A_1325, %broadcast_in_dim3A_1326 : vector<16xi1>, vector<16xi32>
        %add3A_1328 = arith.addi %add3A_1320, %select_n3A_1327 : vector<16xi32>
        %select_n3A_1329 = arith.select %lt3A_1322, %gather3A_26, %gather3A_20 : vector<16xi1>, vector<16xf32>
        %select_n3A_1330 = arith.select %lt3A_1322, %gather3A_29, %gather3A_23 : vector<16xi1>, vector<16xf32>
        %select_n3A_1331 = arith.select %lt3A_1314, %select_n3A_1330, %select_n3A_1329 : vector<16xi1>, vector<16xf32>
        %lt3A_1332 = arith.cmpf olt, %select_n3A_1331, %get3A_1305 : vector<16xf32>
        %jit3A_1333 = arith.constant 2048 : i32
        %jit3A_1334 = arith.constant 0 : i32
        %broadcast_in_dim3A_1335 = vector.broadcast %jit3A_1333 : i32 to vector<16xi32>
        %broadcast_in_dim3A_1336 = vector.broadcast %jit3A_1334 : i32 to vector<16xi32>
        %select_n3A_1337 = arith.select %lt3A_1332, %broadcast_in_dim3A_1335, %broadcast_in_dim3A_1336 : vector<16xi1>, vector<16xi32>
        %add3A_1338 = arith.addi %add3A_1328, %select_n3A_1337 : vector<16xi32>
        %select_n3A_1339 = arith.select %lt3A_1332, %gather3A_44, %gather3A_32 : vector<16xi1>, vector<16xf32>
        %select_n3A_1340 = arith.select %lt3A_1332, %gather3A_47, %gather3A_35 : vector<16xi1>, vector<16xf32>
        %select_n3A_1341 = arith.select %lt3A_1332, %gather3A_50, %gather3A_38 : vector<16xi1>, vector<16xf32>
        %select_n3A_1342 = arith.select %lt3A_1332, %gather3A_53, %gather3A_41 : vector<16xi1>, vector<16xf32>
        %select_n3A_1343 = arith.select %lt3A_1322, %select_n3A_1341, %select_n3A_1339 : vector<16xi1>, vector<16xf32>
        %select_n3A_1344 = arith.select %lt3A_1322, %select_n3A_1342, %select_n3A_1340 : vector<16xi1>, vector<16xf32>
        %select_n3A_1345 = arith.select %lt3A_1314, %select_n3A_1344, %select_n3A_1343 : vector<16xi1>, vector<16xf32>
        %lt3A_1346 = arith.cmpf olt, %select_n3A_1345, %get3A_1305 : vector<16xf32>
        %jit3A_1347 = arith.constant 1024 : i32
        %jit3A_1348 = arith.constant 0 : i32
        %broadcast_in_dim3A_1349 = vector.broadcast %jit3A_1347 : i32 to vector<16xi32>
        %broadcast_in_dim3A_1350 = vector.broadcast %jit3A_1348 : i32 to vector<16xi32>
        %select_n3A_1351 = arith.select %lt3A_1346, %broadcast_in_dim3A_1349, %broadcast_in_dim3A_1350 : vector<16xi1>, vector<16xi32>
        %add3A_1352 = arith.addi %add3A_1338, %select_n3A_1351 : vector<16xi32>
        %add3A_1353 = arith.addi %add3A_1352, %add3A_101 : vector<16xi32>
        %gather3A_1354 = tpu.vector_load_idx %arg6[%add3A_1353] : memref<32768xf32, #tpu.memory_space<vmem>>[vector<16xi32>], vector<16xf32>,
        %lt3A_1355 = arith.cmpf olt, %gather3A_1354, %get3A_1305 : vector<16xf32>
        %jit3A_1356 = arith.constant 512 : i32
        %jit3A_1357 = arith.constant 0 : i32
        %broadcast_in_dim3A_1358 = vector.broadcast %jit3A_1356 : i32 to vector<16xi32>
        %broadcast_in_dim3A_1359 = vector.broadcast %jit3A_1357 : i32 to vector<16xi32>
        %select_n3A_1360 = arith.select %lt3A_1355, %broadcast_in_dim3A_1358, %broadcast_in_dim3A_1359 : vector<16xi1>, vector<16xi32>
        %add3A_1361 = arith.addi %add3A_1352, %select_n3A_1360 : vector<16xi32>
        %add3A_1362 = arith.addi %add3A_1361, %add3A_104 : vector<16xi32>
        %gather3A_1363 = tpu.vector_load_idx %arg6[%add3A_1362] : memref<32768xf32, #tpu.memory_space<vmem>>[vector<16xi32>], vector<16xf32>,
        %lt3A_1364 = arith.cmpf olt, %gather3A_1363, %get3A_1305 : vector<16xf32>
        %jit3A_1365 = arith.constant 256 : i32
        %jit3A_1366 = arith.constant 0 : i32
        %broadcast_in_dim3A_1367 = vector.broadcast %jit3A_1365 : i32 to vector<16xi32>
        %broadcast_in_dim3A_1368 = vector.broadcast %jit3A_1366 : i32 to vector<16xi32>
        %select_n3A_1369 = arith.select %lt3A_1364, %broadcast_in_dim3A_1367, %broadcast_in_dim3A_1368 : vector<16xi1>, vector<16xi32>
        %add3A_1370 = arith.addi %add3A_1361, %select_n3A_1369 : vector<16xi32>
        %add3A_1371 = arith.addi %add3A_1370, %add3A_107 : vector<16xi32>
        %gather3A_1372 = tpu.vector_load_idx %arg6[%add3A_1371] : memref<32768xf32, #tpu.memory_space<vmem>>[vector<16xi32>], vector<16xf32>,
        %lt3A_1373 = arith.cmpf olt, %gather3A_1372, %get3A_1305 : vector<16xf32>
        %jit3A_1374 = arith.constant 128 : i32
        %jit3A_1375 = arith.constant 0 : i32
        %broadcast_in_dim3A_1376 = vector.broadcast %jit3A_1374 : i32 to vector<16xi32>
        %broadcast_in_dim3A_1377 = vector.broadcast %jit3A_1375 : i32 to vector<16xi32>
        %select_n3A_1378 = arith.select %lt3A_1373, %broadcast_in_dim3A_1376, %broadcast_in_dim3A_1377 : vector<16xi1>, vector<16xi32>
        %add3A_1379 = arith.addi %add3A_1370, %select_n3A_1378 : vector<16xi32>
        %add3A_1380 = arith.addi %add3A_1379, %add3A_110 : vector<16xi32>
        %gather3A_1381 = tpu.vector_load_idx %arg6[%add3A_1380] : memref<32768xf32, #tpu.memory_space<vmem>>[vector<16xi32>], vector<16xf32>,
        %lt3A_1382 = arith.cmpf olt, %gather3A_1381, %get3A_1305 : vector<16xf32>
        %jit3A_1383 = arith.constant 64 : i32
        %jit3A_1384 = arith.constant 0 : i32
        %broadcast_in_dim3A_1385 = vector.broadcast %jit3A_1383 : i32 to vector<16xi32>
        %broadcast_in_dim3A_1386 = vector.broadcast %jit3A_1384 : i32 to vector<16xi32>
        %select_n3A_1387 = arith.select %lt3A_1382, %broadcast_in_dim3A_1385, %broadcast_in_dim3A_1386 : vector<16xi1>, vector<16xi32>
        %add3A_1388 = arith.addi %add3A_1379, %select_n3A_1387 : vector<16xi32>
        %add3A_1389 = arith.addi %add3A_1388, %add3A_113 : vector<16xi32>
        %gather3A_1390 = tpu.vector_load_idx %arg6[%add3A_1389] : memref<32768xf32, #tpu.memory_space<vmem>>[vector<16xi32>], vector<16xf32>,
        %lt3A_1391 = arith.cmpf olt, %gather3A_1390, %get3A_1305 : vector<16xf32>
        %jit3A_1392 = arith.constant 32 : i32
        %jit3A_1393 = arith.constant 0 : i32
        %broadcast_in_dim3A_1394 = vector.broadcast %jit3A_1392 : i32 to vector<16xi32>
        %broadcast_in_dim3A_1395 = vector.broadcast %jit3A_1393 : i32 to vector<16xi32>
        %select_n3A_1396 = arith.select %lt3A_1391, %broadcast_in_dim3A_1394, %broadcast_in_dim3A_1395 : vector<16xi1>, vector<16xi32>
        %add3A_1397 = arith.addi %add3A_1388, %select_n3A_1396 : vector<16xi32>
        %add3A_1398 = arith.addi %add3A_1397, %add3A_116 : vector<16xi32>
        %gather3A_1399 = tpu.vector_load_idx %arg6[%add3A_1398] : memref<32768xf32, #tpu.memory_space<vmem>>[vector<16xi32>], vector<16xf32>,
        %lt3A_1400 = arith.cmpf olt, %gather3A_1399, %get3A_1305 : vector<16xf32>
        %jit3A_1401 = arith.constant 16 : i32
        %jit3A_1402 = arith.constant 0 : i32
        %broadcast_in_dim3A_1403 = vector.broadcast %jit3A_1401 : i32 to vector<16xi32>
        %broadcast_in_dim3A_1404 = vector.broadcast %jit3A_1402 : i32 to vector<16xi32>
        %select_n3A_1405 = arith.select %lt3A_1400, %broadcast_in_dim3A_1403, %broadcast_in_dim3A_1404 : vector<16xi1>, vector<16xi32>
        %add3A_1406 = arith.addi %add3A_1397, %select_n3A_1405 : vector<16xi32>
        %sub3A_1407 = arith.constant 16 : i32
        %sub3A_1408 = vector.broadcast %sub3A_1407 : i32 to vector<16xi32>
        %sub3A_1409 = arith.subi %add3A_1406, %sub3A_1408 : vector<16xi32>
        %max3A_1410 = arith.constant 0 : i32
        %max3A_1411 = vector.broadcast %max3A_1410 : i32 to vector<16xi32>
        %max3A_1412 = arith.maxsi %sub3A_1409, %max3A_1411 : vector<16xi32>
        %shift_right_logical3A_1413 = arith.constant 1 : i32
        %shift_right_logical3A_1414 = vector.broadcast %shift_right_logical3A_1413 : i32 to vector<16xi32>
        %shift_right_logical3A_1415 = arith.shrui %max3A_1412, %shift_right_logical3A_1414 : vector<16xi32>
        %add3A_1416 = arith.addi %shift_right_logical3A_1415, %and3A_10 : vector<16xi32>
        %gather3A_1417 = tpu.vector_load_idx %arg7[%add3A_1416] : memref<65536xf32, #tpu.memory_space<vmem>>[vector<16xi32>], vector<16xf32>,
        %add3A_1418 = arith.constant 16384 : i32
        %add3A_1419 = vector.broadcast %add3A_1418 : i32 to vector<16xi32>
        %add3A_1420 = arith.addi %add3A_1416, %add3A_1419 : vector<16xi32>
        %gather3A_1421 = tpu.vector_load_idx %arg7[%add3A_1420] : memref<65536xf32, #tpu.memory_space<vmem>>[vector<16xi32>], vector<16xf32>,
        %add3A_1422 = arith.constant 32768 : i32
        %add3A_1423 = vector.broadcast %add3A_1422 : i32 to vector<16xi32>
        %add3A_1424 = arith.addi %add3A_1416, %add3A_1423 : vector<16xi32>
        %gather3A_1425 = tpu.vector_load_idx %arg7[%add3A_1424] : memref<65536xf32, #tpu.memory_space<vmem>>[vector<16xi32>], vector<16xf32>,
        %add3A_1426 = arith.constant 49152 : i32
        %add3A_1427 = vector.broadcast %add3A_1426 : i32 to vector<16xi32>
        %add3A_1428 = arith.addi %add3A_1416, %add3A_1427 : vector<16xi32>
        %gather3A_1429 = tpu.vector_load_idx %arg7[%add3A_1428] : memref<65536xf32, #tpu.memory_space<vmem>>[vector<16xi32>], vector<16xf32>,
        %mul3A_1430 = arith.mulf %gather3A_1429, %get3A_1305 : vector<16xf32>
        %add3A_1431 = arith.addf %mul3A_1430, %gather3A_1425 : vector<16xf32>
        %mul3A_1432 = arith.mulf %add3A_1431, %get3A_1305 : vector<16xf32>
        %add3A_1433 = arith.addf %mul3A_1432, %gather3A_1421 : vector<16xf32>
        %mul3A_1434 = arith.mulf %add3A_1433, %get3A_1305 : vector<16xf32>
        %add3A_1435 = arith.addf %mul3A_1434, %gather3A_1417 : vector<16xf32>
        %broadcast_in_dim3A_1436 = arith.constant 0 : i32
        %broadcast_in_dim3A_1437 = vector.broadcast %broadcast_in_dim3A_1436 : i32 to vector<16xi32>
        %lt3A_1438 = arith.cmpf olt, %gather3A_56, %get3A_1311 : vector<16xf32>
        %jit3A_1439 = arith.constant 8192 : i32
        %jit3A_1440 = arith.constant 0 : i32
        %broadcast_in_dim3A_1441 = vector.broadcast %jit3A_1439 : i32 to vector<16xi32>
        %broadcast_in_dim3A_1442 = vector.broadcast %jit3A_1440 : i32 to vector<16xi32>
        %select_n3A_1443 = arith.select %lt3A_1438, %broadcast_in_dim3A_1441, %broadcast_in_dim3A_1442 : vector<16xi1>, vector<16xi32>
        %add3A_1444 = arith.addi %broadcast_in_dim3A_1437, %select_n3A_1443 : vector<16xi32>
        %select_n3A_1445 = arith.select %lt3A_1438, %gather3A_62, %gather3A_59 : vector<16xi1>, vector<16xf32>
        %lt3A_1446 = arith.cmpf olt, %select_n3A_1445, %get3A_1311 : vector<16xf32>
        %jit3A_1447 = arith.constant 4096 : i32
        %jit3A_1448 = arith.constant 0 : i32
        %broadcast_in_dim3A_1449 = vector.broadcast %jit3A_1447 : i32 to vector<16xi32>
        %broadcast_in_dim3A_1450 = vector.broadcast %jit3A_1448 : i32 to vector<16xi32>
        %select_n3A_1451 = arith.select %lt3A_1446, %broadcast_in_dim3A_1449, %broadcast_in_dim3A_1450 : vector<16xi1>, vector<16xi32>
        %add3A_1452 = arith.addi %add3A_1444, %select_n3A_1451 : vector<16xi32>
        %select_n3A_1453 = arith.select %lt3A_1446, %gather3A_71, %gather3A_65 : vector<16xi1>, vector<16xf32>
        %select_n3A_1454 = arith.select %lt3A_1446, %gather3A_74, %gather3A_68 : vector<16xi1>, vector<16xf32>
        %select_n3A_1455 = arith.select %lt3A_1438, %select_n3A_1454, %select_n3A_1453 : vector<16xi1>, vector<16xf32>
        %lt3A_1456 = arith.cmpf olt, %select_n3A_1455, %get3A_1311 : vector<16xf32>
        %jit3A_1457 = arith.constant 2048 : i32
        %jit3A_1458 = arith.constant 0 : i32
        %broadcast_in_dim3A_1459 = vector.broadcast %jit3A_1457 : i32 to vector<16xi32>
        %broadcast_in_dim3A_1460 = vector.broadcast %jit3A_1458 : i32 to vector<16xi32>
        %select_n3A_1461 = arith.select %lt3A_1456, %broadcast_in_dim3A_1459, %broadcast_in_dim3A_1460 : vector<16xi1>, vector<16xi32>
        %add3A_1462 = arith.addi %add3A_1452, %select_n3A_1461 : vector<16xi32>
        %select_n3A_1463 = arith.select %lt3A_1456, %gather3A_89, %gather3A_77 : vector<16xi1>, vector<16xf32>
        %select_n3A_1464 = arith.select %lt3A_1456, %gather3A_92, %gather3A_80 : vector<16xi1>, vector<16xf32>
        %select_n3A_1465 = arith.select %lt3A_1456, %gather3A_95, %gather3A_83 : vector<16xi1>, vector<16xf32>
        %select_n3A_1466 = arith.select %lt3A_1456, %gather3A_98, %gather3A_86 : vector<16xi1>, vector<16xf32>
        %select_n3A_1467 = arith.select %lt3A_1446, %select_n3A_1465, %select_n3A_1463 : vector<16xi1>, vector<16xf32>
        %select_n3A_1468 = arith.select %lt3A_1446, %select_n3A_1466, %select_n3A_1464 : vector<16xi1>, vector<16xf32>
        %select_n3A_1469 = arith.select %lt3A_1438, %select_n3A_1468, %select_n3A_1467 : vector<16xi1>, vector<16xf32>
        %lt3A_1470 = arith.cmpf olt, %select_n3A_1469, %get3A_1311 : vector<16xf32>
        %jit3A_1471 = arith.constant 1024 : i32
        %jit3A_1472 = arith.constant 0 : i32
        %broadcast_in_dim3A_1473 = vector.broadcast %jit3A_1471 : i32 to vector<16xi32>
        %broadcast_in_dim3A_1474 = vector.broadcast %jit3A_1472 : i32 to vector<16xi32>
        %select_n3A_1475 = arith.select %lt3A_1470, %broadcast_in_dim3A_1473, %broadcast_in_dim3A_1474 : vector<16xi1>, vector<16xi32>
        %add3A_1476 = arith.addi %add3A_1462, %select_n3A_1475 : vector<16xi32>
        %add3A_1477 = arith.addi %add3A_1476, %add3A_119 : vector<16xi32>
        %gather3A_1478 = tpu.vector_load_idx %arg6[%add3A_1477] : memref<32768xf32, #tpu.memory_space<vmem>>[vector<16xi32>], vector<16xf32>,
        %lt3A_1479 = arith.cmpf olt, %gather3A_1478, %get3A_1311 : vector<16xf32>
        %jit3A_1480 = arith.constant 512 : i32
        %jit3A_1481 = arith.constant 0 : i32
        %broadcast_in_dim3A_1482 = vector.broadcast %jit3A_1480 : i32 to vector<16xi32>
        %broadcast_in_dim3A_1483 = vector.broadcast %jit3A_1481 : i32 to vector<16xi32>
        %select_n3A_1484 = arith.select %lt3A_1479, %broadcast_in_dim3A_1482, %broadcast_in_dim3A_1483 : vector<16xi1>, vector<16xi32>
        %add3A_1485 = arith.addi %add3A_1476, %select_n3A_1484 : vector<16xi32>
        %add3A_1486 = arith.addi %add3A_1485, %add3A_122 : vector<16xi32>
        %gather3A_1487 = tpu.vector_load_idx %arg6[%add3A_1486] : memref<32768xf32, #tpu.memory_space<vmem>>[vector<16xi32>], vector<16xf32>,
        %lt3A_1488 = arith.cmpf olt, %gather3A_1487, %get3A_1311 : vector<16xf32>
        %jit3A_1489 = arith.constant 256 : i32
        %jit3A_1490 = arith.constant 0 : i32
        %broadcast_in_dim3A_1491 = vector.broadcast %jit3A_1489 : i32 to vector<16xi32>
        %broadcast_in_dim3A_1492 = vector.broadcast %jit3A_1490 : i32 to vector<16xi32>
        %select_n3A_1493 = arith.select %lt3A_1488, %broadcast_in_dim3A_1491, %broadcast_in_dim3A_1492 : vector<16xi1>, vector<16xi32>
        %add3A_1494 = arith.addi %add3A_1485, %select_n3A_1493 : vector<16xi32>
        %add3A_1495 = arith.addi %add3A_1494, %add3A_125 : vector<16xi32>
        %gather3A_1496 = tpu.vector_load_idx %arg6[%add3A_1495] : memref<32768xf32, #tpu.memory_space<vmem>>[vector<16xi32>], vector<16xf32>,
        %lt3A_1497 = arith.cmpf olt, %gather3A_1496, %get3A_1311 : vector<16xf32>
        %jit3A_1498 = arith.constant 128 : i32
        %jit3A_1499 = arith.constant 0 : i32
        %broadcast_in_dim3A_1500 = vector.broadcast %jit3A_1498 : i32 to vector<16xi32>
        %broadcast_in_dim3A_1501 = vector.broadcast %jit3A_1499 : i32 to vector<16xi32>
        %select_n3A_1502 = arith.select %lt3A_1497, %broadcast_in_dim3A_1500, %broadcast_in_dim3A_1501 : vector<16xi1>, vector<16xi32>
        %add3A_1503 = arith.addi %add3A_1494, %select_n3A_1502 : vector<16xi32>
        %add3A_1504 = arith.addi %add3A_1503, %add3A_128 : vector<16xi32>
        %gather3A_1505 = tpu.vector_load_idx %arg6[%add3A_1504] : memref<32768xf32, #tpu.memory_space<vmem>>[vector<16xi32>], vector<16xf32>,
        %lt3A_1506 = arith.cmpf olt, %gather3A_1505, %get3A_1311 : vector<16xf32>
        %jit3A_1507 = arith.constant 64 : i32
        %jit3A_1508 = arith.constant 0 : i32
        %broadcast_in_dim3A_1509 = vector.broadcast %jit3A_1507 : i32 to vector<16xi32>
        %broadcast_in_dim3A_1510 = vector.broadcast %jit3A_1508 : i32 to vector<16xi32>
        %select_n3A_1511 = arith.select %lt3A_1506, %broadcast_in_dim3A_1509, %broadcast_in_dim3A_1510 : vector<16xi1>, vector<16xi32>
        %add3A_1512 = arith.addi %add3A_1503, %select_n3A_1511 : vector<16xi32>
        %add3A_1513 = arith.addi %add3A_1512, %add3A_131 : vector<16xi32>
        %gather3A_1514 = tpu.vector_load_idx %arg6[%add3A_1513] : memref<32768xf32, #tpu.memory_space<vmem>>[vector<16xi32>], vector<16xf32>,
        %lt3A_1515 = arith.cmpf olt, %gather3A_1514, %get3A_1311 : vector<16xf32>
        %jit3A_1516 = arith.constant 32 : i32
        %jit3A_1517 = arith.constant 0 : i32
        %broadcast_in_dim3A_1518 = vector.broadcast %jit3A_1516 : i32 to vector<16xi32>
        %broadcast_in_dim3A_1519 = vector.broadcast %jit3A_1517 : i32 to vector<16xi32>
        %select_n3A_1520 = arith.select %lt3A_1515, %broadcast_in_dim3A_1518, %broadcast_in_dim3A_1519 : vector<16xi1>, vector<16xi32>
        %add3A_1521 = arith.addi %add3A_1512, %select_n3A_1520 : vector<16xi32>
        %add3A_1522 = arith.addi %add3A_1521, %add3A_134 : vector<16xi32>
        %gather3A_1523 = tpu.vector_load_idx %arg6[%add3A_1522] : memref<32768xf32, #tpu.memory_space<vmem>>[vector<16xi32>], vector<16xf32>,
        %lt3A_1524 = arith.cmpf olt, %gather3A_1523, %get3A_1311 : vector<16xf32>
        %jit3A_1525 = arith.constant 16 : i32
        %jit3A_1526 = arith.constant 0 : i32
        %broadcast_in_dim3A_1527 = vector.broadcast %jit3A_1525 : i32 to vector<16xi32>
        %broadcast_in_dim3A_1528 = vector.broadcast %jit3A_1526 : i32 to vector<16xi32>
        %select_n3A_1529 = arith.select %lt3A_1524, %broadcast_in_dim3A_1527, %broadcast_in_dim3A_1528 : vector<16xi1>, vector<16xi32>
        %add3A_1530 = arith.addi %add3A_1521, %select_n3A_1529 : vector<16xi32>
        %sub3A_1531 = arith.constant 16 : i32
        %sub3A_1532 = vector.broadcast %sub3A_1531 : i32 to vector<16xi32>
        %sub3A_1533 = arith.subi %add3A_1530, %sub3A_1532 : vector<16xi32>
        %max3A_1534 = arith.constant 0 : i32
        %max3A_1535 = vector.broadcast %max3A_1534 : i32 to vector<16xi32>
        %max3A_1536 = arith.maxsi %sub3A_1533, %max3A_1535 : vector<16xi32>
        %shift_right_logical3A_1537 = arith.constant 1 : i32
        %shift_right_logical3A_1538 = vector.broadcast %shift_right_logical3A_1537 : i32 to vector<16xi32>
        %shift_right_logical3A_1539 = arith.shrui %max3A_1536, %shift_right_logical3A_1538 : vector<16xi32>
        %add3A_1540 = arith.addi %shift_right_logical3A_1539, %add3A_137 : vector<16xi32>
        %gather3A_1541 = tpu.vector_load_idx %arg7[%add3A_1540] : memref<65536xf32, #tpu.memory_space<vmem>>[vector<16xi32>], vector<16xf32>,
        %add3A_1542 = arith.constant 16384 : i32
        %add3A_1543 = vector.broadcast %add3A_1542 : i32 to vector<16xi32>
        %add3A_1544 = arith.addi %add3A_1540, %add3A_1543 : vector<16xi32>
        %gather3A_1545 = tpu.vector_load_idx %arg7[%add3A_1544] : memref<65536xf32, #tpu.memory_space<vmem>>[vector<16xi32>], vector<16xf32>,
        %add3A_1546 = arith.constant 32768 : i32
        %add3A_1547 = vector.broadcast %add3A_1546 : i32 to vector<16xi32>
        %add3A_1548 = arith.addi %add3A_1540, %add3A_1547 : vector<16xi32>
        %gather3A_1549 = tpu.vector_load_idx %arg7[%add3A_1548] : memref<65536xf32, #tpu.memory_space<vmem>>[vector<16xi32>], vector<16xf32>,
        %add3A_1550 = arith.constant 49152 : i32
        %add3A_1551 = vector.broadcast %add3A_1550 : i32 to vector<16xi32>
        %add3A_1552 = arith.addi %add3A_1540, %add3A_1551 : vector<16xi32>
        %gather3A_1553 = tpu.vector_load_idx %arg7[%add3A_1552] : memref<65536xf32, #tpu.memory_space<vmem>>[vector<16xi32>], vector<16xf32>,
        %mul3A_1554 = arith.mulf %gather3A_1553, %get3A_1311 : vector<16xf32>
        %add3A_1555 = arith.addf %mul3A_1554, %gather3A_1549 : vector<16xf32>
        %mul3A_1556 = arith.mulf %add3A_1555, %get3A_1311 : vector<16xf32>
        %add3A_1557 = arith.addf %mul3A_1556, %gather3A_1545 : vector<16xf32>
        %mul3A_1558 = arith.mulf %add3A_1557, %get3A_1311 : vector<16xf32>
        %add3A_1559 = arith.addf %mul3A_1558, %gather3A_1541 : vector<16xf32>
        %mul3A_1560 = arith.mulf %add3A_1435, %add3A_1559 : vector<16xf32>
        %add3A_1561 = arith.constant 64 : i32
        %add3A_1562 = arith.addi %mul3A_243, %add3A_1561 : i32
        %swap3A_1563 = arith.index_cast %add3A_1562 : i32 to index
        %swap3A_1564 = tpu.vector_load %arg11[%swap3A_1563] {strides = array<i32>} : memref<2048xf32, #tpu.memory_space<vmem>>, vector<16xf32>,
        tpu.vector_store %arg11[%swap3A_1563], %mul3A_1560 {strides = array<i32>} : memref<2048xf32, #tpu.memory_space<vmem>>, vector<16xf32>,
        %add3A_1565 = arith.constant 80 : i32
        %add3A_1566 = arith.addi %mul3A_241, %add3A_1565 : i32
        %get3A_1567 = arith.constant 0 : i32
        %get3A_1568 = arith.index_cast %get3A_1567 : i32 to index
        %get3A_1569 = arith.index_cast %add3A_1566 : i32 to index
        %get3A_1570 = tpu.vector_load %arg9[%get3A_1568, %get3A_1569] {strides = array<i32>} : memref<2x2048xf32, #tpu.memory_space<vmem>>, vector<16xf32>,
        %add3A_1571 = arith.constant 80 : i32
        %add3A_1572 = arith.addi %mul3A_241, %add3A_1571 : i32
        %get3A_1573 = arith.constant 1 : i32
        %get3A_1574 = arith.index_cast %get3A_1573 : i32 to index
        %get3A_1575 = arith.index_cast %add3A_1572 : i32 to index
        %get3A_1576 = tpu.vector_load %arg9[%get3A_1574, %get3A_1575] {strides = array<i32>} : memref<2x2048xf32, #tpu.memory_space<vmem>>, vector<16xf32>,
        %broadcast_in_dim3A_1577 = arith.constant 0 : i32
        %broadcast_in_dim3A_1578 = vector.broadcast %broadcast_in_dim3A_1577 : i32 to vector<16xi32>
        %lt3A_1579 = arith.cmpf olt, %gather3A, %get3A_1570 : vector<16xf32>
        %jit3A_1580 = arith.constant 8192 : i32
        %jit3A_1581 = arith.constant 0 : i32
        %broadcast_in_dim3A_1582 = vector.broadcast %jit3A_1580 : i32 to vector<16xi32>
        %broadcast_in_dim3A_1583 = vector.broadcast %jit3A_1581 : i32 to vector<16xi32>
        %select_n3A_1584 = arith.select %lt3A_1579, %broadcast_in_dim3A_1582, %broadcast_in_dim3A_1583 : vector<16xi1>, vector<16xi32>
        %add3A_1585 = arith.addi %broadcast_in_dim3A_1578, %select_n3A_1584 : vector<16xi32>
        %select_n3A_1586 = arith.select %lt3A_1579, %gather3A_17, %gather3A_14 : vector<16xi1>, vector<16xf32>
        %lt3A_1587 = arith.cmpf olt, %select_n3A_1586, %get3A_1570 : vector<16xf32>
        %jit3A_1588 = arith.constant 4096 : i32
        %jit3A_1589 = arith.constant 0 : i32
        %broadcast_in_dim3A_1590 = vector.broadcast %jit3A_1588 : i32 to vector<16xi32>
        %broadcast_in_dim3A_1591 = vector.broadcast %jit3A_1589 : i32 to vector<16xi32>
        %select_n3A_1592 = arith.select %lt3A_1587, %broadcast_in_dim3A_1590, %broadcast_in_dim3A_1591 : vector<16xi1>, vector<16xi32>
        %add3A_1593 = arith.addi %add3A_1585, %select_n3A_1592 : vector<16xi32>
        %select_n3A_1594 = arith.select %lt3A_1587, %gather3A_26, %gather3A_20 : vector<16xi1>, vector<16xf32>
        %select_n3A_1595 = arith.select %lt3A_1587, %gather3A_29, %gather3A_23 : vector<16xi1>, vector<16xf32>
        %select_n3A_1596 = arith.select %lt3A_1579, %select_n3A_1595, %select_n3A_1594 : vector<16xi1>, vector<16xf32>
        %lt3A_1597 = arith.cmpf olt, %select_n3A_1596, %get3A_1570 : vector<16xf32>
        %jit3A_1598 = arith.constant 2048 : i32
        %jit3A_1599 = arith.constant 0 : i32
        %broadcast_in_dim3A_1600 = vector.broadcast %jit3A_1598 : i32 to vector<16xi32>
        %broadcast_in_dim3A_1601 = vector.broadcast %jit3A_1599 : i32 to vector<16xi32>
        %select_n3A_1602 = arith.select %lt3A_1597, %broadcast_in_dim3A_1600, %broadcast_in_dim3A_1601 : vector<16xi1>, vector<16xi32>
        %add3A_1603 = arith.addi %add3A_1593, %select_n3A_1602 : vector<16xi32>
        %select_n3A_1604 = arith.select %lt3A_1597, %gather3A_44, %gather3A_32 : vector<16xi1>, vector<16xf32>
        %select_n3A_1605 = arith.select %lt3A_1597, %gather3A_47, %gather3A_35 : vector<16xi1>, vector<16xf32>
        %select_n3A_1606 = arith.select %lt3A_1597, %gather3A_50, %gather3A_38 : vector<16xi1>, vector<16xf32>
        %select_n3A_1607 = arith.select %lt3A_1597, %gather3A_53, %gather3A_41 : vector<16xi1>, vector<16xf32>
        %select_n3A_1608 = arith.select %lt3A_1587, %select_n3A_1606, %select_n3A_1604 : vector<16xi1>, vector<16xf32>
        %select_n3A_1609 = arith.select %lt3A_1587, %select_n3A_1607, %select_n3A_1605 : vector<16xi1>, vector<16xf32>
        %select_n3A_1610 = arith.select %lt3A_1579, %select_n3A_1609, %select_n3A_1608 : vector<16xi1>, vector<16xf32>
        %lt3A_1611 = arith.cmpf olt, %select_n3A_1610, %get3A_1570 : vector<16xf32>
        %jit3A_1612 = arith.constant 1024 : i32
        %jit3A_1613 = arith.constant 0 : i32
        %broadcast_in_dim3A_1614 = vector.broadcast %jit3A_1612 : i32 to vector<16xi32>
        %broadcast_in_dim3A_1615 = vector.broadcast %jit3A_1613 : i32 to vector<16xi32>
        %select_n3A_1616 = arith.select %lt3A_1611, %broadcast_in_dim3A_1614, %broadcast_in_dim3A_1615 : vector<16xi1>, vector<16xi32>
        %add3A_1617 = arith.addi %add3A_1603, %select_n3A_1616 : vector<16xi32>
        %add3A_1618 = arith.addi %add3A_1617, %add3A_101 : vector<16xi32>
        %gather3A_1619 = tpu.vector_load_idx %arg6[%add3A_1618] : memref<32768xf32, #tpu.memory_space<vmem>>[vector<16xi32>], vector<16xf32>,
        %lt3A_1620 = arith.cmpf olt, %gather3A_1619, %get3A_1570 : vector<16xf32>
        %jit3A_1621 = arith.constant 512 : i32
        %jit3A_1622 = arith.constant 0 : i32
        %broadcast_in_dim3A_1623 = vector.broadcast %jit3A_1621 : i32 to vector<16xi32>
        %broadcast_in_dim3A_1624 = vector.broadcast %jit3A_1622 : i32 to vector<16xi32>
        %select_n3A_1625 = arith.select %lt3A_1620, %broadcast_in_dim3A_1623, %broadcast_in_dim3A_1624 : vector<16xi1>, vector<16xi32>
        %add3A_1626 = arith.addi %add3A_1617, %select_n3A_1625 : vector<16xi32>
        %add3A_1627 = arith.addi %add3A_1626, %add3A_104 : vector<16xi32>
        %gather3A_1628 = tpu.vector_load_idx %arg6[%add3A_1627] : memref<32768xf32, #tpu.memory_space<vmem>>[vector<16xi32>], vector<16xf32>,
        %lt3A_1629 = arith.cmpf olt, %gather3A_1628, %get3A_1570 : vector<16xf32>
        %jit3A_1630 = arith.constant 256 : i32
        %jit3A_1631 = arith.constant 0 : i32
        %broadcast_in_dim3A_1632 = vector.broadcast %jit3A_1630 : i32 to vector<16xi32>
        %broadcast_in_dim3A_1633 = vector.broadcast %jit3A_1631 : i32 to vector<16xi32>
        %select_n3A_1634 = arith.select %lt3A_1629, %broadcast_in_dim3A_1632, %broadcast_in_dim3A_1633 : vector<16xi1>, vector<16xi32>
        %add3A_1635 = arith.addi %add3A_1626, %select_n3A_1634 : vector<16xi32>
        %add3A_1636 = arith.addi %add3A_1635, %add3A_107 : vector<16xi32>
        %gather3A_1637 = tpu.vector_load_idx %arg6[%add3A_1636] : memref<32768xf32, #tpu.memory_space<vmem>>[vector<16xi32>], vector<16xf32>,
        %lt3A_1638 = arith.cmpf olt, %gather3A_1637, %get3A_1570 : vector<16xf32>
        %jit3A_1639 = arith.constant 128 : i32
        %jit3A_1640 = arith.constant 0 : i32
        %broadcast_in_dim3A_1641 = vector.broadcast %jit3A_1639 : i32 to vector<16xi32>
        %broadcast_in_dim3A_1642 = vector.broadcast %jit3A_1640 : i32 to vector<16xi32>
        %select_n3A_1643 = arith.select %lt3A_1638, %broadcast_in_dim3A_1641, %broadcast_in_dim3A_1642 : vector<16xi1>, vector<16xi32>
        %add3A_1644 = arith.addi %add3A_1635, %select_n3A_1643 : vector<16xi32>
        %add3A_1645 = arith.addi %add3A_1644, %add3A_110 : vector<16xi32>
        %gather3A_1646 = tpu.vector_load_idx %arg6[%add3A_1645] : memref<32768xf32, #tpu.memory_space<vmem>>[vector<16xi32>], vector<16xf32>,
        %lt3A_1647 = arith.cmpf olt, %gather3A_1646, %get3A_1570 : vector<16xf32>
        %jit3A_1648 = arith.constant 64 : i32
        %jit3A_1649 = arith.constant 0 : i32
        %broadcast_in_dim3A_1650 = vector.broadcast %jit3A_1648 : i32 to vector<16xi32>
        %broadcast_in_dim3A_1651 = vector.broadcast %jit3A_1649 : i32 to vector<16xi32>
        %select_n3A_1652 = arith.select %lt3A_1647, %broadcast_in_dim3A_1650, %broadcast_in_dim3A_1651 : vector<16xi1>, vector<16xi32>
        %add3A_1653 = arith.addi %add3A_1644, %select_n3A_1652 : vector<16xi32>
        %add3A_1654 = arith.addi %add3A_1653, %add3A_113 : vector<16xi32>
        %gather3A_1655 = tpu.vector_load_idx %arg6[%add3A_1654] : memref<32768xf32, #tpu.memory_space<vmem>>[vector<16xi32>], vector<16xf32>,
        %lt3A_1656 = arith.cmpf olt, %gather3A_1655, %get3A_1570 : vector<16xf32>
        %jit3A_1657 = arith.constant 32 : i32
        %jit3A_1658 = arith.constant 0 : i32
        %broadcast_in_dim3A_1659 = vector.broadcast %jit3A_1657 : i32 to vector<16xi32>
        %broadcast_in_dim3A_1660 = vector.broadcast %jit3A_1658 : i32 to vector<16xi32>
        %select_n3A_1661 = arith.select %lt3A_1656, %broadcast_in_dim3A_1659, %broadcast_in_dim3A_1660 : vector<16xi1>, vector<16xi32>
        %add3A_1662 = arith.addi %add3A_1653, %select_n3A_1661 : vector<16xi32>
        %add3A_1663 = arith.addi %add3A_1662, %add3A_116 : vector<16xi32>
        %gather3A_1664 = tpu.vector_load_idx %arg6[%add3A_1663] : memref<32768xf32, #tpu.memory_space<vmem>>[vector<16xi32>], vector<16xf32>,
        %lt3A_1665 = arith.cmpf olt, %gather3A_1664, %get3A_1570 : vector<16xf32>
        %jit3A_1666 = arith.constant 16 : i32
        %jit3A_1667 = arith.constant 0 : i32
        %broadcast_in_dim3A_1668 = vector.broadcast %jit3A_1666 : i32 to vector<16xi32>
        %broadcast_in_dim3A_1669 = vector.broadcast %jit3A_1667 : i32 to vector<16xi32>
        %select_n3A_1670 = arith.select %lt3A_1665, %broadcast_in_dim3A_1668, %broadcast_in_dim3A_1669 : vector<16xi1>, vector<16xi32>
        %add3A_1671 = arith.addi %add3A_1662, %select_n3A_1670 : vector<16xi32>
        %sub3A_1672 = arith.constant 16 : i32
        %sub3A_1673 = vector.broadcast %sub3A_1672 : i32 to vector<16xi32>
        %sub3A_1674 = arith.subi %add3A_1671, %sub3A_1673 : vector<16xi32>
        %max3A_1675 = arith.constant 0 : i32
        %max3A_1676 = vector.broadcast %max3A_1675 : i32 to vector<16xi32>
        %max3A_1677 = arith.maxsi %sub3A_1674, %max3A_1676 : vector<16xi32>
        %shift_right_logical3A_1678 = arith.constant 1 : i32
        %shift_right_logical3A_1679 = vector.broadcast %shift_right_logical3A_1678 : i32 to vector<16xi32>
        %shift_right_logical3A_1680 = arith.shrui %max3A_1677, %shift_right_logical3A_1679 : vector<16xi32>
        %add3A_1681 = arith.addi %shift_right_logical3A_1680, %and3A_10 : vector<16xi32>
        %gather3A_1682 = tpu.vector_load_idx %arg7[%add3A_1681] : memref<65536xf32, #tpu.memory_space<vmem>>[vector<16xi32>], vector<16xf32>,
        %add3A_1683 = arith.constant 16384 : i32
        %add3A_1684 = vector.broadcast %add3A_1683 : i32 to vector<16xi32>
        %add3A_1685 = arith.addi %add3A_1681, %add3A_1684 : vector<16xi32>
        %gather3A_1686 = tpu.vector_load_idx %arg7[%add3A_1685] : memref<65536xf32, #tpu.memory_space<vmem>>[vector<16xi32>], vector<16xf32>,
        %add3A_1687 = arith.constant 32768 : i32
        %add3A_1688 = vector.broadcast %add3A_1687 : i32 to vector<16xi32>
        %add3A_1689 = arith.addi %add3A_1681, %add3A_1688 : vector<16xi32>
        %gather3A_1690 = tpu.vector_load_idx %arg7[%add3A_1689] : memref<65536xf32, #tpu.memory_space<vmem>>[vector<16xi32>], vector<16xf32>,
        %add3A_1691 = arith.constant 49152 : i32
        %add3A_1692 = vector.broadcast %add3A_1691 : i32 to vector<16xi32>
        %add3A_1693 = arith.addi %add3A_1681, %add3A_1692 : vector<16xi32>
        %gather3A_1694 = tpu.vector_load_idx %arg7[%add3A_1693] : memref<65536xf32, #tpu.memory_space<vmem>>[vector<16xi32>], vector<16xf32>,
        %mul3A_1695 = arith.mulf %gather3A_1694, %get3A_1570 : vector<16xf32>
        %add3A_1696 = arith.addf %mul3A_1695, %gather3A_1690 : vector<16xf32>
        %mul3A_1697 = arith.mulf %add3A_1696, %get3A_1570 : vector<16xf32>
        %add3A_1698 = arith.addf %mul3A_1697, %gather3A_1686 : vector<16xf32>
        %mul3A_1699 = arith.mulf %add3A_1698, %get3A_1570 : vector<16xf32>
        %add3A_1700 = arith.addf %mul3A_1699, %gather3A_1682 : vector<16xf32>
        %broadcast_in_dim3A_1701 = arith.constant 0 : i32
        %broadcast_in_dim3A_1702 = vector.broadcast %broadcast_in_dim3A_1701 : i32 to vector<16xi32>
        %lt3A_1703 = arith.cmpf olt, %gather3A_56, %get3A_1576 : vector<16xf32>
        %jit3A_1704 = arith.constant 8192 : i32
        %jit3A_1705 = arith.constant 0 : i32
        %broadcast_in_dim3A_1706 = vector.broadcast %jit3A_1704 : i32 to vector<16xi32>
        %broadcast_in_dim3A_1707 = vector.broadcast %jit3A_1705 : i32 to vector<16xi32>
        %select_n3A_1708 = arith.select %lt3A_1703, %broadcast_in_dim3A_1706, %broadcast_in_dim3A_1707 : vector<16xi1>, vector<16xi32>
        %add3A_1709 = arith.addi %broadcast_in_dim3A_1702, %select_n3A_1708 : vector<16xi32>
        %select_n3A_1710 = arith.select %lt3A_1703, %gather3A_62, %gather3A_59 : vector<16xi1>, vector<16xf32>
        %lt3A_1711 = arith.cmpf olt, %select_n3A_1710, %get3A_1576 : vector<16xf32>
        %jit3A_1712 = arith.constant 4096 : i32
        %jit3A_1713 = arith.constant 0 : i32
        %broadcast_in_dim3A_1714 = vector.broadcast %jit3A_1712 : i32 to vector<16xi32>
        %broadcast_in_dim3A_1715 = vector.broadcast %jit3A_1713 : i32 to vector<16xi32>
        %select_n3A_1716 = arith.select %lt3A_1711, %broadcast_in_dim3A_1714, %broadcast_in_dim3A_1715 : vector<16xi1>, vector<16xi32>
        %add3A_1717 = arith.addi %add3A_1709, %select_n3A_1716 : vector<16xi32>
        %select_n3A_1718 = arith.select %lt3A_1711, %gather3A_71, %gather3A_65 : vector<16xi1>, vector<16xf32>
        %select_n3A_1719 = arith.select %lt3A_1711, %gather3A_74, %gather3A_68 : vector<16xi1>, vector<16xf32>
        %select_n3A_1720 = arith.select %lt3A_1703, %select_n3A_1719, %select_n3A_1718 : vector<16xi1>, vector<16xf32>
        %lt3A_1721 = arith.cmpf olt, %select_n3A_1720, %get3A_1576 : vector<16xf32>
        %jit3A_1722 = arith.constant 2048 : i32
        %jit3A_1723 = arith.constant 0 : i32
        %broadcast_in_dim3A_1724 = vector.broadcast %jit3A_1722 : i32 to vector<16xi32>
        %broadcast_in_dim3A_1725 = vector.broadcast %jit3A_1723 : i32 to vector<16xi32>
        %select_n3A_1726 = arith.select %lt3A_1721, %broadcast_in_dim3A_1724, %broadcast_in_dim3A_1725 : vector<16xi1>, vector<16xi32>
        %add3A_1727 = arith.addi %add3A_1717, %select_n3A_1726 : vector<16xi32>
        %select_n3A_1728 = arith.select %lt3A_1721, %gather3A_89, %gather3A_77 : vector<16xi1>, vector<16xf32>
        %select_n3A_1729 = arith.select %lt3A_1721, %gather3A_92, %gather3A_80 : vector<16xi1>, vector<16xf32>
        %select_n3A_1730 = arith.select %lt3A_1721, %gather3A_95, %gather3A_83 : vector<16xi1>, vector<16xf32>
        %select_n3A_1731 = arith.select %lt3A_1721, %gather3A_98, %gather3A_86 : vector<16xi1>, vector<16xf32>
        %select_n3A_1732 = arith.select %lt3A_1711, %select_n3A_1730, %select_n3A_1728 : vector<16xi1>, vector<16xf32>
        %select_n3A_1733 = arith.select %lt3A_1711, %select_n3A_1731, %select_n3A_1729 : vector<16xi1>, vector<16xf32>
        %select_n3A_1734 = arith.select %lt3A_1703, %select_n3A_1733, %select_n3A_1732 : vector<16xi1>, vector<16xf32>
        %lt3A_1735 = arith.cmpf olt, %select_n3A_1734, %get3A_1576 : vector<16xf32>
        %jit3A_1736 = arith.constant 1024 : i32
        %jit3A_1737 = arith.constant 0 : i32
        %broadcast_in_dim3A_1738 = vector.broadcast %jit3A_1736 : i32 to vector<16xi32>
        %broadcast_in_dim3A_1739 = vector.broadcast %jit3A_1737 : i32 to vector<16xi32>
        %select_n3A_1740 = arith.select %lt3A_1735, %broadcast_in_dim3A_1738, %broadcast_in_dim3A_1739 : vector<16xi1>, vector<16xi32>
        %add3A_1741 = arith.addi %add3A_1727, %select_n3A_1740 : vector<16xi32>
        %add3A_1742 = arith.addi %add3A_1741, %add3A_119 : vector<16xi32>
        %gather3A_1743 = tpu.vector_load_idx %arg6[%add3A_1742] : memref<32768xf32, #tpu.memory_space<vmem>>[vector<16xi32>], vector<16xf32>,
        %lt3A_1744 = arith.cmpf olt, %gather3A_1743, %get3A_1576 : vector<16xf32>
        %jit3A_1745 = arith.constant 512 : i32
        %jit3A_1746 = arith.constant 0 : i32
        %broadcast_in_dim3A_1747 = vector.broadcast %jit3A_1745 : i32 to vector<16xi32>
        %broadcast_in_dim3A_1748 = vector.broadcast %jit3A_1746 : i32 to vector<16xi32>
        %select_n3A_1749 = arith.select %lt3A_1744, %broadcast_in_dim3A_1747, %broadcast_in_dim3A_1748 : vector<16xi1>, vector<16xi32>
        %add3A_1750 = arith.addi %add3A_1741, %select_n3A_1749 : vector<16xi32>
        %add3A_1751 = arith.addi %add3A_1750, %add3A_122 : vector<16xi32>
        %gather3A_1752 = tpu.vector_load_idx %arg6[%add3A_1751] : memref<32768xf32, #tpu.memory_space<vmem>>[vector<16xi32>], vector<16xf32>,
        %lt3A_1753 = arith.cmpf olt, %gather3A_1752, %get3A_1576 : vector<16xf32>
        %jit3A_1754 = arith.constant 256 : i32
        %jit3A_1755 = arith.constant 0 : i32
        %broadcast_in_dim3A_1756 = vector.broadcast %jit3A_1754 : i32 to vector<16xi32>
        %broadcast_in_dim3A_1757 = vector.broadcast %jit3A_1755 : i32 to vector<16xi32>
        %select_n3A_1758 = arith.select %lt3A_1753, %broadcast_in_dim3A_1756, %broadcast_in_dim3A_1757 : vector<16xi1>, vector<16xi32>
        %add3A_1759 = arith.addi %add3A_1750, %select_n3A_1758 : vector<16xi32>
        %add3A_1760 = arith.addi %add3A_1759, %add3A_125 : vector<16xi32>
        %gather3A_1761 = tpu.vector_load_idx %arg6[%add3A_1760] : memref<32768xf32, #tpu.memory_space<vmem>>[vector<16xi32>], vector<16xf32>,
        %lt3A_1762 = arith.cmpf olt, %gather3A_1761, %get3A_1576 : vector<16xf32>
        %jit3A_1763 = arith.constant 128 : i32
        %jit3A_1764 = arith.constant 0 : i32
        %broadcast_in_dim3A_1765 = vector.broadcast %jit3A_1763 : i32 to vector<16xi32>
        %broadcast_in_dim3A_1766 = vector.broadcast %jit3A_1764 : i32 to vector<16xi32>
        %select_n3A_1767 = arith.select %lt3A_1762, %broadcast_in_dim3A_1765, %broadcast_in_dim3A_1766 : vector<16xi1>, vector<16xi32>
        %add3A_1768 = arith.addi %add3A_1759, %select_n3A_1767 : vector<16xi32>
        %add3A_1769 = arith.addi %add3A_1768, %add3A_128 : vector<16xi32>
        %gather3A_1770 = tpu.vector_load_idx %arg6[%add3A_1769] : memref<32768xf32, #tpu.memory_space<vmem>>[vector<16xi32>], vector<16xf32>,
        %lt3A_1771 = arith.cmpf olt, %gather3A_1770, %get3A_1576 : vector<16xf32>
        %jit3A_1772 = arith.constant 64 : i32
        %jit3A_1773 = arith.constant 0 : i32
        %broadcast_in_dim3A_1774 = vector.broadcast %jit3A_1772 : i32 to vector<16xi32>
        %broadcast_in_dim3A_1775 = vector.broadcast %jit3A_1773 : i32 to vector<16xi32>
        %select_n3A_1776 = arith.select %lt3A_1771, %broadcast_in_dim3A_1774, %broadcast_in_dim3A_1775 : vector<16xi1>, vector<16xi32>
        %add3A_1777 = arith.addi %add3A_1768, %select_n3A_1776 : vector<16xi32>
        %add3A_1778 = arith.addi %add3A_1777, %add3A_131 : vector<16xi32>
        %gather3A_1779 = tpu.vector_load_idx %arg6[%add3A_1778] : memref<32768xf32, #tpu.memory_space<vmem>>[vector<16xi32>], vector<16xf32>,
        %lt3A_1780 = arith.cmpf olt, %gather3A_1779, %get3A_1576 : vector<16xf32>
        %jit3A_1781 = arith.constant 32 : i32
        %jit3A_1782 = arith.constant 0 : i32
        %broadcast_in_dim3A_1783 = vector.broadcast %jit3A_1781 : i32 to vector<16xi32>
        %broadcast_in_dim3A_1784 = vector.broadcast %jit3A_1782 : i32 to vector<16xi32>
        %select_n3A_1785 = arith.select %lt3A_1780, %broadcast_in_dim3A_1783, %broadcast_in_dim3A_1784 : vector<16xi1>, vector<16xi32>
        %add3A_1786 = arith.addi %add3A_1777, %select_n3A_1785 : vector<16xi32>
        %add3A_1787 = arith.addi %add3A_1786, %add3A_134 : vector<16xi32>
        %gather3A_1788 = tpu.vector_load_idx %arg6[%add3A_1787] : memref<32768xf32, #tpu.memory_space<vmem>>[vector<16xi32>], vector<16xf32>,
        %lt3A_1789 = arith.cmpf olt, %gather3A_1788, %get3A_1576 : vector<16xf32>
        %jit3A_1790 = arith.constant 16 : i32
        %jit3A_1791 = arith.constant 0 : i32
        %broadcast_in_dim3A_1792 = vector.broadcast %jit3A_1790 : i32 to vector<16xi32>
        %broadcast_in_dim3A_1793 = vector.broadcast %jit3A_1791 : i32 to vector<16xi32>
        %select_n3A_1794 = arith.select %lt3A_1789, %broadcast_in_dim3A_1792, %broadcast_in_dim3A_1793 : vector<16xi1>, vector<16xi32>
        %add3A_1795 = arith.addi %add3A_1786, %select_n3A_1794 : vector<16xi32>
        %sub3A_1796 = arith.constant 16 : i32
        %sub3A_1797 = vector.broadcast %sub3A_1796 : i32 to vector<16xi32>
        %sub3A_1798 = arith.subi %add3A_1795, %sub3A_1797 : vector<16xi32>
        %max3A_1799 = arith.constant 0 : i32
        %max3A_1800 = vector.broadcast %max3A_1799 : i32 to vector<16xi32>
        %max3A_1801 = arith.maxsi %sub3A_1798, %max3A_1800 : vector<16xi32>
        %shift_right_logical3A_1802 = arith.constant 1 : i32
        %shift_right_logical3A_1803 = vector.broadcast %shift_right_logical3A_1802 : i32 to vector<16xi32>
        %shift_right_logical3A_1804 = arith.shrui %max3A_1801, %shift_right_logical3A_1803 : vector<16xi32>
        %add3A_1805 = arith.addi %shift_right_logical3A_1804, %add3A_137 : vector<16xi32>
        %gather3A_1806 = tpu.vector_load_idx %arg7[%add3A_1805] : memref<65536xf32, #tpu.memory_space<vmem>>[vector<16xi32>], vector<16xf32>,
        %add3A_1807 = arith.constant 16384 : i32
        %add3A_1808 = vector.broadcast %add3A_1807 : i32 to vector<16xi32>
        %add3A_1809 = arith.addi %add3A_1805, %add3A_1808 : vector<16xi32>
        %gather3A_1810 = tpu.vector_load_idx %arg7[%add3A_1809] : memref<65536xf32, #tpu.memory_space<vmem>>[vector<16xi32>], vector<16xf32>,
        %add3A_1811 = arith.constant 32768 : i32
        %add3A_1812 = vector.broadcast %add3A_1811 : i32 to vector<16xi32>
        %add3A_1813 = arith.addi %add3A_1805, %add3A_1812 : vector<16xi32>
        %gather3A_1814 = tpu.vector_load_idx %arg7[%add3A_1813] : memref<65536xf32, #tpu.memory_space<vmem>>[vector<16xi32>], vector<16xf32>,
        %add3A_1815 = arith.constant 49152 : i32
        %add3A_1816 = vector.broadcast %add3A_1815 : i32 to vector<16xi32>
        %add3A_1817 = arith.addi %add3A_1805, %add3A_1816 : vector<16xi32>
        %gather3A_1818 = tpu.vector_load_idx %arg7[%add3A_1817] : memref<65536xf32, #tpu.memory_space<vmem>>[vector<16xi32>], vector<16xf32>,
        %mul3A_1819 = arith.mulf %gather3A_1818, %get3A_1576 : vector<16xf32>
        %add3A_1820 = arith.addf %mul3A_1819, %gather3A_1814 : vector<16xf32>
        %mul3A_1821 = arith.mulf %add3A_1820, %get3A_1576 : vector<16xf32>
        %add3A_1822 = arith.addf %mul3A_1821, %gather3A_1810 : vector<16xf32>
        %mul3A_1823 = arith.mulf %add3A_1822, %get3A_1576 : vector<16xf32>
        %add3A_1824 = arith.addf %mul3A_1823, %gather3A_1806 : vector<16xf32>
        %mul3A_1825 = arith.mulf %add3A_1700, %add3A_1824 : vector<16xf32>
        %add3A_1826 = arith.constant 80 : i32
        %add3A_1827 = arith.addi %mul3A_243, %add3A_1826 : i32
        %swap3A_1828 = arith.index_cast %add3A_1827 : i32 to index
        %swap3A_1829 = tpu.vector_load %arg11[%swap3A_1828] {strides = array<i32>} : memref<2048xf32, #tpu.memory_space<vmem>>, vector<16xf32>,
        tpu.vector_store %arg11[%swap3A_1828], %mul3A_1825 {strides = array<i32>} : memref<2048xf32, #tpu.memory_space<vmem>>, vector<16xf32>,
        %add3A_1830 = arith.constant 96 : i32
        %add3A_1831 = arith.addi %mul3A_241, %add3A_1830 : i32
        %get3A_1832 = arith.constant 0 : i32
        %get3A_1833 = arith.index_cast %get3A_1832 : i32 to index
        %get3A_1834 = arith.index_cast %add3A_1831 : i32 to index
        %get3A_1835 = tpu.vector_load %arg9[%get3A_1833, %get3A_1834] {strides = array<i32>} : memref<2x2048xf32, #tpu.memory_space<vmem>>, vector<16xf32>,
        %add3A_1836 = arith.constant 96 : i32
        %add3A_1837 = arith.addi %mul3A_241, %add3A_1836 : i32
        %get3A_1838 = arith.constant 1 : i32
        %get3A_1839 = arith.index_cast %get3A_1838 : i32 to index
        %get3A_1840 = arith.index_cast %add3A_1837 : i32 to index
        %get3A_1841 = tpu.vector_load %arg9[%get3A_1839, %get3A_1840] {strides = array<i32>} : memref<2x2048xf32, #tpu.memory_space<vmem>>, vector<16xf32>,
        %broadcast_in_dim3A_1842 = arith.constant 0 : i32
        %broadcast_in_dim3A_1843 = vector.broadcast %broadcast_in_dim3A_1842 : i32 to vector<16xi32>
        %lt3A_1844 = arith.cmpf olt, %gather3A, %get3A_1835 : vector<16xf32>
        %jit3A_1845 = arith.constant 8192 : i32
        %jit3A_1846 = arith.constant 0 : i32
        %broadcast_in_dim3A_1847 = vector.broadcast %jit3A_1845 : i32 to vector<16xi32>
        %broadcast_in_dim3A_1848 = vector.broadcast %jit3A_1846 : i32 to vector<16xi32>
        %select_n3A_1849 = arith.select %lt3A_1844, %broadcast_in_dim3A_1847, %broadcast_in_dim3A_1848 : vector<16xi1>, vector<16xi32>
        %add3A_1850 = arith.addi %broadcast_in_dim3A_1843, %select_n3A_1849 : vector<16xi32>
        %select_n3A_1851 = arith.select %lt3A_1844, %gather3A_17, %gather3A_14 : vector<16xi1>, vector<16xf32>
        %lt3A_1852 = arith.cmpf olt, %select_n3A_1851, %get3A_1835 : vector<16xf32>
        %jit3A_1853 = arith.constant 4096 : i32
        %jit3A_1854 = arith.constant 0 : i32
        %broadcast_in_dim3A_1855 = vector.broadcast %jit3A_1853 : i32 to vector<16xi32>
        %broadcast_in_dim3A_1856 = vector.broadcast %jit3A_1854 : i32 to vector<16xi32>
        %select_n3A_1857 = arith.select %lt3A_1852, %broadcast_in_dim3A_1855, %broadcast_in_dim3A_1856 : vector<16xi1>, vector<16xi32>
        %add3A_1858 = arith.addi %add3A_1850, %select_n3A_1857 : vector<16xi32>
        %select_n3A_1859 = arith.select %lt3A_1852, %gather3A_26, %gather3A_20 : vector<16xi1>, vector<16xf32>
        %select_n3A_1860 = arith.select %lt3A_1852, %gather3A_29, %gather3A_23 : vector<16xi1>, vector<16xf32>
        %select_n3A_1861 = arith.select %lt3A_1844, %select_n3A_1860, %select_n3A_1859 : vector<16xi1>, vector<16xf32>
        %lt3A_1862 = arith.cmpf olt, %select_n3A_1861, %get3A_1835 : vector<16xf32>
        %jit3A_1863 = arith.constant 2048 : i32
        %jit3A_1864 = arith.constant 0 : i32
        %broadcast_in_dim3A_1865 = vector.broadcast %jit3A_1863 : i32 to vector<16xi32>
        %broadcast_in_dim3A_1866 = vector.broadcast %jit3A_1864 : i32 to vector<16xi32>
        %select_n3A_1867 = arith.select %lt3A_1862, %broadcast_in_dim3A_1865, %broadcast_in_dim3A_1866 : vector<16xi1>, vector<16xi32>
        %add3A_1868 = arith.addi %add3A_1858, %select_n3A_1867 : vector<16xi32>
        %select_n3A_1869 = arith.select %lt3A_1862, %gather3A_44, %gather3A_32 : vector<16xi1>, vector<16xf32>
        %select_n3A_1870 = arith.select %lt3A_1862, %gather3A_47, %gather3A_35 : vector<16xi1>, vector<16xf32>
        %select_n3A_1871 = arith.select %lt3A_1862, %gather3A_50, %gather3A_38 : vector<16xi1>, vector<16xf32>
        %select_n3A_1872 = arith.select %lt3A_1862, %gather3A_53, %gather3A_41 : vector<16xi1>, vector<16xf32>
        %select_n3A_1873 = arith.select %lt3A_1852, %select_n3A_1871, %select_n3A_1869 : vector<16xi1>, vector<16xf32>
        %select_n3A_1874 = arith.select %lt3A_1852, %select_n3A_1872, %select_n3A_1870 : vector<16xi1>, vector<16xf32>
        %select_n3A_1875 = arith.select %lt3A_1844, %select_n3A_1874, %select_n3A_1873 : vector<16xi1>, vector<16xf32>
        %lt3A_1876 = arith.cmpf olt, %select_n3A_1875, %get3A_1835 : vector<16xf32>
        %jit3A_1877 = arith.constant 1024 : i32
        %jit3A_1878 = arith.constant 0 : i32
        %broadcast_in_dim3A_1879 = vector.broadcast %jit3A_1877 : i32 to vector<16xi32>
        %broadcast_in_dim3A_1880 = vector.broadcast %jit3A_1878 : i32 to vector<16xi32>
        %select_n3A_1881 = arith.select %lt3A_1876, %broadcast_in_dim3A_1879, %broadcast_in_dim3A_1880 : vector<16xi1>, vector<16xi32>
        %add3A_1882 = arith.addi %add3A_1868, %select_n3A_1881 : vector<16xi32>
        %add3A_1883 = arith.addi %add3A_1882, %add3A_101 : vector<16xi32>
        %gather3A_1884 = tpu.vector_load_idx %arg6[%add3A_1883] : memref<32768xf32, #tpu.memory_space<vmem>>[vector<16xi32>], vector<16xf32>,
        %lt3A_1885 = arith.cmpf olt, %gather3A_1884, %get3A_1835 : vector<16xf32>
        %jit3A_1886 = arith.constant 512 : i32
        %jit3A_1887 = arith.constant 0 : i32
        %broadcast_in_dim3A_1888 = vector.broadcast %jit3A_1886 : i32 to vector<16xi32>
        %broadcast_in_dim3A_1889 = vector.broadcast %jit3A_1887 : i32 to vector<16xi32>
        %select_n3A_1890 = arith.select %lt3A_1885, %broadcast_in_dim3A_1888, %broadcast_in_dim3A_1889 : vector<16xi1>, vector<16xi32>
        %add3A_1891 = arith.addi %add3A_1882, %select_n3A_1890 : vector<16xi32>
        %add3A_1892 = arith.addi %add3A_1891, %add3A_104 : vector<16xi32>
        %gather3A_1893 = tpu.vector_load_idx %arg6[%add3A_1892] : memref<32768xf32, #tpu.memory_space<vmem>>[vector<16xi32>], vector<16xf32>,
        %lt3A_1894 = arith.cmpf olt, %gather3A_1893, %get3A_1835 : vector<16xf32>
        %jit3A_1895 = arith.constant 256 : i32
        %jit3A_1896 = arith.constant 0 : i32
        %broadcast_in_dim3A_1897 = vector.broadcast %jit3A_1895 : i32 to vector<16xi32>
        %broadcast_in_dim3A_1898 = vector.broadcast %jit3A_1896 : i32 to vector<16xi32>
        %select_n3A_1899 = arith.select %lt3A_1894, %broadcast_in_dim3A_1897, %broadcast_in_dim3A_1898 : vector<16xi1>, vector<16xi32>
        %add3A_1900 = arith.addi %add3A_1891, %select_n3A_1899 : vector<16xi32>
        %add3A_1901 = arith.addi %add3A_1900, %add3A_107 : vector<16xi32>
        %gather3A_1902 = tpu.vector_load_idx %arg6[%add3A_1901] : memref<32768xf32, #tpu.memory_space<vmem>>[vector<16xi32>], vector<16xf32>,
        %lt3A_1903 = arith.cmpf olt, %gather3A_1902, %get3A_1835 : vector<16xf32>
        %jit3A_1904 = arith.constant 128 : i32
        %jit3A_1905 = arith.constant 0 : i32
        %broadcast_in_dim3A_1906 = vector.broadcast %jit3A_1904 : i32 to vector<16xi32>
        %broadcast_in_dim3A_1907 = vector.broadcast %jit3A_1905 : i32 to vector<16xi32>
        %select_n3A_1908 = arith.select %lt3A_1903, %broadcast_in_dim3A_1906, %broadcast_in_dim3A_1907 : vector<16xi1>, vector<16xi32>
        %add3A_1909 = arith.addi %add3A_1900, %select_n3A_1908 : vector<16xi32>
        %add3A_1910 = arith.addi %add3A_1909, %add3A_110 : vector<16xi32>
        %gather3A_1911 = tpu.vector_load_idx %arg6[%add3A_1910] : memref<32768xf32, #tpu.memory_space<vmem>>[vector<16xi32>], vector<16xf32>,
        %lt3A_1912 = arith.cmpf olt, %gather3A_1911, %get3A_1835 : vector<16xf32>
        %jit3A_1913 = arith.constant 64 : i32
        %jit3A_1914 = arith.constant 0 : i32
        %broadcast_in_dim3A_1915 = vector.broadcast %jit3A_1913 : i32 to vector<16xi32>
        %broadcast_in_dim3A_1916 = vector.broadcast %jit3A_1914 : i32 to vector<16xi32>
        %select_n3A_1917 = arith.select %lt3A_1912, %broadcast_in_dim3A_1915, %broadcast_in_dim3A_1916 : vector<16xi1>, vector<16xi32>
        %add3A_1918 = arith.addi %add3A_1909, %select_n3A_1917 : vector<16xi32>
        %add3A_1919 = arith.addi %add3A_1918, %add3A_113 : vector<16xi32>
        %gather3A_1920 = tpu.vector_load_idx %arg6[%add3A_1919] : memref<32768xf32, #tpu.memory_space<vmem>>[vector<16xi32>], vector<16xf32>,
        %lt3A_1921 = arith.cmpf olt, %gather3A_1920, %get3A_1835 : vector<16xf32>
        %jit3A_1922 = arith.constant 32 : i32
        %jit3A_1923 = arith.constant 0 : i32
        %broadcast_in_dim3A_1924 = vector.broadcast %jit3A_1922 : i32 to vector<16xi32>
        %broadcast_in_dim3A_1925 = vector.broadcast %jit3A_1923 : i32 to vector<16xi32>
        %select_n3A_1926 = arith.select %lt3A_1921, %broadcast_in_dim3A_1924, %broadcast_in_dim3A_1925 : vector<16xi1>, vector<16xi32>
        %add3A_1927 = arith.addi %add3A_1918, %select_n3A_1926 : vector<16xi32>
        %add3A_1928 = arith.addi %add3A_1927, %add3A_116 : vector<16xi32>
        %gather3A_1929 = tpu.vector_load_idx %arg6[%add3A_1928] : memref<32768xf32, #tpu.memory_space<vmem>>[vector<16xi32>], vector<16xf32>,
        %lt3A_1930 = arith.cmpf olt, %gather3A_1929, %get3A_1835 : vector<16xf32>
        %jit3A_1931 = arith.constant 16 : i32
        %jit3A_1932 = arith.constant 0 : i32
        %broadcast_in_dim3A_1933 = vector.broadcast %jit3A_1931 : i32 to vector<16xi32>
        %broadcast_in_dim3A_1934 = vector.broadcast %jit3A_1932 : i32 to vector<16xi32>
        %select_n3A_1935 = arith.select %lt3A_1930, %broadcast_in_dim3A_1933, %broadcast_in_dim3A_1934 : vector<16xi1>, vector<16xi32>
        %add3A_1936 = arith.addi %add3A_1927, %select_n3A_1935 : vector<16xi32>
        %sub3A_1937 = arith.constant 16 : i32
        %sub3A_1938 = vector.broadcast %sub3A_1937 : i32 to vector<16xi32>
        %sub3A_1939 = arith.subi %add3A_1936, %sub3A_1938 : vector<16xi32>
        %max3A_1940 = arith.constant 0 : i32
        %max3A_1941 = vector.broadcast %max3A_1940 : i32 to vector<16xi32>
        %max3A_1942 = arith.maxsi %sub3A_1939, %max3A_1941 : vector<16xi32>
        %shift_right_logical3A_1943 = arith.constant 1 : i32
        %shift_right_logical3A_1944 = vector.broadcast %shift_right_logical3A_1943 : i32 to vector<16xi32>
        %shift_right_logical3A_1945 = arith.shrui %max3A_1942, %shift_right_logical3A_1944 : vector<16xi32>
        %add3A_1946 = arith.addi %shift_right_logical3A_1945, %and3A_10 : vector<16xi32>
        %gather3A_1947 = tpu.vector_load_idx %arg7[%add3A_1946] : memref<65536xf32, #tpu.memory_space<vmem>>[vector<16xi32>], vector<16xf32>,
        %add3A_1948 = arith.constant 16384 : i32
        %add3A_1949 = vector.broadcast %add3A_1948 : i32 to vector<16xi32>
        %add3A_1950 = arith.addi %add3A_1946, %add3A_1949 : vector<16xi32>
        %gather3A_1951 = tpu.vector_load_idx %arg7[%add3A_1950] : memref<65536xf32, #tpu.memory_space<vmem>>[vector<16xi32>], vector<16xf32>,
        %add3A_1952 = arith.constant 32768 : i32
        %add3A_1953 = vector.broadcast %add3A_1952 : i32 to vector<16xi32>
        %add3A_1954 = arith.addi %add3A_1946, %add3A_1953 : vector<16xi32>
        %gather3A_1955 = tpu.vector_load_idx %arg7[%add3A_1954] : memref<65536xf32, #tpu.memory_space<vmem>>[vector<16xi32>], vector<16xf32>,
        %add3A_1956 = arith.constant 49152 : i32
        %add3A_1957 = vector.broadcast %add3A_1956 : i32 to vector<16xi32>
        %add3A_1958 = arith.addi %add3A_1946, %add3A_1957 : vector<16xi32>
        %gather3A_1959 = tpu.vector_load_idx %arg7[%add3A_1958] : memref<65536xf32, #tpu.memory_space<vmem>>[vector<16xi32>], vector<16xf32>,
        %mul3A_1960 = arith.mulf %gather3A_1959, %get3A_1835 : vector<16xf32>
        %add3A_1961 = arith.addf %mul3A_1960, %gather3A_1955 : vector<16xf32>
        %mul3A_1962 = arith.mulf %add3A_1961, %get3A_1835 : vector<16xf32>
        %add3A_1963 = arith.addf %mul3A_1962, %gather3A_1951 : vector<16xf32>
        %mul3A_1964 = arith.mulf %add3A_1963, %get3A_1835 : vector<16xf32>
        %add3A_1965 = arith.addf %mul3A_1964, %gather3A_1947 : vector<16xf32>
        %broadcast_in_dim3A_1966 = arith.constant 0 : i32
        %broadcast_in_dim3A_1967 = vector.broadcast %broadcast_in_dim3A_1966 : i32 to vector<16xi32>
        %lt3A_1968 = arith.cmpf olt, %gather3A_56, %get3A_1841 : vector<16xf32>
        %jit3A_1969 = arith.constant 8192 : i32
        %jit3A_1970 = arith.constant 0 : i32
        %broadcast_in_dim3A_1971 = vector.broadcast %jit3A_1969 : i32 to vector<16xi32>
        %broadcast_in_dim3A_1972 = vector.broadcast %jit3A_1970 : i32 to vector<16xi32>
        %select_n3A_1973 = arith.select %lt3A_1968, %broadcast_in_dim3A_1971, %broadcast_in_dim3A_1972 : vector<16xi1>, vector<16xi32>
        %add3A_1974 = arith.addi %broadcast_in_dim3A_1967, %select_n3A_1973 : vector<16xi32>
        %select_n3A_1975 = arith.select %lt3A_1968, %gather3A_62, %gather3A_59 : vector<16xi1>, vector<16xf32>
        %lt3A_1976 = arith.cmpf olt, %select_n3A_1975, %get3A_1841 : vector<16xf32>
        %jit3A_1977 = arith.constant 4096 : i32
        %jit3A_1978 = arith.constant 0 : i32
        %broadcast_in_dim3A_1979 = vector.broadcast %jit3A_1977 : i32 to vector<16xi32>
        %broadcast_in_dim3A_1980 = vector.broadcast %jit3A_1978 : i32 to vector<16xi32>
        %select_n3A_1981 = arith.select %lt3A_1976, %broadcast_in_dim3A_1979, %broadcast_in_dim3A_1980 : vector<16xi1>, vector<16xi32>
        %add3A_1982 = arith.addi %add3A_1974, %select_n3A_1981 : vector<16xi32>
        %select_n3A_1983 = arith.select %lt3A_1976, %gather3A_71, %gather3A_65 : vector<16xi1>, vector<16xf32>
        %select_n3A_1984 = arith.select %lt3A_1976, %gather3A_74, %gather3A_68 : vector<16xi1>, vector<16xf32>
        %select_n3A_1985 = arith.select %lt3A_1968, %select_n3A_1984, %select_n3A_1983 : vector<16xi1>, vector<16xf32>
        %lt3A_1986 = arith.cmpf olt, %select_n3A_1985, %get3A_1841 : vector<16xf32>
        %jit3A_1987 = arith.constant 2048 : i32
        %jit3A_1988 = arith.constant 0 : i32
        %broadcast_in_dim3A_1989 = vector.broadcast %jit3A_1987 : i32 to vector<16xi32>
        %broadcast_in_dim3A_1990 = vector.broadcast %jit3A_1988 : i32 to vector<16xi32>
        %select_n3A_1991 = arith.select %lt3A_1986, %broadcast_in_dim3A_1989, %broadcast_in_dim3A_1990 : vector<16xi1>, vector<16xi32>
        %add3A_1992 = arith.addi %add3A_1982, %select_n3A_1991 : vector<16xi32>
        %select_n3A_1993 = arith.select %lt3A_1986, %gather3A_89, %gather3A_77 : vector<16xi1>, vector<16xf32>
        %select_n3A_1994 = arith.select %lt3A_1986, %gather3A_92, %gather3A_80 : vector<16xi1>, vector<16xf32>
        %select_n3A_1995 = arith.select %lt3A_1986, %gather3A_95, %gather3A_83 : vector<16xi1>, vector<16xf32>
        %select_n3A_1996 = arith.select %lt3A_1986, %gather3A_98, %gather3A_86 : vector<16xi1>, vector<16xf32>
        %select_n3A_1997 = arith.select %lt3A_1976, %select_n3A_1995, %select_n3A_1993 : vector<16xi1>, vector<16xf32>
        %select_n3A_1998 = arith.select %lt3A_1976, %select_n3A_1996, %select_n3A_1994 : vector<16xi1>, vector<16xf32>
        %select_n3A_1999 = arith.select %lt3A_1968, %select_n3A_1998, %select_n3A_1997 : vector<16xi1>, vector<16xf32>
        %lt3A_2000 = arith.cmpf olt, %select_n3A_1999, %get3A_1841 : vector<16xf32>
        %jit3A_2001 = arith.constant 1024 : i32
        %jit3A_2002 = arith.constant 0 : i32
        %broadcast_in_dim3A_2003 = vector.broadcast %jit3A_2001 : i32 to vector<16xi32>
        %broadcast_in_dim3A_2004 = vector.broadcast %jit3A_2002 : i32 to vector<16xi32>
        %select_n3A_2005 = arith.select %lt3A_2000, %broadcast_in_dim3A_2003, %broadcast_in_dim3A_2004 : vector<16xi1>, vector<16xi32>
        %add3A_2006 = arith.addi %add3A_1992, %select_n3A_2005 : vector<16xi32>
        %add3A_2007 = arith.addi %add3A_2006, %add3A_119 : vector<16xi32>
        %gather3A_2008 = tpu.vector_load_idx %arg6[%add3A_2007] : memref<32768xf32, #tpu.memory_space<vmem>>[vector<16xi32>], vector<16xf32>,
        %lt3A_2009 = arith.cmpf olt, %gather3A_2008, %get3A_1841 : vector<16xf32>
        %jit3A_2010 = arith.constant 512 : i32
        %jit3A_2011 = arith.constant 0 : i32
        %broadcast_in_dim3A_2012 = vector.broadcast %jit3A_2010 : i32 to vector<16xi32>
        %broadcast_in_dim3A_2013 = vector.broadcast %jit3A_2011 : i32 to vector<16xi32>
        %select_n3A_2014 = arith.select %lt3A_2009, %broadcast_in_dim3A_2012, %broadcast_in_dim3A_2013 : vector<16xi1>, vector<16xi32>
        %add3A_2015 = arith.addi %add3A_2006, %select_n3A_2014 : vector<16xi32>
        %add3A_2016 = arith.addi %add3A_2015, %add3A_122 : vector<16xi32>
        %gather3A_2017 = tpu.vector_load_idx %arg6[%add3A_2016] : memref<32768xf32, #tpu.memory_space<vmem>>[vector<16xi32>], vector<16xf32>,
        %lt3A_2018 = arith.cmpf olt, %gather3A_2017, %get3A_1841 : vector<16xf32>
        %jit3A_2019 = arith.constant 256 : i32
        %jit3A_2020 = arith.constant 0 : i32
        %broadcast_in_dim3A_2021 = vector.broadcast %jit3A_2019 : i32 to vector<16xi32>
        %broadcast_in_dim3A_2022 = vector.broadcast %jit3A_2020 : i32 to vector<16xi32>
        %select_n3A_2023 = arith.select %lt3A_2018, %broadcast_in_dim3A_2021, %broadcast_in_dim3A_2022 : vector<16xi1>, vector<16xi32>
        %add3A_2024 = arith.addi %add3A_2015, %select_n3A_2023 : vector<16xi32>
        %add3A_2025 = arith.addi %add3A_2024, %add3A_125 : vector<16xi32>
        %gather3A_2026 = tpu.vector_load_idx %arg6[%add3A_2025] : memref<32768xf32, #tpu.memory_space<vmem>>[vector<16xi32>], vector<16xf32>,
        %lt3A_2027 = arith.cmpf olt, %gather3A_2026, %get3A_1841 : vector<16xf32>
        %jit3A_2028 = arith.constant 128 : i32
        %jit3A_2029 = arith.constant 0 : i32
        %broadcast_in_dim3A_2030 = vector.broadcast %jit3A_2028 : i32 to vector<16xi32>
        %broadcast_in_dim3A_2031 = vector.broadcast %jit3A_2029 : i32 to vector<16xi32>
        %select_n3A_2032 = arith.select %lt3A_2027, %broadcast_in_dim3A_2030, %broadcast_in_dim3A_2031 : vector<16xi1>, vector<16xi32>
        %add3A_2033 = arith.addi %add3A_2024, %select_n3A_2032 : vector<16xi32>
        %add3A_2034 = arith.addi %add3A_2033, %add3A_128 : vector<16xi32>
        %gather3A_2035 = tpu.vector_load_idx %arg6[%add3A_2034] : memref<32768xf32, #tpu.memory_space<vmem>>[vector<16xi32>], vector<16xf32>,
        %lt3A_2036 = arith.cmpf olt, %gather3A_2035, %get3A_1841 : vector<16xf32>
        %jit3A_2037 = arith.constant 64 : i32
        %jit3A_2038 = arith.constant 0 : i32
        %broadcast_in_dim3A_2039 = vector.broadcast %jit3A_2037 : i32 to vector<16xi32>
        %broadcast_in_dim3A_2040 = vector.broadcast %jit3A_2038 : i32 to vector<16xi32>
        %select_n3A_2041 = arith.select %lt3A_2036, %broadcast_in_dim3A_2039, %broadcast_in_dim3A_2040 : vector<16xi1>, vector<16xi32>
        %add3A_2042 = arith.addi %add3A_2033, %select_n3A_2041 : vector<16xi32>
        %add3A_2043 = arith.addi %add3A_2042, %add3A_131 : vector<16xi32>
        %gather3A_2044 = tpu.vector_load_idx %arg6[%add3A_2043] : memref<32768xf32, #tpu.memory_space<vmem>>[vector<16xi32>], vector<16xf32>,
        %lt3A_2045 = arith.cmpf olt, %gather3A_2044, %get3A_1841 : vector<16xf32>
        %jit3A_2046 = arith.constant 32 : i32
        %jit3A_2047 = arith.constant 0 : i32
        %broadcast_in_dim3A_2048 = vector.broadcast %jit3A_2046 : i32 to vector<16xi32>
        %broadcast_in_dim3A_2049 = vector.broadcast %jit3A_2047 : i32 to vector<16xi32>
        %select_n3A_2050 = arith.select %lt3A_2045, %broadcast_in_dim3A_2048, %broadcast_in_dim3A_2049 : vector<16xi1>, vector<16xi32>
        %add3A_2051 = arith.addi %add3A_2042, %select_n3A_2050 : vector<16xi32>
        %add3A_2052 = arith.addi %add3A_2051, %add3A_134 : vector<16xi32>
        %gather3A_2053 = tpu.vector_load_idx %arg6[%add3A_2052] : memref<32768xf32, #tpu.memory_space<vmem>>[vector<16xi32>], vector<16xf32>,
        %lt3A_2054 = arith.cmpf olt, %gather3A_2053, %get3A_1841 : vector<16xf32>
        %jit3A_2055 = arith.constant 16 : i32
        %jit3A_2056 = arith.constant 0 : i32
        %broadcast_in_dim3A_2057 = vector.broadcast %jit3A_2055 : i32 to vector<16xi32>
        %broadcast_in_dim3A_2058 = vector.broadcast %jit3A_2056 : i32 to vector<16xi32>
        %select_n3A_2059 = arith.select %lt3A_2054, %broadcast_in_dim3A_2057, %broadcast_in_dim3A_2058 : vector<16xi1>, vector<16xi32>
        %add3A_2060 = arith.addi %add3A_2051, %select_n3A_2059 : vector<16xi32>
        %sub3A_2061 = arith.constant 16 : i32
        %sub3A_2062 = vector.broadcast %sub3A_2061 : i32 to vector<16xi32>
        %sub3A_2063 = arith.subi %add3A_2060, %sub3A_2062 : vector<16xi32>
        %max3A_2064 = arith.constant 0 : i32
        %max3A_2065 = vector.broadcast %max3A_2064 : i32 to vector<16xi32>
        %max3A_2066 = arith.maxsi %sub3A_2063, %max3A_2065 : vector<16xi32>
        %shift_right_logical3A_2067 = arith.constant 1 : i32
        %shift_right_logical3A_2068 = vector.broadcast %shift_right_logical3A_2067 : i32 to vector<16xi32>
        %shift_right_logical3A_2069 = arith.shrui %max3A_2066, %shift_right_logical3A_2068 : vector<16xi32>
        %add3A_2070 = arith.addi %shift_right_logical3A_2069, %add3A_137 : vector<16xi32>
        %gather3A_2071 = tpu.vector_load_idx %arg7[%add3A_2070] : memref<65536xf32, #tpu.memory_space<vmem>>[vector<16xi32>], vector<16xf32>,
        %add3A_2072 = arith.constant 16384 : i32
        %add3A_2073 = vector.broadcast %add3A_2072 : i32 to vector<16xi32>
        %add3A_2074 = arith.addi %add3A_2070, %add3A_2073 : vector<16xi32>
        %gather3A_2075 = tpu.vector_load_idx %arg7[%add3A_2074] : memref<65536xf32, #tpu.memory_space<vmem>>[vector<16xi32>], vector<16xf32>,
        %add3A_2076 = arith.constant 32768 : i32
        %add3A_2077 = vector.broadcast %add3A_2076 : i32 to vector<16xi32>
        %add3A_2078 = arith.addi %add3A_2070, %add3A_2077 : vector<16xi32>
        %gather3A_2079 = tpu.vector_load_idx %arg7[%add3A_2078] : memref<65536xf32, #tpu.memory_space<vmem>>[vector<16xi32>], vector<16xf32>,
        %add3A_2080 = arith.constant 49152 : i32
        %add3A_2081 = vector.broadcast %add3A_2080 : i32 to vector<16xi32>
        %add3A_2082 = arith.addi %add3A_2070, %add3A_2081 : vector<16xi32>
        %gather3A_2083 = tpu.vector_load_idx %arg7[%add3A_2082] : memref<65536xf32, #tpu.memory_space<vmem>>[vector<16xi32>], vector<16xf32>,
        %mul3A_2084 = arith.mulf %gather3A_2083, %get3A_1841 : vector<16xf32>
        %add3A_2085 = arith.addf %mul3A_2084, %gather3A_2079 : vector<16xf32>
        %mul3A_2086 = arith.mulf %add3A_2085, %get3A_1841 : vector<16xf32>
        %add3A_2087 = arith.addf %mul3A_2086, %gather3A_2075 : vector<16xf32>
        %mul3A_2088 = arith.mulf %add3A_2087, %get3A_1841 : vector<16xf32>
        %add3A_2089 = arith.addf %mul3A_2088, %gather3A_2071 : vector<16xf32>
        %mul3A_2090 = arith.mulf %add3A_1965, %add3A_2089 : vector<16xf32>
        %add3A_2091 = arith.constant 96 : i32
        %add3A_2092 = arith.addi %mul3A_243, %add3A_2091 : i32
        %swap3A_2093 = arith.index_cast %add3A_2092 : i32 to index
        %swap3A_2094 = tpu.vector_load %arg11[%swap3A_2093] {strides = array<i32>} : memref<2048xf32, #tpu.memory_space<vmem>>, vector<16xf32>,
        tpu.vector_store %arg11[%swap3A_2093], %mul3A_2090 {strides = array<i32>} : memref<2048xf32, #tpu.memory_space<vmem>>, vector<16xf32>,
        %add3A_2095 = arith.constant 112 : i32
        %add3A_2096 = arith.addi %mul3A_241, %add3A_2095 : i32
        %get3A_2097 = arith.constant 0 : i32
        %get3A_2098 = arith.index_cast %get3A_2097 : i32 to index
        %get3A_2099 = arith.index_cast %add3A_2096 : i32 to index
        %get3A_2100 = tpu.vector_load %arg9[%get3A_2098, %get3A_2099] {strides = array<i32>} : memref<2x2048xf32, #tpu.memory_space<vmem>>, vector<16xf32>,
        %add3A_2101 = arith.constant 112 : i32
        %add3A_2102 = arith.addi %mul3A_241, %add3A_2101 : i32
        %get3A_2103 = arith.constant 1 : i32
        %get3A_2104 = arith.index_cast %get3A_2103 : i32 to index
        %get3A_2105 = arith.index_cast %add3A_2102 : i32 to index
        %get3A_2106 = tpu.vector_load %arg9[%get3A_2104, %get3A_2105] {strides = array<i32>} : memref<2x2048xf32, #tpu.memory_space<vmem>>, vector<16xf32>,
        %broadcast_in_dim3A_2107 = arith.constant 0 : i32
        %broadcast_in_dim3A_2108 = vector.broadcast %broadcast_in_dim3A_2107 : i32 to vector<16xi32>
        %lt3A_2109 = arith.cmpf olt, %gather3A, %get3A_2100 : vector<16xf32>
        %jit3A_2110 = arith.constant 8192 : i32
        %jit3A_2111 = arith.constant 0 : i32
        %broadcast_in_dim3A_2112 = vector.broadcast %jit3A_2110 : i32 to vector<16xi32>
        %broadcast_in_dim3A_2113 = vector.broadcast %jit3A_2111 : i32 to vector<16xi32>
        %select_n3A_2114 = arith.select %lt3A_2109, %broadcast_in_dim3A_2112, %broadcast_in_dim3A_2113 : vector<16xi1>, vector<16xi32>
        %add3A_2115 = arith.addi %broadcast_in_dim3A_2108, %select_n3A_2114 : vector<16xi32>
        %select_n3A_2116 = arith.select %lt3A_2109, %gather3A_17, %gather3A_14 : vector<16xi1>, vector<16xf32>
        %lt3A_2117 = arith.cmpf olt, %select_n3A_2116, %get3A_2100 : vector<16xf32>
        %jit3A_2118 = arith.constant 4096 : i32
        %jit3A_2119 = arith.constant 0 : i32
        %broadcast_in_dim3A_2120 = vector.broadcast %jit3A_2118 : i32 to vector<16xi32>
        %broadcast_in_dim3A_2121 = vector.broadcast %jit3A_2119 : i32 to vector<16xi32>
        %select_n3A_2122 = arith.select %lt3A_2117, %broadcast_in_dim3A_2120, %broadcast_in_dim3A_2121 : vector<16xi1>, vector<16xi32>
        %add3A_2123 = arith.addi %add3A_2115, %select_n3A_2122 : vector<16xi32>
        %select_n3A_2124 = arith.select %lt3A_2117, %gather3A_26, %gather3A_20 : vector<16xi1>, vector<16xf32>
        %select_n3A_2125 = arith.select %lt3A_2117, %gather3A_29, %gather3A_23 : vector<16xi1>, vector<16xf32>
        %select_n3A_2126 = arith.select %lt3A_2109, %select_n3A_2125, %select_n3A_2124 : vector<16xi1>, vector<16xf32>
        %lt3A_2127 = arith.cmpf olt, %select_n3A_2126, %get3A_2100 : vector<16xf32>
        %jit3A_2128 = arith.constant 2048 : i32
        %jit3A_2129 = arith.constant 0 : i32
        %broadcast_in_dim3A_2130 = vector.broadcast %jit3A_2128 : i32 to vector<16xi32>
        %broadcast_in_dim3A_2131 = vector.broadcast %jit3A_2129 : i32 to vector<16xi32>
        %select_n3A_2132 = arith.select %lt3A_2127, %broadcast_in_dim3A_2130, %broadcast_in_dim3A_2131 : vector<16xi1>, vector<16xi32>
        %add3A_2133 = arith.addi %add3A_2123, %select_n3A_2132 : vector<16xi32>
        %select_n3A_2134 = arith.select %lt3A_2127, %gather3A_44, %gather3A_32 : vector<16xi1>, vector<16xf32>
        %select_n3A_2135 = arith.select %lt3A_2127, %gather3A_47, %gather3A_35 : vector<16xi1>, vector<16xf32>
        %select_n3A_2136 = arith.select %lt3A_2127, %gather3A_50, %gather3A_38 : vector<16xi1>, vector<16xf32>
        %select_n3A_2137 = arith.select %lt3A_2127, %gather3A_53, %gather3A_41 : vector<16xi1>, vector<16xf32>
        %select_n3A_2138 = arith.select %lt3A_2117, %select_n3A_2136, %select_n3A_2134 : vector<16xi1>, vector<16xf32>
        %select_n3A_2139 = arith.select %lt3A_2117, %select_n3A_2137, %select_n3A_2135 : vector<16xi1>, vector<16xf32>
        %select_n3A_2140 = arith.select %lt3A_2109, %select_n3A_2139, %select_n3A_2138 : vector<16xi1>, vector<16xf32>
        %lt3A_2141 = arith.cmpf olt, %select_n3A_2140, %get3A_2100 : vector<16xf32>
        %jit3A_2142 = arith.constant 1024 : i32
        %jit3A_2143 = arith.constant 0 : i32
        %broadcast_in_dim3A_2144 = vector.broadcast %jit3A_2142 : i32 to vector<16xi32>
        %broadcast_in_dim3A_2145 = vector.broadcast %jit3A_2143 : i32 to vector<16xi32>
        %select_n3A_2146 = arith.select %lt3A_2141, %broadcast_in_dim3A_2144, %broadcast_in_dim3A_2145 : vector<16xi1>, vector<16xi32>
        %add3A_2147 = arith.addi %add3A_2133, %select_n3A_2146 : vector<16xi32>
        %add3A_2148 = arith.addi %add3A_2147, %add3A_101 : vector<16xi32>
        %gather3A_2149 = tpu.vector_load_idx %arg6[%add3A_2148] : memref<32768xf32, #tpu.memory_space<vmem>>[vector<16xi32>], vector<16xf32>,
        %lt3A_2150 = arith.cmpf olt, %gather3A_2149, %get3A_2100 : vector<16xf32>
        %jit3A_2151 = arith.constant 512 : i32
        %jit3A_2152 = arith.constant 0 : i32
        %broadcast_in_dim3A_2153 = vector.broadcast %jit3A_2151 : i32 to vector<16xi32>
        %broadcast_in_dim3A_2154 = vector.broadcast %jit3A_2152 : i32 to vector<16xi32>
        %select_n3A_2155 = arith.select %lt3A_2150, %broadcast_in_dim3A_2153, %broadcast_in_dim3A_2154 : vector<16xi1>, vector<16xi32>
        %add3A_2156 = arith.addi %add3A_2147, %select_n3A_2155 : vector<16xi32>
        %add3A_2157 = arith.addi %add3A_2156, %add3A_104 : vector<16xi32>
        %gather3A_2158 = tpu.vector_load_idx %arg6[%add3A_2157] : memref<32768xf32, #tpu.memory_space<vmem>>[vector<16xi32>], vector<16xf32>,
        %lt3A_2159 = arith.cmpf olt, %gather3A_2158, %get3A_2100 : vector<16xf32>
        %jit3A_2160 = arith.constant 256 : i32
        %jit3A_2161 = arith.constant 0 : i32
        %broadcast_in_dim3A_2162 = vector.broadcast %jit3A_2160 : i32 to vector<16xi32>
        %broadcast_in_dim3A_2163 = vector.broadcast %jit3A_2161 : i32 to vector<16xi32>
        %select_n3A_2164 = arith.select %lt3A_2159, %broadcast_in_dim3A_2162, %broadcast_in_dim3A_2163 : vector<16xi1>, vector<16xi32>
        %add3A_2165 = arith.addi %add3A_2156, %select_n3A_2164 : vector<16xi32>
        %add3A_2166 = arith.addi %add3A_2165, %add3A_107 : vector<16xi32>
        %gather3A_2167 = tpu.vector_load_idx %arg6[%add3A_2166] : memref<32768xf32, #tpu.memory_space<vmem>>[vector<16xi32>], vector<16xf32>,
        %lt3A_2168 = arith.cmpf olt, %gather3A_2167, %get3A_2100 : vector<16xf32>
        %jit3A_2169 = arith.constant 128 : i32
        %jit3A_2170 = arith.constant 0 : i32
        %broadcast_in_dim3A_2171 = vector.broadcast %jit3A_2169 : i32 to vector<16xi32>
        %broadcast_in_dim3A_2172 = vector.broadcast %jit3A_2170 : i32 to vector<16xi32>
        %select_n3A_2173 = arith.select %lt3A_2168, %broadcast_in_dim3A_2171, %broadcast_in_dim3A_2172 : vector<16xi1>, vector<16xi32>
        %add3A_2174 = arith.addi %add3A_2165, %select_n3A_2173 : vector<16xi32>
        %add3A_2175 = arith.addi %add3A_2174, %add3A_110 : vector<16xi32>
        %gather3A_2176 = tpu.vector_load_idx %arg6[%add3A_2175] : memref<32768xf32, #tpu.memory_space<vmem>>[vector<16xi32>], vector<16xf32>,
        %lt3A_2177 = arith.cmpf olt, %gather3A_2176, %get3A_2100 : vector<16xf32>
        %jit3A_2178 = arith.constant 64 : i32
        %jit3A_2179 = arith.constant 0 : i32
        %broadcast_in_dim3A_2180 = vector.broadcast %jit3A_2178 : i32 to vector<16xi32>
        %broadcast_in_dim3A_2181 = vector.broadcast %jit3A_2179 : i32 to vector<16xi32>
        %select_n3A_2182 = arith.select %lt3A_2177, %broadcast_in_dim3A_2180, %broadcast_in_dim3A_2181 : vector<16xi1>, vector<16xi32>
        %add3A_2183 = arith.addi %add3A_2174, %select_n3A_2182 : vector<16xi32>
        %add3A_2184 = arith.addi %add3A_2183, %add3A_113 : vector<16xi32>
        %gather3A_2185 = tpu.vector_load_idx %arg6[%add3A_2184] : memref<32768xf32, #tpu.memory_space<vmem>>[vector<16xi32>], vector<16xf32>,
        %lt3A_2186 = arith.cmpf olt, %gather3A_2185, %get3A_2100 : vector<16xf32>
        %jit3A_2187 = arith.constant 32 : i32
        %jit3A_2188 = arith.constant 0 : i32
        %broadcast_in_dim3A_2189 = vector.broadcast %jit3A_2187 : i32 to vector<16xi32>
        %broadcast_in_dim3A_2190 = vector.broadcast %jit3A_2188 : i32 to vector<16xi32>
        %select_n3A_2191 = arith.select %lt3A_2186, %broadcast_in_dim3A_2189, %broadcast_in_dim3A_2190 : vector<16xi1>, vector<16xi32>
        %add3A_2192 = arith.addi %add3A_2183, %select_n3A_2191 : vector<16xi32>
        %add3A_2193 = arith.addi %add3A_2192, %add3A_116 : vector<16xi32>
        %gather3A_2194 = tpu.vector_load_idx %arg6[%add3A_2193] : memref<32768xf32, #tpu.memory_space<vmem>>[vector<16xi32>], vector<16xf32>,
        %lt3A_2195 = arith.cmpf olt, %gather3A_2194, %get3A_2100 : vector<16xf32>
        %jit3A_2196 = arith.constant 16 : i32
        %jit3A_2197 = arith.constant 0 : i32
        %broadcast_in_dim3A_2198 = vector.broadcast %jit3A_2196 : i32 to vector<16xi32>
        %broadcast_in_dim3A_2199 = vector.broadcast %jit3A_2197 : i32 to vector<16xi32>
        %select_n3A_2200 = arith.select %lt3A_2195, %broadcast_in_dim3A_2198, %broadcast_in_dim3A_2199 : vector<16xi1>, vector<16xi32>
        %add3A_2201 = arith.addi %add3A_2192, %select_n3A_2200 : vector<16xi32>
        %sub3A_2202 = arith.constant 16 : i32
        %sub3A_2203 = vector.broadcast %sub3A_2202 : i32 to vector<16xi32>
        %sub3A_2204 = arith.subi %add3A_2201, %sub3A_2203 : vector<16xi32>
        %max3A_2205 = arith.constant 0 : i32
        %max3A_2206 = vector.broadcast %max3A_2205 : i32 to vector<16xi32>
        %max3A_2207 = arith.maxsi %sub3A_2204, %max3A_2206 : vector<16xi32>
        %shift_right_logical3A_2208 = arith.constant 1 : i32
        %shift_right_logical3A_2209 = vector.broadcast %shift_right_logical3A_2208 : i32 to vector<16xi32>
        %shift_right_logical3A_2210 = arith.shrui %max3A_2207, %shift_right_logical3A_2209 : vector<16xi32>
        %add3A_2211 = arith.addi %shift_right_logical3A_2210, %and3A_10 : vector<16xi32>
        %gather3A_2212 = tpu.vector_load_idx %arg7[%add3A_2211] : memref<65536xf32, #tpu.memory_space<vmem>>[vector<16xi32>], vector<16xf32>,
        %add3A_2213 = arith.constant 16384 : i32
        %add3A_2214 = vector.broadcast %add3A_2213 : i32 to vector<16xi32>
        %add3A_2215 = arith.addi %add3A_2211, %add3A_2214 : vector<16xi32>
        %gather3A_2216 = tpu.vector_load_idx %arg7[%add3A_2215] : memref<65536xf32, #tpu.memory_space<vmem>>[vector<16xi32>], vector<16xf32>,
        %add3A_2217 = arith.constant 32768 : i32
        %add3A_2218 = vector.broadcast %add3A_2217 : i32 to vector<16xi32>
        %add3A_2219 = arith.addi %add3A_2211, %add3A_2218 : vector<16xi32>
        %gather3A_2220 = tpu.vector_load_idx %arg7[%add3A_2219] : memref<65536xf32, #tpu.memory_space<vmem>>[vector<16xi32>], vector<16xf32>,
        %add3A_2221 = arith.constant 49152 : i32
        %add3A_2222 = vector.broadcast %add3A_2221 : i32 to vector<16xi32>
        %add3A_2223 = arith.addi %add3A_2211, %add3A_2222 : vector<16xi32>
        %gather3A_2224 = tpu.vector_load_idx %arg7[%add3A_2223] : memref<65536xf32, #tpu.memory_space<vmem>>[vector<16xi32>], vector<16xf32>,
        %mul3A_2225 = arith.mulf %gather3A_2224, %get3A_2100 : vector<16xf32>
        %add3A_2226 = arith.addf %mul3A_2225, %gather3A_2220 : vector<16xf32>
        %mul3A_2227 = arith.mulf %add3A_2226, %get3A_2100 : vector<16xf32>
        %add3A_2228 = arith.addf %mul3A_2227, %gather3A_2216 : vector<16xf32>
        %mul3A_2229 = arith.mulf %add3A_2228, %get3A_2100 : vector<16xf32>
        %add3A_2230 = arith.addf %mul3A_2229, %gather3A_2212 : vector<16xf32>
        %broadcast_in_dim3A_2231 = arith.constant 0 : i32
        %broadcast_in_dim3A_2232 = vector.broadcast %broadcast_in_dim3A_2231 : i32 to vector<16xi32>
        %lt3A_2233 = arith.cmpf olt, %gather3A_56, %get3A_2106 : vector<16xf32>
        %jit3A_2234 = arith.constant 8192 : i32
        %jit3A_2235 = arith.constant 0 : i32
        %broadcast_in_dim3A_2236 = vector.broadcast %jit3A_2234 : i32 to vector<16xi32>
        %broadcast_in_dim3A_2237 = vector.broadcast %jit3A_2235 : i32 to vector<16xi32>
        %select_n3A_2238 = arith.select %lt3A_2233, %broadcast_in_dim3A_2236, %broadcast_in_dim3A_2237 : vector<16xi1>, vector<16xi32>
        %add3A_2239 = arith.addi %broadcast_in_dim3A_2232, %select_n3A_2238 : vector<16xi32>
        %select_n3A_2240 = arith.select %lt3A_2233, %gather3A_62, %gather3A_59 : vector<16xi1>, vector<16xf32>
        %lt3A_2241 = arith.cmpf olt, %select_n3A_2240, %get3A_2106 : vector<16xf32>
        %jit3A_2242 = arith.constant 4096 : i32
        %jit3A_2243 = arith.constant 0 : i32
        %broadcast_in_dim3A_2244 = vector.broadcast %jit3A_2242 : i32 to vector<16xi32>
        %broadcast_in_dim3A_2245 = vector.broadcast %jit3A_2243 : i32 to vector<16xi32>
        %select_n3A_2246 = arith.select %lt3A_2241, %broadcast_in_dim3A_2244, %broadcast_in_dim3A_2245 : vector<16xi1>, vector<16xi32>
        %add3A_2247 = arith.addi %add3A_2239, %select_n3A_2246 : vector<16xi32>
        %select_n3A_2248 = arith.select %lt3A_2241, %gather3A_71, %gather3A_65 : vector<16xi1>, vector<16xf32>
        %select_n3A_2249 = arith.select %lt3A_2241, %gather3A_74, %gather3A_68 : vector<16xi1>, vector<16xf32>
        %select_n3A_2250 = arith.select %lt3A_2233, %select_n3A_2249, %select_n3A_2248 : vector<16xi1>, vector<16xf32>
        %lt3A_2251 = arith.cmpf olt, %select_n3A_2250, %get3A_2106 : vector<16xf32>
        %jit3A_2252 = arith.constant 2048 : i32
        %jit3A_2253 = arith.constant 0 : i32
        %broadcast_in_dim3A_2254 = vector.broadcast %jit3A_2252 : i32 to vector<16xi32>
        %broadcast_in_dim3A_2255 = vector.broadcast %jit3A_2253 : i32 to vector<16xi32>
        %select_n3A_2256 = arith.select %lt3A_2251, %broadcast_in_dim3A_2254, %broadcast_in_dim3A_2255 : vector<16xi1>, vector<16xi32>
        %add3A_2257 = arith.addi %add3A_2247, %select_n3A_2256 : vector<16xi32>
        %select_n3A_2258 = arith.select %lt3A_2251, %gather3A_89, %gather3A_77 : vector<16xi1>, vector<16xf32>
        %select_n3A_2259 = arith.select %lt3A_2251, %gather3A_92, %gather3A_80 : vector<16xi1>, vector<16xf32>
        %select_n3A_2260 = arith.select %lt3A_2251, %gather3A_95, %gather3A_83 : vector<16xi1>, vector<16xf32>
        %select_n3A_2261 = arith.select %lt3A_2251, %gather3A_98, %gather3A_86 : vector<16xi1>, vector<16xf32>
        %select_n3A_2262 = arith.select %lt3A_2241, %select_n3A_2260, %select_n3A_2258 : vector<16xi1>, vector<16xf32>
        %select_n3A_2263 = arith.select %lt3A_2241, %select_n3A_2261, %select_n3A_2259 : vector<16xi1>, vector<16xf32>
        %select_n3A_2264 = arith.select %lt3A_2233, %select_n3A_2263, %select_n3A_2262 : vector<16xi1>, vector<16xf32>
        %lt3A_2265 = arith.cmpf olt, %select_n3A_2264, %get3A_2106 : vector<16xf32>
        %jit3A_2266 = arith.constant 1024 : i32
        %jit3A_2267 = arith.constant 0 : i32
        %broadcast_in_dim3A_2268 = vector.broadcast %jit3A_2266 : i32 to vector<16xi32>
        %broadcast_in_dim3A_2269 = vector.broadcast %jit3A_2267 : i32 to vector<16xi32>
        %select_n3A_2270 = arith.select %lt3A_2265, %broadcast_in_dim3A_2268, %broadcast_in_dim3A_2269 : vector<16xi1>, vector<16xi32>
        %add3A_2271 = arith.addi %add3A_2257, %select_n3A_2270 : vector<16xi32>
        %add3A_2272 = arith.addi %add3A_2271, %add3A_119 : vector<16xi32>
        %gather3A_2273 = tpu.vector_load_idx %arg6[%add3A_2272] : memref<32768xf32, #tpu.memory_space<vmem>>[vector<16xi32>], vector<16xf32>,
        %lt3A_2274 = arith.cmpf olt, %gather3A_2273, %get3A_2106 : vector<16xf32>
        %jit3A_2275 = arith.constant 512 : i32
        %jit3A_2276 = arith.constant 0 : i32
        %broadcast_in_dim3A_2277 = vector.broadcast %jit3A_2275 : i32 to vector<16xi32>
        %broadcast_in_dim3A_2278 = vector.broadcast %jit3A_2276 : i32 to vector<16xi32>
        %select_n3A_2279 = arith.select %lt3A_2274, %broadcast_in_dim3A_2277, %broadcast_in_dim3A_2278 : vector<16xi1>, vector<16xi32>
        %add3A_2280 = arith.addi %add3A_2271, %select_n3A_2279 : vector<16xi32>
        %add3A_2281 = arith.addi %add3A_2280, %add3A_122 : vector<16xi32>
        %gather3A_2282 = tpu.vector_load_idx %arg6[%add3A_2281] : memref<32768xf32, #tpu.memory_space<vmem>>[vector<16xi32>], vector<16xf32>,
        %lt3A_2283 = arith.cmpf olt, %gather3A_2282, %get3A_2106 : vector<16xf32>
        %jit3A_2284 = arith.constant 256 : i32
        %jit3A_2285 = arith.constant 0 : i32
        %broadcast_in_dim3A_2286 = vector.broadcast %jit3A_2284 : i32 to vector<16xi32>
        %broadcast_in_dim3A_2287 = vector.broadcast %jit3A_2285 : i32 to vector<16xi32>
        %select_n3A_2288 = arith.select %lt3A_2283, %broadcast_in_dim3A_2286, %broadcast_in_dim3A_2287 : vector<16xi1>, vector<16xi32>
        %add3A_2289 = arith.addi %add3A_2280, %select_n3A_2288 : vector<16xi32>
        %add3A_2290 = arith.addi %add3A_2289, %add3A_125 : vector<16xi32>
        %gather3A_2291 = tpu.vector_load_idx %arg6[%add3A_2290] : memref<32768xf32, #tpu.memory_space<vmem>>[vector<16xi32>], vector<16xf32>,
        %lt3A_2292 = arith.cmpf olt, %gather3A_2291, %get3A_2106 : vector<16xf32>
        %jit3A_2293 = arith.constant 128 : i32
        %jit3A_2294 = arith.constant 0 : i32
        %broadcast_in_dim3A_2295 = vector.broadcast %jit3A_2293 : i32 to vector<16xi32>
        %broadcast_in_dim3A_2296 = vector.broadcast %jit3A_2294 : i32 to vector<16xi32>
        %select_n3A_2297 = arith.select %lt3A_2292, %broadcast_in_dim3A_2295, %broadcast_in_dim3A_2296 : vector<16xi1>, vector<16xi32>
        %add3A_2298 = arith.addi %add3A_2289, %select_n3A_2297 : vector<16xi32>
        %add3A_2299 = arith.addi %add3A_2298, %add3A_128 : vector<16xi32>
        %gather3A_2300 = tpu.vector_load_idx %arg6[%add3A_2299] : memref<32768xf32, #tpu.memory_space<vmem>>[vector<16xi32>], vector<16xf32>,
        %lt3A_2301 = arith.cmpf olt, %gather3A_2300, %get3A_2106 : vector<16xf32>
        %jit3A_2302 = arith.constant 64 : i32
        %jit3A_2303 = arith.constant 0 : i32
        %broadcast_in_dim3A_2304 = vector.broadcast %jit3A_2302 : i32 to vector<16xi32>
        %broadcast_in_dim3A_2305 = vector.broadcast %jit3A_2303 : i32 to vector<16xi32>
        %select_n3A_2306 = arith.select %lt3A_2301, %broadcast_in_dim3A_2304, %broadcast_in_dim3A_2305 : vector<16xi1>, vector<16xi32>
        %add3A_2307 = arith.addi %add3A_2298, %select_n3A_2306 : vector<16xi32>
        %add3A_2308 = arith.addi %add3A_2307, %add3A_131 : vector<16xi32>
        %gather3A_2309 = tpu.vector_load_idx %arg6[%add3A_2308] : memref<32768xf32, #tpu.memory_space<vmem>>[vector<16xi32>], vector<16xf32>,
        %lt3A_2310 = arith.cmpf olt, %gather3A_2309, %get3A_2106 : vector<16xf32>
        %jit3A_2311 = arith.constant 32 : i32
        %jit3A_2312 = arith.constant 0 : i32
        %broadcast_in_dim3A_2313 = vector.broadcast %jit3A_2311 : i32 to vector<16xi32>
        %broadcast_in_dim3A_2314 = vector.broadcast %jit3A_2312 : i32 to vector<16xi32>
        %select_n3A_2315 = arith.select %lt3A_2310, %broadcast_in_dim3A_2313, %broadcast_in_dim3A_2314 : vector<16xi1>, vector<16xi32>
        %add3A_2316 = arith.addi %add3A_2307, %select_n3A_2315 : vector<16xi32>
        %add3A_2317 = arith.addi %add3A_2316, %add3A_134 : vector<16xi32>
        %gather3A_2318 = tpu.vector_load_idx %arg6[%add3A_2317] : memref<32768xf32, #tpu.memory_space<vmem>>[vector<16xi32>], vector<16xf32>,
        %lt3A_2319 = arith.cmpf olt, %gather3A_2318, %get3A_2106 : vector<16xf32>
        %jit3A_2320 = arith.constant 16 : i32
        %jit3A_2321 = arith.constant 0 : i32
        %broadcast_in_dim3A_2322 = vector.broadcast %jit3A_2320 : i32 to vector<16xi32>
        %broadcast_in_dim3A_2323 = vector.broadcast %jit3A_2321 : i32 to vector<16xi32>
        %select_n3A_2324 = arith.select %lt3A_2319, %broadcast_in_dim3A_2322, %broadcast_in_dim3A_2323 : vector<16xi1>, vector<16xi32>
        %add3A_2325 = arith.addi %add3A_2316, %select_n3A_2324 : vector<16xi32>
        %sub3A_2326 = arith.constant 16 : i32
        %sub3A_2327 = vector.broadcast %sub3A_2326 : i32 to vector<16xi32>
        %sub3A_2328 = arith.subi %add3A_2325, %sub3A_2327 : vector<16xi32>
        %max3A_2329 = arith.constant 0 : i32
        %max3A_2330 = vector.broadcast %max3A_2329 : i32 to vector<16xi32>
        %max3A_2331 = arith.maxsi %sub3A_2328, %max3A_2330 : vector<16xi32>
        %shift_right_logical3A_2332 = arith.constant 1 : i32
        %shift_right_logical3A_2333 = vector.broadcast %shift_right_logical3A_2332 : i32 to vector<16xi32>
        %shift_right_logical3A_2334 = arith.shrui %max3A_2331, %shift_right_logical3A_2333 : vector<16xi32>
        %add3A_2335 = arith.addi %shift_right_logical3A_2334, %add3A_137 : vector<16xi32>
        %gather3A_2336 = tpu.vector_load_idx %arg7[%add3A_2335] : memref<65536xf32, #tpu.memory_space<vmem>>[vector<16xi32>], vector<16xf32>,
        %add3A_2337 = arith.constant 16384 : i32
        %add3A_2338 = vector.broadcast %add3A_2337 : i32 to vector<16xi32>
        %add3A_2339 = arith.addi %add3A_2335, %add3A_2338 : vector<16xi32>
        %gather3A_2340 = tpu.vector_load_idx %arg7[%add3A_2339] : memref<65536xf32, #tpu.memory_space<vmem>>[vector<16xi32>], vector<16xf32>,
        %add3A_2341 = arith.constant 32768 : i32
        %add3A_2342 = vector.broadcast %add3A_2341 : i32 to vector<16xi32>
        %add3A_2343 = arith.addi %add3A_2335, %add3A_2342 : vector<16xi32>
        %gather3A_2344 = tpu.vector_load_idx %arg7[%add3A_2343] : memref<65536xf32, #tpu.memory_space<vmem>>[vector<16xi32>], vector<16xf32>,
        %add3A_2345 = arith.constant 49152 : i32
        %add3A_2346 = vector.broadcast %add3A_2345 : i32 to vector<16xi32>
        %add3A_2347 = arith.addi %add3A_2335, %add3A_2346 : vector<16xi32>
        %gather3A_2348 = tpu.vector_load_idx %arg7[%add3A_2347] : memref<65536xf32, #tpu.memory_space<vmem>>[vector<16xi32>], vector<16xf32>,
        %mul3A_2349 = arith.mulf %gather3A_2348, %get3A_2106 : vector<16xf32>
        %add3A_2350 = arith.addf %mul3A_2349, %gather3A_2344 : vector<16xf32>
        %mul3A_2351 = arith.mulf %add3A_2350, %get3A_2106 : vector<16xf32>
        %add3A_2352 = arith.addf %mul3A_2351, %gather3A_2340 : vector<16xf32>
        %mul3A_2353 = arith.mulf %add3A_2352, %get3A_2106 : vector<16xf32>
        %add3A_2354 = arith.addf %mul3A_2353, %gather3A_2336 : vector<16xf32>
        %mul3A_2355 = arith.mulf %add3A_2230, %add3A_2354 : vector<16xf32>
        %add3A_2356 = arith.constant 112 : i32
        %add3A_2357 = arith.addi %mul3A_243, %add3A_2356 : i32
        %swap3A_2358 = arith.index_cast %add3A_2357 : i32 to index
        %swap3A_2359 = tpu.vector_load %arg11[%swap3A_2358] {strides = array<i32>} : memref<2048xf32, #tpu.memory_space<vmem>>, vector<16xf32>,
        tpu.vector_store %arg11[%swap3A_2358], %mul3A_2355 {strides = array<i32>} : memref<2048xf32, #tpu.memory_space<vmem>>, vector<16xf32>,
        %scan3A_2360 = arith.constant 0 : i32
        scf.yield %scan3A_2360 : i32
      }
      %scan3A_226 = arith.constant 16 : i32
      %mul3A_227 = arith.constant 16 : i32
      %mul3A_228 = arith.muli %add3A_201, %mul3A_227 : i32
      %sub3A_229 = arith.constant 16 : i32
      %sub3A_230 = arith.subi %add3A_4, %sub3A_229 : i32
      %min3A_231 = arith.minsi %mul3A_228, %sub3A_230 : i32
      %add3A_232 = arith.addi %add3A_8, %min3A_231 : i32
      %mul3A_233 = arith.constant 128 : i32
      %mul3A_234 = arith.muli %add3A_232, %mul3A_233 : i32
      %dma_start3A_235 = tpu.memref_slice %arg5[%mul3A_234] : memref<4000000xf32, #tpu.memory_space<hbm>> -> memref<2048xf32, #tpu.memory_space<hbm>>
      %dma_start3A_236 = tpu.memref_slice %arg5[%mul3A_234] : memref<4000000xf32, #tpu.memory_space<hbm>> -> memref<2048xf32, #tpu.memory_space<hbm>>
      tpu.enqueue_dma source(%arg11 : memref<2048xf32, #tpu.memory_space<vmem>>) target(%dma_start3A_236 : memref<2048xf32, #tpu.memory_space<hbm>>) target_semaphore(%arg15 : memref<!tpu.dma_semaphore, #tpu.memory_space<semaphore_mem>>)
      %scan3A_237 = arith.constant 0 : i32
      scf.yield %scan3A_237 : i32
    }
    %scan3A_152 = arith.constant 31 : i32
    %dma_wait3A = arith.constant 0 : i32
    %dma_wait3A_153 = tpu.memref_slice %arg5[%dma_wait3A] : memref<4000000xf32, #tpu.memory_space<hbm>> -> memref<2048xf32, #tpu.memory_space<hbm>>
    %dma_wait3A_154 = arith.constant 0 : i32
    %dma_wait3A_155 = tpu.memref_slice %arg5[%dma_wait3A_154] : memref<4000000xf32, #tpu.memory_space<hbm>> -> memref<2048xf32, #tpu.memory_space<hbm>>
    tpu.wait_dma2 semaphore(%arg14 : memref<!tpu.dma_semaphore, #tpu.memory_space<semaphore_mem>>) src(%arg10 : memref<2048xf32, #tpu.memory_space<vmem>>) dst(%dma_wait3A_155 : memref<2048xf32, #tpu.memory_space<hbm>>)
    %dma_wait3A_156 = arith.constant 0 : i32
    %dma_wait3A_157 = tpu.memref_slice %arg5[%dma_wait3A_156] : memref<4000000xf32, #tpu.memory_space<hbm>> -> memref<2048xf32, #tpu.memory_space<hbm>>
    %dma_wait3A_158 = arith.constant 0 : i32
    %dma_wait3A_159 = tpu.memref_slice %arg5[%dma_wait3A_158] : memref<4000000xf32, #tpu.memory_space<hbm>> -> memref<2048xf32, #tpu.memory_space<hbm>>
    tpu.wait_dma2 semaphore(%arg15 : memref<!tpu.dma_semaphore, #tpu.memory_space<semaphore_mem>>) src(%arg11 : memref<2048xf32, #tpu.memory_space<vmem>>) dst(%dma_wait3A_159 : memref<2048xf32, #tpu.memory_space<hbm>>)
    return
  }
}

</mosaic_0001>

<sc_bundles>
// kernel: kernel.3.cloned.1.call-start
scs
__scs_entry_jumppad:
0x0: {  	(pc) =	sbr.rel $0x88, $3  }
0x1: {  	(tag) =	ssettag $0x0;
	lr =	simm.s32 $0x1  }
0x2: {  	[smem:$0x3F9B] =	sst lr;
	_ =	strace $0xD0000000  }
0x3: {  	_ = 	snop  }
0x4: {  	_ = 	snop  }
0x5: {  	_ = 	snop  }
0x6: {  	_ = 	snop  }
0x7: {  	_ = 	snop  }
__scs_overlays_trampoline_lowered:
0x8: {  	[smem:$0x3FAA] =	sst s0  }
0x9: {  	[smem:$0x3FAB] =	sst s1  }
0xa: {  	[smem:$0x3FAC] =	sst s2  }
0xb: {  	[smem:$0x3FAD] =	sst s3  }
0xc: {  	[smem:$0x3FAE] =	sst s4  }
0xd: {  	[smem:$0x3FAF] =	sst s5  }
0xe: {  	[smem:$0x3FB0] =	sst s6  }
0xf: {  	[smem:$0x3FB1] =	sst s7  }
0x10: {  	[smem:$0x3FB2] =	sst s8  }
0x11: {  	[smem:$0x3FB3] =	sst s9;
	s0 =	simm.s32 @!p0 $0x0  }
0x12: {  	s1 =	sld [smem:$0x3F99];
	s0 =	simm.s32 @p0 $0x1  }
0x13: {  	[smem:$0x3FB4] =	sst s0;
	s0 =	simm.s32 @!p1 $0x0  }
0x14: {  	s2 =	sld [smem:$0x3F98];
	s0 =	simm.s32 @p1 $0x1  }
0x15: {  	[smem:$0x3FB5] =	sst s0;
	s0 =	simm.s32 @!p2 $0x0  }
0x16: {  	s3 =	sld [smem:$0x3FDB];
	s0 =	simm.s32 @p2 $0x1  }
0x17: {  	s4 =	simm.s32 $0x1BF5;
	[smem:$0x3FB7] =	sst s0  }
0x18: {  	s0 =	sld [smem:$0x3F9A];
	_ =	swait.ge [sflag:s4], $0x0  }
0x19: {  	s7 =	sld [smem:$0x3F9B]  }
0x1a: {  	s8 =	sadd.s32 $0xFFFFE003, lr  }
0x1b: {  	s9 =	sadd.s32 $0xFFFFFEF7, lr;
	s5 =	simm.s32 $0xFFFFFFFF;
	p2 =	slt.u32 s8, $0xFFFFF086  }
0x1c: {  	p1 =	slt.u32 s9, $0xF7A;
	s5 =	simm.s32 @!p2 $0x0  }
0x1d: {  	s5 =	simm.s32 @p1 $0x1;
	p0 =	seq.s32 s7, s2  }
0x1e: {  	s7 =	smul.u32 @!p0 $0xF7A, s2;
	p2 =	seq.s32 @!p0 s5, $0x0  }
0x1f: {  	s9 =	smul.u32 $0xF7A, s1;
	s8 =	simm.s32 @!p0 $0x1BF5;
	p2 =	por !p2, p0  }
0x20: {  	[sflag:s8] =	ssyncset.s32 @!p0 $0xFFFFF086;
	s6 =	sadd.s32 @!p0 s3, s7;
	s7 =	simm.s32 @!p0 $0x108  }
0x21: {  	s3 =	sadd.s32 s3, s9;
	s6 =	sadd.s32 @!p0 $0x88, s6;
	s7 =	simm.s32 @p2 $0x1082  }
0x22: {  	[simem:s7], [sflag:s8] =	dma.local @!p0 [hbm:s6], $0xF7A  }
0x23: {  	s9 =	sor.u32 $0xD0000000, s2;
	s6 =	simm.s32 $0x108;
	_ =	swait.ge @!p0 [sflag:s8], $0x0  }
0x24: {  	s3 =	sadd.s32 $0x88, s3;
	s6 =	simm.s32 @!p1 $0x1082;
	[sflag:s4] =	ssyncset.s32 $0xFFFFF086  }
0x25: {  	[simem:s6], [sflag:s4] =	dma.local [hbm:s3], $0xF7A  }
0x26: {  	[smem:$0x3F9B] =	sst s1;
	(tag) =	ssettag s2;
	_ =	strace s9  }
0x27: {  	s1 =	sld [smem:$0x3FAB]  }
0x28: {  	s2 =	sld [smem:$0x3FAC]  }
0x29: {  	s4 =	sld [smem:$0x3FAE]  }
0x2a: {  	p0 =	seq.s32 s5, $0x0;
	s5 =	sld [smem:$0x3FAF]  }
0x2b: {  	s6 =	sld [smem:$0x3FB0]  }
0x2c: {  	s7 =	sld [smem:$0x3FB1]  }
0x2d: {  	s3 =	simm.s32 $0x108;
	s8 =	sld [smem:$0x3FB2]  }
0x2e: {  	s3 =	simm.s32 @!p0 $0x1082;
	s9 =	sld [smem:$0x3FB3]  }
0x2f: {  	lr =	sadd.s32 s0, s3;
	s0 =	sld [smem:$0x3FAA]  }
0x30: {  	s3 =	sld [smem:$0x3FAD]  }
0x31: {  	[smem:$0x3FB6] =	sst s10  }
0x32: {  	s10 =	sld [smem:$0x3FB4];
	_ =	sdelay $0x3  }
0x33: {  	p0 =	seq.s32 s10, $0x1;
	s10 =	sld [smem:$0x3FB6];
	_ =	sdelay $0x3  }
0x34: {  	[smem:$0x3FB6] =	sst s10  }
0x35: {  	s10 =	sld [smem:$0x3FB5];
	_ =	sdelay $0x3  }
0x36: {  	p1 =	seq.s32 s10, $0x1;
	s10 =	sld [smem:$0x3FB6];
	_ =	sdelay $0x3  }
0x37: {  	[smem:$0x3FB6] =	sst s10  }
0x38: {  	s10 =	sld [smem:$0x3FB7]  }
0x39: {  	_ = 	snop;
	(pc) =	sbr.ind lr, $3  }
0x3a: {  	_ = 	snop  }
0x3b: {  	_ = 	snop  }
0x3c: {  	p2 =	seq.s32 s10, $0x1;
	s10 =	sld [smem:$0x3FB6]  }
0x3d: {  	_ =	shalt  }
0x3e: {  	_ =	shalt  }
0x3f: {  	_ =	shalt  }
0x40: {  	_ =	shalt  }
0x41: {  	_ =	shalt  }
0x42: {  	_ =	shalt  }
0x43: {  	_ =	shalt  }
0x44: {  	_ =	shalt  }
0x45: {  	_ =	shalt  }
0x46: {  	_ =	shalt  }
0x47: {  	_ =	shalt  }
0x48: {  	_ =	shalt  }
0x49: {  	_ =	shalt  }
0x4a: {  	_ =	shalt  }
0x4b: {  	_ =	shalt  }
0x4c: {  	_ =	shalt  }
0x4d: {  	_ =	shalt  }
0x4e: {  	_ =	shalt  }
0x4f: {  	_ =	shalt  }
0x50: {  	_ =	shalt  }
0x51: {  	_ =	shalt  }
0x52: {  	_ =	shalt  }
0x53: {  	_ =	shalt  }
0x54: {  	_ =	shalt  }
0x55: {  	_ =	shalt  }
0x56: {  	_ =	shalt  }
0x57: {  	_ =	shalt  }
0x58: {  	_ =	shalt  }
0x59: {  	_ =	shalt  }
0x5a: {  	_ =	shalt  }
0x5b: {  	_ =	shalt  }
0x5c: {  	_ =	shalt  }
0x5d: {  	_ =	shalt  }
0x5e: {  	_ =	shalt  }
0x5f: {  	_ =	shalt  }
0x60: {  	_ =	shalt  }
0x61: {  	_ =	shalt  }
0x62: {  	_ =	shalt  }
0x63: {  	_ =	shalt  }
0x64: {  	_ =	shalt  }
0x65: {  	_ =	shalt  }
0x66: {  	_ =	shalt  }
0x67: {  	_ =	shalt  }
0x68: {  	_ =	shalt  }
0x69: {  	_ =	shalt  }
0x6a: {  	_ =	shalt  }
0x6b: {  	_ =	shalt  }
0x6c: {  	_ =	shalt  }
0x6d: {  	_ =	shalt  }
0x6e: {  	_ =	shalt  }
0x6f: {  	_ =	shalt  }
0x70: {  	_ =	shalt  }
0x71: {  	_ =	shalt  }
0x72: {  	_ =	shalt  }
0x73: {  	_ =	shalt  }
0x74: {  	_ =	shalt  }
0x75: {  	_ =	shalt  }
0x76: {  	_ =	shalt  }
0x77: {  	_ =	shalt  }
0x78: {  	_ =	shalt  }
0x79: {  	_ =	shalt  }
0x7a: {  	_ =	shalt  }
0x7b: {  	_ =	shalt  }
0x7c: {  	_ =	shalt  }
0x7d: {  	_ =	shalt  }
0x7e: {  	_ =	shalt  }
0x7f: {  	_ =	shalt  }
0x80: {  	_ =	shalt  }
0x81: {  	_ =	shalt  }
0x82: {  	_ =	shalt  }
0x83: {  	_ =	shalt  }
0x84: {  	_ =	shalt  }
0x85: {  	_ =	shalt  }
0x86: {  	_ =	shalt  }
0x87: {  	_ =	shalt  }
.Lfunc_end0:
.L_simem_size_0:
called_computation_lowered:
.L_overlay_start_0:
0x88: {  	s2 =	sld [smem:$0x3FD9]  }
0x89: {  	s3 =	sld [smem:$0x3FFE];
	_ =	sdelay $0x1  }
0x8a: {  	s1 =	srdreg.scid  }
0x8b: {  	s0 =	sand.u32 $0x1, s1  }
0x8c: {  	s17 =	sshll.u32 s0, $0xA;
	s2 =	sadd.s32 s3, s2  }
0x8d: {  	s2 =	sadd.s32 s2, s17  }
0x8e: {  	[smem:$0x3FC2] =	sst s2  }
0x8f: {  	_ = 	snop  }
0x90: {  	s2 =	sld [smem:$0x3FC9]  }
0x91: {  	s18 =	sld [smem:$0x3FD0];
	(tm) =	ssettm $0x1  }
0x92: {  	s4 =	sld [smem:$0x3FFB];
	_ =	sdelay $0x3  }
0x93: {  	_ =	strace s4  }
0x94: {  	s4 =	sld [smem:$0x3FFC];
	_ =	sdelay $0x3  }
0x95: {  	_ =	strace s4  }
0x96: {  	s4 =	sld [smem:$0x3FFD];
	_ =	sdelay $0x3  }
0x97: {  	_ =	strace s4  }
0x98: {  	_ =	strace $0x8FFFFFFF  }
0x99: {  	s19 =	sld [smem:$0x3FDB];
	_ =	sdelay $0x1  }
0x9a: {  	s5 =	simm.s32 $_scs_section_size  }
0x9b: {  	s6 =	simm.s32 $_size__tile_overlayer_lowered;
	s7 =	simm.s32 $_tile_overlayer_lowered  }
0x9c: {  	s22 =	simm.s32 $0x1BFF;
	s21 =	sshll.u32 s7, $0x1;
	s4 =	sadd.s32 s5, s19  }
0x9d: {  	s8 =	simm.s32 $0x0;
	s20 =	sshll.u32 s6, $0x1;
	s6 =	sadd.s32 s21, s4  }
0x9e: {  	[timem:s8], [sflag:s22] =	dma.local [hbm:s6], s20  }
0x9f: {  	_ =	swait.ge [sflag:s22], s20  }
0xa0: {  	s5 =	ssub.s32 $0x0, s20;
	[sflag:s22] =	ssyncset.done $0x0  }
0xa1: {  	[sflag:s22] =	ssyncadd.s32 s5;
	_ =	sdelay $0x1  }
0xa2: {  	s23 =	simm.s32 $0x1B8B  }
0xa3: {  	_ =	swait.ge [sflag:s23], $0x1  }
0xa4: {  	[sflag:s23] =	ssyncset.done $0x0  }
0xa5: {  	s25 =	simm.s32 $0x1B8E;
	s24 =	sld [smem:$0x3FFE];
	[sflag:s23] =	ssyncadd.s32 $0xFFFFFFFF  }
0xa6: {  	s26 =	simm.s32 $execute0_lowered;
	[smem:$0x3FD2] =	sst s25  }
0xa7: {  	s6 =	sshll.u32 s26, $0x1;
	_ =	strace $0x80000046;
	[dreg:$0x1] =	wrdreg $0xFFFFFFFF  }
0xa8: {  	s28 =	simm.s32 $_size_execute0_lowered;
	s4 =	sadd.s32 s4, s6;
	[dreg:$0x0] =	wrdreg $0x0  }
0xa9: {  	s6 =	sshll.u32 s28, $0x1;
	[dreg:$0x2] =	wrdreg s4  }
0xaa: {  	[dreg:$0x3] =	wrdreg s6  }
0xab: {  	[dreg:$0x4] =	wrdreg $0xC0  }
0xac: {  	_ =	task [dreg:s8], $0x5FFFF  }
0xad: {  	[dreg:$0x1] =	wrdreg $0xFFFFFFFF  }
0xae: {  	[dreg:$0x0] =	wrdreg $0x60  }
0xaf: {  	[dreg:$0x2] =	wrdreg s2  }
0xb0: {  	[dreg:$0x3] =	wrdreg s24  }
0xb1: {  	[dreg:$0x4] =	wrdreg s18  }
0xb2: {  	[dreg:$0x5] =	wrdreg $0x9  }
0xb3: {  	_ =	task.clear_ibuf [dreg:s8], $0x6FFFF;
	_ =	strace $0x90000046  }
0xb4: {  	s29 =	simm.s32 $0x9;
	_ =	strace $0x80000048  }
0xb5: {  	_ =	swait.ge [sflag:s29], $0x1  }
0xb6: {  	[sflag:s29] =	ssyncadd.s32 $0xFFFFFFFF  }
0xb7: {  	_ =	strace $0x90000048  }
0xb8: {  	_ =	sfence  }
0xb9: {  	s30 =	sld [smem:$0x0];
	_ =	sdelay $0x2  }
0xba: {  	s31 =	sshll.u32 s1, $0xD;
	s1 =	sshrl.u32 s1, $0x2  }
0xbb: {  	s3 =	sand.u32 $0x4000, s31;
	s1 =	sadd.s32 s1, s30  }
0xbc: {  	s0 =	sor.u32 s3, s0;
	s1 =	sshll.u32 s1, $0x11  }
0xbd: {  	s0 =	sor.u32 s1, s0  }
0xbe: {  	s0 =	sadd.s32 $0x8F2B, s0  }
0xbf: {  	[sflag:s0] =	ssyncadd.remote.s32 $0x1  }
0xc0: {  	_ =	sfence.sel $0xFFFF  }
0xc1: {  	[dreg:$0x0] =	wrdreg $0xFFFFFFFF;
	(pc) =	sbr.abs _section_cstart, $3  }
0xc2: {  	[dreg:$0x1] =	wrdreg $0xFFFFFFFF  }
0xc3: {  	_ =	task.clear_ibuf [dreg:s8], $0x2FFFF;
	_ =	strace $0x9FFFFFFF  }
0xc4: {  	(tm) =	ssettm $0x7FFFFFFF  }
0xc5: {  	_ =	shalt  }
tec
execute0_lowered:
.L_overlay_start_1:
0x0: {  	(tag) =	ssettag $0x1  }
0x1: {  	s0 =	rddreg [dreg:$0x0]  }
0x2: {  	s1 =	rddreg [dreg:$0x1];
	s3 =	srdreg.scid  }
0x3: {  	s2 =	stileid.u32;
	s4 =	rddreg [dreg:$0x2];
	s5 =	simm.s32 $0x0  }
0x4: {  	s12 =	simm.s32 $0x8000;
	s13 =	simm.s32 $0x18000;
	s14 =	simm.s32 $0x19000  }
0x5: {  	s15 =	simm.s32 $0x1;
	s16 =	simm.s32 $0x1A000;
	s17 =	simm.s32 $0x2  }
0x6: {  	v28 =	vimm.s32 $0x5BF0;
	v29 =	vimm.s32 $0x7BF0;
	v30 =	vlaneseq.u32;
	s18 =	simm.s32 $0x4;
	s19 =	simm.s32 $0x1A800;
	s20 =	simm.s32 $0x3  }
0x7: {  	v31 =	vimm.s32 $0x0;
	v38 =	vimm.s32 $0x10;
	s6 =	sand.u32 $0x1, s3;
	s7 =	sshll.u32 s2, $0x1;
	s3 =	rddreg [dreg:$0x3];
	v32 =	vor.u32 $0x1F0, v30  }
0x8: {  	s21 =	simm.s32 $0x0;
	[smem:$0x7FF] =	sst s5;
	v33 =	vor.u32 $0xF0, v30;
	v34 =	vor.u32 $0x70, v30;
	v35 =	vor.u32 $0x30, v30;
	s7 =	sor.u32 s6, s7  }
0x9: {  	p0 =	slt.u32 s2, $0x9;
	v36 =	vand.u32 $0x7, v30;
	v37 =	vor.u32 $0x10, v30;
	v42 =	vor.u32 $0x41F0, v30;
	s9 =	ssub.s32 $0x2, s6;
	s8 =	smul.u32 $0x3D0, s7  }
0xa: {  	v43 =	vor.u32 $0x40F0, v30;
	v44 =	vor.u32 $0x4070, v30;
	v45 =	vor.u32 $0x4030, v30;
	_ =	strace $0x80000047;
	s7 =	smin.u32 s7, $0x12;
	s10 =	sshrl.u32 s9, $0x1  }
0xb: {  	v46 =	vor.u32 $0x4010, v30;
	v47 =	vor.u32 $0x4000, v30;
	v48 =	vor.u32 $0x1FF8, v30;
	s6 =	sadd.s32 $0x1000, s1;
	s10 =	ssub.s32 s9, s10;
	s7 =	sadd.s32 s7, s8  }
0xc: {  	v49 =	vor.u32 $0x5FF8, v30;
	v50 =	vor.u32 $0x9FF8, v30;
	v51 =	vor.u32 $0xDFF8, v30;
	s8 =	simm.s32 $0x3C1;
	s10 =	smax.u32 s10, $0x1;
	s11 =	sshll.u32 s7, $0x5  }
0xd: {  	v39 =	vor.u32 $0x4000, v36;
	v40 =	vor.u32 $0x8000, v36;
	v41 =	vor.u32 $0xC000, v36;
	s8 =	simm.s32 @!p0 $0x3C0;
	s9 =	sadd.s32 s0, s11;
	s11 =	simm.s32 $0x5  }
.LBB2_1:
0xe: {  	[tilespmem:s5], [sflag:$0x5] =	stream.linear.gather [hbm4b:s1+s5], $0x8000, $0x38;
	[tilespmem:$0x1B000] =	vst v63  }
0xf: {  	_ =	swait.ge [sflag:s11], $0x8000  }
0x10: {  	[sflag:s11] =	ssyncset.done $0x0  }
0x11: {  	v0 =	vimm.s32 $0x1FF0;
	[sflag:s11] =	ssyncadd.s32 $0xFFFF8000  }
0x12: {  	[tilespmem:s12], [sflag:$0x5] =	stream.linear.gather [hbm4b:s6+s5], $0x10000, $0x38;
	[tilespmem:$0x1B000] =	vst v63  }
0x13: {  	_ =	swait.ge [sflag:s11], $0x10000  }
0x14: {  	[sflag:s11] =	ssyncset.done $0x0  }
0x15: {  	[sflag:s11] =	ssyncadd.s32 $0xFFFF0000  }
0x16: {  	v52 =	vld.idx.msk [tilespmem:v0+s5+$0x0], $0xffff;
	v0 =	vimm.s32 $0xFF0;
	_ =	sdelay $0x4  }
0x17: {  	v53 =	vld.idx.msk [tilespmem:v0+s5+$0x0], $0xffff;
	v0 =	vimm.s32 $0x2FF0;
	_ =	sdelay $0x4  }
0x18: {  	v54 =	vld.idx.msk [tilespmem:v0+s5+$0x0], $0xffff;
	v0 =	vimm.s32 $0x7F0;
	_ =	sdelay $0x4  }
0x19: {  	v55 =	vld.idx.msk [tilespmem:v0+s5+$0x0], $0xffff;
	v0 =	vimm.s32 $0x27F0;
	_ =	sdelay $0x4  }
0x1a: {  	v56 =	vld.idx.msk [tilespmem:v0+s5+$0x0], $0xffff;
	v0 =	vimm.s32 $0x17F0;
	_ =	sdelay $0x4  }
0x1b: {  	v57 =	vld.idx.msk [tilespmem:v0+s5+$0x0], $0xffff;
	v0 =	vimm.s32 $0x37F0;
	_ =	sdelay $0x4  }
0x1c: {  	v58 =	vld.idx.msk [tilespmem:v0+s5+$0x0], $0xffff;
	v0 =	vimm.s32 $0x3F0;
	_ =	sdelay $0x3  }
0x1d: {  	v1 =	vimm.s32 $0x1BF0  }
0x1e: {  	v59 =	vld.idx.msk [tilespmem:v0+s5+$0x0], $0xffff;
	v0 =	vimm.s32 $0x23F0  }
0x1f: {  	v2 =	vimm.s32 $0x3BF0  }
0x20: {  	v3 =	vimm.s32 $0x5FF0  }
0x21: {  	v4 =	vimm.s32 $0x4FF0  }
0x22: {  	v5 =	vimm.s32 $0x6FF0;
	v1 =	vld.idx.msk [tilespmem:v1+s5+$0x0], $0xffff  }
0x23: {  	v60 =	vld.idx.msk [tilespmem:v0+s5+$0x0], $0xffff;
	v0 =	vimm.s32 $0x13F0  }
0x24: {  	v6 =	vimm.s32 $0x47F0;
	v2 =	vld.idx.msk [tilespmem:v2+s5+$0x0], $0xffff  }
0x25: {  	v7 =	vimm.s32 $0x67F0;
	v3 =	vld.idx.msk [tilespmem:v3+s5+$0x0], $0xffff  }
0x26: {  	v8 =	vimm.s32 $0x57F0;
	v4 =	vld.idx.msk [tilespmem:v4+s5+$0x0], $0xffff  }
0x27: {  	v9 =	vimm.s32 $0x77F0;
	v5 =	vld.idx.msk [tilespmem:v5+s5+$0x0], $0xffff  }
0x28: {  	v61 =	vld.idx.msk [tilespmem:v0+s5+$0x0], $0xffff;
	v0 =	vimm.s32 $0x33F0  }
0x29: {  	v10 =	vimm.s32 $0x43F0;
	v6 =	vld.idx.msk [tilespmem:v6+s5+$0x0], $0xffff  }
0x2a: {  	v11 =	vimm.s32 $0x63F0;
	v7 =	vld.idx.msk [tilespmem:v7+s5+$0x0], $0xffff  }
0x2b: {  	v12 =	vimm.s32 $0x53F0;
	v8 =	vld.idx.msk [tilespmem:v8+s5+$0x0], $0xffff  }
0x2c: {  	v13 =	vimm.s32 $0x73F0;
	v9 =	vld.idx.msk [tilespmem:v9+s5+$0x0], $0xffff  }
0x2d: {  	v62 =	vld.idx.msk [tilespmem:v0+s5+$0x0], $0xffff;
	v0 =	vimm.s32 $0xBF0  }
0x2e: {  	v14 =	vimm.s32 $0x4BF0;
	v10 =	vld.idx.msk [tilespmem:v10+s5+$0x0], $0xffff  }
0x2f: {  	v15 =	vimm.s32 $0x6BF0;
	v11 =	vld.idx.msk [tilespmem:v11+s5+$0x0], $0xffff  }
0x30: {  	v12 =	vld.idx.msk [tilespmem:v12+s5+$0x0], $0xffff  }
0x31: {  	v13 =	vld.idx.msk [tilespmem:v13+s5+$0x0], $0xffff  }
0x32: {  	v63 =	vld.idx.msk [tilespmem:v0+s5+$0x0], $0xffff;
	v0 =	vimm.s32 $0x2BF0  }
0x33: {  	v14 =	vld.idx.msk [tilespmem:v14+s5+$0x0], $0xffff  }
0x34: {  	v15 =	vld.idx.msk [tilespmem:v15+s5+$0x0], $0xffff  }
0x35: {  	v16 =	vld.idx.msk [tilespmem:v28+s5+$0x0], $0xffff  }
0x36: {  	s22 =	simm.s32 $0x0;
	v17 =	vld.idx.msk [tilespmem:v29+s5+$0x0], $0xffff  }
0x37: {  	v0 =	vld.idx.msk [tilespmem:v0+s5+$0x0], $0xffff;
	[tilespmem:s13], [sflag:$0x1] =	stream.linear.gather [hbm4b:s9+s5], $0x1000, $0x38  }
.LBB2_2:
0x38: {  	s24 =	sshll.u32 s22, $0x5  }
0x39: {  	s23 =	sor.u32 $0x10, s24  }
0x3a: {  	s23 =	smin.u32 s23, s8  }
0x3b: {  	s23 =	sadd.s32 s7, s23  }
0x3c: {  	s25 =	sshll.u32 s23, $0x5  }
0x3d: {  	s25 =	sadd.s32 s0, s25  }
0x3e: {  	[tilespmem:s14], [sflag:$0x2] =	stream.linear.gather [hbm4b:s25+s5], $0x1000, $0x38;
	[tilespmem:$0x1B000] =	vst v63  }
0x3f: {  	_ =	swait.ge [sflag:s15], $0x1000  }
0x40: {  	p0 =	seq.s32 s22, $0x0;
	[sflag:s15] =	ssyncset.done $0x0  }
0x41: {  	s25 =	simm.s32 @!p0 $0x3;
	[sflag:s15] =	ssyncadd.s32 $0xFFFFF000  }
0x42: {  	_ =	swait.ge @!p0 [sflag:s25], $0x800  }
0x43: {  	[sflag:s25] =	ssyncset.done @!p0 $0x0  }
0x44: {  	s26 =	simm.s32 $0x18080;
	[sflag:s25] =	ssyncadd.s32 @!p0 $0xFFFFF800;
	s25 =	simm.s32 $0x0  }
.LBB2_3:
0x45: {  	v18 =	vld [tilespmem:s26+$0xFFFFFF80];
	_ =	sdelay $0x3  }
0x46: {  	v19 =	vld [tilespmem:s26+$0x0]  }
0x47: {  	vm0 =	vlt.f32 v52, v18  }
0x48: {  	v20 =	vsel vm0, v54, v53  }
0x49: {  	vm1 =	vlt.f32 v20, v18  }
0x4a: {  	v20 =	vsel vm1, v57, v55;
	v21 =	vsel vm1, v58, v56  }
0x4b: {  	vm3 =	vlt.f32 v3, v19;
	v20 =	vsel vm0, v21, v20  }
0x4c: {  	v22 =	vsel vm0, $0x2000, v31;
	v25 =	vsel vm1, $0x1000, v31;
	vm2 =	vlt.f32 v20, v18  }
0x4d: {  	v20 =	vor.u32 v22, v25;
	v22 =	vsel vm3, v5, v4;
	v21 =	vsel vm2, v63, v59  }
0x4e: {  	v23 =	vsel vm2, v0, v60;
	v24 =	vsel vm2, v1, v61;
	vm4 =	vlt.f32 v22, v19  }
0x4f: {  	v22 =	vsel vm2, v2, v62;
	v25 =	vsel vm4, v8, v6;
	v26 =	vsel vm4, v9, v7  }
0x50: {  	v21 =	vsel vm1, v24, v21;
	v22 =	vsel vm1, v22, v23;
	v23 =	vsel vm3, v26, v25  }
0x51: {  	v24 =	vsel vm2, $0x800, v31;
	v21 =	vsel vm0, v22, v21;
	vm8 =	vlt.f32 v23, v19  }
0x52: {  	v20 =	vor.u32 v24, v20;
	vm9 =	vlt.f32 v21, v18;
	v21 =	vsel vm8, v14, v10  }
0x53: {  	v22 =	vsel vm8, v15, v11;
	v23 =	vsel vm8, v16, v12;
	v24 =	vsel vm8, v17, v13  }
0x54: {  	v25 =	vsel vm9, $0x400, v31;
	v21 =	vsel vm4, v23, v21;
	v22 =	vsel vm4, v24, v22  }
0x55: {  	v23 =	vsel vm3, $0x2000, v31;
	v24 =	vsel vm4, $0x1000, v31;
	v21 =	vsel vm3, v22, v21  }
0x56: {  	v26 =	vor.u32 v23, v24;
	v24 =	vsel vm8, $0x800, v31;
	vm10 =	vlt.f32 v21, v19  }
0x57: {  	v20 =	vor.u32 v25, v20;
	v25 =	vor.u32 v24, v26;
	v26 =	vsel vm10, $0x400, v31  }
0x58: {  	v24 =	vor.u32 v32, v20;
	v21 =	vor.u32 v26, v25  }
0x59: {  	v22 =	vor.u32 v42, v21;
	_ =	sdelay $0x3  }
0x5a: {  	v23 =	vld.idx.msk [tilespmem:v24+s5+$0x0], $0xffff  }
0x5b: {  	v22 =	vld.idx.msk [tilespmem:v22+s5+$0x0], $0xffff;
	_ =	sdelay $0x3  }
0x5c: {  	vm11 =	vlt.f32 v23, v18  }
0x5d: {  	v23 =	vsel vm11, $0x200, v31;
	vm12 =	vlt.f32 v22, v19  }
0x5e: {  	v20 =	vor.u32 v23, v20;
	v22 =	vsel vm12, $0x200, v31  }
0x5f: {  	v23 =	vor.u32 v33, v20;
	v21 =	vor.u32 v21, v22  }
0x60: {  	v22 =	vor.u32 v43, v21;
	_ =	sdelay $0x3  }
0x61: {  	v23 =	vld.idx.msk [tilespmem:v23+s5+$0x0], $0xffff  }
0x62: {  	v22 =	vld.idx.msk [tilespmem:v22+s5+$0x0], $0xffff;
	_ =	sdelay $0x3  }
0x63: {  	vm13 =	vlt.f32 v23, v18  }
0x64: {  	v23 =	vsel vm13, $0x100, v31;
	vm14 =	vlt.f32 v22, v19  }
0x65: {  	v20 =	vor.u32 v23, v20;
	v22 =	vsel vm14, $0x100, v31  }
0x66: {  	v23 =	vor.u32 v34, v20;
	v21 =	vor.u32 v22, v21  }
0x67: {  	v22 =	vor.u32 v44, v21;
	_ =	sdelay $0x3  }
0x68: {  	v23 =	vld.idx.msk [tilespmem:v23+s5+$0x0], $0xffff  }
0x69: {  	v22 =	vld.idx.msk [tilespmem:v22+s5+$0x0], $0xffff;
	_ =	sdelay $0x3  }
0x6a: {  	vm15 =	vlt.f32 v23, v18  }
0x6b: {  	v23 =	vsel vm15, $0x80, v31;
	vm4 =	vlt.f32 v22, v19  }
0x6c: {  	v20 =	vor.u32 v23, v20;
	v22 =	vsel vm4, $0x80, v31  }
0x6d: {  	v23 =	vadd.s32 v35, v20;
	v21 =	vor.u32 v22, v21  }
0x6e: {  	v22 =	vadd.s32 v45, v21;
	_ =	sdelay $0x3  }
0x6f: {  	v23 =	vld.idx.msk [tilespmem:v23+s5+$0x0], $0xffff  }
0x70: {  	v22 =	vld.idx.msk [tilespmem:v22+s5+$0x0], $0xffff;
	_ =	sdelay $0x3  }
0x71: {  	vm5 =	vlt.f32 v23, v18  }
0x72: {  	v23 =	vsel vm5, $0x40, v31;
	vm6 =	vlt.f32 v22, v19  }
0x73: {  	v20 =	vadd.s32 v23, v20;
	v22 =	vsel vm6, $0x40, v31  }
0x74: {  	v23 =	vadd.s32 v37, v20;
	v21 =	vadd.s32 v22, v21  }
0x75: {  	v22 =	vadd.s32 v46, v21;
	_ =	sdelay $0x3  }
0x76: {  	v23 =	vld.idx.msk [tilespmem:v23+s5+$0x0], $0xffff  }
0x77: {  	v22 =	vld.idx.msk [tilespmem:v22+s5+$0x0], $0xffff;
	_ =	sdelay $0x3  }
0x78: {  	vm7 =	vlt.f32 v23, v18  }
0x79: {  	v23 =	vsel vm7, $0x20, v31;
	vm8 =	vlt.f32 v22, v19  }
0x7a: {  	v20 =	vadd.s32 v23, v20;
	v22 =	vsel vm8, $0x20, v31  }
0x7b: {  	v23 =	vadd.s32 v30, v20;
	v21 =	vadd.s32 v22, v21  }
0x7c: {  	v22 =	vadd.s32 v47, v21;
	_ =	sdelay $0x3  }
0x7d: {  	v23 =	vld.idx.msk [tilespmem:v23+s5+$0x0], $0xffff  }
0x7e: {  	v22 =	vld.idx.msk [tilespmem:v22+s5+$0x0], $0xffff;
	_ =	sdelay $0x3  }
0x7f: {  	vm9 =	vlt.f32 v23, v18  }
0x80: {  	v23 =	vsel vm9, $0x10, v31;
	vm10 =	vlt.f32 v22, v19  }
0x81: {  	v20 =	vadd.s32 v23, v20;
	v22 =	vsel vm10, $0x10, v31  }
0x82: {  	v20 =	vmax.u32 v20, $0x10;
	v21 =	vadd.s32 v22, v21  }
0x83: {  	v20 =	vsub.s32 v20, v38;
	v21 =	vmax.u32 v21, $0x10  }
0x84: {  	v20 =	vshrl.u32 v20, $0x1;
	v21 =	vsub.s32 v21, v38  }
0x85: {  	v22 =	vadd.s32 v41, v20;
	v21 =	vshrl.u32 v21, $0x1  }
0x86: {  	v23 =	vadd.s32 v51, v21  }
0x87: {  	v24 =	vadd.s32 v40, v20  }
0x88: {  	v25 =	vadd.s32 v50, v21;
	_ =	sdelay $0x1  }
0x89: {  	v22 =	vld.idx.msk [tilespmem:v22+s12+$0x0], $0xffff  }
0x8a: {  	v26 =	vadd.s32 v39, v20;
	v23 =	vld.idx.msk [tilespmem:v23+s12+$0x0], $0xffff  }
0x8b: {  	v27 =	vadd.s32 v49, v21;
	v24 =	vld.idx.msk [tilespmem:v24+s12+$0x0], $0xffff  }
0x8c: {  	v25 =	vld.idx.msk [tilespmem:v25+s12+$0x0], $0xffff;
	_ =	sdelay $0x1  }
0x8d: {  	v20 =	vadd.s32 v36, v20  }
0x8e: {  	v21 =	vadd.s32 v48, v21;
	v26 =	vld.idx.msk [tilespmem:v26+s12+$0x0], $0xffff;
	v22 =	vmul.f32 v22, v18;
	v23 =	vmul.f32 v23, v19  }
0x8f: {  	v27 =	vld.idx.msk [tilespmem:v27+s12+$0x0], $0xffff  }
0x90: {  	v22 =	vadd.f32 v22, v24;
	v23 =	vadd.f32 v23, v25;
	_ =	sdelay $0x1  }
0x91: {  	v20 =	vld.idx.msk [tilespmem:v20+s12+$0x0], $0xffff;
	v22 =	vmul.f32 v22, v18;
	v23 =	vmul.f32 v23, v19  }
0x92: {  	v21 =	vld.idx.msk [tilespmem:v21+s12+$0x0], $0xffff  }
0x93: {  	v22 =	vadd.f32 v22, v26;
	v23 =	vadd.f32 v23, v27;
	_ =	sdelay $0x1  }
0x94: {  	v18 =	vmul.f32 v22, v18;
	v19 =	vmul.f32 v23, v19;
	_ =	sdelay $0x1  }
0x95: {  	v18 =	vadd.f32 v18, v20;
	v19 =	vadd.f32 v19, v21;
	_ =	sdelay $0x1  }
0x96: {  	v18 =	vmul.f32 v19, v18  }
0x97: {  	s28 =	sshra.s32 s25, $0x2  }
0x98: {  	[tilespmem:s28+$0x1A000] =	vst v18  }
0x99: {  	v18 =	vld [tilespmem:s26+$0xFFFFFF90];
	_ =	sdelay $0x1  }
0x9a: {  	v19 =	vld [tilespmem:s26+$0x10];
	_ =	sdelay $0x2  }
0x9b: {  	vm11 =	vlt.f32 v52, v18  }
0x9c: {  	v25 =	vsel vm11, v54, v53  }
0x9d: {  	vm14 =	vlt.f32 v3, v19;
	vm12 =	vlt.f32 v25, v18  }
0x9e: {  	v22 =	vsel vm14, v5, v4;
	v20 =	vsel vm12, v57, v55;
	v26 =	vsel vm12, v58, v56  }
0x9f: {  	v24 =	vsel vm11, $0x2000, v31;
	vm15 =	vlt.f32 v22, v19;
	v20 =	vsel vm11, v26, v20  }
0xa0: {  	v25 =	vsel vm12, $0x1000, v31;
	v26 =	vsel vm15, v9, v7;
	vm13 =	vlt.f32 v20, v18  }
0xa1: {  	v20 =	vor.u32 v24, v25;
	v25 =	vsel vm15, v8, v6;
	v21 =	vsel vm13, v63, v59  }
0xa2: {  	v23 =	vsel vm13, v0, v60;
	v24 =	vsel vm13, v1, v61;
	v22 =	vsel vm13, v2, v62  }
0xa3: {  	v21 =	vsel vm12, v24, v21;
	v22 =	vsel vm12, v22, v23;
	v23 =	vsel vm14, v26, v25  }
0xa4: {  	v24 =	vsel vm13, $0x800, v31;
	v21 =	vsel vm11, v22, v21;
	vm8 =	vlt.f32 v23, v19  }
0xa5: {  	v20 =	vor.u32 v24, v20;
	vm9 =	vlt.f32 v21, v18;
	v21 =	vsel vm8, v14, v10  }
0xa6: {  	v22 =	vsel vm8, v15, v11;
	v23 =	vsel vm8, v16, v12;
	v24 =	vsel vm8, v17, v13  }
0xa7: {  	v25 =	vsel vm9, $0x400, v31;
	v21 =	vsel vm15, v23, v21;
	v22 =	vsel vm15, v24, v22  }
0xa8: {  	v23 =	vsel vm14, $0x2000, v31;
	v24 =	vsel vm15, $0x1000, v31;
	v21 =	vsel vm14, v22, v21  }
0xa9: {  	v26 =	vor.u32 v23, v24;
	v24 =	vsel vm8, $0x800, v31;
	vm10 =	vlt.f32 v21, v19  }
0xaa: {  	v20 =	vor.u32 v25, v20;
	v25 =	vor.u32 v24, v26;
	v26 =	vsel vm10, $0x400, v31  }
0xab: {  	v24 =	vor.u32 v32, v20;
	v21 =	vor.u32 v26, v25  }
0xac: {  	v22 =	vor.u32 v42, v21;
	_ =	sdelay $0x3  }
0xad: {  	v23 =	vld.idx.msk [tilespmem:v24+s5+$0x0], $0xffff  }
0xae: {  	v22 =	vld.idx.msk [tilespmem:v22+s5+$0x0], $0xffff;
	_ =	sdelay $0x3  }
0xaf: {  	vm11 =	vlt.f32 v23, v18  }
0xb0: {  	v23 =	vsel vm11, $0x200, v31;
	vm12 =	vlt.f32 v22, v19  }
0xb1: {  	v20 =	vor.u32 v23, v20;
	v22 =	vsel vm12, $0x200, v31  }
0xb2: {  	v23 =	vor.u32 v33, v20;
	v21 =	vor.u32 v21, v22  }
0xb3: {  	v22 =	vor.u32 v43, v21;
	_ =	sdelay $0x3  }
0xb4: {  	v23 =	vld.idx.msk [tilespmem:v23+s5+$0x0], $0xffff  }
0xb5: {  	v22 =	vld.idx.msk [tilespmem:v22+s5+$0x0], $0xffff;
	_ =	sdelay $0x3  }
0xb6: {  	vm13 =	vlt.f32 v23, v18  }
0xb7: {  	v23 =	vsel vm13, $0x100, v31;
	vm14 =	vlt.f32 v22, v19  }
0xb8: {  	v20 =	vor.u32 v23, v20;
	v22 =	vsel vm14, $0x100, v31  }
0xb9: {  	v23 =	vor.u32 v34, v20;
	v21 =	vor.u32 v22, v21  }
0xba: {  	v22 =	vor.u32 v44, v21;
	_ =	sdelay $0x3  }
0xbb: {  	v23 =	vld.idx.msk [tilespmem:v23+s5+$0x0], $0xffff  }
0xbc: {  	v22 =	vld.idx.msk [tilespmem:v22+s5+$0x0], $0xffff;
	_ =	sdelay $0x3  }
0xbd: {  	vm15 =	vlt.f32 v23, v18  }
0xbe: {  	v23 =	vsel vm15, $0x80, v31;
	vm4 =	vlt.f32 v22, v19  }
0xbf: {  	v20 =	vor.u32 v23, v20;
	v22 =	vsel vm4, $0x80, v31  }
0xc0: {  	v23 =	vadd.s32 v35, v20;
	v21 =	vor.u32 v22, v21  }
0xc1: {  	v22 =	vadd.s32 v45, v21;
	_ =	sdelay $0x3  }
0xc2: {  	v23 =	vld.idx.msk [tilespmem:v23+s5+$0x0], $0xffff  }
0xc3: {  	v22 =	vld.idx.msk [tilespmem:v22+s5+$0x0], $0xffff;
	_ =	sdelay $0x3  }
0xc4: {  	vm5 =	vlt.f32 v23, v18  }
0xc5: {  	v23 =	vsel vm5, $0x40, v31;
	vm6 =	vlt.f32 v22, v19  }
0xc6: {  	v20 =	vadd.s32 v23, v20;
	v22 =	vsel vm6, $0x40, v31  }
0xc7: {  	v23 =	vadd.s32 v37, v20;
	v21 =	vadd.s32 v22, v21  }
0xc8: {  	v22 =	vadd.s32 v46, v21;
	_ =	sdelay $0x3  }
0xc9: {  	v23 =	vld.idx.msk [tilespmem:v23+s5+$0x0], $0xffff  }
0xca: {  	v22 =	vld.idx.msk [tilespmem:v22+s5+$0x0], $0xffff;
	_ =	sdelay $0x3  }
0xcb: {  	vm7 =	vlt.f32 v23, v18  }
0xcc: {  	v23 =	vsel vm7, $0x20, v31;
	vm8 =	vlt.f32 v22, v19  }
0xcd: {  	v20 =	vadd.s32 v23, v20;
	v22 =	vsel vm8, $0x20, v31  }
0xce: {  	v23 =	vadd.s32 v30, v20;
	v21 =	vadd.s32 v22, v21  }
0xcf: {  	v22 =	vadd.s32 v47, v21;
	_ =	sdelay $0x3  }
0xd0: {  	v23 =	vld.idx.msk [tilespmem:v23+s5+$0x0], $0xffff  }
0xd1: {  	v22 =	vld.idx.msk [tilespmem:v22+s5+$0x0], $0xffff;
	_ =	sdelay $0x3  }
0xd2: {  	vm9 =	vlt.f32 v23, v18  }
0xd3: {  	v23 =	vsel vm9, $0x10, v31;
	vm10 =	vlt.f32 v22, v19  }
0xd4: {  	v20 =	vadd.s32 v23, v20;
	v22 =	vsel vm10, $0x10, v31  }
0xd5: {  	v20 =	vmax.u32 v20, $0x10;
	v21 =	vadd.s32 v22, v21  }
0xd6: {  	v20 =	vsub.s32 v20, v38;
	v21 =	vmax.u32 v21, $0x10  }
0xd7: {  	v20 =	vshrl.u32 v20, $0x1;
	v21 =	vsub.s32 v21, v38  }
0xd8: {  	v22 =	vadd.s32 v41, v20;
	v21 =	vshrl.u32 v21, $0x1  }
0xd9: {  	v23 =	vadd.s32 v51, v21  }
0xda: {  	v24 =	vadd.s32 v40, v20  }
0xdb: {  	v25 =	vadd.s32 v50, v21;
	_ =	sdelay $0x1  }
0xdc: {  	v22 =	vld.idx.msk [tilespmem:v22+s12+$0x0], $0xffff  }
0xdd: {  	v26 =	vadd.s32 v39, v20;
	v23 =	vld.idx.msk [tilespmem:v23+s12+$0x0], $0xffff  }
0xde: {  	v27 =	vadd.s32 v49, v21;
	v24 =	vld.idx.msk [tilespmem:v24+s12+$0x0], $0xffff  }
0xdf: {  	v25 =	vld.idx.msk [tilespmem:v25+s12+$0x0], $0xffff;
	_ =	sdelay $0x1  }
0xe0: {  	v20 =	vadd.s32 v36, v20  }
0xe1: {  	v21 =	vadd.s32 v48, v21;
	v26 =	vld.idx.msk [tilespmem:v26+s12+$0x0], $0xffff;
	v22 =	vmul.f32 v22, v18;
	v23 =	vmul.f32 v23, v19  }
0xe2: {  	v27 =	vld.idx.msk [tilespmem:v27+s12+$0x0], $0xffff  }
0xe3: {  	v22 =	vadd.f32 v22, v24;
	v23 =	vadd.f32 v23, v25;
	_ =	sdelay $0x1  }
0xe4: {  	v20 =	vld.idx.msk [tilespmem:v20+s12+$0x0], $0xffff;
	v22 =	vmul.f32 v22, v18;
	v23 =	vmul.f32 v23, v19  }
0xe5: {  	v21 =	vld.idx.msk [tilespmem:v21+s12+$0x0], $0xffff  }
0xe6: {  	v22 =	vadd.f32 v22, v26;
	v23 =	vadd.f32 v23, v27;
	_ =	sdelay $0x1  }
0xe7: {  	v18 =	vmul.f32 v22, v18;
	v19 =	vmul.f32 v23, v19;
	_ =	sdelay $0x1  }
0xe8: {  	v18 =	vadd.f32 v18, v20;
	v19 =	vadd.f32 v19, v21;
	_ =	sdelay $0x1  }
0xe9: {  	v18 =	vmul.f32 v19, v18;
	_ =	sdelay $0x1  }
0xea: {  	[tilespmem:s28+$0x1A010] =	vst v18  }
0xeb: {  	v18 =	vld [tilespmem:s26+$0xFFFFFFA0];
	_ =	sdelay $0x1  }
0xec: {  	v19 =	vld [tilespmem:s26+$0x20];
	_ =	sdelay $0x2  }
0xed: {  	vm11 =	vlt.f32 v52, v18  }
0xee: {  	v25 =	vsel vm11, v54, v53  }
0xef: {  	vm14 =	vlt.f32 v3, v19;
	vm12 =	vlt.f32 v25, v18  }
0xf0: {  	v22 =	vsel vm14, v5, v4;
	v20 =	vsel vm12, v57, v55;
	v26 =	vsel vm12, v58, v56  }
0xf1: {  	v24 =	vsel vm11, $0x2000, v31;
	vm15 =	vlt.f32 v22, v19;
	v20 =	vsel vm11, v26, v20  }
0xf2: {  	v25 =	vsel vm12, $0x1000, v31;
	v26 =	vsel vm15, v9, v7;
	vm13 =	vlt.f32 v20, v18  }
0xf3: {  	v20 =	vor.u32 v24, v25;
	v25 =	vsel vm15, v8, v6;
	v21 =	vsel vm13, v63, v59  }
0xf4: {  	v23 =	vsel vm13, v0, v60;
	v24 =	vsel vm13, v1, v61;
	v22 =	vsel vm13, v2, v62  }
0xf5: {  	v21 =	vsel vm12, v24, v21;
	v22 =	vsel vm12, v22, v23;
	v23 =	vsel vm14, v26, v25  }
0xf6: {  	v24 =	vsel vm13, $0x800, v31;
	v21 =	vsel vm11, v22, v21;
	vm8 =	vlt.f32 v23, v19  }
0xf7: {  	v20 =	vor.u32 v24, v20;
	vm9 =	vlt.f32 v21, v18;
	v21 =	vsel vm8, v14, v10  }
0xf8: {  	v22 =	vsel vm8, v15, v11;
	v23 =	vsel vm8, v16, v12;
	v24 =	vsel vm8, v17, v13  }
0xf9: {  	v25 =	vsel vm9, $0x400, v31;
	v21 =	vsel vm15, v23, v21;
	v22 =	vsel vm15, v24, v22  }
0xfa: {  	v23 =	vsel vm14, $0x2000, v31;
	v24 =	vsel vm15, $0x1000, v31;
	v21 =	vsel vm14, v22, v21  }
0xfb: {  	v26 =	vor.u32 v23, v24;
	v24 =	vsel vm8, $0x800, v31;
	vm10 =	vlt.f32 v21, v19  }
0xfc: {  	v20 =	vor.u32 v25, v20;
	v25 =	vor.u32 v24, v26;
	v26 =	vsel vm10, $0x400, v31  }
0xfd: {  	v24 =	vor.u32 v32, v20;
	v21 =	vor.u32 v26, v25  }
0xfe: {  	v22 =	vor.u32 v42, v21;
	_ =	sdelay $0x3  }
0xff: {  	v23 =	vld.idx.msk [tilespmem:v24+s5+$0x0], $0xffff  }
0x100: {  	v22 =	vld.idx.msk [tilespmem:v22+s5+$0x0], $0xffff;
	_ =	sdelay $0x3  }
0x101: {  	vm11 =	vlt.f32 v23, v18  }
0x102: {  	v23 =	vsel vm11, $0x200, v31;
	vm12 =	vlt.f32 v22, v19  }
0x103: {  	v20 =	vor.u32 v23, v20;
	v22 =	vsel vm12, $0x200, v31  }
0x104: {  	v23 =	vor.u32 v33, v20;
	v21 =	vor.u32 v21, v22  }
0x105: {  	v22 =	vor.u32 v43, v21;
	_ =	sdelay $0x3  }
0x106: {  	v23 =	vld.idx.msk [tilespmem:v23+s5+$0x0], $0xffff  }
0x107: {  	v22 =	vld.idx.msk [tilespmem:v22+s5+$0x0], $0xffff;
	_ =	sdelay $0x3  }
0x108: {  	vm13 =	vlt.f32 v23, v18  }
0x109: {  	v23 =	vsel vm13, $0x100, v31;
	vm14 =	vlt.f32 v22, v19  }
0x10a: {  	v20 =	vor.u32 v23, v20;
	v22 =	vsel vm14, $0x100, v31  }
0x10b: {  	v23 =	vor.u32 v34, v20;
	v21 =	vor.u32 v22, v21  }
0x10c: {  	v22 =	vor.u32 v44, v21;
	_ =	sdelay $0x3  }
0x10d: {  	v23 =	vld.idx.msk [tilespmem:v23+s5+$0x0], $0xffff  }
0x10e: {  	v22 =	vld.idx.msk [tilespmem:v22+s5+$0x0], $0xffff;
	_ =	sdelay $0x3  }
0x10f: {  	vm15 =	vlt.f32 v23, v18  }
0x110: {  	v23 =	vsel vm15, $0x80, v31;
	vm4 =	vlt.f32 v22, v19  }
0x111: {  	v20 =	vor.u32 v23, v20;
	v22 =	vsel vm4, $0x80, v31  }
0x112: {  	v23 =	vadd.s32 v35, v20;
	v21 =	vor.u32 v22, v21  }
0x113: {  	v22 =	vadd.s32 v45, v21;
	_ =	sdelay $0x3  }
0x114: {  	v23 =	vld.idx.msk [tilespmem:v23+s5+$0x0], $0xffff  }
0x115: {  	v22 =	vld.idx.msk [tilespmem:v22+s5+$0x0], $0xffff;
	_ =	sdelay $0x3  }
0x116: {  	vm5 =	vlt.f32 v23, v18  }
0x117: {  	v23 =	vsel vm5, $0x40, v31;
	vm6 =	vlt.f32 v22, v19  }
0x118: {  	v20 =	vadd.s32 v23, v20;
	v22 =	vsel vm6, $0x40, v31  }
0x119: {  	v23 =	vadd.s32 v37, v20;
	v21 =	vadd.s32 v22, v21  }
0x11a: {  	v22 =	vadd.s32 v46, v21;
	_ =	sdelay $0x3  }
0x11b: {  	v23 =	vld.idx.msk [tilespmem:v23+s5+$0x0], $0xffff  }
0x11c: {  	v22 =	vld.idx.msk [tilespmem:v22+s5+$0x0], $0xffff;
	_ =	sdelay $0x3  }
0x11d: {  	vm7 =	vlt.f32 v23, v18  }
0x11e: {  	v23 =	vsel vm7, $0x20, v31;
	vm8 =	vlt.f32 v22, v19  }
0x11f: {  	v20 =	vadd.s32 v23, v20;
	v22 =	vsel vm8, $0x20, v31  }
0x120: {  	v23 =	vadd.s32 v30, v20;
	v21 =	vadd.s32 v22, v21  }
0x121: {  	v22 =	vadd.s32 v47, v21;
	_ =	sdelay $0x3  }
0x122: {  	v23 =	vld.idx.msk [tilespmem:v23+s5+$0x0], $0xffff  }
0x123: {  	v22 =	vld.idx.msk [tilespmem:v22+s5+$0x0], $0xffff;
	_ =	sdelay $0x3  }
0x124: {  	vm9 =	vlt.f32 v23, v18  }
0x125: {  	v23 =	vsel vm9, $0x10, v31;
	vm10 =	vlt.f32 v22, v19  }
0x126: {  	v20 =	vadd.s32 v23, v20;
	v22 =	vsel vm10, $0x10, v31  }
0x127: {  	v20 =	vmax.u32 v20, $0x10;
	v21 =	vadd.s32 v22, v21  }
0x128: {  	v20 =	vsub.s32 v20, v38;
	v21 =	vmax.u32 v21, $0x10  }
0x129: {  	v20 =	vshrl.u32 v20, $0x1;
	v21 =	vsub.s32 v21, v38  }
0x12a: {  	v22 =	vadd.s32 v41, v20;
	v21 =	vshrl.u32 v21, $0x1  }
0x12b: {  	v23 =	vadd.s32 v51, v21  }
0x12c: {  	v24 =	vadd.s32 v40, v20  }
0x12d: {  	v25 =	vadd.s32 v50, v21;
	_ =	sdelay $0x1  }
0x12e: {  	v22 =	vld.idx.msk [tilespmem:v22+s12+$0x0], $0xffff  }
0x12f: {  	v26 =	vadd.s32 v39, v20;
	v23 =	vld.idx.msk [tilespmem:v23+s12+$0x0], $0xffff  }
0x130: {  	v27 =	vadd.s32 v49, v21;
	v24 =	vld.idx.msk [tilespmem:v24+s12+$0x0], $0xffff  }
0x131: {  	v25 =	vld.idx.msk [tilespmem:v25+s12+$0x0], $0xffff;
	_ =	sdelay $0x1  }
0x132: {  	v20 =	vadd.s32 v36, v20  }
0x133: {  	v21 =	vadd.s32 v48, v21;
	v26 =	vld.idx.msk [tilespmem:v26+s12+$0x0], $0xffff;
	v22 =	vmul.f32 v22, v18;
	v23 =	vmul.f32 v23, v19  }
0x134: {  	v27 =	vld.idx.msk [tilespmem:v27+s12+$0x0], $0xffff  }
0x135: {  	v22 =	vadd.f32 v22, v24;
	v23 =	vadd.f32 v23, v25;
	_ =	sdelay $0x1  }
0x136: {  	v20 =	vld.idx.msk [tilespmem:v20+s12+$0x0], $0xffff;
	v22 =	vmul.f32 v22, v18;
	v23 =	vmul.f32 v23, v19  }
0x137: {  	v21 =	vld.idx.msk [tilespmem:v21+s12+$0x0], $0xffff  }
0x138: {  	v22 =	vadd.f32 v22, v26;
	v23 =	vadd.f32 v23, v27;
	_ =	sdelay $0x1  }
0x139: {  	v18 =	vmul.f32 v22, v18;
	v19 =	vmul.f32 v23, v19;
	_ =	sdelay $0x1  }
0x13a: {  	v18 =	vadd.f32 v18, v20;
	v19 =	vadd.f32 v19, v21;
	_ =	sdelay $0x1  }
0x13b: {  	v18 =	vmul.f32 v19, v18;
	_ =	sdelay $0x1  }
0x13c: {  	[tilespmem:s28+$0x1A020] =	vst v18  }
0x13d: {  	v18 =	vld [tilespmem:s26+$0xFFFFFFB0];
	_ =	sdelay $0x1  }
0x13e: {  	v19 =	vld [tilespmem:s26+$0x30];
	_ =	sdelay $0x2  }
0x13f: {  	vm11 =	vlt.f32 v52, v18  }
0x140: {  	v25 =	vsel vm11, v54, v53  }
0x141: {  	vm14 =	vlt.f32 v3, v19;
	vm12 =	vlt.f32 v25, v18  }
0x142: {  	v22 =	vsel vm14, v5, v4;
	v20 =	vsel vm12, v57, v55;
	v26 =	vsel vm12, v58, v56  }
0x143: {  	v24 =	vsel vm11, $0x2000, v31;
	vm15 =	vlt.f32 v22, v19;
	v20 =	vsel vm11, v26, v20  }
0x144: {  	v25 =	vsel vm12, $0x1000, v31;
	v26 =	vsel vm15, v9, v7;
	vm13 =	vlt.f32 v20, v18  }
0x145: {  	v20 =	vor.u32 v24, v25;
	v25 =	vsel vm15, v8, v6;
	v21 =	vsel vm13, v63, v59  }
0x146: {  	v23 =	vsel vm13, v0, v60;
	v24 =	vsel vm13, v1, v61;
	v22 =	vsel vm13, v2, v62  }
0x147: {  	v21 =	vsel vm12, v24, v21;
	v22 =	vsel vm12, v22, v23;
	v23 =	vsel vm14, v26, v25  }
0x148: {  	v24 =	vsel vm13, $0x800, v31;
	v21 =	vsel vm11, v22, v21;
	vm8 =	vlt.f32 v23, v19  }
0x149: {  	v20 =	vor.u32 v24, v20;
	vm9 =	vlt.f32 v21, v18;
	v21 =	vsel vm8, v14, v10  }
0x14a: {  	v22 =	vsel vm8, v15, v11;
	v23 =	vsel vm8, v16, v12;
	v24 =	vsel vm8, v17, v13  }
0x14b: {  	v25 =	vsel vm9, $0x400, v31;
	v21 =	vsel vm15, v23, v21;
	v22 =	vsel vm15, v24, v22  }
0x14c: {  	v23 =	vsel vm14, $0x2000, v31;
	v24 =	vsel vm15, $0x1000, v31;
	v21 =	vsel vm14, v22, v21  }
0x14d: {  	v26 =	vor.u32 v23, v24;
	v24 =	vsel vm8, $0x800, v31;
	vm10 =	vlt.f32 v21, v19  }
0x14e: {  	v20 =	vor.u32 v25, v20;
	v25 =	vor.u32 v24, v26;
	v26 =	vsel vm10, $0x400, v31  }
0x14f: {  	v24 =	vor.u32 v32, v20;
	v21 =	vor.u32 v26, v25  }
0x150: {  	v22 =	vor.u32 v42, v21;
	_ =	sdelay $0x3  }
0x151: {  	v23 =	vld.idx.msk [tilespmem:v24+s5+$0x0], $0xffff  }
0x152: {  	v22 =	vld.idx.msk [tilespmem:v22+s5+$0x0], $0xffff;
	_ =	sdelay $0x3  }
0x153: {  	vm11 =	vlt.f32 v23, v18  }
0x154: {  	v23 =	vsel vm11, $0x200, v31;
	vm12 =	vlt.f32 v22, v19  }
0x155: {  	v20 =	vor.u32 v23, v20;
	v22 =	vsel vm12, $0x200, v31  }
0x156: {  	v23 =	vor.u32 v33, v20;
	v21 =	vor.u32 v21, v22  }
0x157: {  	v22 =	vor.u32 v43, v21;
	_ =	sdelay $0x3  }
0x158: {  	v23 =	vld.idx.msk [tilespmem:v23+s5+$0x0], $0xffff  }
0x159: {  	v22 =	vld.idx.msk [tilespmem:v22+s5+$0x0], $0xffff;
	_ =	sdelay $0x3  }
0x15a: {  	vm13 =	vlt.f32 v23, v18  }
0x15b: {  	v23 =	vsel vm13, $0x100, v31;
	vm14 =	vlt.f32 v22, v19  }
0x15c: {  	v20 =	vor.u32 v23, v20;
	v22 =	vsel vm14, $0x100, v31  }
0x15d: {  	v23 =	vor.u32 v34, v20;
	v21 =	vor.u32 v22, v21  }
0x15e: {  	v22 =	vor.u32 v44, v21;
	_ =	sdelay $0x3  }
0x15f: {  	v23 =	vld.idx.msk [tilespmem:v23+s5+$0x0], $0xffff  }
0x160: {  	v22 =	vld.idx.msk [tilespmem:v22+s5+$0x0], $0xffff;
	_ =	sdelay $0x3  }
0x161: {  	vm15 =	vlt.f32 v23, v18  }
0x162: {  	v23 =	vsel vm15, $0x80, v31;
	vm4 =	vlt.f32 v22, v19  }
0x163: {  	v20 =	vor.u32 v23, v20;
	v22 =	vsel vm4, $0x80, v31  }
0x164: {  	v23 =	vadd.s32 v35, v20;
	v21 =	vor.u32 v22, v21  }
0x165: {  	v22 =	vadd.s32 v45, v21;
	_ =	sdelay $0x3  }
0x166: {  	v23 =	vld.idx.msk [tilespmem:v23+s5+$0x0], $0xffff  }
0x167: {  	v22 =	vld.idx.msk [tilespmem:v22+s5+$0x0], $0xffff;
	_ =	sdelay $0x3  }
0x168: {  	vm5 =	vlt.f32 v23, v18  }
0x169: {  	v23 =	vsel vm5, $0x40, v31;
	vm6 =	vlt.f32 v22, v19  }
0x16a: {  	v20 =	vadd.s32 v23, v20;
	v22 =	vsel vm6, $0x40, v31  }
0x16b: {  	v23 =	vadd.s32 v37, v20;
	v21 =	vadd.s32 v22, v21  }
0x16c: {  	v22 =	vadd.s32 v46, v21;
	_ =	sdelay $0x3  }
0x16d: {  	v23 =	vld.idx.msk [tilespmem:v23+s5+$0x0], $0xffff  }
0x16e: {  	v22 =	vld.idx.msk [tilespmem:v22+s5+$0x0], $0xffff;
	_ =	sdelay $0x3  }
0x16f: {  	vm7 =	vlt.f32 v23, v18  }
0x170: {  	v23 =	vsel vm7, $0x20, v31;
	vm8 =	vlt.f32 v22, v19  }
0x171: {  	v20 =	vadd.s32 v23, v20;
	v22 =	vsel vm8, $0x20, v31  }
0x172: {  	v23 =	vadd.s32 v30, v20;
	v21 =	vadd.s32 v22, v21  }
0x173: {  	v22 =	vadd.s32 v47, v21;
	_ =	sdelay $0x3  }
0x174: {  	v23 =	vld.idx.msk [tilespmem:v23+s5+$0x0], $0xffff  }
0x175: {  	v22 =	vld.idx.msk [tilespmem:v22+s5+$0x0], $0xffff;
	_ =	sdelay $0x3  }
0x176: {  	vm9 =	vlt.f32 v23, v18  }
0x177: {  	v23 =	vsel vm9, $0x10, v31;
	vm10 =	vlt.f32 v22, v19  }
0x178: {  	v20 =	vadd.s32 v23, v20;
	v22 =	vsel vm10, $0x10, v31  }
0x179: {  	v20 =	vmax.u32 v20, $0x10;
	v21 =	vadd.s32 v22, v21  }
0x17a: {  	v20 =	vsub.s32 v20, v38;
	v21 =	vmax.u32 v21, $0x10  }
0x17b: {  	v20 =	vshrl.u32 v20, $0x1;
	v21 =	vsub.s32 v21, v38  }
0x17c: {  	v22 =	vadd.s32 v41, v20;
	v21 =	vshrl.u32 v21, $0x1  }
0x17d: {  	v23 =	vadd.s32 v51, v21  }
0x17e: {  	v24 =	vadd.s32 v40, v20  }
0x17f: {  	v25 =	vadd.s32 v50, v21;
	_ =	sdelay $0x1  }
0x180: {  	v22 =	vld.idx.msk [tilespmem:v22+s12+$0x0], $0xffff  }
0x181: {  	v26 =	vadd.s32 v39, v20;
	v23 =	vld.idx.msk [tilespmem:v23+s12+$0x0], $0xffff  }
0x182: {  	v27 =	vadd.s32 v49, v21;
	v24 =	vld.idx.msk [tilespmem:v24+s12+$0x0], $0xffff  }
0x183: {  	v25 =	vld.idx.msk [tilespmem:v25+s12+$0x0], $0xffff;
	_ =	sdelay $0x1  }
0x184: {  	v20 =	vadd.s32 v36, v20  }
0x185: {  	v21 =	vadd.s32 v48, v21;
	v26 =	vld.idx.msk [tilespmem:v26+s12+$0x0], $0xffff;
	v22 =	vmul.f32 v22, v18;
	v23 =	vmul.f32 v23, v19  }
0x186: {  	v27 =	vld.idx.msk [tilespmem:v27+s12+$0x0], $0xffff  }
0x187: {  	v22 =	vadd.f32 v22, v24;
	v23 =	vadd.f32 v23, v25;
	_ =	sdelay $0x1  }
0x188: {  	v20 =	vld.idx.msk [tilespmem:v20+s12+$0x0], $0xffff;
	v22 =	vmul.f32 v22, v18;
	v23 =	vmul.f32 v23, v19  }
0x189: {  	v21 =	vld.idx.msk [tilespmem:v21+s12+$0x0], $0xffff  }
0x18a: {  	v22 =	vadd.f32 v22, v26;
	v23 =	vadd.f32 v23, v27;
	_ =	sdelay $0x1  }
0x18b: {  	v18 =	vmul.f32 v22, v18;
	v19 =	vmul.f32 v23, v19;
	_ =	sdelay $0x1  }
0x18c: {  	v18 =	vadd.f32 v18, v20;
	v19 =	vadd.f32 v19, v21;
	_ =	sdelay $0x1  }
0x18d: {  	v18 =	vmul.f32 v19, v18;
	_ =	sdelay $0x1  }
0x18e: {  	[tilespmem:s28+$0x1A030] =	vst v18  }
0x18f: {  	v18 =	vld [tilespmem:s26+$0xFFFFFFC0];
	_ =	sdelay $0x1  }
0x190: {  	v19 =	vld [tilespmem:s26+$0x40];
	_ =	sdelay $0x2  }
0x191: {  	vm11 =	vlt.f32 v52, v18  }
0x192: {  	v25 =	vsel vm11, v54, v53  }
0x193: {  	vm14 =	vlt.f32 v3, v19;
	vm12 =	vlt.f32 v25, v18  }
0x194: {  	v22 =	vsel vm14, v5, v4;
	v20 =	vsel vm12, v57, v55;
	v26 =	vsel vm12, v58, v56  }
0x195: {  	v24 =	vsel vm11, $0x2000, v31;
	vm15 =	vlt.f32 v22, v19;
	v20 =	vsel vm11, v26, v20  }
0x196: {  	v25 =	vsel vm12, $0x1000, v31;
	v26 =	vsel vm15, v9, v7;
	vm13 =	vlt.f32 v20, v18  }
0x197: {  	v20 =	vor.u32 v24, v25;
	v25 =	vsel vm15, v8, v6;
	v21 =	vsel vm13, v63, v59  }
0x198: {  	v23 =	vsel vm13, v0, v60;
	v24 =	vsel vm13, v1, v61;
	v22 =	vsel vm13, v2, v62  }
0x199: {  	v21 =	vsel vm12, v24, v21;
	v22 =	vsel vm12, v22, v23;
	v23 =	vsel vm14, v26, v25  }
0x19a: {  	v24 =	vsel vm13, $0x800, v31;
	v21 =	vsel vm11, v22, v21;
	vm8 =	vlt.f32 v23, v19  }
0x19b: {  	v20 =	vor.u32 v24, v20;
	vm9 =	vlt.f32 v21, v18;
	v21 =	vsel vm8, v14, v10  }
0x19c: {  	v22 =	vsel vm8, v15, v11;
	v23 =	vsel vm8, v16, v12;
	v24 =	vsel vm8, v17, v13  }
0x19d: {  	v25 =	vsel vm9, $0x400, v31;
	v21 =	vsel vm15, v23, v21;
	v22 =	vsel vm15, v24, v22  }
0x19e: {  	v23 =	vsel vm14, $0x2000, v31;
	v24 =	vsel vm15, $0x1000, v31;
	v21 =	vsel vm14, v22, v21  }
0x19f: {  	v26 =	vor.u32 v23, v24;
	v24 =	vsel vm8, $0x800, v31;
	vm10 =	vlt.f32 v21, v19  }
0x1a0: {  	v20 =	vor.u32 v25, v20;
	v26 =	vor.u32 v24, v26;
	v24 =	vsel vm10, $0x400, v31  }
0x1a1: {  	v25 =	vor.u32 v32, v20;
	v21 =	vor.u32 v24, v26  }
0x1a2: {  	v22 =	vor.u32 v42, v21;
	_ =	sdelay $0x3  }
0x1a3: {  	v23 =	vld.idx.msk [tilespmem:v25+s5+$0x0], $0xffff  }
0x1a4: {  	v22 =	vld.idx.msk [tilespmem:v22+s5+$0x0], $0xffff;
	_ =	sdelay $0x3  }
0x1a5: {  	vm11 =	vlt.f32 v23, v18  }
0x1a6: {  	v23 =	vsel vm11, $0x200, v31;
	vm12 =	vlt.f32 v22, v19  }
0x1a7: {  	v20 =	vor.u32 v23, v20;
	v22 =	vsel vm12, $0x200, v31  }
0x1a8: {  	v23 =	vor.u32 v33, v20;
	v21 =	vor.u32 v21, v22  }
0x1a9: {  	v22 =	vor.u32 v43, v21;
	_ =	sdelay $0x3  }
0x1aa: {  	v23 =	vld.idx.msk [tilespmem:v23+s5+$0x0], $0xffff  }
0x1ab: {  	v22 =	vld.idx.msk [tilespmem:v22+s5+$0x0], $0xffff;
	_ =	sdelay $0x3  }
0x1ac: {  	vm13 =	vlt.f32 v23, v18  }
0x1ad: {  	v23 =	vsel vm13, $0x100, v31;
	vm14 =	vlt.f32 v22, v19  }
0x1ae: {  	v20 =	vor.u32 v23, v20;
	v22 =	vsel vm14, $0x100, v31  }
0x1af: {  	v23 =	vor.u32 v34, v20;
	v21 =	vor.u32 v22, v21  }
0x1b0: {  	v22 =	vor.u32 v44, v21;
	_ =	sdelay $0x3  }
0x1b1: {  	v23 =	vld.idx.msk [tilespmem:v23+s5+$0x0], $0xffff  }
0x1b2: {  	v22 =	vld.idx.msk [tilespmem:v22+s5+$0x0], $0xffff;
	_ =	sdelay $0x3  }
0x1b3: {  	vm15 =	vlt.f32 v23, v18  }
0x1b4: {  	v23 =	vsel vm15, $0x80, v31;
	vm4 =	vlt.f32 v22, v19  }
0x1b5: {  	v20 =	vor.u32 v23, v20;
	v22 =	vsel vm4, $0x80, v31  }
0x1b6: {  	v23 =	vadd.s32 v35, v20;
	v21 =	vor.u32 v22, v21  }
0x1b7: {  	v22 =	vadd.s32 v45, v21;
	_ =	sdelay $0x3  }
0x1b8: {  	v23 =	vld.idx.msk [tilespmem:v23+s5+$0x0], $0xffff  }
0x1b9: {  	v22 =	vld.idx.msk [tilespmem:v22+s5+$0x0], $0xffff;
	_ =	sdelay $0x3  }
0x1ba: {  	vm5 =	vlt.f32 v23, v18  }
0x1bb: {  	v23 =	vsel vm5, $0x40, v31;
	vm6 =	vlt.f32 v22, v19  }
0x1bc: {  	v20 =	vadd.s32 v23, v20;
	v22 =	vsel vm6, $0x40, v31  }
0x1bd: {  	v23 =	vadd.s32 v37, v20;
	v21 =	vadd.s32 v22, v21  }
0x1be: {  	v22 =	vadd.s32 v46, v21;
	_ =	sdelay $0x3  }
0x1bf: {  	v23 =	vld.idx.msk [tilespmem:v23+s5+$0x0], $0xffff  }
0x1c0: {  	v22 =	vld.idx.msk [tilespmem:v22+s5+$0x0], $0xffff;
	_ =	sdelay $0x3  }
0x1c1: {  	vm7 =	vlt.f32 v23, v18  }
0x1c2: {  	v23 =	vsel vm7, $0x20, v31;
	vm8 =	vlt.f32 v22, v19  }
0x1c3: {  	v20 =	vadd.s32 v23, v20;
	v22 =	vsel vm8, $0x20, v31  }
0x1c4: {  	v23 =	vadd.s32 v30, v20;
	v21 =	vadd.s32 v22, v21  }
0x1c5: {  	v22 =	vadd.s32 v47, v21;
	_ =	sdelay $0x3  }
0x1c6: {  	v23 =	vld.idx.msk [tilespmem:v23+s5+$0x0], $0xffff  }
0x1c7: {  	v22 =	vld.idx.msk [tilespmem:v22+s5+$0x0], $0xffff;
	_ =	sdelay $0x3  }
0x1c8: {  	vm9 =	vlt.f32 v23, v18  }
0x1c9: {  	v23 =	vsel vm9, $0x10, v31;
	vm10 =	vlt.f32 v22, v19  }
0x1ca: {  	v20 =	vadd.s32 v23, v20;
	v22 =	vsel vm10, $0x10, v31  }
0x1cb: {  	v20 =	vmax.u32 v20, $0x10;
	v21 =	vadd.s32 v22, v21  }
0x1cc: {  	v20 =	vsub.s32 v20, v38;
	v21 =	vmax.u32 v21, $0x10  }
0x1cd: {  	v20 =	vshrl.u32 v20, $0x1;
	v21 =	vsub.s32 v21, v38  }
0x1ce: {  	v22 =	vadd.s32 v41, v20;
	v21 =	vshrl.u32 v21, $0x1  }
0x1cf: {  	v23 =	vadd.s32 v51, v21  }
0x1d0: {  	v24 =	vadd.s32 v40, v20  }
0x1d1: {  	v25 =	vadd.s32 v50, v21;
	_ =	sdelay $0x1  }
0x1d2: {  	v22 =	vld.idx.msk [tilespmem:v22+s12+$0x0], $0xffff  }
0x1d3: {  	v26 =	vadd.s32 v39, v20;
	v23 =	vld.idx.msk [tilespmem:v23+s12+$0x0], $0xffff  }
0x1d4: {  	v27 =	vadd.s32 v49, v21;
	v24 =	vld.idx.msk [tilespmem:v24+s12+$0x0], $0xffff  }
0x1d5: {  	v25 =	vld.idx.msk [tilespmem:v25+s12+$0x0], $0xffff;
	_ =	sdelay $0x1  }
0x1d6: {  	v20 =	vadd.s32 v36, v20  }
0x1d7: {  	v21 =	vadd.s32 v48, v21;
	v26 =	vld.idx.msk [tilespmem:v26+s12+$0x0], $0xffff;
	v22 =	vmul.f32 v22, v18;
	v23 =	vmul.f32 v23, v19  }
0x1d8: {  	v27 =	vld.idx.msk [tilespmem:v27+s12+$0x0], $0xffff  }
0x1d9: {  	v22 =	vadd.f32 v22, v24;
	v23 =	vadd.f32 v23, v25;
	_ =	sdelay $0x1  }
0x1da: {  	v20 =	vld.idx.msk [tilespmem:v20+s12+$0x0], $0xffff;
	v22 =	vmul.f32 v22, v18;
	v23 =	vmul.f32 v23, v19  }
0x1db: {  	v21 =	vld.idx.msk [tilespmem:v21+s12+$0x0], $0xffff  }
0x1dc: {  	v22 =	vadd.f32 v22, v26;
	v23 =	vadd.f32 v23, v27;
	_ =	sdelay $0x1  }
0x1dd: {  	v18 =	vmul.f32 v22, v18;
	v19 =	vmul.f32 v23, v19;
	_ =	sdelay $0x1  }
0x1de: {  	v18 =	vadd.f32 v18, v20;
	v19 =	vadd.f32 v19, v21;
	_ =	sdelay $0x1  }
0x1df: {  	v18 =	vmul.f32 v19, v18;
	_ =	sdelay $0x1  }
0x1e0: {  	[tilespmem:s28+$0x1A040] =	vst v18  }
0x1e1: {  	v18 =	vld [tilespmem:s26+$0xFFFFFFD0];
	_ =	sdelay $0x1  }
0x1e2: {  	v19 =	vld [tilespmem:s26+$0x50];
	_ =	sdelay $0x2  }
0x1e3: {  	vm11 =	vlt.f32 v52, v18  }
0x1e4: {  	v26 =	vsel vm11, v54, v53  }
0x1e5: {  	vm14 =	vlt.f32 v3, v19;
	vm12 =	vlt.f32 v26, v18  }
0x1e6: {  	v25 =	vsel vm11, $0x2000, v31;
	v20 =	vsel vm12, v57, v55;
	v24 =	vsel vm12, v58, v56  }
0x1e7: {  	v22 =	vsel vm14, v5, v4;
	v26 =	vsel vm12, $0x1000, v31;
	v20 =	vsel vm11, v24, v20  }
0x1e8: {  	vm15 =	vlt.f32 v22, v19;
	vm13 =	vlt.f32 v20, v18;
	v20 =	vor.u32 v25, v26  }
0x1e9: {  	v25 =	vsel vm15, v8, v6;
	v26 =	vsel vm15, v9, v7;
	v21 =	vsel vm13, v63, v59  }
0x1ea: {  	v23 =	vsel vm13, v0, v60;
	v24 =	vsel vm13, v1, v61;
	v22 =	vsel vm13, v2, v62  }
0x1eb: {  	v21 =	vsel vm12, v24, v21;
	v22 =	vsel vm12, v22, v23;
	v23 =	vsel vm14, v26, v25  }
0x1ec: {  	v24 =	vsel vm13, $0x800, v31;
	v21 =	vsel vm11, v22, v21;
	vm8 =	vlt.f32 v23, v19  }
0x1ed: {  	v20 =	vor.u32 v24, v20;
	vm9 =	vlt.f32 v21, v18;
	v21 =	vsel vm8, v14, v10  }
0x1ee: {  	v22 =	vsel vm8, v15, v11;
	v23 =	vsel vm8, v16, v12;
	v24 =	vsel vm8, v17, v13  }
0x1ef: {  	v26 =	vsel vm8, $0x800, v31;
	v21 =	vsel vm15, v23, v21;
	v22 =	vsel vm15, v24, v22  }
0x1f0: {  	v23 =	vsel vm14, $0x2000, v31;
	v24 =	vsel vm15, $0x1000, v31;
	v21 =	vsel vm14, v22, v21  }
0x1f1: {  	v25 =	vsel vm9, $0x400, v31;
	v24 =	vor.u32 v23, v24;
	vm10 =	vlt.f32 v21, v19  }
0x1f2: {  	v20 =	vor.u32 v25, v20;
	v24 =	vor.u32 v26, v24;
	v25 =	vsel vm10, $0x400, v31  }
0x1f3: {  	v26 =	vor.u32 v32, v20;
	v21 =	vor.u32 v25, v24  }
0x1f4: {  	v22 =	vor.u32 v42, v21;
	_ =	sdelay $0x3  }
0x1f5: {  	v23 =	vld.idx.msk [tilespmem:v26+s5+$0x0], $0xffff  }
0x1f6: {  	v22 =	vld.idx.msk [tilespmem:v22+s5+$0x0], $0xffff;
	_ =	sdelay $0x3  }
0x1f7: {  	vm11 =	vlt.f32 v23, v18  }
0x1f8: {  	v23 =	vsel vm11, $0x200, v31;
	vm12 =	vlt.f32 v22, v19  }
0x1f9: {  	v20 =	vor.u32 v23, v20;
	v22 =	vsel vm12, $0x200, v31  }
0x1fa: {  	v23 =	vor.u32 v33, v20;
	v21 =	vor.u32 v21, v22  }
0x1fb: {  	v22 =	vor.u32 v43, v21;
	_ =	sdelay $0x3  }
0x1fc: {  	v23 =	vld.idx.msk [tilespmem:v23+s5+$0x0], $0xffff  }
0x1fd: {  	v22 =	vld.idx.msk [tilespmem:v22+s5+$0x0], $0xffff;
	_ =	sdelay $0x3  }
0x1fe: {  	vm13 =	vlt.f32 v23, v18  }
0x1ff: {  	v23 =	vsel vm13, $0x100, v31;
	vm14 =	vlt.f32 v22, v19  }
0x200: {  	v20 =	vor.u32 v23, v20;
	v22 =	vsel vm14, $0x100, v31  }
0x201: {  	v23 =	vor.u32 v34, v20;
	v21 =	vor.u32 v22, v21  }
0x202: {  	v22 =	vor.u32 v44, v21;
	_ =	sdelay $0x3  }
0x203: {  	v23 =	vld.idx.msk [tilespmem:v23+s5+$0x0], $0xffff  }
0x204: {  	v22 =	vld.idx.msk [tilespmem:v22+s5+$0x0], $0xffff;
	_ =	sdelay $0x3  }
0x205: {  	vm15 =	vlt.f32 v23, v18  }
0x206: {  	v23 =	vsel vm15, $0x80, v31;
	vm4 =	vlt.f32 v22, v19  }
0x207: {  	v20 =	vor.u32 v23, v20;
	v22 =	vsel vm4, $0x80, v31  }
0x208: {  	v23 =	vadd.s32 v35, v20;
	v21 =	vor.u32 v22, v21  }
0x209: {  	v22 =	vadd.s32 v45, v21;
	_ =	sdelay $0x3  }
0x20a: {  	v23 =	vld.idx.msk [tilespmem:v23+s5+$0x0], $0xffff  }
0x20b: {  	v22 =	vld.idx.msk [tilespmem:v22+s5+$0x0], $0xffff;
	_ =	sdelay $0x3  }
0x20c: {  	vm5 =	vlt.f32 v23, v18  }
0x20d: {  	v23 =	vsel vm5, $0x40, v31;
	vm6 =	vlt.f32 v22, v19  }
0x20e: {  	v20 =	vadd.s32 v23, v20;
	v22 =	vsel vm6, $0x40, v31  }
0x20f: {  	v23 =	vadd.s32 v37, v20;
	v21 =	vadd.s32 v22, v21  }
0x210: {  	v22 =	vadd.s32 v46, v21;
	_ =	sdelay $0x3  }
0x211: {  	v23 =	vld.idx.msk [tilespmem:v23+s5+$0x0], $0xffff  }
0x212: {  	v22 =	vld.idx.msk [tilespmem:v22+s5+$0x0], $0xffff;
	_ =	sdelay $0x3  }
0x213: {  	vm7 =	vlt.f32 v23, v18  }
0x214: {  	v23 =	vsel vm7, $0x20, v31;
	vm8 =	vlt.f32 v22, v19  }
0x215: {  	v20 =	vadd.s32 v23, v20;
	v22 =	vsel vm8, $0x20, v31  }
0x216: {  	v23 =	vadd.s32 v30, v20;
	v21 =	vadd.s32 v22, v21  }
0x217: {  	v22 =	vadd.s32 v47, v21;
	_ =	sdelay $0x3  }
0x218: {  	v23 =	vld.idx.msk [tilespmem:v23+s5+$0x0], $0xffff  }
0x219: {  	v22 =	vld.idx.msk [tilespmem:v22+s5+$0x0], $0xffff;
	_ =	sdelay $0x3  }
0x21a: {  	vm9 =	vlt.f32 v23, v18  }
0x21b: {  	v23 =	vsel vm9, $0x10, v31;
	vm10 =	vlt.f32 v22, v19  }
0x21c: {  	v20 =	vadd.s32 v23, v20;
	v22 =	vsel vm10, $0x10, v31  }
0x21d: {  	v20 =	vmax.u32 v20, $0x10;
	v21 =	vadd.s32 v22, v21  }
0x21e: {  	v20 =	vsub.s32 v20, v38;
	v21 =	vmax.u32 v21, $0x10  }
0x21f: {  	v20 =	vshrl.u32 v20, $0x1;
	v21 =	vsub.s32 v21, v38  }
0x220: {  	v22 =	vadd.s32 v41, v20;
	v21 =	vshrl.u32 v21, $0x1  }
0x221: {  	v23 =	vadd.s32 v51, v21  }
0x222: {  	v24 =	vadd.s32 v40, v20  }
0x223: {  	v25 =	vadd.s32 v50, v21;
	_ =	sdelay $0x1  }
0x224: {  	v22 =	vld.idx.msk [tilespmem:v22+s12+$0x0], $0xffff  }
0x225: {  	v26 =	vadd.s32 v39, v20;
	v23 =	vld.idx.msk [tilespmem:v23+s12+$0x0], $0xffff  }
0x226: {  	v27 =	vadd.s32 v49, v21;
	v24 =	vld.idx.msk [tilespmem:v24+s12+$0x0], $0xffff  }
0x227: {  	v25 =	vld.idx.msk [tilespmem:v25+s12+$0x0], $0xffff;
	_ =	sdelay $0x1  }
0x228: {  	v20 =	vadd.s32 v36, v20  }
0x229: {  	v21 =	vadd.s32 v48, v21;
	v26 =	vld.idx.msk [tilespmem:v26+s12+$0x0], $0xffff;
	v22 =	vmul.f32 v22, v18;
	v23 =	vmul.f32 v23, v19  }
0x22a: {  	v27 =	vld.idx.msk [tilespmem:v27+s12+$0x0], $0xffff  }
0x22b: {  	v22 =	vadd.f32 v22, v24;
	v23 =	vadd.f32 v23, v25;
	_ =	sdelay $0x1  }
0x22c: {  	v20 =	vld.idx.msk [tilespmem:v20+s12+$0x0], $0xffff;
	v22 =	vmul.f32 v22, v18;
	v23 =	vmul.f32 v23, v19  }
0x22d: {  	v21 =	vld.idx.msk [tilespmem:v21+s12+$0x0], $0xffff  }
0x22e: {  	v22 =	vadd.f32 v22, v26;
	v23 =	vadd.f32 v23, v27;
	_ =	sdelay $0x1  }
0x22f: {  	v18 =	vmul.f32 v22, v18;
	v19 =	vmul.f32 v23, v19;
	_ =	sdelay $0x1  }
0x230: {  	v18 =	vadd.f32 v18, v20;
	v19 =	vadd.f32 v19, v21;
	_ =	sdelay $0x1  }
0x231: {  	v18 =	vmul.f32 v19, v18;
	_ =	sdelay $0x1  }
0x232: {  	[tilespmem:s28+$0x1A050] =	vst v18  }
0x233: {  	v18 =	vld [tilespmem:s26+$0xFFFFFFE0];
	_ =	sdelay $0x1  }
0x234: {  	v19 =	vld [tilespmem:s26+$0x60];
	_ =	sdelay $0x2  }
0x235: {  	vm11 =	vlt.f32 v52, v18  }
0x236: {  	v24 =	vsel vm11, v54, v53  }
0x237: {  	vm14 =	vlt.f32 v3, v19;
	vm12 =	vlt.f32 v24, v18  }
0x238: {  	v24 =	vsel vm14, v5, v4;
	v20 =	vsel vm12, v57, v55;
	v25 =	vsel vm12, v58, v56  }
0x239: {  	v22 =	vsel vm11, $0x2000, v31;
	vm15 =	vlt.f32 v24, v19;
	v20 =	vsel vm11, v25, v20  }
0x23a: {  	v21 =	vsel vm12, $0x1000, v31;
	v24 =	vsel vm15, v8, v6;
	vm13 =	vlt.f32 v20, v18  }
0x23b: {  	v20 =	vsel vm13, v63, v59;
	v23 =	vsel vm13, v0, v60;
	v25 =	vsel vm13, v1, v61  }
0x23c: {  	v26 =	vsel vm13, v2, v62;
	v20 =	vsel vm12, v25, v20;
	v25 =	vsel vm15, v9, v7  }
0x23d: {  	v21 =	vor.u32 v22, v21;
	v23 =	vsel vm12, v26, v23;
	v22 =	vsel vm14, v25, v24  }
0x23e: {  	v24 =	vsel vm13, $0x800, v31;
	v20 =	vsel vm11, v23, v20;
	vm6 =	vlt.f32 v22, v19  }
0x23f: {  	v21 =	vor.u32 v24, v21;
	vm7 =	vlt.f32 v20, v18;
	v20 =	vsel vm6, v14, v10  }
0x240: {  	v22 =	vsel vm6, v15, v11;
	v23 =	vsel vm6, v16, v12;
	v24 =	vsel vm6, v17, v13  }
0x241: {  	v25 =	vsel vm7, $0x400, v31;
	v20 =	vsel vm15, v23, v20;
	v22 =	vsel vm15, v24, v22  }
0x242: {  	v23 =	vsel vm14, $0x2000, v31;
	v24 =	vsel vm15, $0x1000, v31;
	v20 =	vsel vm14, v22, v20  }
0x243: {  	v26 =	vor.u32 v23, v24;
	v24 =	vsel vm6, $0x800, v31;
	vm8 =	vlt.f32 v20, v19  }
0x244: {  	v20 =	vor.u32 v25, v21;
	v25 =	vor.u32 v24, v26;
	v26 =	vsel vm8, $0x400, v31  }
0x245: {  	v24 =	vor.u32 v32, v20;
	v21 =	vor.u32 v26, v25  }
0x246: {  	v22 =	vor.u32 v42, v21;
	_ =	sdelay $0x3  }
0x247: {  	v23 =	vld.idx.msk [tilespmem:v24+s5+$0x0], $0xffff  }
0x248: {  	v22 =	vld.idx.msk [tilespmem:v22+s5+$0x0], $0xffff;
	_ =	sdelay $0x3  }
0x249: {  	vm9 =	vlt.f32 v23, v18  }
0x24a: {  	v23 =	vsel vm9, $0x200, v31;
	vm10 =	vlt.f32 v22, v19  }
0x24b: {  	v20 =	vor.u32 v23, v20;
	v22 =	vsel vm10, $0x200, v31  }
0x24c: {  	v23 =	vor.u32 v33, v20;
	v21 =	vor.u32 v21, v22  }
0x24d: {  	v22 =	vor.u32 v43, v21;
	_ =	sdelay $0x3  }
0x24e: {  	v23 =	vld.idx.msk [tilespmem:v23+s5+$0x0], $0xffff  }
0x24f: {  	v22 =	vld.idx.msk [tilespmem:v22+s5+$0x0], $0xffff;
	_ =	sdelay $0x3  }
0x250: {  	vm11 =	vlt.f32 v23, v18  }
0x251: {  	v23 =	vsel vm11, $0x100, v31;
	vm12 =	vlt.f32 v22, v19  }
0x252: {  	v20 =	vor.u32 v23, v20;
	v22 =	vsel vm12, $0x100, v31  }
0x253: {  	v23 =	vor.u32 v34, v20;
	v21 =	vor.u32 v22, v21  }
0x254: {  	v22 =	vor.u32 v44, v21;
	_ =	sdelay $0x3  }
0x255: {  	v23 =	vld.idx.msk [tilespmem:v23+s5+$0x0], $0xffff  }
0x256: {  	v22 =	vld.idx.msk [tilespmem:v22+s5+$0x0], $0xffff;
	_ =	sdelay $0x3  }
0x257: {  	vm13 =	vlt.f32 v23, v18  }
0x258: {  	v23 =	vsel vm13, $0x80, v31;
	vm14 =	vlt.f32 v22, v19  }
0x259: {  	v20 =	vor.u32 v23, v20;
	v22 =	vsel vm14, $0x80, v31  }
0x25a: {  	v23 =	vadd.s32 v35, v20;
	v21 =	vor.u32 v22, v21  }
0x25b: {  	v22 =	vadd.s32 v45, v21;
	_ =	sdelay $0x3  }
0x25c: {  	v23 =	vld.idx.msk [tilespmem:v23+s5+$0x0], $0xffff  }
0x25d: {  	v22 =	vld.idx.msk [tilespmem:v22+s5+$0x0], $0xffff;
	_ =	sdelay $0x3  }
0x25e: {  	vm15 =	vlt.f32 v23, v18  }
0x25f: {  	v23 =	vsel vm15, $0x40, v31;
	vm4 =	vlt.f32 v22, v19  }
0x260: {  	v20 =	vadd.s32 v23, v20;
	v22 =	vsel vm4, $0x40, v31  }
0x261: {  	v23 =	vadd.s32 v37, v20;
	v21 =	vadd.s32 v22, v21  }
0x262: {  	v22 =	vadd.s32 v46, v21;
	_ =	sdelay $0x3  }
0x263: {  	v23 =	vld.idx.msk [tilespmem:v23+s5+$0x0], $0xffff  }
0x264: {  	v22 =	vld.idx.msk [tilespmem:v22+s5+$0x0], $0xffff;
	_ =	sdelay $0x3  }
0x265: {  	vm5 =	vlt.f32 v23, v18  }
0x266: {  	v23 =	vsel vm5, $0x20, v31;
	vm6 =	vlt.f32 v22, v19  }
0x267: {  	v20 =	vadd.s32 v23, v20;
	v22 =	vsel vm6, $0x20, v31  }
0x268: {  	v23 =	vadd.s32 v30, v20;
	v21 =	vadd.s32 v22, v21  }
0x269: {  	v22 =	vadd.s32 v47, v21;
	_ =	sdelay $0x3  }
0x26a: {  	v23 =	vld.idx.msk [tilespmem:v23+s5+$0x0], $0xffff  }
0x26b: {  	v22 =	vld.idx.msk [tilespmem:v22+s5+$0x0], $0xffff;
	_ =	sdelay $0x3  }
0x26c: {  	vm7 =	vlt.f32 v23, v18  }
0x26d: {  	v23 =	vsel vm7, $0x10, v31;
	vm8 =	vlt.f32 v22, v19  }
0x26e: {  	v20 =	vadd.s32 v23, v20;
	v22 =	vsel vm8, $0x10, v31  }
0x26f: {  	v20 =	vmax.u32 v20, $0x10;
	v21 =	vadd.s32 v22, v21  }
0x270: {  	v20 =	vsub.s32 v20, v38;
	v21 =	vmax.u32 v21, $0x10  }
0x271: {  	v20 =	vshrl.u32 v20, $0x1;
	v21 =	vsub.s32 v21, v38  }
0x272: {  	v22 =	vadd.s32 v41, v20;
	v21 =	vshrl.u32 v21, $0x1  }
0x273: {  	v23 =	vadd.s32 v51, v21  }
0x274: {  	v24 =	vadd.s32 v40, v20  }
0x275: {  	v25 =	vadd.s32 v50, v21;
	_ =	sdelay $0x1  }
0x276: {  	v22 =	vld.idx.msk [tilespmem:v22+s12+$0x0], $0xffff  }
0x277: {  	v26 =	vadd.s32 v39, v20;
	v23 =	vld.idx.msk [tilespmem:v23+s12+$0x0], $0xffff  }
0x278: {  	v27 =	vadd.s32 v49, v21;
	v24 =	vld.idx.msk [tilespmem:v24+s12+$0x0], $0xffff  }
0x279: {  	v25 =	vld.idx.msk [tilespmem:v25+s12+$0x0], $0xffff;
	_ =	sdelay $0x1  }
0x27a: {  	v20 =	vadd.s32 v36, v20  }
0x27b: {  	v21 =	vadd.s32 v48, v21;
	v26 =	vld.idx.msk [tilespmem:v26+s12+$0x0], $0xffff;
	v22 =	vmul.f32 v22, v18;
	v23 =	vmul.f32 v23, v19  }
0x27c: {  	v27 =	vld.idx.msk [tilespmem:v27+s12+$0x0], $0xffff  }
0x27d: {  	v22 =	vadd.f32 v22, v24;
	v23 =	vadd.f32 v23, v25;
	_ =	sdelay $0x1  }
0x27e: {  	v20 =	vld.idx.msk [tilespmem:v20+s12+$0x0], $0xffff;
	v22 =	vmul.f32 v22, v18;
	v23 =	vmul.f32 v23, v19  }
0x27f: {  	v21 =	vld.idx.msk [tilespmem:v21+s12+$0x0], $0xffff  }
0x280: {  	v22 =	vadd.f32 v22, v26;
	v23 =	vadd.f32 v23, v27;
	_ =	sdelay $0x1  }
0x281: {  	v18 =	vmul.f32 v22, v18;
	v19 =	vmul.f32 v23, v19;
	_ =	sdelay $0x1  }
0x282: {  	v18 =	vadd.f32 v18, v20;
	v19 =	vadd.f32 v19, v21;
	_ =	sdelay $0x1  }
0x283: {  	v18 =	vmul.f32 v19, v18;
	_ =	sdelay $0x1  }
0x284: {  	[tilespmem:s28+$0x1A060] =	vst v18  }
0x285: {  	v18 =	vld [tilespmem:s26+$0xFFFFFFF0];
	_ =	sdelay $0x2  }
0x286: {  	v19 =	vld [tilespmem:s26+$0x70];
	_ =	sdelay $0x1  }
0x287: {  	vm9 =	vlt.f32 v52, v18  }
0x288: {  	v25 =	vsel vm9, v54, v53  }
0x289: {  	vm10 =	vlt.f32 v25, v18  }
0x28a: {  	vm12 =	vlt.f32 v3, v19;
	v20 =	vsel vm10, v57, v55;
	v26 =	vsel vm10, v58, v56  }
0x28b: {  	v24 =	vsel vm12, v5, v4;
	v20 =	vsel vm9, v26, v20  }
0x28c: {  	vm13 =	vlt.f32 v24, v19;
	vm11 =	vlt.f32 v20, v18  }
0x28d: {  	v24 =	vsel vm13, v9, v7;
	v20 =	vsel vm10, $0x1000, v31;
	v21 =	vsel vm11, v63, v59  }
0x28e: {  	v22 =	vsel vm11, v0, v60;
	v23 =	vsel vm11, v1, v61;
	v25 =	vsel vm11, v2, v62  }
0x28f: {  	v21 =	vsel vm10, v23, v21;
	v22 =	vsel vm10, v25, v22;
	v23 =	vsel vm13, v8, v6  }
0x290: {  	v25 =	vsel vm9, $0x2000, v31;
	v21 =	vsel vm9, v22, v21;
	v24 =	vsel vm12, v24, v23  }
0x291: {  	v23 =	vsel vm11, $0x800, v31;
	v20 =	vor.u32 v25, v20;
	vm14 =	vlt.f32 v24, v19  }
0x292: {  	vm0 =	vlt.f32 v21, v18;
	v20 =	vor.u32 v23, v20;
	v22 =	vsel vm14, v14, v10  }
0x293: {  	v24 =	vsel vm14, v15, v11;
	v25 =	vsel vm14, v16, v12;
	v26 =	vsel vm14, v17, v13  }
0x294: {  	v21 =	vsel vm0, $0x400, v31;
	v22 =	vsel vm13, v25, v22;
	v23 =	vsel vm13, v26, v24  }
0x295: {  	v24 =	vsel vm12, $0x2000, v31;
	v25 =	vsel vm13, $0x1000, v31;
	v22 =	vsel vm12, v23, v22  }
0x296: {  	v23 =	vor.u32 v24, v25;
	v24 =	vsel vm14, $0x800, v31;
	vm15 =	vlt.f32 v22, v19  }
0x297: {  	v20 =	vor.u32 v21, v20;
	v25 =	vor.u32 v24, v23;
	v22 =	vsel vm15, $0x400, v31  }
0x298: {  	v26 =	vor.u32 v32, v20;
	v21 =	vor.u32 v22, v25  }
0x299: {  	v22 =	vor.u32 v42, v21;
	_ =	sdelay $0x3  }
0x29a: {  	v23 =	vld.idx.msk [tilespmem:v26+s5+$0x0], $0xffff  }
0x29b: {  	v22 =	vld.idx.msk [tilespmem:v22+s5+$0x0], $0xffff;
	_ =	sdelay $0x3  }
0x29c: {  	vm4 =	vlt.f32 v23, v18  }
0x29d: {  	v23 =	vsel vm4, $0x200, v31;
	vm5 =	vlt.f32 v22, v19  }
0x29e: {  	v20 =	vor.u32 v23, v20;
	v22 =	vsel vm5, $0x200, v31  }
0x29f: {  	v23 =	vor.u32 v33, v20;
	v21 =	vor.u32 v21, v22  }
0x2a0: {  	v22 =	vor.u32 v43, v21;
	_ =	sdelay $0x3  }
0x2a1: {  	v23 =	vld.idx.msk [tilespmem:v23+s5+$0x0], $0xffff  }
0x2a2: {  	v22 =	vld.idx.msk [tilespmem:v22+s5+$0x0], $0xffff;
	_ =	sdelay $0x3  }
0x2a3: {  	vm6 =	vlt.f32 v23, v18  }
0x2a4: {  	v23 =	vsel vm6, $0x100, v31;
	vm7 =	vlt.f32 v22, v19  }
0x2a5: {  	v20 =	vor.u32 v23, v20;
	v22 =	vsel vm7, $0x100, v31  }
0x2a6: {  	v23 =	vor.u32 v34, v20;
	v21 =	vor.u32 v22, v21  }
0x2a7: {  	v22 =	vor.u32 v44, v21;
	_ =	sdelay $0x3  }
0x2a8: {  	v23 =	vld.idx.msk [tilespmem:v23+s5+$0x0], $0xffff  }
0x2a9: {  	v22 =	vld.idx.msk [tilespmem:v22+s5+$0x0], $0xffff;
	_ =	sdelay $0x3  }
0x2aa: {  	vm8 =	vlt.f32 v23, v18  }
0x2ab: {  	v23 =	vsel vm8, $0x80, v31;
	vm9 =	vlt.f32 v22, v19  }
0x2ac: {  	v20 =	vor.u32 v23, v20;
	v22 =	vsel vm9, $0x80, v31  }
0x2ad: {  	v23 =	vadd.s32 v35, v20;
	v21 =	vor.u32 v22, v21  }
0x2ae: {  	v22 =	vadd.s32 v45, v21;
	_ =	sdelay $0x3  }
0x2af: {  	v23 =	vld.idx.msk [tilespmem:v23+s5+$0x0], $0xffff  }
0x2b0: {  	v22 =	vld.idx.msk [tilespmem:v22+s5+$0x0], $0xffff;
	_ =	sdelay $0x3  }
0x2b1: {  	vm10 =	vlt.f32 v23, v18  }
0x2b2: {  	v23 =	vsel vm10, $0x40, v31;
	vm11 =	vlt.f32 v22, v19  }
0x2b3: {  	v20 =	vadd.s32 v23, v20;
	v22 =	vsel vm11, $0x40, v31  }
0x2b4: {  	v23 =	vadd.s32 v37, v20;
	v21 =	vadd.s32 v22, v21  }
0x2b5: {  	v22 =	vadd.s32 v46, v21;
	_ =	sdelay $0x3  }
0x2b6: {  	v23 =	vld.idx.msk [tilespmem:v23+s5+$0x0], $0xffff  }
0x2b7: {  	v22 =	vld.idx.msk [tilespmem:v22+s5+$0x0], $0xffff;
	_ =	sdelay $0x3  }
0x2b8: {  	vm12 =	vlt.f32 v23, v18  }
0x2b9: {  	v23 =	vsel vm12, $0x20, v31;
	vm13 =	vlt.f32 v22, v19  }
0x2ba: {  	v20 =	vadd.s32 v23, v20;
	v22 =	vsel vm13, $0x20, v31  }
0x2bb: {  	v23 =	vadd.s32 v30, v20;
	v21 =	vadd.s32 v22, v21  }
0x2bc: {  	v22 =	vadd.s32 v47, v21;
	_ =	sdelay $0x3  }
0x2bd: {  	v23 =	vld.idx.msk [tilespmem:v23+s5+$0x0], $0xffff  }
0x2be: {  	v22 =	vld.idx.msk [tilespmem:v22+s5+$0x0], $0xffff;
	_ =	sdelay $0x3  }
0x2bf: {  	vm14 =	vlt.f32 v23, v18  }
0x2c0: {  	v23 =	vsel vm14, $0x10, v31;
	vm15 =	vlt.f32 v22, v19  }
0x2c1: {  	v20 =	vadd.s32 v23, v20;
	v22 =	vsel vm15, $0x10, v31  }
0x2c2: {  	v20 =	vmax.u32 v20, $0x10;
	v21 =	vadd.s32 v22, v21  }
0x2c3: {  	v20 =	vsub.s32 v20, v38;
	v21 =	vmax.u32 v21, $0x10  }
0x2c4: {  	v20 =	vshrl.u32 v20, $0x1;
	v21 =	vsub.s32 v21, v38  }
0x2c5: {  	v22 =	vadd.s32 v41, v20;
	v21 =	vshrl.u32 v21, $0x1  }
0x2c6: {  	v23 =	vadd.s32 v51, v21  }
0x2c7: {  	v24 =	vadd.s32 v40, v20  }
0x2c8: {  	v25 =	vadd.s32 v50, v21;
	_ =	sdelay $0x1  }
0x2c9: {  	v22 =	vld.idx.msk [tilespmem:v22+s12+$0x0], $0xffff  }
0x2ca: {  	v26 =	vadd.s32 v39, v20;
	v23 =	vld.idx.msk [tilespmem:v23+s12+$0x0], $0xffff  }
0x2cb: {  	v27 =	vadd.s32 v49, v21;
	v24 =	vld.idx.msk [tilespmem:v24+s12+$0x0], $0xffff  }
0x2cc: {  	v25 =	vld.idx.msk [tilespmem:v25+s12+$0x0], $0xffff;
	_ =	sdelay $0x1  }
0x2cd: {  	v20 =	vadd.s32 v36, v20  }
0x2ce: {  	v21 =	vadd.s32 v48, v21;
	v26 =	vld.idx.msk [tilespmem:v26+s12+$0x0], $0xffff;
	v22 =	vmul.f32 v22, v18;
	v23 =	vmul.f32 v23, v19  }
0x2cf: {  	v27 =	vld.idx.msk [tilespmem:v27+s12+$0x0], $0xffff  }
0x2d0: {  	v22 =	vadd.f32 v22, v24;
	v23 =	vadd.f32 v23, v25;
	_ =	sdelay $0x1  }
0x2d1: {  	v20 =	vld.idx.msk [tilespmem:v20+s12+$0x0], $0xffff;
	v22 =	vmul.f32 v22, v18;
	v23 =	vmul.f32 v23, v19  }
0x2d2: {  	v21 =	vld.idx.msk [tilespmem:v21+s12+$0x0], $0xffff  }
0x2d3: {  	v22 =	vadd.f32 v22, v26;
	v23 =	vadd.f32 v23, v27;
	_ =	sdelay $0x1  }
0x2d4: {  	v18 =	vmul.f32 v22, v18;
	v19 =	vmul.f32 v23, v19  }
0x2d5: {  	p1 =	sne.s32 s25, $0x1E00  }
.Ltmp0:
0x2d6: {  	v18 =	vadd.f32 v18, v20;
	v19 =	vadd.f32 v19, v21;
	(pc) =	sbr.rel @p1 .LBB2_3-.Ltmp0, $3  }
0x2d7: {  	_ = 	snop  }
0x2d8: {  	v18 =	vmul.f32 v19, v18;
	_ =	sdelay $0x1  }
0x2d9: {  	s25 =	sadd.s32 $0x200, s25;
	s26 =	sadd.s32 $0x100, s26;
	[tilespmem:s28+$0x1A070] =	vst v18  }
0x2da: {  	p1 =	sne.s32 s22, $0x1E  }
.Ltmp1:
0x2db: {  	s25 =	sadd.s32 s7, s24;
	(pc) =	sbr.rel @p1 .LBB2_6-.Ltmp1, $4  }
0x2dc: {  	s25 =	sshll.u32 s25, $0x4  }
0x2dd: {  	s25 =	sand.u32 $0x1FFFFFF0, s25  }
0x2de: {  	s25 =	sadd.s32 s4, s25  }
0x2df: {  	[hbm4b:s25+s5] =	stream.linear.scatter [tilespmem:s16], [sflag:$0x3], $0x800, $0x38;
	[tilespmem:$0x1B000] =	vst v63  }
.Ltmp2:
0x2e0: {  	(pc) =	sbr.rel .LBB2_7-.Ltmp2, $4  }
0x2e1: {  	_ = 	snop  }
0x2e2: {  	_ =	swait.ge [sflag:s17], $0x1000  }
0x2e3: {  	[sflag:s17] =	ssyncset.done $0x0  }
0x2e4: {  	[sflag:s17] =	ssyncadd.s32 $0xFFFFF000  }
.LBB2_6:
0x2e5: {  	s24 =	sadd.s32 $0x20, s24  }
0x2e6: {  	s24 =	smin.u32 s24, s8  }
0x2e7: {  	s24 =	sadd.s32 s7, s24  }
0x2e8: {  	s24 =	sshll.u32 s24, $0x5  }
.Ltmp3:
0x2e9: {  	s24 =	sadd.s32 s0, s24;
	(pc) =	sbr.rel @p0 .LBB2_8-.Ltmp3, $4  }
0x2ea: {  	[tilespmem:s13], [sflag:$0x1] =	stream.linear.gather [hbm4b:s24+s5], $0x1000, $0x38;
	[tilespmem:$0x1B000] =	vst v63  }
0x2eb: {  	_ =	swait.ge [sflag:s17], $0x1000  }
0x2ec: {  	[sflag:s17] =	ssyncset.done $0x0  }
0x2ed: {  	[sflag:s17] =	ssyncadd.s32 $0xFFFFF000  }
.LBB2_7:
0x2ee: {  	_ =	swait.ge [sflag:s18], $0x800  }
0x2ef: {  	[sflag:s18] =	ssyncset.done $0x0  }
0x2f0: {  	[sflag:s18] =	ssyncadd.s32 $0xFFFFF800  }
.LBB2_8:
0x2f1: {  	s24 =	simm.s32 $0x0;
	s25 =	simm.s32 $0x19080  }
.LBB2_9:
0x2f2: {  	v18 =	vld [tilespmem:s25+$0xFFFFFF80];
	_ =	sdelay $0x3  }
0x2f3: {  	v19 =	vld [tilespmem:s25+$0x0]  }
0x2f4: {  	vm0 =	vlt.f32 v52, v18  }
0x2f5: {  	v20 =	vsel vm0, v54, v53  }
0x2f6: {  	vm1 =	vlt.f32 v20, v18  }
0x2f7: {  	v20 =	vsel vm1, v57, v55;
	v21 =	vsel vm1, v58, v56  }
0x2f8: {  	vm3 =	vlt.f32 v3, v19;
	v20 =	vsel vm0, v21, v20  }
0x2f9: {  	v22 =	vsel vm0, $0x2000, v31;
	v25 =	vsel vm1, $0x1000, v31;
	vm2 =	vlt.f32 v20, v18  }
0x2fa: {  	v20 =	vor.u32 v22, v25;
	v22 =	vsel vm3, v5, v4;
	v21 =	vsel vm2, v63, v59  }
0x2fb: {  	v23 =	vsel vm2, v0, v60;
	v24 =	vsel vm2, v1, v61;
	vm4 =	vlt.f32 v22, v19  }
0x2fc: {  	v22 =	vsel vm2, v2, v62;
	v25 =	vsel vm4, v8, v6;
	v26 =	vsel vm4, v9, v7  }
0x2fd: {  	v21 =	vsel vm1, v24, v21;
	v22 =	vsel vm1, v22, v23;
	v23 =	vsel vm3, v26, v25  }
0x2fe: {  	v24 =	vsel vm2, $0x800, v31;
	v21 =	vsel vm0, v22, v21;
	vm8 =	vlt.f32 v23, v19  }
0x2ff: {  	v20 =	vor.u32 v24, v20;
	vm9 =	vlt.f32 v21, v18;
	v21 =	vsel vm8, v14, v10  }
0x300: {  	v22 =	vsel vm8, v15, v11;
	v23 =	vsel vm8, v16, v12;
	v24 =	vsel vm8, v17, v13  }
0x301: {  	v25 =	vsel vm9, $0x400, v31;
	v21 =	vsel vm4, v23, v21;
	v22 =	vsel vm4, v24, v22  }
0x302: {  	v23 =	vsel vm3, $0x2000, v31;
	v24 =	vsel vm4, $0x1000, v31;
	v21 =	vsel vm3, v22, v21  }
0x303: {  	v26 =	vor.u32 v23, v24;
	v24 =	vsel vm8, $0x800, v31;
	vm10 =	vlt.f32 v21, v19  }
0x304: {  	v20 =	vor.u32 v25, v20;
	v25 =	vor.u32 v24, v26;
	v26 =	vsel vm10, $0x400, v31  }
0x305: {  	v24 =	vor.u32 v32, v20;
	v21 =	vor.u32 v26, v25  }
0x306: {  	v22 =	vor.u32 v42, v21;
	_ =	sdelay $0x3  }
0x307: {  	v23 =	vld.idx.msk [tilespmem:v24+s5+$0x0], $0xffff  }
0x308: {  	v22 =	vld.idx.msk [tilespmem:v22+s5+$0x0], $0xffff;
	_ =	sdelay $0x3  }
0x309: {  	vm11 =	vlt.f32 v23, v18  }
0x30a: {  	v23 =	vsel vm11, $0x200, v31;
	vm12 =	vlt.f32 v22, v19  }
0x30b: {  	v20 =	vor.u32 v23, v20;
	v22 =	vsel vm12, $0x200, v31  }
0x30c: {  	v23 =	vor.u32 v33, v20;
	v21 =	vor.u32 v21, v22  }
0x30d: {  	v22 =	vor.u32 v43, v21;
	_ =	sdelay $0x3  }
0x30e: {  	v23 =	vld.idx.msk [tilespmem:v23+s5+$0x0], $0xffff  }
0x30f: {  	v22 =	vld.idx.msk [tilespmem:v22+s5+$0x0], $0xffff;
	_ =	sdelay $0x3  }
0x310: {  	vm13 =	vlt.f32 v23, v18  }
0x311: {  	v23 =	vsel vm13, $0x100, v31;
	vm14 =	vlt.f32 v22, v19  }
0x312: {  	v20 =	vor.u32 v23, v20;
	v22 =	vsel vm14, $0x100, v31  }
0x313: {  	v23 =	vor.u32 v34, v20;
	v21 =	vor.u32 v22, v21  }
0x314: {  	v22 =	vor.u32 v44, v21;
	_ =	sdelay $0x3  }
0x315: {  	v23 =	vld.idx.msk [tilespmem:v23+s5+$0x0], $0xffff  }
0x316: {  	v22 =	vld.idx.msk [tilespmem:v22+s5+$0x0], $0xffff;
	_ =	sdelay $0x3  }
0x317: {  	vm15 =	vlt.f32 v23, v18  }
0x318: {  	v23 =	vsel vm15, $0x80, v31;
	vm4 =	vlt.f32 v22, v19  }
0x319: {  	v20 =	vor.u32 v23, v20;
	v22 =	vsel vm4, $0x80, v31  }
0x31a: {  	v23 =	vadd.s32 v35, v20;
	v21 =	vor.u32 v22, v21  }
0x31b: {  	v22 =	vadd.s32 v45, v21;
	_ =	sdelay $0x3  }
0x31c: {  	v23 =	vld.idx.msk [tilespmem:v23+s5+$0x0], $0xffff  }
0x31d: {  	v22 =	vld.idx.msk [tilespmem:v22+s5+$0x0], $0xffff;
	_ =	sdelay $0x3  }
0x31e: {  	vm5 =	vlt.f32 v23, v18  }
0x31f: {  	v23 =	vsel vm5, $0x40, v31;
	vm6 =	vlt.f32 v22, v19  }
0x320: {  	v20 =	vadd.s32 v23, v20;
	v22 =	vsel vm6, $0x40, v31  }
0x321: {  	v23 =	vadd.s32 v37, v20;
	v21 =	vadd.s32 v22, v21  }
0x322: {  	v22 =	vadd.s32 v46, v21;
	_ =	sdelay $0x3  }
0x323: {  	v23 =	vld.idx.msk [tilespmem:v23+s5+$0x0], $0xffff  }
0x324: {  	v22 =	vld.idx.msk [tilespmem:v22+s5+$0x0], $0xffff;
	_ =	sdelay $0x3  }
0x325: {  	vm7 =	vlt.f32 v23, v18  }
0x326: {  	v23 =	vsel vm7, $0x20, v31;
	vm8 =	vlt.f32 v22, v19  }
0x327: {  	v20 =	vadd.s32 v23, v20;
	v22 =	vsel vm8, $0x20, v31  }
0x328: {  	v23 =	vadd.s32 v30, v20;
	v21 =	vadd.s32 v22, v21  }
0x329: {  	v22 =	vadd.s32 v47, v21;
	_ =	sdelay $0x3  }
0x32a: {  	v23 =	vld.idx.msk [tilespmem:v23+s5+$0x0], $0xffff  }
0x32b: {  	v22 =	vld.idx.msk [tilespmem:v22+s5+$0x0], $0xffff;
	_ =	sdelay $0x3  }
0x32c: {  	vm9 =	vlt.f32 v23, v18  }
0x32d: {  	v23 =	vsel vm9, $0x10, v31;
	vm10 =	vlt.f32 v22, v19  }
0x32e: {  	v20 =	vadd.s32 v23, v20;
	v22 =	vsel vm10, $0x10, v31  }
0x32f: {  	v20 =	vmax.u32 v20, $0x10;
	v21 =	vadd.s32 v22, v21  }
0x330: {  	v20 =	vsub.s32 v20, v38;
	v21 =	vmax.u32 v21, $0x10  }
0x331: {  	v20 =	vshrl.u32 v20, $0x1;
	v21 =	vsub.s32 v21, v38  }
0x332: {  	v22 =	vadd.s32 v41, v20;
	v21 =	vshrl.u32 v21, $0x1  }
0x333: {  	v23 =	vadd.s32 v51, v21  }
0x334: {  	v24 =	vadd.s32 v40, v20  }
0x335: {  	v25 =	vadd.s32 v50, v21;
	_ =	sdelay $0x1  }
0x336: {  	v22 =	vld.idx.msk [tilespmem:v22+s12+$0x0], $0xffff  }
0x337: {  	v26 =	vadd.s32 v39, v20;
	v23 =	vld.idx.msk [tilespmem:v23+s12+$0x0], $0xffff  }
0x338: {  	v27 =	vadd.s32 v49, v21;
	v24 =	vld.idx.msk [tilespmem:v24+s12+$0x0], $0xffff  }
0x339: {  	v25 =	vld.idx.msk [tilespmem:v25+s12+$0x0], $0xffff;
	_ =	sdelay $0x1  }
0x33a: {  	v20 =	vadd.s32 v36, v20  }
0x33b: {  	v21 =	vadd.s32 v48, v21;
	v26 =	vld.idx.msk [tilespmem:v26+s12+$0x0], $0xffff;
	v22 =	vmul.f32 v22, v18;
	v23 =	vmul.f32 v23, v19  }
0x33c: {  	v27 =	vld.idx.msk [tilespmem:v27+s12+$0x0], $0xffff  }
0x33d: {  	v22 =	vadd.f32 v22, v24;
	v23 =	vadd.f32 v23, v25;
	_ =	sdelay $0x1  }
0x33e: {  	v20 =	vld.idx.msk [tilespmem:v20+s12+$0x0], $0xffff;
	v22 =	vmul.f32 v22, v18;
	v23 =	vmul.f32 v23, v19  }
0x33f: {  	v21 =	vld.idx.msk [tilespmem:v21+s12+$0x0], $0xffff  }
0x340: {  	v22 =	vadd.f32 v22, v26;
	v23 =	vadd.f32 v23, v27;
	_ =	sdelay $0x1  }
0x341: {  	v18 =	vmul.f32 v22, v18;
	v19 =	vmul.f32 v23, v19;
	_ =	sdelay $0x1  }
0x342: {  	v18 =	vadd.f32 v18, v20;
	v19 =	vadd.f32 v19, v21;
	_ =	sdelay $0x1  }
0x343: {  	v18 =	vmul.f32 v19, v18  }
0x344: {  	s26 =	sshra.s32 s24, $0x2  }
0x345: {  	[tilespmem:s26+$0x1A800] =	vst v18  }
0x346: {  	v18 =	vld [tilespmem:s25+$0xFFFFFF90];
	_ =	sdelay $0x1  }
0x347: {  	v19 =	vld [tilespmem:s25+$0x10];
	_ =	sdelay $0x2  }
0x348: {  	vm11 =	vlt.f32 v52, v18  }
0x349: {  	v25 =	vsel vm11, v54, v53  }
0x34a: {  	vm14 =	vlt.f32 v3, v19;
	vm12 =	vlt.f32 v25, v18  }
0x34b: {  	v22 =	vsel vm14, v5, v4;
	v20 =	vsel vm12, v57, v55;
	v26 =	vsel vm12, v58, v56  }
0x34c: {  	v24 =	vsel vm11, $0x2000, v31;
	vm15 =	vlt.f32 v22, v19;
	v20 =	vsel vm11, v26, v20  }
0x34d: {  	v25 =	vsel vm12, $0x1000, v31;
	v26 =	vsel vm15, v9, v7;
	vm13 =	vlt.f32 v20, v18  }
0x34e: {  	v20 =	vor.u32 v24, v25;
	v25 =	vsel vm15, v8, v6;
	v21 =	vsel vm13, v63, v59  }
0x34f: {  	v23 =	vsel vm13, v0, v60;
	v24 =	vsel vm13, v1, v61;
	v22 =	vsel vm13, v2, v62  }
0x350: {  	v21 =	vsel vm12, v24, v21;
	v22 =	vsel vm12, v22, v23;
	v23 =	vsel vm14, v26, v25  }
0x351: {  	v24 =	vsel vm13, $0x800, v31;
	v21 =	vsel vm11, v22, v21;
	vm8 =	vlt.f32 v23, v19  }
0x352: {  	v20 =	vor.u32 v24, v20;
	vm9 =	vlt.f32 v21, v18;
	v21 =	vsel vm8, v14, v10  }
0x353: {  	v22 =	vsel vm8, v15, v11;
	v23 =	vsel vm8, v16, v12;
	v24 =	vsel vm8, v17, v13  }
0x354: {  	v25 =	vsel vm9, $0x400, v31;
	v21 =	vsel vm15, v23, v21;
	v22 =	vsel vm15, v24, v22  }
0x355: {  	v23 =	vsel vm14, $0x2000, v31;
	v24 =	vsel vm15, $0x1000, v31;
	v21 =	vsel vm14, v22, v21  }
0x356: {  	v26 =	vor.u32 v23, v24;
	v24 =	vsel vm8, $0x800, v31;
	vm10 =	vlt.f32 v21, v19  }
0x357: {  	v20 =	vor.u32 v25, v20;
	v25 =	vor.u32 v24, v26;
	v26 =	vsel vm10, $0x400, v31  }
0x358: {  	v24 =	vor.u32 v32, v20;
	v21 =	vor.u32 v26, v25  }
0x359: {  	v22 =	vor.u32 v42, v21;
	_ =	sdelay $0x3  }
0x35a: {  	v23 =	vld.idx.msk [tilespmem:v24+s5+$0x0], $0xffff  }
0x35b: {  	v22 =	vld.idx.msk [tilespmem:v22+s5+$0x0], $0xffff;
	_ =	sdelay $0x3  }
0x35c: {  	vm11 =	vlt.f32 v23, v18  }
0x35d: {  	v23 =	vsel vm11, $0x200, v31;
	vm12 =	vlt.f32 v22, v19  }
0x35e: {  	v20 =	vor.u32 v23, v20;
	v22 =	vsel vm12, $0x200, v31  }
0x35f: {  	v23 =	vor.u32 v33, v20;
	v21 =	vor.u32 v21, v22  }
0x360: {  	v22 =	vor.u32 v43, v21;
	_ =	sdelay $0x3  }
0x361: {  	v23 =	vld.idx.msk [tilespmem:v23+s5+$0x0], $0xffff  }
0x362: {  	v22 =	vld.idx.msk [tilespmem:v22+s5+$0x0], $0xffff;
	_ =	sdelay $0x3  }
0x363: {  	vm13 =	vlt.f32 v23, v18  }
0x364: {  	v23 =	vsel vm13, $0x100, v31;
	vm14 =	vlt.f32 v22, v19  }
0x365: {  	v20 =	vor.u32 v23, v20;
	v22 =	vsel vm14, $0x100, v31  }
0x366: {  	v23 =	vor.u32 v34, v20;
	v21 =	vor.u32 v22, v21  }
0x367: {  	v22 =	vor.u32 v44, v21;
	_ =	sdelay $0x3  }
0x368: {  	v23 =	vld.idx.msk [tilespmem:v23+s5+$0x0], $0xffff  }
0x369: {  	v22 =	vld.idx.msk [tilespmem:v22+s5+$0x0], $0xffff;
	_ =	sdelay $0x3  }
0x36a: {  	vm15 =	vlt.f32 v23, v18  }
0x36b: {  	v23 =	vsel vm15, $0x80, v31;
	vm4 =	vlt.f32 v22, v19  }
0x36c: {  	v20 =	vor.u32 v23, v20;
	v22 =	vsel vm4, $0x80, v31  }
0x36d: {  	v23 =	vadd.s32 v35, v20;
	v21 =	vor.u32 v22, v21  }
0x36e: {  	v22 =	vadd.s32 v45, v21;
	_ =	sdelay $0x3  }
0x36f: {  	v23 =	vld.idx.msk [tilespmem:v23+s5+$0x0], $0xffff  }
0x370: {  	v22 =	vld.idx.msk [tilespmem:v22+s5+$0x0], $0xffff;
	_ =	sdelay $0x3  }
0x371: {  	vm5 =	vlt.f32 v23, v18  }
0x372: {  	v23 =	vsel vm5, $0x40, v31;
	vm6 =	vlt.f32 v22, v19  }
0x373: {  	v20 =	vadd.s32 v23, v20;
	v22 =	vsel vm6, $0x40, v31  }
0x374: {  	v23 =	vadd.s32 v37, v20;
	v21 =	vadd.s32 v22, v21  }
0x375: {  	v22 =	vadd.s32 v46, v21;
	_ =	sdelay $0x3  }
0x376: {  	v23 =	vld.idx.msk [tilespmem:v23+s5+$0x0], $0xffff  }
0x377: {  	v22 =	vld.idx.msk [tilespmem:v22+s5+$0x0], $0xffff;
	_ =	sdelay $0x3  }
0x378: {  	vm7 =	vlt.f32 v23, v18  }
0x379: {  	v23 =	vsel vm7, $0x20, v31;
	vm8 =	vlt.f32 v22, v19  }
0x37a: {  	v20 =	vadd.s32 v23, v20;
	v22 =	vsel vm8, $0x20, v31  }
0x37b: {  	v23 =	vadd.s32 v30, v20;
	v21 =	vadd.s32 v22, v21  }
0x37c: {  	v22 =	vadd.s32 v47, v21;
	_ =	sdelay $0x3  }
0x37d: {  	v23 =	vld.idx.msk [tilespmem:v23+s5+$0x0], $0xffff  }
0x37e: {  	v22 =	vld.idx.msk [tilespmem:v22+s5+$0x0], $0xffff;
	_ =	sdelay $0x3  }
0x37f: {  	vm9 =	vlt.f32 v23, v18  }
0x380: {  	v23 =	vsel vm9, $0x10, v31;
	vm10 =	vlt.f32 v22, v19  }
0x381: {  	v20 =	vadd.s32 v23, v20;
	v22 =	vsel vm10, $0x10, v31  }
0x382: {  	v20 =	vmax.u32 v20, $0x10;
	v21 =	vadd.s32 v22, v21  }
0x383: {  	v20 =	vsub.s32 v20, v38;
	v21 =	vmax.u32 v21, $0x10  }
0x384: {  	v20 =	vshrl.u32 v20, $0x1;
	v21 =	vsub.s32 v21, v38  }
0x385: {  	v22 =	vadd.s32 v41, v20;
	v21 =	vshrl.u32 v21, $0x1  }
0x386: {  	v23 =	vadd.s32 v51, v21  }
0x387: {  	v24 =	vadd.s32 v40, v20  }
0x388: {  	v25 =	vadd.s32 v50, v21;
	_ =	sdelay $0x1  }
0x389: {  	v22 =	vld.idx.msk [tilespmem:v22+s12+$0x0], $0xffff  }
0x38a: {  	v26 =	vadd.s32 v39, v20;
	v23 =	vld.idx.msk [tilespmem:v23+s12+$0x0], $0xffff  }
0x38b: {  	v27 =	vadd.s32 v49, v21;
	v24 =	vld.idx.msk [tilespmem:v24+s12+$0x0], $0xffff  }
0x38c: {  	v25 =	vld.idx.msk [tilespmem:v25+s12+$0x0], $0xffff;
	_ =	sdelay $0x1  }
0x38d: {  	v20 =	vadd.s32 v36, v20  }
0x38e: {  	v21 =	vadd.s32 v48, v21;
	v26 =	vld.idx.msk [tilespmem:v26+s12+$0x0], $0xffff;
	v22 =	vmul.f32 v22, v18;
	v23 =	vmul.f32 v23, v19  }
0x38f: {  	v27 =	vld.idx.msk [tilespmem:v27+s12+$0x0], $0xffff  }
0x390: {  	v22 =	vadd.f32 v22, v24;
	v23 =	vadd.f32 v23, v25;
	_ =	sdelay $0x1  }
0x391: {  	v20 =	vld.idx.msk [tilespmem:v20+s12+$0x0], $0xffff;
	v22 =	vmul.f32 v22, v18;
	v23 =	vmul.f32 v23, v19  }
0x392: {  	v21 =	vld.idx.msk [tilespmem:v21+s12+$0x0], $0xffff  }
0x393: {  	v22 =	vadd.f32 v22, v26;
	v23 =	vadd.f32 v23, v27;
	_ =	sdelay $0x1  }
0x394: {  	v18 =	vmul.f32 v22, v18;
	v19 =	vmul.f32 v23, v19;
	_ =	sdelay $0x1  }
0x395: {  	v18 =	vadd.f32 v18, v20;
	v19 =	vadd.f32 v19, v21;
	_ =	sdelay $0x1  }
0x396: {  	v18 =	vmul.f32 v19, v18;
	_ =	sdelay $0x1  }
0x397: {  	[tilespmem:s26+$0x1A810] =	vst v18  }
0x398: {  	v18 =	vld [tilespmem:s25+$0xFFFFFFA0];
	_ =	sdelay $0x1  }
0x399: {  	v19 =	vld [tilespmem:s25+$0x20];
	_ =	sdelay $0x2  }
0x39a: {  	vm11 =	vlt.f32 v52, v18  }
0x39b: {  	v25 =	vsel vm11, v54, v53  }
0x39c: {  	vm14 =	vlt.f32 v3, v19;
	vm12 =	vlt.f32 v25, v18  }
0x39d: {  	v22 =	vsel vm14, v5, v4;
	v20 =	vsel vm12, v57, v55;
	v26 =	vsel vm12, v58, v56  }
0x39e: {  	v24 =	vsel vm11, $0x2000, v31;
	vm15 =	vlt.f32 v22, v19;
	v20 =	vsel vm11, v26, v20  }
0x39f: {  	v25 =	vsel vm12, $0x1000, v31;
	v26 =	vsel vm15, v9, v7;
	vm13 =	vlt.f32 v20, v18  }
0x3a0: {  	v20 =	vor.u32 v24, v25;
	v25 =	vsel vm15, v8, v6;
	v21 =	vsel vm13, v63, v59  }
0x3a1: {  	v23 =	vsel vm13, v0, v60;
	v24 =	vsel vm13, v1, v61;
	v22 =	vsel vm13, v2, v62  }
0x3a2: {  	v21 =	vsel vm12, v24, v21;
	v22 =	vsel vm12, v22, v23;
	v23 =	vsel vm14, v26, v25  }
0x3a3: {  	v24 =	vsel vm13, $0x800, v31;
	v21 =	vsel vm11, v22, v21;
	vm8 =	vlt.f32 v23, v19  }
0x3a4: {  	v20 =	vor.u32 v24, v20;
	vm9 =	vlt.f32 v21, v18;
	v21 =	vsel vm8, v14, v10  }
0x3a5: {  	v22 =	vsel vm8, v15, v11;
	v23 =	vsel vm8, v16, v12;
	v24 =	vsel vm8, v17, v13  }
0x3a6: {  	v25 =	vsel vm9, $0x400, v31;
	v21 =	vsel vm15, v23, v21;
	v22 =	vsel vm15, v24, v22  }
0x3a7: {  	v23 =	vsel vm14, $0x2000, v31;
	v24 =	vsel vm15, $0x1000, v31;
	v21 =	vsel vm14, v22, v21  }
0x3a8: {  	v26 =	vor.u32 v23, v24;
	v24 =	vsel vm8, $0x800, v31;
	vm10 =	vlt.f32 v21, v19  }
0x3a9: {  	v20 =	vor.u32 v25, v20;
	v25 =	vor.u32 v24, v26;
	v26 =	vsel vm10, $0x400, v31  }
0x3aa: {  	v24 =	vor.u32 v32, v20;
	v21 =	vor.u32 v26, v25  }
0x3ab: {  	v22 =	vor.u32 v42, v21;
	_ =	sdelay $0x3  }
0x3ac: {  	v23 =	vld.idx.msk [tilespmem:v24+s5+$0x0], $0xffff  }
0x3ad: {  	v22 =	vld.idx.msk [tilespmem:v22+s5+$0x0], $0xffff;
	_ =	sdelay $0x3  }
0x3ae: {  	vm11 =	vlt.f32 v23, v18  }
0x3af: {  	v23 =	vsel vm11, $0x200, v31;
	vm12 =	vlt.f32 v22, v19  }
0x3b0: {  	v20 =	vor.u32 v23, v20;
	v22 =	vsel vm12, $0x200, v31  }
0x3b1: {  	v23 =	vor.u32 v33, v20;
	v21 =	vor.u32 v21, v22  }
0x3b2: {  	v22 =	vor.u32 v43, v21;
	_ =	sdelay $0x3  }
0x3b3: {  	v23 =	vld.idx.msk [tilespmem:v23+s5+$0x0], $0xffff  }
0x3b4: {  	v22 =	vld.idx.msk [tilespmem:v22+s5+$0x0], $0xffff;
	_ =	sdelay $0x3  }
0x3b5: {  	vm13 =	vlt.f32 v23, v18  }
0x3b6: {  	v23 =	vsel vm13, $0x100, v31;
	vm14 =	vlt.f32 v22, v19  }
0x3b7: {  	v20 =	vor.u32 v23, v20;
	v22 =	vsel vm14, $0x100, v31  }
0x3b8: {  	v23 =	vor.u32 v34, v20;
	v21 =	vor.u32 v22, v21  }
0x3b9: {  	v22 =	vor.u32 v44, v21;
	_ =	sdelay $0x3  }
0x3ba: {  	v23 =	vld.idx.msk [tilespmem:v23+s5+$0x0], $0xffff  }
0x3bb: {  	v22 =	vld.idx.msk [tilespmem:v22+s5+$0x0], $0xffff;
	_ =	sdelay $0x3  }
0x3bc: {  	vm15 =	vlt.f32 v23, v18  }
0x3bd: {  	v23 =	vsel vm15, $0x80, v31;
	vm4 =	vlt.f32 v22, v19  }
0x3be: {  	v20 =	vor.u32 v23, v20;
	v22 =	vsel vm4, $0x80, v31  }
0x3bf: {  	v23 =	vadd.s32 v35, v20;
	v21 =	vor.u32 v22, v21  }
0x3c0: {  	v22 =	vadd.s32 v45, v21;
	_ =	sdelay $0x3  }
0x3c1: {  	v23 =	vld.idx.msk [tilespmem:v23+s5+$0x0], $0xffff  }
0x3c2: {  	v22 =	vld.idx.msk [tilespmem:v22+s5+$0x0], $0xffff;
	_ =	sdelay $0x3  }
0x3c3: {  	vm5 =	vlt.f32 v23, v18  }
0x3c4: {  	v23 =	vsel vm5, $0x40, v31;
	vm6 =	vlt.f32 v22, v19  }
0x3c5: {  	v20 =	vadd.s32 v23, v20;
	v22 =	vsel vm6, $0x40, v31  }
0x3c6: {  	v23 =	vadd.s32 v37, v20;
	v21 =	vadd.s32 v22, v21  }
0x3c7: {  	v22 =	vadd.s32 v46, v21;
	_ =	sdelay $0x3  }
0x3c8: {  	v23 =	vld.idx.msk [tilespmem:v23+s5+$0x0], $0xffff  }
0x3c9: {  	v22 =	vld.idx.msk [tilespmem:v22+s5+$0x0], $0xffff;
	_ =	sdelay $0x3  }
0x3ca: {  	vm7 =	vlt.f32 v23, v18  }
0x3cb: {  	v23 =	vsel vm7, $0x20, v31;
	vm8 =	vlt.f32 v22, v19  }
0x3cc: {  	v20 =	vadd.s32 v23, v20;
	v22 =	vsel vm8, $0x20, v31  }
0x3cd: {  	v23 =	vadd.s32 v30, v20;
	v21 =	vadd.s32 v22, v21  }
0x3ce: {  	v22 =	vadd.s32 v47, v21;
	_ =	sdelay $0x3  }
0x3cf: {  	v23 =	vld.idx.msk [tilespmem:v23+s5+$0x0], $0xffff  }
0x3d0: {  	v22 =	vld.idx.msk [tilespmem:v22+s5+$0x0], $0xffff;
	_ =	sdelay $0x3  }
0x3d1: {  	vm9 =	vlt.f32 v23, v18  }
0x3d2: {  	v23 =	vsel vm9, $0x10, v31;
	vm10 =	vlt.f32 v22, v19  }
0x3d3: {  	v20 =	vadd.s32 v23, v20;
	v22 =	vsel vm10, $0x10, v31  }
0x3d4: {  	v20 =	vmax.u32 v20, $0x10;
	v21 =	vadd.s32 v22, v21  }
0x3d5: {  	v20 =	vsub.s32 v20, v38;
	v21 =	vmax.u32 v21, $0x10  }
0x3d6: {  	v20 =	vshrl.u32 v20, $0x1;
	v21 =	vsub.s32 v21, v38  }
0x3d7: {  	v22 =	vadd.s32 v41, v20;
	v21 =	vshrl.u32 v21, $0x1  }
0x3d8: {  	v23 =	vadd.s32 v51, v21  }
0x3d9: {  	v24 =	vadd.s32 v40, v20  }
0x3da: {  	v25 =	vadd.s32 v50, v21;
	_ =	sdelay $0x1  }
0x3db: {  	v22 =	vld.idx.msk [tilespmem:v22+s12+$0x0], $0xffff  }
0x3dc: {  	v26 =	vadd.s32 v39, v20;
	v23 =	vld.idx.msk [tilespmem:v23+s12+$0x0], $0xffff  }
0x3dd: {  	v27 =	vadd.s32 v49, v21;
	v24 =	vld.idx.msk [tilespmem:v24+s12+$0x0], $0xffff  }
0x3de: {  	v25 =	vld.idx.msk [tilespmem:v25+s12+$0x0], $0xffff;
	_ =	sdelay $0x1  }
0x3df: {  	v20 =	vadd.s32 v36, v20  }
0x3e0: {  	v21 =	vadd.s32 v48, v21;
	v26 =	vld.idx.msk [tilespmem:v26+s12+$0x0], $0xffff;
	v22 =	vmul.f32 v22, v18;
	v23 =	vmul.f32 v23, v19  }
0x3e1: {  	v27 =	vld.idx.msk [tilespmem:v27+s12+$0x0], $0xffff  }
0x3e2: {  	v22 =	vadd.f32 v22, v24;
	v23 =	vadd.f32 v23, v25;
	_ =	sdelay $0x1  }
0x3e3: {  	v20 =	vld.idx.msk [tilespmem:v20+s12+$0x0], $0xffff;
	v22 =	vmul.f32 v22, v18;
	v23 =	vmul.f32 v23, v19  }
0x3e4: {  	v21 =	vld.idx.msk [tilespmem:v21+s12+$0x0], $0xffff  }
0x3e5: {  	v22 =	vadd.f32 v22, v26;
	v23 =	vadd.f32 v23, v27;
	_ =	sdelay $0x1  }
0x3e6: {  	v18 =	vmul.f32 v22, v18;
	v19 =	vmul.f32 v23, v19;
	_ =	sdelay $0x1  }
0x3e7: {  	v18 =	vadd.f32 v18, v20;
	v19 =	vadd.f32 v19, v21;
	_ =	sdelay $0x1  }
0x3e8: {  	v18 =	vmul.f32 v19, v18;
	_ =	sdelay $0x1  }
0x3e9: {  	[tilespmem:s26+$0x1A820] =	vst v18  }
0x3ea: {  	v18 =	vld [tilespmem:s25+$0xFFFFFFB0];
	_ =	sdelay $0x1  }
0x3eb: {  	v19 =	vld [tilespmem:s25+$0x30];
	_ =	sdelay $0x2  }
0x3ec: {  	vm11 =	vlt.f32 v52, v18  }
0x3ed: {  	v25 =	vsel vm11, v54, v53  }
0x3ee: {  	vm14 =	vlt.f32 v3, v19;
	vm12 =	vlt.f32 v25, v18  }
0x3ef: {  	v22 =	vsel vm14, v5, v4;
	v20 =	vsel vm12, v57, v55;
	v26 =	vsel vm12, v58, v56  }
0x3f0: {  	v24 =	vsel vm11, $0x2000, v31;
	vm15 =	vlt.f32 v22, v19;
	v20 =	vsel vm11, v26, v20  }
0x3f1: {  	v25 =	vsel vm12, $0x1000, v31;
	v26 =	vsel vm15, v9, v7;
	vm13 =	vlt.f32 v20, v18  }
0x3f2: {  	v20 =	vor.u32 v24, v25;
	v25 =	vsel vm15, v8, v6;
	v21 =	vsel vm13, v63, v59  }
0x3f3: {  	v23 =	vsel vm13, v0, v60;
	v24 =	vsel vm13, v1, v61;
	v22 =	vsel vm13, v2, v62  }
0x3f4: {  	v21 =	vsel vm12, v24, v21;
	v22 =	vsel vm12, v22, v23;
	v23 =	vsel vm14, v26, v25  }
0x3f5: {  	v24 =	vsel vm13, $0x800, v31;
	v21 =	vsel vm11, v22, v21;
	vm8 =	vlt.f32 v23, v19  }
0x3f6: {  	v20 =	vor.u32 v24, v20;
	vm9 =	vlt.f32 v21, v18;
	v21 =	vsel vm8, v14, v10  }
0x3f7: {  	v22 =	vsel vm8, v15, v11;
	v23 =	vsel vm8, v16, v12;
	v24 =	vsel vm8, v17, v13  }
0x3f8: {  	v25 =	vsel vm9, $0x400, v31;
	v21 =	vsel vm15, v23, v21;
	v22 =	vsel vm15, v24, v22  }
0x3f9: {  	v23 =	vsel vm14, $0x2000, v31;
	v24 =	vsel vm15, $0x1000, v31;
	v21 =	vsel vm14, v22, v21  }
0x3fa: {  	v26 =	vor.u32 v23, v24;
	v24 =	vsel vm8, $0x800, v31;
	vm10 =	vlt.f32 v21, v19  }
0x3fb: {  	v20 =	vor.u32 v25, v20;
	v25 =	vor.u32 v24, v26;
	v26 =	vsel vm10, $0x400, v31  }
0x3fc: {  	v24 =	vor.u32 v32, v20;
	v21 =	vor.u32 v26, v25  }
0x3fd: {  	v22 =	vor.u32 v42, v21;
	_ =	sdelay $0x3  }
0x3fe: {  	v23 =	vld.idx.msk [tilespmem:v24+s5+$0x0], $0xffff  }
0x3ff: {  	v22 =	vld.idx.msk [tilespmem:v22+s5+$0x0], $0xffff;
	_ =	sdelay $0x3  }
0x400: {  	vm11 =	vlt.f32 v23, v18  }
0x401: {  	v23 =	vsel vm11, $0x200, v31;
	vm12 =	vlt.f32 v22, v19  }
0x402: {  	v20 =	vor.u32 v23, v20;
	v22 =	vsel vm12, $0x200, v31  }
0x403: {  	v23 =	vor.u32 v33, v20;
	v21 =	vor.u32 v21, v22  }
0x404: {  	v22 =	vor.u32 v43, v21;
	_ =	sdelay $0x3  }
0x405: {  	v23 =	vld.idx.msk [tilespmem:v23+s5+$0x0], $0xffff  }
0x406: {  	v22 =	vld.idx.msk [tilespmem:v22+s5+$0x0], $0xffff;
	_ =	sdelay $0x3  }
0x407: {  	vm13 =	vlt.f32 v23, v18  }
0x408: {  	v23 =	vsel vm13, $0x100, v31;
	vm14 =	vlt.f32 v22, v19  }
0x409: {  	v20 =	vor.u32 v23, v20;
	v22 =	vsel vm14, $0x100, v31  }
0x40a: {  	v23 =	vor.u32 v34, v20;
	v21 =	vor.u32 v22, v21  }
0x40b: {  	v22 =	vor.u32 v44, v21;
	_ =	sdelay $0x3  }
0x40c: {  	v23 =	vld.idx.msk [tilespmem:v23+s5+$0x0], $0xffff  }
0x40d: {  	v22 =	vld.idx.msk [tilespmem:v22+s5+$0x0], $0xffff;
	_ =	sdelay $0x3  }
0x40e: {  	vm15 =	vlt.f32 v23, v18  }
0x40f: {  	v23 =	vsel vm15, $0x80, v31;
	vm4 =	vlt.f32 v22, v19  }
0x410: {  	v20 =	vor.u32 v23, v20;
	v22 =	vsel vm4, $0x80, v31  }
0x411: {  	v23 =	vadd.s32 v35, v20;
	v21 =	vor.u32 v22, v21  }
0x412: {  	v22 =	vadd.s32 v45, v21;
	_ =	sdelay $0x3  }
0x413: {  	v23 =	vld.idx.msk [tilespmem:v23+s5+$0x0], $0xffff  }
0x414: {  	v22 =	vld.idx.msk [tilespmem:v22+s5+$0x0], $0xffff;
	_ =	sdelay $0x3  }
0x415: {  	vm5 =	vlt.f32 v23, v18  }
0x416: {  	v23 =	vsel vm5, $0x40, v31;
	vm6 =	vlt.f32 v22, v19  }
0x417: {  	v20 =	vadd.s32 v23, v20;
	v22 =	vsel vm6, $0x40, v31  }
0x418: {  	v23 =	vadd.s32 v37, v20;
	v21 =	vadd.s32 v22, v21  }
0x419: {  	v22 =	vadd.s32 v46, v21;
	_ =	sdelay $0x3  }
0x41a: {  	v23 =	vld.idx.msk [tilespmem:v23+s5+$0x0], $0xffff  }
0x41b: {  	v22 =	vld.idx.msk [tilespmem:v22+s5+$0x0], $0xffff;
	_ =	sdelay $0x3  }
0x41c: {  	vm7 =	vlt.f32 v23, v18  }
0x41d: {  	v23 =	vsel vm7, $0x20, v31;
	vm8 =	vlt.f32 v22, v19  }
0x41e: {  	v20 =	vadd.s32 v23, v20;
	v22 =	vsel vm8, $0x20, v31  }
0x41f: {  	v23 =	vadd.s32 v30, v20;
	v21 =	vadd.s32 v22, v21  }
0x420: {  	v22 =	vadd.s32 v47, v21;
	_ =	sdelay $0x3  }
0x421: {  	v23 =	vld.idx.msk [tilespmem:v23+s5+$0x0], $0xffff  }
0x422: {  	v22 =	vld.idx.msk [tilespmem:v22+s5+$0x0], $0xffff;
	_ =	sdelay $0x3  }
0x423: {  	vm9 =	vlt.f32 v23, v18  }
0x424: {  	v23 =	vsel vm9, $0x10, v31;
	vm10 =	vlt.f32 v22, v19  }
0x425: {  	v20 =	vadd.s32 v23, v20;
	v22 =	vsel vm10, $0x10, v31  }
0x426: {  	v20 =	vmax.u32 v20, $0x10;
	v21 =	vadd.s32 v22, v21  }
0x427: {  	v20 =	vsub.s32 v20, v38;
	v21 =	vmax.u32 v21, $0x10  }
0x428: {  	v20 =	vshrl.u32 v20, $0x1;
	v21 =	vsub.s32 v21, v38  }
0x429: {  	v22 =	vadd.s32 v41, v20;
	v21 =	vshrl.u32 v21, $0x1  }
0x42a: {  	v23 =	vadd.s32 v51, v21  }
0x42b: {  	v24 =	vadd.s32 v40, v20  }
0x42c: {  	v25 =	vadd.s32 v50, v21;
	_ =	sdelay $0x1  }
0x42d: {  	v22 =	vld.idx.msk [tilespmem:v22+s12+$0x0], $0xffff  }
0x42e: {  	v26 =	vadd.s32 v39, v20;
	v23 =	vld.idx.msk [tilespmem:v23+s12+$0x0], $0xffff  }
0x42f: {  	v27 =	vadd.s32 v49, v21;
	v24 =	vld.idx.msk [tilespmem:v24+s12+$0x0], $0xffff  }
0x430: {  	v25 =	vld.idx.msk [tilespmem:v25+s12+$0x0], $0xffff;
	_ =	sdelay $0x1  }
0x431: {  	v20 =	vadd.s32 v36, v20  }
0x432: {  	v21 =	vadd.s32 v48, v21;
	v26 =	vld.idx.msk [tilespmem:v26+s12+$0x0], $0xffff;
	v22 =	vmul.f32 v22, v18;
	v23 =	vmul.f32 v23, v19  }
0x433: {  	v27 =	vld.idx.msk [tilespmem:v27+s12+$0x0], $0xffff  }
0x434: {  	v22 =	vadd.f32 v22, v24;
	v23 =	vadd.f32 v23, v25;
	_ =	sdelay $0x1  }
0x435: {  	v20 =	vld.idx.msk [tilespmem:v20+s12+$0x0], $0xffff;
	v22 =	vmul.f32 v22, v18;
	v23 =	vmul.f32 v23, v19  }
0x436: {  	v21 =	vld.idx.msk [tilespmem:v21+s12+$0x0], $0xffff  }
0x437: {  	v22 =	vadd.f32 v22, v26;
	v23 =	vadd.f32 v23, v27;
	_ =	sdelay $0x1  }
0x438: {  	v18 =	vmul.f32 v22, v18;
	v19 =	vmul.f32 v23, v19;
	_ =	sdelay $0x1  }
0x439: {  	v18 =	vadd.f32 v18, v20;
	v19 =	vadd.f32 v19, v21;
	_ =	sdelay $0x1  }
0x43a: {  	v18 =	vmul.f32 v19, v18;
	_ =	sdelay $0x1  }
0x43b: {  	[tilespmem:s26+$0x1A830] =	vst v18  }
0x43c: {  	v18 =	vld [tilespmem:s25+$0xFFFFFFC0];
	_ =	sdelay $0x1  }
0x43d: {  	v19 =	vld [tilespmem:s25+$0x40];
	_ =	sdelay $0x2  }
0x43e: {  	vm11 =	vlt.f32 v52, v18  }
0x43f: {  	v25 =	vsel vm11, v54, v53  }
0x440: {  	vm14 =	vlt.f32 v3, v19;
	vm12 =	vlt.f32 v25, v18  }
0x441: {  	v22 =	vsel vm14, v5, v4;
	v20 =	vsel vm12, v57, v55;
	v26 =	vsel vm12, v58, v56  }
0x442: {  	v24 =	vsel vm11, $0x2000, v31;
	vm15 =	vlt.f32 v22, v19;
	v20 =	vsel vm11, v26, v20  }
0x443: {  	v25 =	vsel vm12, $0x1000, v31;
	v26 =	vsel vm15, v9, v7;
	vm13 =	vlt.f32 v20, v18  }
0x444: {  	v20 =	vor.u32 v24, v25;
	v25 =	vsel vm15, v8, v6;
	v21 =	vsel vm13, v63, v59  }
0x445: {  	v23 =	vsel vm13, v0, v60;
	v24 =	vsel vm13, v1, v61;
	v22 =	vsel vm13, v2, v62  }
0x446: {  	v21 =	vsel vm12, v24, v21;
	v22 =	vsel vm12, v22, v23;
	v23 =	vsel vm14, v26, v25  }
0x447: {  	v24 =	vsel vm13, $0x800, v31;
	v21 =	vsel vm11, v22, v21;
	vm8 =	vlt.f32 v23, v19  }
0x448: {  	v20 =	vor.u32 v24, v20;
	vm9 =	vlt.f32 v21, v18;
	v21 =	vsel vm8, v14, v10  }
0x449: {  	v22 =	vsel vm8, v15, v11;
	v23 =	vsel vm8, v16, v12;
	v24 =	vsel vm8, v17, v13  }
0x44a: {  	v25 =	vsel vm9, $0x400, v31;
	v21 =	vsel vm15, v23, v21;
	v22 =	vsel vm15, v24, v22  }
0x44b: {  	v23 =	vsel vm14, $0x2000, v31;
	v24 =	vsel vm15, $0x1000, v31;
	v21 =	vsel vm14, v22, v21  }
0x44c: {  	v26 =	vor.u32 v23, v24;
	v24 =	vsel vm8, $0x800, v31;
	vm10 =	vlt.f32 v21, v19  }
0x44d: {  	v20 =	vor.u32 v25, v20;
	v26 =	vor.u32 v24, v26;
	v24 =	vsel vm10, $0x400, v31  }
0x44e: {  	v25 =	vor.u32 v32, v20;
	v21 =	vor.u32 v24, v26  }
0x44f: {  	v22 =	vor.u32 v42, v21;
	_ =	sdelay $0x3  }
0x450: {  	v23 =	vld.idx.msk [tilespmem:v25+s5+$0x0], $0xffff  }
0x451: {  	v22 =	vld.idx.msk [tilespmem:v22+s5+$0x0], $0xffff;
	_ =	sdelay $0x3  }
0x452: {  	vm11 =	vlt.f32 v23, v18  }
0x453: {  	v23 =	vsel vm11, $0x200, v31;
	vm12 =	vlt.f32 v22, v19  }
0x454: {  	v20 =	vor.u32 v23, v20;
	v22 =	vsel vm12, $0x200, v31  }
0x455: {  	v23 =	vor.u32 v33, v20;
	v21 =	vor.u32 v21, v22  }
0x456: {  	v22 =	vor.u32 v43, v21;
	_ =	sdelay $0x3  }
0x457: {  	v23 =	vld.idx.msk [tilespmem:v23+s5+$0x0], $0xffff  }
0x458: {  	v22 =	vld.idx.msk [tilespmem:v22+s5+$0x0], $0xffff;
	_ =	sdelay $0x3  }
0x459: {  	vm13 =	vlt.f32 v23, v18  }
0x45a: {  	v23 =	vsel vm13, $0x100, v31;
	vm14 =	vlt.f32 v22, v19  }
0x45b: {  	v20 =	vor.u32 v23, v20;
	v22 =	vsel vm14, $0x100, v31  }
0x45c: {  	v23 =	vor.u32 v34, v20;
	v21 =	vor.u32 v22, v21  }
0x45d: {  	v22 =	vor.u32 v44, v21;
	_ =	sdelay $0x3  }
0x45e: {  	v23 =	vld.idx.msk [tilespmem:v23+s5+$0x0], $0xffff  }
0x45f: {  	v22 =	vld.idx.msk [tilespmem:v22+s5+$0x0], $0xffff;
	_ =	sdelay $0x3  }
0x460: {  	vm15 =	vlt.f32 v23, v18  }
0x461: {  	v23 =	vsel vm15, $0x80, v31;
	vm4 =	vlt.f32 v22, v19  }
0x462: {  	v20 =	vor.u32 v23, v20;
	v22 =	vsel vm4, $0x80, v31  }
0x463: {  	v23 =	vadd.s32 v35, v20;
	v21 =	vor.u32 v22, v21  }
0x464: {  	v22 =	vadd.s32 v45, v21;
	_ =	sdelay $0x3  }
0x465: {  	v23 =	vld.idx.msk [tilespmem:v23+s5+$0x0], $0xffff  }
0x466: {  	v22 =	vld.idx.msk [tilespmem:v22+s5+$0x0], $0xffff;
	_ =	sdelay $0x3  }
0x467: {  	vm5 =	vlt.f32 v23, v18  }
0x468: {  	v23 =	vsel vm5, $0x40, v31;
	vm6 =	vlt.f32 v22, v19  }
0x469: {  	v20 =	vadd.s32 v23, v20;
	v22 =	vsel vm6, $0x40, v31  }
0x46a: {  	v23 =	vadd.s32 v37, v20;
	v21 =	vadd.s32 v22, v21  }
0x46b: {  	v22 =	vadd.s32 v46, v21;
	_ =	sdelay $0x3  }
0x46c: {  	v23 =	vld.idx.msk [tilespmem:v23+s5+$0x0], $0xffff  }
0x46d: {  	v22 =	vld.idx.msk [tilespmem:v22+s5+$0x0], $0xffff;
	_ =	sdelay $0x3  }
0x46e: {  	vm7 =	vlt.f32 v23, v18  }
0x46f: {  	v23 =	vsel vm7, $0x20, v31;
	vm8 =	vlt.f32 v22, v19  }
0x470: {  	v20 =	vadd.s32 v23, v20;
	v22 =	vsel vm8, $0x20, v31  }
0x471: {  	v23 =	vadd.s32 v30, v20;
	v21 =	vadd.s32 v22, v21  }
0x472: {  	v22 =	vadd.s32 v47, v21;
	_ =	sdelay $0x3  }
0x473: {  	v23 =	vld.idx.msk [tilespmem:v23+s5+$0x0], $0xffff  }
0x474: {  	v22 =	vld.idx.msk [tilespmem:v22+s5+$0x0], $0xffff;
	_ =	sdelay $0x3  }
0x475: {  	vm9 =	vlt.f32 v23, v18  }
0x476: {  	v23 =	vsel vm9, $0x10, v31;
	vm10 =	vlt.f32 v22, v19  }
0x477: {  	v20 =	vadd.s32 v23, v20;
	v22 =	vsel vm10, $0x10, v31  }
0x478: {  	v20 =	vmax.u32 v20, $0x10;
	v21 =	vadd.s32 v22, v21  }
0x479: {  	v20 =	vsub.s32 v20, v38;
	v21 =	vmax.u32 v21, $0x10  }
0x47a: {  	v20 =	vshrl.u32 v20, $0x1;
	v21 =	vsub.s32 v21, v38  }
0x47b: {  	v22 =	vadd.s32 v41, v20;
	v21 =	vshrl.u32 v21, $0x1  }
0x47c: {  	v23 =	vadd.s32 v51, v21  }
0x47d: {  	v24 =	vadd.s32 v40, v20  }
0x47e: {  	v25 =	vadd.s32 v50, v21;
	_ =	sdelay $0x1  }
0x47f: {  	v22 =	vld.idx.msk [tilespmem:v22+s12+$0x0], $0xffff  }
0x480: {  	v26 =	vadd.s32 v39, v20;
	v23 =	vld.idx.msk [tilespmem:v23+s12+$0x0], $0xffff  }
0x481: {  	v27 =	vadd.s32 v49, v21;
	v24 =	vld.idx.msk [tilespmem:v24+s12+$0x0], $0xffff  }
0x482: {  	v25 =	vld.idx.msk [tilespmem:v25+s12+$0x0], $0xffff;
	_ =	sdelay $0x1  }
0x483: {  	v20 =	vadd.s32 v36, v20  }
0x484: {  	v21 =	vadd.s32 v48, v21;
	v26 =	vld.idx.msk [tilespmem:v26+s12+$0x0], $0xffff;
	v22 =	vmul.f32 v22, v18;
	v23 =	vmul.f32 v23, v19  }
0x485: {  	v27 =	vld.idx.msk [tilespmem:v27+s12+$0x0], $0xffff  }
0x486: {  	v22 =	vadd.f32 v22, v24;
	v23 =	vadd.f32 v23, v25;
	_ =	sdelay $0x1  }
0x487: {  	v20 =	vld.idx.msk [tilespmem:v20+s12+$0x0], $0xffff;
	v22 =	vmul.f32 v22, v18;
	v23 =	vmul.f32 v23, v19  }
0x488: {  	v21 =	vld.idx.msk [tilespmem:v21+s12+$0x0], $0xffff  }
0x489: {  	v22 =	vadd.f32 v22, v26;
	v23 =	vadd.f32 v23, v27;
	_ =	sdelay $0x1  }
0x48a: {  	v18 =	vmul.f32 v22, v18;
	v19 =	vmul.f32 v23, v19;
	_ =	sdelay $0x1  }
0x48b: {  	v18 =	vadd.f32 v18, v20;
	v19 =	vadd.f32 v19, v21;
	_ =	sdelay $0x1  }
0x48c: {  	v18 =	vmul.f32 v19, v18;
	_ =	sdelay $0x1  }
0x48d: {  	[tilespmem:s26+$0x1A840] =	vst v18  }
0x48e: {  	v18 =	vld [tilespmem:s25+$0xFFFFFFD0];
	_ =	sdelay $0x1  }
0x48f: {  	v19 =	vld [tilespmem:s25+$0x50];
	_ =	sdelay $0x2  }
0x490: {  	vm11 =	vlt.f32 v52, v18  }
0x491: {  	v26 =	vsel vm11, v54, v53  }
0x492: {  	vm14 =	vlt.f32 v3, v19;
	vm12 =	vlt.f32 v26, v18  }
0x493: {  	v25 =	vsel vm11, $0x2000, v31;
	v20 =	vsel vm12, v57, v55;
	v24 =	vsel vm12, v58, v56  }
0x494: {  	v22 =	vsel vm14, v5, v4;
	v26 =	vsel vm12, $0x1000, v31;
	v20 =	vsel vm11, v24, v20  }
0x495: {  	vm15 =	vlt.f32 v22, v19;
	vm13 =	vlt.f32 v20, v18;
	v20 =	vor.u32 v25, v26  }
0x496: {  	v25 =	vsel vm15, v8, v6;
	v26 =	vsel vm15, v9, v7;
	v21 =	vsel vm13, v63, v59  }
0x497: {  	v23 =	vsel vm13, v0, v60;
	v24 =	vsel vm13, v1, v61;
	v22 =	vsel vm13, v2, v62  }
0x498: {  	v21 =	vsel vm12, v24, v21;
	v22 =	vsel vm12, v22, v23;
	v23 =	vsel vm14, v26, v25  }
0x499: {  	v24 =	vsel vm13, $0x800, v31;
	v21 =	vsel vm11, v22, v21;
	vm8 =	vlt.f32 v23, v19  }
0x49a: {  	v20 =	vor.u32 v24, v20;
	vm9 =	vlt.f32 v21, v18;
	v21 =	vsel vm8, v14, v10  }
0x49b: {  	v22 =	vsel vm8, v15, v11;
	v23 =	vsel vm8, v16, v12;
	v24 =	vsel vm8, v17, v13  }
0x49c: {  	v26 =	vsel vm8, $0x800, v31;
	v21 =	vsel vm15, v23, v21;
	v22 =	vsel vm15, v24, v22  }
0x49d: {  	v23 =	vsel vm14, $0x2000, v31;
	v24 =	vsel vm15, $0x1000, v31;
	v21 =	vsel vm14, v22, v21  }
0x49e: {  	v25 =	vsel vm9, $0x400, v31;
	v24 =	vor.u32 v23, v24;
	vm10 =	vlt.f32 v21, v19  }
0x49f: {  	v20 =	vor.u32 v25, v20;
	v24 =	vor.u32 v26, v24;
	v25 =	vsel vm10, $0x400, v31  }
0x4a0: {  	v26 =	vor.u32 v32, v20;
	v21 =	vor.u32 v25, v24  }
0x4a1: {  	v22 =	vor.u32 v42, v21;
	_ =	sdelay $0x3  }
0x4a2: {  	v23 =	vld.idx.msk [tilespmem:v26+s5+$0x0], $0xffff  }
0x4a3: {  	v22 =	vld.idx.msk [tilespmem:v22+s5+$0x0], $0xffff;
	_ =	sdelay $0x3  }
0x4a4: {  	vm11 =	vlt.f32 v23, v18  }
0x4a5: {  	v23 =	vsel vm11, $0x200, v31;
	vm12 =	vlt.f32 v22, v19  }
0x4a6: {  	v20 =	vor.u32 v23, v20;
	v22 =	vsel vm12, $0x200, v31  }
0x4a7: {  	v23 =	vor.u32 v33, v20;
	v21 =	vor.u32 v21, v22  }
0x4a8: {  	v22 =	vor.u32 v43, v21;
	_ =	sdelay $0x3  }
0x4a9: {  	v23 =	vld.idx.msk [tilespmem:v23+s5+$0x0], $0xffff  }
0x4aa: {  	v22 =	vld.idx.msk [tilespmem:v22+s5+$0x0], $0xffff;
	_ =	sdelay $0x3  }
0x4ab: {  	vm13 =	vlt.f32 v23, v18  }
0x4ac: {  	v23 =	vsel vm13, $0x100, v31;
	vm14 =	vlt.f32 v22, v19  }
0x4ad: {  	v20 =	vor.u32 v23, v20;
	v22 =	vsel vm14, $0x100, v31  }
0x4ae: {  	v23 =	vor.u32 v34, v20;
	v21 =	vor.u32 v22, v21  }
0x4af: {  	v22 =	vor.u32 v44, v21;
	_ =	sdelay $0x3  }
0x4b0: {  	v23 =	vld.idx.msk [tilespmem:v23+s5+$0x0], $0xffff  }
0x4b1: {  	v22 =	vld.idx.msk [tilespmem:v22+s5+$0x0], $0xffff;
	_ =	sdelay $0x3  }
0x4b2: {  	vm15 =	vlt.f32 v23, v18  }
0x4b3: {  	v23 =	vsel vm15, $0x80, v31;
	vm4 =	vlt.f32 v22, v19  }
0x4b4: {  	v20 =	vor.u32 v23, v20;
	v22 =	vsel vm4, $0x80, v31  }
0x4b5: {  	v23 =	vadd.s32 v35, v20;
	v21 =	vor.u32 v22, v21  }
0x4b6: {  	v22 =	vadd.s32 v45, v21;
	_ =	sdelay $0x3  }
0x4b7: {  	v23 =	vld.idx.msk [tilespmem:v23+s5+$0x0], $0xffff  }
0x4b8: {  	v22 =	vld.idx.msk [tilespmem:v22+s5+$0x0], $0xffff;
	_ =	sdelay $0x3  }
0x4b9: {  	vm5 =	vlt.f32 v23, v18  }
0x4ba: {  	v23 =	vsel vm5, $0x40, v31;
	vm6 =	vlt.f32 v22, v19  }
0x4bb: {  	v20 =	vadd.s32 v23, v20;
	v22 =	vsel vm6, $0x40, v31  }
0x4bc: {  	v23 =	vadd.s32 v37, v20;
	v21 =	vadd.s32 v22, v21  }
0x4bd: {  	v22 =	vadd.s32 v46, v21;
	_ =	sdelay $0x3  }
0x4be: {  	v23 =	vld.idx.msk [tilespmem:v23+s5+$0x0], $0xffff  }
0x4bf: {  	v22 =	vld.idx.msk [tilespmem:v22+s5+$0x0], $0xffff;
	_ =	sdelay $0x3  }
0x4c0: {  	vm7 =	vlt.f32 v23, v18  }
0x4c1: {  	v23 =	vsel vm7, $0x20, v31;
	vm8 =	vlt.f32 v22, v19  }
0x4c2: {  	v20 =	vadd.s32 v23, v20;
	v22 =	vsel vm8, $0x20, v31  }
0x4c3: {  	v23 =	vadd.s32 v30, v20;
	v21 =	vadd.s32 v22, v21  }
0x4c4: {  	v22 =	vadd.s32 v47, v21;
	_ =	sdelay $0x3  }
0x4c5: {  	v23 =	vld.idx.msk [tilespmem:v23+s5+$0x0], $0xffff  }
0x4c6: {  	v22 =	vld.idx.msk [tilespmem:v22+s5+$0x0], $0xffff;
	_ =	sdelay $0x3  }
0x4c7: {  	vm9 =	vlt.f32 v23, v18  }
0x4c8: {  	v23 =	vsel vm9, $0x10, v31;
	vm10 =	vlt.f32 v22, v19  }
0x4c9: {  	v20 =	vadd.s32 v23, v20;
	v22 =	vsel vm10, $0x10, v31  }
0x4ca: {  	v20 =	vmax.u32 v20, $0x10;
	v21 =	vadd.s32 v22, v21  }
0x4cb: {  	v20 =	vsub.s32 v20, v38;
	v21 =	vmax.u32 v21, $0x10  }
0x4cc: {  	v20 =	vshrl.u32 v20, $0x1;
	v21 =	vsub.s32 v21, v38  }
0x4cd: {  	v22 =	vadd.s32 v41, v20;
	v21 =	vshrl.u32 v21, $0x1  }
0x4ce: {  	v23 =	vadd.s32 v51, v21  }
0x4cf: {  	v24 =	vadd.s32 v40, v20  }
0x4d0: {  	v25 =	vadd.s32 v50, v21;
	_ =	sdelay $0x1  }
0x4d1: {  	v22 =	vld.idx.msk [tilespmem:v22+s12+$0x0], $0xffff  }
0x4d2: {  	v26 =	vadd.s32 v39, v20;
	v23 =	vld.idx.msk [tilespmem:v23+s12+$0x0], $0xffff  }
0x4d3: {  	v27 =	vadd.s32 v49, v21;
	v24 =	vld.idx.msk [tilespmem:v24+s12+$0x0], $0xffff  }
0x4d4: {  	v25 =	vld.idx.msk [tilespmem:v25+s12+$0x0], $0xffff;
	_ =	sdelay $0x1  }
0x4d5: {  	v20 =	vadd.s32 v36, v20  }
0x4d6: {  	v21 =	vadd.s32 v48, v21;
	v26 =	vld.idx.msk [tilespmem:v26+s12+$0x0], $0xffff;
	v22 =	vmul.f32 v22, v18;
	v23 =	vmul.f32 v23, v19  }
0x4d7: {  	v27 =	vld.idx.msk [tilespmem:v27+s12+$0x0], $0xffff  }
0x4d8: {  	v22 =	vadd.f32 v22, v24;
	v23 =	vadd.f32 v23, v25;
	_ =	sdelay $0x1  }
0x4d9: {  	v20 =	vld.idx.msk [tilespmem:v20+s12+$0x0], $0xffff;
	v22 =	vmul.f32 v22, v18;
	v23 =	vmul.f32 v23, v19  }
0x4da: {  	v21 =	vld.idx.msk [tilespmem:v21+s12+$0x0], $0xffff  }
0x4db: {  	v22 =	vadd.f32 v22, v26;
	v23 =	vadd.f32 v23, v27;
	_ =	sdelay $0x1  }
0x4dc: {  	v18 =	vmul.f32 v22, v18;
	v19 =	vmul.f32 v23, v19;
	_ =	sdelay $0x1  }
0x4dd: {  	v18 =	vadd.f32 v18, v20;
	v19 =	vadd.f32 v19, v21;
	_ =	sdelay $0x1  }
0x4de: {  	v18 =	vmul.f32 v19, v18;
	_ =	sdelay $0x1  }
0x4df: {  	[tilespmem:s26+$0x1A850] =	vst v18  }
0x4e0: {  	v18 =	vld [tilespmem:s25+$0xFFFFFFE0];
	_ =	sdelay $0x1  }
0x4e1: {  	v19 =	vld [tilespmem:s25+$0x60];
	_ =	sdelay $0x2  }
0x4e2: {  	vm11 =	vlt.f32 v52, v18  }
0x4e3: {  	v24 =	vsel vm11, v54, v53  }
0x4e4: {  	vm14 =	vlt.f32 v3, v19;
	vm12 =	vlt.f32 v24, v18  }
0x4e5: {  	v24 =	vsel vm14, v5, v4;
	v20 =	vsel vm12, v57, v55;
	v25 =	vsel vm12, v58, v56  }
0x4e6: {  	v22 =	vsel vm11, $0x2000, v31;
	vm15 =	vlt.f32 v24, v19;
	v20 =	vsel vm11, v25, v20  }
0x4e7: {  	v21 =	vsel vm12, $0x1000, v31;
	v24 =	vsel vm15, v8, v6;
	vm13 =	vlt.f32 v20, v18  }
0x4e8: {  	v20 =	vsel vm13, v63, v59;
	v23 =	vsel vm13, v0, v60;
	v25 =	vsel vm13, v1, v61  }
0x4e9: {  	v26 =	vsel vm13, v2, v62;
	v20 =	vsel vm12, v25, v20;
	v25 =	vsel vm15, v9, v7  }
0x4ea: {  	v21 =	vor.u32 v22, v21;
	v23 =	vsel vm12, v26, v23;
	v22 =	vsel vm14, v25, v24  }
0x4eb: {  	v24 =	vsel vm13, $0x800, v31;
	v20 =	vsel vm11, v23, v20;
	vm6 =	vlt.f32 v22, v19  }
0x4ec: {  	v21 =	vor.u32 v24, v21;
	vm7 =	vlt.f32 v20, v18;
	v20 =	vsel vm6, v14, v10  }
0x4ed: {  	v22 =	vsel vm6, v15, v11;
	v23 =	vsel vm6, v16, v12;
	v24 =	vsel vm6, v17, v13  }
0x4ee: {  	v25 =	vsel vm7, $0x400, v31;
	v20 =	vsel vm15, v23, v20;
	v22 =	vsel vm15, v24, v22  }
0x4ef: {  	v23 =	vsel vm14, $0x2000, v31;
	v24 =	vsel vm15, $0x1000, v31;
	v20 =	vsel vm14, v22, v20  }
0x4f0: {  	v26 =	vor.u32 v23, v24;
	v24 =	vsel vm6, $0x800, v31;
	vm8 =	vlt.f32 v20, v19  }
0x4f1: {  	v20 =	vor.u32 v25, v21;
	v25 =	vor.u32 v24, v26;
	v26 =	vsel vm8, $0x400, v31  }
0x4f2: {  	v24 =	vor.u32 v32, v20;
	v21 =	vor.u32 v26, v25  }
0x4f3: {  	v22 =	vor.u32 v42, v21;
	_ =	sdelay $0x3  }
0x4f4: {  	v23 =	vld.idx.msk [tilespmem:v24+s5+$0x0], $0xffff  }
0x4f5: {  	v22 =	vld.idx.msk [tilespmem:v22+s5+$0x0], $0xffff;
	_ =	sdelay $0x3  }
0x4f6: {  	vm9 =	vlt.f32 v23, v18  }
0x4f7: {  	v23 =	vsel vm9, $0x200, v31;
	vm10 =	vlt.f32 v22, v19  }
0x4f8: {  	v20 =	vor.u32 v23, v20;
	v22 =	vsel vm10, $0x200, v31  }
0x4f9: {  	v23 =	vor.u32 v33, v20;
	v21 =	vor.u32 v21, v22  }
0x4fa: {  	v22 =	vor.u32 v43, v21;
	_ =	sdelay $0x3  }
0x4fb: {  	v23 =	vld.idx.msk [tilespmem:v23+s5+$0x0], $0xffff  }
0x4fc: {  	v22 =	vld.idx.msk [tilespmem:v22+s5+$0x0], $0xffff;
	_ =	sdelay $0x3  }
0x4fd: {  	vm11 =	vlt.f32 v23, v18  }
0x4fe: {  	v23 =	vsel vm11, $0x100, v31;
	vm12 =	vlt.f32 v22, v19  }
0x4ff: {  	v20 =	vor.u32 v23, v20;
	v22 =	vsel vm12, $0x100, v31  }
0x500: {  	v23 =	vor.u32 v34, v20;
	v21 =	vor.u32 v22, v21  }
0x501: {  	v22 =	vor.u32 v44, v21;
	_ =	sdelay $0x3  }
0x502: {  	v23 =	vld.idx.msk [tilespmem:v23+s5+$0x0], $0xffff  }
0x503: {  	v22 =	vld.idx.msk [tilespmem:v22+s5+$0x0], $0xffff;
	_ =	sdelay $0x3  }
0x504: {  	vm13 =	vlt.f32 v23, v18  }
0x505: {  	v23 =	vsel vm13, $0x80, v31;
	vm14 =	vlt.f32 v22, v19  }
0x506: {  	v20 =	vor.u32 v23, v20;
	v22 =	vsel vm14, $0x80, v31  }
0x507: {  	v23 =	vadd.s32 v35, v20;
	v21 =	vor.u32 v22, v21  }
0x508: {  	v22 =	vadd.s32 v45, v21;
	_ =	sdelay $0x3  }
0x509: {  	v23 =	vld.idx.msk [tilespmem:v23+s5+$0x0], $0xffff  }
0x50a: {  	v22 =	vld.idx.msk [tilespmem:v22+s5+$0x0], $0xffff;
	_ =	sdelay $0x3  }
0x50b: {  	vm15 =	vlt.f32 v23, v18  }
0x50c: {  	v23 =	vsel vm15, $0x40, v31;
	vm4 =	vlt.f32 v22, v19  }
0x50d: {  	v20 =	vadd.s32 v23, v20;
	v22 =	vsel vm4, $0x40, v31  }
0x50e: {  	v23 =	vadd.s32 v37, v20;
	v21 =	vadd.s32 v22, v21  }
0x50f: {  	v22 =	vadd.s32 v46, v21;
	_ =	sdelay $0x3  }
0x510: {  	v23 =	vld.idx.msk [tilespmem:v23+s5+$0x0], $0xffff  }
0x511: {  	v22 =	vld.idx.msk [tilespmem:v22+s5+$0x0], $0xffff;
	_ =	sdelay $0x3  }
0x512: {  	vm5 =	vlt.f32 v23, v18  }
0x513: {  	v23 =	vsel vm5, $0x20, v31;
	vm6 =	vlt.f32 v22, v19  }
0x514: {  	v20 =	vadd.s32 v23, v20;
	v22 =	vsel vm6, $0x20, v31  }
0x515: {  	v23 =	vadd.s32 v30, v20;
	v21 =	vadd.s32 v22, v21  }
0x516: {  	v22 =	vadd.s32 v47, v21;
	_ =	sdelay $0x3  }
0x517: {  	v23 =	vld.idx.msk [tilespmem:v23+s5+$0x0], $0xffff  }
0x518: {  	v22 =	vld.idx.msk [tilespmem:v22+s5+$0x0], $0xffff;
	_ =	sdelay $0x3  }
0x519: {  	vm7 =	vlt.f32 v23, v18  }
0x51a: {  	v23 =	vsel vm7, $0x10, v31;
	vm8 =	vlt.f32 v22, v19  }
0x51b: {  	v20 =	vadd.s32 v23, v20;
	v22 =	vsel vm8, $0x10, v31  }
0x51c: {  	v20 =	vmax.u32 v20, $0x10;
	v21 =	vadd.s32 v22, v21  }
0x51d: {  	v20 =	vsub.s32 v20, v38;
	v21 =	vmax.u32 v21, $0x10  }
0x51e: {  	v20 =	vshrl.u32 v20, $0x1;
	v21 =	vsub.s32 v21, v38  }
0x51f: {  	v22 =	vadd.s32 v41, v20;
	v21 =	vshrl.u32 v21, $0x1  }
0x520: {  	v23 =	vadd.s32 v51, v21  }
0x521: {  	v24 =	vadd.s32 v40, v20  }
0x522: {  	v25 =	vadd.s32 v50, v21;
	_ =	sdelay $0x1  }
0x523: {  	v22 =	vld.idx.msk [tilespmem:v22+s12+$0x0], $0xffff  }
0x524: {  	v26 =	vadd.s32 v39, v20;
	v23 =	vld.idx.msk [tilespmem:v23+s12+$0x0], $0xffff  }
0x525: {  	v27 =	vadd.s32 v49, v21;
	v24 =	vld.idx.msk [tilespmem:v24+s12+$0x0], $0xffff  }
0x526: {  	v25 =	vld.idx.msk [tilespmem:v25+s12+$0x0], $0xffff;
	_ =	sdelay $0x1  }
0x527: {  	v20 =	vadd.s32 v36, v20  }
0x528: {  	v21 =	vadd.s32 v48, v21;
	v26 =	vld.idx.msk [tilespmem:v26+s12+$0x0], $0xffff;
	v22 =	vmul.f32 v22, v18;
	v23 =	vmul.f32 v23, v19  }
0x529: {  	v27 =	vld.idx.msk [tilespmem:v27+s12+$0x0], $0xffff  }
0x52a: {  	v22 =	vadd.f32 v22, v24;
	v23 =	vadd.f32 v23, v25;
	_ =	sdelay $0x1  }
0x52b: {  	v20 =	vld.idx.msk [tilespmem:v20+s12+$0x0], $0xffff;
	v22 =	vmul.f32 v22, v18;
	v23 =	vmul.f32 v23, v19  }
0x52c: {  	v21 =	vld.idx.msk [tilespmem:v21+s12+$0x0], $0xffff  }
0x52d: {  	v22 =	vadd.f32 v22, v26;
	v23 =	vadd.f32 v23, v27;
	_ =	sdelay $0x1  }
0x52e: {  	v18 =	vmul.f32 v22, v18;
	v19 =	vmul.f32 v23, v19;
	_ =	sdelay $0x1  }
0x52f: {  	v18 =	vadd.f32 v18, v20;
	v19 =	vadd.f32 v19, v21;
	_ =	sdelay $0x1  }
0x530: {  	v18 =	vmul.f32 v19, v18;
	_ =	sdelay $0x1  }
0x531: {  	[tilespmem:s26+$0x1A860] =	vst v18  }
0x532: {  	v18 =	vld [tilespmem:s25+$0xFFFFFFF0];
	_ =	sdelay $0x2  }
0x533: {  	v19 =	vld [tilespmem:s25+$0x70];
	_ =	sdelay $0x1  }
0x534: {  	vm9 =	vlt.f32 v52, v18  }
0x535: {  	v25 =	vsel vm9, v54, v53  }
0x536: {  	vm10 =	vlt.f32 v25, v18  }
0x537: {  	vm12 =	vlt.f32 v3, v19;
	v20 =	vsel vm10, v57, v55;
	v26 =	vsel vm10, v58, v56  }
0x538: {  	v24 =	vsel vm12, v5, v4;
	v20 =	vsel vm9, v26, v20  }
0x539: {  	vm13 =	vlt.f32 v24, v19;
	vm11 =	vlt.f32 v20, v18  }
0x53a: {  	v24 =	vsel vm13, v9, v7;
	v20 =	vsel vm10, $0x1000, v31;
	v21 =	vsel vm11, v63, v59  }
0x53b: {  	v22 =	vsel vm11, v0, v60;
	v23 =	vsel vm11, v1, v61;
	v25 =	vsel vm11, v2, v62  }
0x53c: {  	v21 =	vsel vm10, v23, v21;
	v22 =	vsel vm10, v25, v22;
	v23 =	vsel vm13, v8, v6  }
0x53d: {  	v25 =	vsel vm9, $0x2000, v31;
	v21 =	vsel vm9, v22, v21;
	v24 =	vsel vm12, v24, v23  }
0x53e: {  	v23 =	vsel vm11, $0x800, v31;
	v20 =	vor.u32 v25, v20;
	vm14 =	vlt.f32 v24, v19  }
0x53f: {  	vm0 =	vlt.f32 v21, v18;
	v20 =	vor.u32 v23, v20;
	v22 =	vsel vm14, v14, v10  }
0x540: {  	v24 =	vsel vm14, v15, v11;
	v25 =	vsel vm14, v16, v12;
	v26 =	vsel vm14, v17, v13  }
0x541: {  	v21 =	vsel vm0, $0x400, v31;
	v22 =	vsel vm13, v25, v22;
	v23 =	vsel vm13, v26, v24  }
0x542: {  	v24 =	vsel vm12, $0x2000, v31;
	v25 =	vsel vm13, $0x1000, v31;
	v22 =	vsel vm12, v23, v22  }
0x543: {  	v23 =	vor.u32 v24, v25;
	v24 =	vsel vm14, $0x800, v31;
	vm15 =	vlt.f32 v22, v19  }
0x544: {  	v20 =	vor.u32 v21, v20;
	v25 =	vor.u32 v24, v23;
	v22 =	vsel vm15, $0x400, v31  }
0x545: {  	v26 =	vor.u32 v32, v20;
	v21 =	vor.u32 v22, v25  }
0x546: {  	v22 =	vor.u32 v42, v21;
	_ =	sdelay $0x3  }
0x547: {  	v23 =	vld.idx.msk [tilespmem:v26+s5+$0x0], $0xffff  }
0x548: {  	v22 =	vld.idx.msk [tilespmem:v22+s5+$0x0], $0xffff;
	_ =	sdelay $0x3  }
0x549: {  	vm4 =	vlt.f32 v23, v18  }
0x54a: {  	v23 =	vsel vm4, $0x200, v31;
	vm5 =	vlt.f32 v22, v19  }
0x54b: {  	v20 =	vor.u32 v23, v20;
	v22 =	vsel vm5, $0x200, v31  }
0x54c: {  	v23 =	vor.u32 v33, v20;
	v21 =	vor.u32 v21, v22  }
0x54d: {  	v22 =	vor.u32 v43, v21;
	_ =	sdelay $0x3  }
0x54e: {  	v23 =	vld.idx.msk [tilespmem:v23+s5+$0x0], $0xffff  }
0x54f: {  	v22 =	vld.idx.msk [tilespmem:v22+s5+$0x0], $0xffff;
	_ =	sdelay $0x3  }
0x550: {  	vm6 =	vlt.f32 v23, v18  }
0x551: {  	v23 =	vsel vm6, $0x100, v31;
	vm7 =	vlt.f32 v22, v19  }
0x552: {  	v20 =	vor.u32 v23, v20;
	v22 =	vsel vm7, $0x100, v31  }
0x553: {  	v23 =	vor.u32 v34, v20;
	v21 =	vor.u32 v22, v21  }
0x554: {  	v22 =	vor.u32 v44, v21;
	_ =	sdelay $0x3  }
0x555: {  	v23 =	vld.idx.msk [tilespmem:v23+s5+$0x0], $0xffff  }
0x556: {  	v22 =	vld.idx.msk [tilespmem:v22+s5+$0x0], $0xffff;
	_ =	sdelay $0x3  }
0x557: {  	vm8 =	vlt.f32 v23, v18  }
0x558: {  	v23 =	vsel vm8, $0x80, v31;
	vm9 =	vlt.f32 v22, v19  }
0x559: {  	v20 =	vor.u32 v23, v20;
	v22 =	vsel vm9, $0x80, v31  }
0x55a: {  	v23 =	vadd.s32 v35, v20;
	v21 =	vor.u32 v22, v21  }
0x55b: {  	v22 =	vadd.s32 v45, v21;
	_ =	sdelay $0x3  }
0x55c: {  	v23 =	vld.idx.msk [tilespmem:v23+s5+$0x0], $0xffff  }
0x55d: {  	v22 =	vld.idx.msk [tilespmem:v22+s5+$0x0], $0xffff;
	_ =	sdelay $0x3  }
0x55e: {  	vm10 =	vlt.f32 v23, v18  }
0x55f: {  	v23 =	vsel vm10, $0x40, v31;
	vm11 =	vlt.f32 v22, v19  }
0x560: {  	v20 =	vadd.s32 v23, v20;
	v22 =	vsel vm11, $0x40, v31  }
0x561: {  	v23 =	vadd.s32 v37, v20;
	v21 =	vadd.s32 v22, v21  }
0x562: {  	v22 =	vadd.s32 v46, v21;
	_ =	sdelay $0x3  }
0x563: {  	v23 =	vld.idx.msk [tilespmem:v23+s5+$0x0], $0xffff  }
0x564: {  	v22 =	vld.idx.msk [tilespmem:v22+s5+$0x0], $0xffff;
	_ =	sdelay $0x3  }
0x565: {  	vm12 =	vlt.f32 v23, v18  }
0x566: {  	v23 =	vsel vm12, $0x20, v31;
	vm13 =	vlt.f32 v22, v19  }
0x567: {  	v20 =	vadd.s32 v23, v20;
	v22 =	vsel vm13, $0x20, v31  }
0x568: {  	v23 =	vadd.s32 v30, v20;
	v21 =	vadd.s32 v22, v21  }
0x569: {  	v22 =	vadd.s32 v47, v21;
	_ =	sdelay $0x3  }
0x56a: {  	v23 =	vld.idx.msk [tilespmem:v23+s5+$0x0], $0xffff  }
0x56b: {  	v22 =	vld.idx.msk [tilespmem:v22+s5+$0x0], $0xffff;
	_ =	sdelay $0x3  }
0x56c: {  	vm14 =	vlt.f32 v23, v18  }
0x56d: {  	v23 =	vsel vm14, $0x10, v31;
	vm15 =	vlt.f32 v22, v19  }
0x56e: {  	v20 =	vadd.s32 v23, v20;
	v22 =	vsel vm15, $0x10, v31  }
0x56f: {  	v20 =	vmax.u32 v20, $0x10;
	v21 =	vadd.s32 v22, v21  }
0x570: {  	v20 =	vsub.s32 v20, v38;
	v21 =	vmax.u32 v21, $0x10  }
0x571: {  	v20 =	vshrl.u32 v20, $0x1;
	v21 =	vsub.s32 v21, v38  }
0x572: {  	v22 =	vadd.s32 v41, v20;
	v21 =	vshrl.u32 v21, $0x1  }
0x573: {  	v23 =	vadd.s32 v51, v21  }
0x574: {  	v24 =	vadd.s32 v40, v20  }
0x575: {  	v25 =	vadd.s32 v50, v21;
	_ =	sdelay $0x1  }
0x576: {  	v22 =	vld.idx.msk [tilespmem:v22+s12+$0x0], $0xffff  }
0x577: {  	v26 =	vadd.s32 v39, v20;
	v23 =	vld.idx.msk [tilespmem:v23+s12+$0x0], $0xffff  }
0x578: {  	v27 =	vadd.s32 v49, v21;
	v24 =	vld.idx.msk [tilespmem:v24+s12+$0x0], $0xffff  }
0x579: {  	v25 =	vld.idx.msk [tilespmem:v25+s12+$0x0], $0xffff;
	_ =	sdelay $0x1  }
0x57a: {  	v20 =	vadd.s32 v36, v20  }
0x57b: {  	v21 =	vadd.s32 v48, v21;
	v26 =	vld.idx.msk [tilespmem:v26+s12+$0x0], $0xffff;
	v22 =	vmul.f32 v22, v18;
	v23 =	vmul.f32 v23, v19  }
0x57c: {  	v27 =	vld.idx.msk [tilespmem:v27+s12+$0x0], $0xffff  }
0x57d: {  	v22 =	vadd.f32 v22, v24;
	v23 =	vadd.f32 v23, v25;
	_ =	sdelay $0x1  }
0x57e: {  	v20 =	vld.idx.msk [tilespmem:v20+s12+$0x0], $0xffff;
	v22 =	vmul.f32 v22, v18;
	v23 =	vmul.f32 v23, v19  }
0x57f: {  	v21 =	vld.idx.msk [tilespmem:v21+s12+$0x0], $0xffff  }
0x580: {  	v22 =	vadd.f32 v22, v26;
	v23 =	vadd.f32 v23, v27;
	_ =	sdelay $0x1  }
0x581: {  	v18 =	vmul.f32 v22, v18;
	v19 =	vmul.f32 v23, v19  }
0x582: {  	p0 =	sne.s32 s24, $0x1E00  }
.Ltmp4:
0x583: {  	v18 =	vadd.f32 v18, v20;
	v19 =	vadd.f32 v19, v21;
	(pc) =	sbr.rel @p0 .LBB2_9-.Ltmp4, $3  }
0x584: {  	_ = 	snop  }
0x585: {  	v18 =	vmul.f32 v19, v18;
	_ =	sdelay $0x1  }
0x586: {  	s24 =	sadd.s32 $0x200, s24;
	s25 =	sadd.s32 $0x100, s25;
	[tilespmem:s26+$0x1A870] =	vst v18  }
0x587: {  	s22 =	sadd.s32 $0x1, s22  }
0x588: {  	p0 =	sne.s32 s22, $0x1F  }
.Ltmp5:
0x589: {  	_ = 	snop;
	(pc) =	sbr.rel @p0 .LBB2_2-.Ltmp5, $4  }
0x58a: {  	_ = 	snop  }
0x58b: {  	s23 =	sshll.u32 s23, $0x4  }
0x58c: {  	s23 =	sadd.s32 s4, s23  }
0x58d: {  	[hbm4b:s23+s5] =	stream.linear.scatter [tilespmem:s19], [sflag:$0x4], $0x800, $0x38;
	[tilespmem:$0x1B000] =	vst v63  }
0x58e: {  	s21 =	sadd.s32 $0x1, s21  }
0x58f: {  	_ =	swait.ge [sflag:s20], $0x800;
	p0 =	sne.s32 s21, s10  }
.Ltmp6:
0x590: {  	[sflag:s20] =	ssyncset.done $0x0;
	(pc) =	sbr.rel @p0 .LBB2_1-.Ltmp6, $4  }
0x591: {  	[sflag:s20] =	ssyncadd.s32 $0xFFFFF800  }
0x592: {  	_ =	swait.ge [sflag:s18], $0x800  }
0x593: {  	[sflag:s18] =	ssyncset.done $0x0  }
0x594: {  	[sflag:s18] =	ssyncadd.s32 $0xFFFFF800  }
0x595: {  	_ =	sfence.sel $0x180000  }
0x596: {  	[bflag:$0x0] =	sbarrier.arrive $0xFFFF  }
0x597: {  	p0 =	sne.s32 s2, $0x0;
	_ =	strace $0x90000047  }
0x598: {  	s0 =	sadd.s32 @!p0 $0x100000, s3;
	[bflag:$0x2] =	sbarrier.arrive $0xFFFF  }
0x599: {  	[sflag:s0] =	ssyncadd.tile.s32 @!p0 $0x1;
	_ =	shalt  }
.Lfunc_end2:
_tile_overlayer_lowered:
.L_overlay_start_2:
0x59a: {  	(tag) =	ssettag $0x2  }
0x59b: {  	s0 =	rddreg [dreg:$0x0];
	s2 =	stileid.u32  }
0x59c: {  	s1 =	rddreg [dreg:$0x1];
	p0 =	sne.s32 s2, $0x0  }
0x59d: {  	s3 =	rddreg [dreg:$0x2];
	[bflag:$0x3] =	sbarrier.arrive $0xFFFF;
	s2 =	simm.s32 @!p0 $0x1C05  }
0x59e: {  	[timem:s3], [sflag:s2] =	dma.local @!p0 [hbm:s0], s1  }
0x59f: {  	s0 =	simm.s32 @!p0 $0x5  }
0x5a0: {  	_ =	swait.ge @!p0 [sflag:s0], s1  }
0x5a1: {  	s1 =	ssub.s32 @!p0 $0x0, s1;
	[sflag:s0] =	ssyncset.done @!p0 $0x0  }
0x5a2: {  	[sflag:s0] =	ssyncadd.s32 @!p0 s1  }
0x5a3: {  	[bflag:$0x3] =	sbarrier.arrive $0xFFFF  }
0x5a4: {  	_ =	shalt  }

</sc_bundles>
